<compile_context>
chip_gen: v7x
topology: tpu7x:2x2x1
jax: 0.10.2.dev20260603
libtpu: 0.0.44.dev20260713+nightly
codegen_flags: <defaults>
</compile_context>

<pallas_src>
import functools

import jax
import jax.numpy as jnp
from jax import lax
from jax.experimental import pallas as pl
from jax.experimental.pallas import tpu as pltpu
from jax.experimental.pallas import tpu_sc as plsc

NC = 2
NS = 16


def _mesh():
    return plsc.VectorSubcoreMesh(
        core_axis_name="c", subcore_axis_name="s", num_cores=NC, num_subcores=NS
    )


def _make_deg(npad, epad):
    nb = epad // (NC * NS) // 128
    rpt = npad // NS

    @functools.partial(
        pl.kernel,
        mesh=_mesh(),
        out_type=jax.ShapeDtypeStruct((NC, npad), jnp.float32),
        scratch_types=[
            pltpu.VMEM((2 * nb, 64), jnp.int32),
            pltpu.VMEM((64,), jnp.float32),
            pltpu.VMEM((rpt,), jnp.float32),
            pltpu.VMEM_SHARED((npad,), jnp.float32),
        ],
    )
    def deg_kernel(dst_hbm, out_hbm, didx, ones_v, zbuf, dsh):
        c = lax.axis_index("c")
        s = lax.axis_index("s")
        w = c * NS + s
        pltpu.sync_copy(dst_hbm.at[pl.ds(w * 2 * nb, 2 * nb)], didx)
        for i in range(64 // 16):
            ones_v[pl.ds(i * 16, 16)] = jnp.full((16,), 1.0, jnp.float32)
        for i in range(rpt // 16):
            zbuf[pl.ds(i * 16, 16)] = jnp.zeros((16,), jnp.float32)
        pltpu.sync_copy(zbuf, dsh.at[pl.ds(s * rpt, rpt)])
        plsc.subcore_barrier()

        def step(j, carry):
            pltpu.sync_copy(ones_v, dsh.at[didx.at[j]], add=True)
            return carry

        lax.fori_loop(0, 2 * nb, step, 0)
        plsc.subcore_barrier()
        pltpu.sync_copy(dsh.at[pl.ds(s * rpt, rpt)], out_hbm.at[c, pl.ds(s * rpt, rpt)])

    return deg_kernel


PB = 8


GB = 64
NBUF = 4


def _edge_phases(tbl, acc, src_hbm, dst_hbm, base, nb, sidx, didx, rows, sems):
    pb2 = 2 * PB

    def phase(p, carry):
        b2 = 2 * (base + p * PB)
        pltpu.sync_copy(src_hbm.at[pl.ds(b2, pb2)], sidx)
        pltpu.sync_copy(dst_hbm.at[pl.ds(b2, pb2)], didx)
        for b in range(NBUF):
            pltpu.async_copy(tbl.at[sidx.at[b]], rows.at[b], sems[b])

        def step(t, carry2):
            j = t * NBUF
            for b in range(NBUF):
                pltpu.make_async_copy(tbl.at[sidx.at[j + b]], rows.at[b], sems[b]).wait()
                pltpu.sync_copy(rows.at[b], acc.at[didx.at[j + b]], add=True)

                @pl.when(j + b + NBUF < pb2)
                def _():
                    pltpu.async_copy(tbl.at[sidx.at[j + b + NBUF]], rows.at[b], sems[b])

            return carry2

        lax.fori_loop(0, pb2 // NBUF, step, 0)
        return carry

    lax.fori_loop(0, nb // PB, phase, 0)


def _make_agg(npad, epad, w):
    nb = epad // NS // 128
    rpt = npad // NS

    @functools.partial(
        pl.kernel,
        mesh=_mesh(),
        out_type=(
            jax.ShapeDtypeStruct((npad, w), jnp.float32),
            jax.ShapeDtypeStruct((npad, w), jnp.float32),
        ),
        scratch_types=[
            pltpu.VMEM((2 * PB, GB), jnp.int32),
            pltpu.VMEM((2 * PB, GB), jnp.int32),
            pltpu.VMEM((NBUF, GB, w), jnp.float32),
            pltpu.VMEM_SHARED((npad, w), jnp.float32),
            pltpu.SemaphoreType.DMA,
            pltpu.SemaphoreType.DMA,
            pltpu.SemaphoreType.DMA,
            pltpu.SemaphoreType.DMA,
        ],
    )
    def agg_kernel(x0, x1, src_hbm, dst_hbm, o0, o1, sidx, didx, rows, acc,
                   sg0, sg1, sg2, sg3):
        c = lax.axis_index("c")
        s = lax.axis_index("s")

        def run(tbl, out):
            pltpu.sync_copy(tbl.at[pl.ds(s * rpt, rpt)], acc.at[pl.ds(s * rpt, rpt)])
            plsc.subcore_barrier()
            _edge_phases(tbl, acc, src_hbm, dst_hbm, s * nb, nb,
                         sidx, didx, rows, [sg0, sg1, sg2, sg3])
            plsc.subcore_barrier()
            pltpu.sync_copy(acc.at[pl.ds(s * rpt, rpt)], out.at[pl.ds(s * rpt, rpt)])

        @pl.when(c == 0)
        def _():
            run(x0, o0)

        @pl.when(c == 1)
        def _():
            run(x1, o1)

    return agg_kernel


def _make_agg_edge(npad, epad, w):
    nb = epad // (NC * NS) // 128
    rpt = npad // NS

    @functools.partial(
        pl.kernel,
        mesh=_mesh(),
        out_type=jax.ShapeDtypeStruct((NC, npad, w), jnp.float32),
        scratch_types=[
            pltpu.VMEM((2 * PB, GB), jnp.int32),
            pltpu.VMEM((2 * PB, GB), jnp.int32),
            pltpu.VMEM((NBUF, GB, w), jnp.float32),
            pltpu.VMEM_SHARED((npad, w), jnp.float32),
            pltpu.SemaphoreType.DMA,
            pltpu.SemaphoreType.DMA,
            pltpu.SemaphoreType.DMA,
            pltpu.SemaphoreType.DMA,
        ],
    )
    def agg_kernel(tbl, src_hbm, dst_hbm, out, sidx, didx, rows, acc,
                   sg0, sg1, sg2, sg3):
        c = lax.axis_index("c")
        s = lax.axis_index("s")
        wk = c * NS + s

        def zrow(i, carry):
            for j in range(w // 16):
                rows[0, i, pl.ds(j * 16, 16)] = jnp.zeros((16,), jnp.float32)
            return carry

        lax.fori_loop(0, GB, zrow, 0)
        for k in range(rpt // GB):
            pltpu.sync_copy(rows.at[0], acc.at[pl.ds(s * rpt + k * GB, GB)])
        plsc.subcore_barrier()
        _edge_phases(tbl, acc, src_hbm, dst_hbm, wk * nb, nb,
                     sidx, didx, rows, [sg0, sg1, sg2, sg3])
        plsc.subcore_barrier()
        pltpu.sync_copy(acc.at[pl.ds(s * rpt, rpt)], out.at[c, pl.ds(s * rpt, rpt)])

    return agg_kernel


def kernel(x, edge_index, W1, b1, W2, b2):
    n, ind = x.shape
    e = edge_index.shape[1]
    hid = W1.shape[1]
    emb = W2.shape[1]
    half = hid // 2
    qtr = emb // 2

    npad = -(-(n + 1) // 256) * 256
    epad = -(-e // (NC * NS * 128)) * (NC * NS * 128)
    rblk = 2048
    nrb = npad // rblk

    src = edge_index[0].astype(jnp.int32)
    dst = edge_index[1].astype(jnp.int32)
    pad = n + jnp.arange(epad - e, dtype=jnp.int32) % (npad - n)
    srcp = jnp.concatenate([src, pad]).reshape(epad // GB, GB)
    dstp = jnp.concatenate([dst, pad]).reshape(epad // GB, GB)

    def mm1_body(x_ref, w_ref, o_ref):
        o_ref[...] = jnp.dot(x_ref[...], w_ref[...],
                             preferred_element_type=jnp.float32)

    h = pl.pallas_call(
        mm1_body,
        grid=(nrb,),
        in_specs=[
            pl.BlockSpec((rblk, ind), lambda i: (i, 0)),
            pl.BlockSpec((ind, hid), lambda i: (0, 0)),
        ],
        out_specs=pl.BlockSpec((rblk, hid), lambda i: (i, 0)),
        out_shape=jax.ShapeDtypeStruct((npad, hid), jnp.float32),
    )(x, W1)

    degp = _make_deg(npad, epad)(dstp)

    def pre_body(p0_ref, p1_ref, h_ref, dis_ref, x0_ref, x1_ref):
        rb = pl.program_id(0)
        rows = rb * rblk + lax.broadcasted_iota(jnp.int32, (rblk,), 0)
        deg = p0_ref[...] + p1_ref[...] + 1.0
        dis = jnp.where(rows < n, lax.rsqrt(deg), 0.0)
        dis_ref[...] = dis
        live2 = (rb * rblk + lax.broadcasted_iota(jnp.int32, (rblk, 1), 0)) < n
        hb = h_ref[...]
        x0_ref[...] = jnp.where(live2, hb[:, :half] * dis[:, None], 0.0)
        x1_ref[...] = jnp.where(live2, hb[:, half:] * dis[:, None], 0.0)

    dis, x0p, x1p = pl.pallas_call(
        pre_body,
        grid=(nrb,),
        in_specs=[
            pl.BlockSpec((rblk,), lambda i: (i,)),
            pl.BlockSpec((rblk,), lambda i: (i,)),
            pl.BlockSpec((rblk, hid), lambda i: (i, 0)),
        ],
        out_specs=[
            pl.BlockSpec((rblk,), lambda i: (i,)),
            pl.BlockSpec((rblk, half), lambda i: (i, 0)),
            pl.BlockSpec((rblk, half), lambda i: (i, 0)),
        ],
        out_shape=[
            jax.ShapeDtypeStruct((npad,), jnp.float32),
            jax.ShapeDtypeStruct((npad, half), jnp.float32),
            jax.ShapeDtypeStruct((npad, half), jnp.float32),
        ],
    )(degp[0], degp[1], h)

    a0, a1 = _make_agg(npad, epad, half)(x0p, x1p, srcp, dstp)

    def mid_body(a0_ref, a1_ref, dis_ref, b1_ref, w2_ref, m_ref):
        dis = dis_ref[...]
        lo = jnp.maximum(a0_ref[...] * dis[:, None] + b1_ref[0, :half], 0.0)
        hi = jnp.maximum(a1_ref[...] * dis[:, None] + b1_ref[0, half:], 0.0)
        m = (jnp.dot(lo, w2_ref[:half, :], preferred_element_type=jnp.float32)
             + jnp.dot(hi, w2_ref[half:, :], preferred_element_type=jnp.float32))
        m_ref[...] = m * dis[:, None]

    m = pl.pallas_call(
        mid_body,
        grid=(nrb,),
        in_specs=[
            pl.BlockSpec((rblk, half), lambda i: (i, 0)),
            pl.BlockSpec((rblk, half), lambda i: (i, 0)),
            pl.BlockSpec((rblk,), lambda i: (i,)),
            pl.BlockSpec((1, hid), lambda i: (0, 0)),
            pl.BlockSpec((hid, emb), lambda i: (0, 0)),
        ],
        out_specs=pl.BlockSpec((rblk, emb), lambda i: (i, 0)),
        out_shape=jax.ShapeDtypeStruct((npad, emb), jnp.float32),
    )(a0, a1, dis, b1[None, :], W2)

    q = _make_agg_edge(npad, epad, emb)(m, srcp, dstp)

    def post_body(q0_ref, q1_ref, m_ref, dis_ref, b2_ref, o_ref):
        dis = dis_ref[...]
        tot = q0_ref[0] + q1_ref[0] + m_ref[...]
        o_ref[...] = tot * dis[:, None] + b2_ref[0]

    out = pl.pallas_call(
        post_body,
        grid=(nrb,),
        in_specs=[
            pl.BlockSpec((1, rblk, emb), lambda i: (0, i, 0)),
            pl.BlockSpec((1, rblk, emb), lambda i: (1, i, 0)),
            pl.BlockSpec((rblk, emb), lambda i: (i, 0)),
            pl.BlockSpec((rblk,), lambda i: (i,)),
            pl.BlockSpec((1, emb), lambda i: (0, 0)),
        ],
        out_specs=pl.BlockSpec((rblk, emb), lambda i: (i, 0)),
        out_shape=jax.ShapeDtypeStruct((n, emb), jnp.float32),
    )(q, q, m, dis, b2[None, :])

    return out

# --- scband reference (transcript-rebuilt; emitter-appended) ---
"""Pipeline reference for scband-graph-encoder-4621384810817 (READ-ONLY COPY).

The authoritative reference and input builder live on the scoring server;
editing this copy changes nothing except your own understanding.
"""

import jax, jax.numpy as jnp
import numpy as np

NUM_NODES = 10000
NUM_EDGES = 160000
IN_DIM = 256
HID_DIM = 256
EMB_DIM = 128


def setup_inputs(seed: int = 0) -> dict:
    key = jax.random.key(seed)
    k1, k2, k3, k4, k5, k6 = jax.random.split(key, 6)
    x = jax.random.normal(k1, (NUM_NODES, IN_DIM), dtype=jnp.float32)
    edge_index = jax.random.randint(k2, (2, NUM_EDGES), 0, NUM_NODES, dtype=jnp.int64)
    # GCNConv weights (glorot-style scaled normals) and zero biases
    W1 = jax.random.normal(k3, (IN_DIM, HID_DIM), dtype=jnp.float32) * (1.0 / np.sqrt(IN_DIM))
    b1 = jnp.zeros((HID_DIM,), dtype=jnp.float32)
    W2 = jax.random.normal(k4, (HID_DIM, EMB_DIM), dtype=jnp.float32) * (1.0 / np.sqrt(HID_DIM))
    b2 = jnp.zeros((EMB_DIM,), dtype=jnp.float32)
    return {"x": x, "edge_index": edge_index, "W1": W1, "b1": b1, "W2": W2, "b2": b2}


def _gcn_conv(x, src, dst, W, b, num_nodes):
    # Standard PyG GCNConv: add self-loops, symmetric D^{-1/2}(A+I)D^{-1/2} normalization
    loop = jnp.arange(num_nodes, dtype=src.dtype)
    src_l = jnp.concatenate([src, loop])
    dst_l = jnp.concatenate([dst, loop])
    ones = jnp.ones(src_l.shape[0], dtype=x.dtype)
    deg = jax.ops.segment_sum(ones, dst_l, num_segments=num_nodes)
    deg_inv_sqrt = jnp.where(deg > 0, jax.lax.rsqrt(deg), 0.0)
    norm = deg_inv_sqrt[src_l] * deg_inv_sqrt[dst_l]
    h = x @ W  # linear transform first (in_dim >= out_dim path)
    msg = h[src_l] * norm[:, None]  # gather + scale
    out = jax.ops.segment_sum(msg, dst_l, num_segments=num_nodes)  # scatter-add
    return out + b


def reference(x, edge_index, W1, b1, W2, b2):
    src = edge_index[0]
    dst = edge_index[1]
    h = _gcn_conv(x, src, dst, W1, b1, NUM_NODES)
    h = jax.nn.relu(h)
    # dropout(p=0.2) is identity in eval mode
    out = _gcn_conv(h, src, dst, W2, b2, NUM_NODES)
    return out

if __name__ == "__main__":
    import jax
    _d = setup_inputs()
    print(jax.jit(kernel)(*tuple(_d.values())))

</pallas_src>

<mosaic_0001>
#map = affine_map<(d0, d1) -> (0, 0)>
module attributes {stable_mosaic.version = 14 : i64} {
  func.func @deg_kernel(%arg0: i32, %arg1: i32, %arg2: memref<2560x64xi32, #tpu.memory_space<hbm>>, %arg3: memref<2x10240xf32, #tpu.memory_space<hbm>>, %arg4: memref<80x64xi32, #tpu.memory_space<vmem>>, %arg5: memref<64xf32, #tpu.memory_space<vmem>>, %arg6: memref<640xf32, #tpu.memory_space<vmem>>, %arg7: memref<10240xf32, #tpu.memory_space<vmem_shared>>) attributes {dimension_semantics = [#tpu.dimension_semantics<core_parallel>, #tpu.dimension_semantics<subcore_parallel>], iteration_bounds = array<i64: 2, 16>, scalar_prefetch = 0 : i64, scratch_operands = 4 : i64, tpu.core_type = #tpu.core_type<sc_vector_subcore>, window_params = [{transform_indices = #map}, {transform_indices = #map}]} {
    %mul3A = arith.constant 16 : i32
    %mul3A_0 = arith.muli %arg0, %mul3A : i32
    %add3A = arith.addi %mul3A_0, %arg1 : i32
    %mul3A_1 = arith.constant 2 : i32
    %mul3A_2 = arith.muli %add3A, %mul3A_1 : i32
    %mul3A_3 = arith.constant 40 : i32
    %mul3A_4 = arith.muli %mul3A_2, %mul3A_3 : i32
    "tpu.region"() ({
      %run_scoped3A = tpu.sem_alloc : memref<!tpu.dma_semaphore, #tpu.memory_space<semaphore_mem>>
      %dma_start3A = arith.constant 0 : i32
      %dma_start3A_279 = tpu.memref_slice %arg2[%mul3A_4, %dma_start3A] : memref<2560x64xi32, #tpu.memory_space<hbm>> -> memref<80x64xi32, #tpu.memory_space<hbm>>
      %dma_start3A_280 = arith.constant 0 : i32
      %dma_start3A_281 = tpu.memref_slice %arg2[%mul3A_4, %dma_start3A_280] : memref<2560x64xi32, #tpu.memory_space<hbm>> -> memref<80x64xi32, #tpu.memory_space<hbm>>
      tpu.enqueue_dma source(%dma_start3A_281 : memref<80x64xi32, #tpu.memory_space<hbm>>) target(%arg4 : memref<80x64xi32, #tpu.memory_space<vmem>>) target_semaphore(%run_scoped3A : memref<!tpu.dma_semaphore, #tpu.memory_space<semaphore_mem>>)
      %dma_wait3A = arith.constant 0 : i32
      %dma_wait3A_282 = tpu.memref_slice %arg2[%mul3A_4, %dma_wait3A] : memref<2560x64xi32, #tpu.memory_space<hbm>> -> memref<80x64xi32, #tpu.memory_space<hbm>>
      %dma_wait3A_283 = arith.constant 0 : i32
      %dma_wait3A_284 = tpu.memref_slice %arg2[%mul3A_4, %dma_wait3A_283] : memref<2560x64xi32, #tpu.memory_space<hbm>> -> memref<80x64xi32, #tpu.memory_space<hbm>>
      tpu.wait_dma2 semaphore(%run_scoped3A : memref<!tpu.dma_semaphore, #tpu.memory_space<semaphore_mem>>) src(%dma_wait3A_284 : memref<80x64xi32, #tpu.memory_space<hbm>>) dst(%arg4 : memref<80x64xi32, #tpu.memory_space<vmem>>)
      tpu.yield
    }) : () -> ()
    %broadcast_in_dim3A = arith.constant 1.000000e+00 : f32
    %broadcast_in_dim3A_5 = vector.broadcast %broadcast_in_dim3A : f32 to vector<16xf32>
    %swap3A = arith.constant 0 : index
    %swap3A_6 = tpu.vector_load %arg5[%swap3A] {strides = array<i32>} : memref<64xf32, #tpu.memory_space<vmem>>, vector<16xf32>,
    %swap3A_7 = vector.shape_cast %swap3A_6 : vector<16xf32> to vector<16xf32>
    %swap3A_8 = vector.shape_cast %broadcast_in_dim3A_5 : vector<16xf32> to vector<16xf32>
    tpu.vector_store %arg5[%swap3A], %swap3A_8 {strides = array<i32>} : memref<64xf32, #tpu.memory_space<vmem>>, vector<16xf32>,
    %broadcast_in_dim3A_9 = arith.constant 1.000000e+00 : f32
    %broadcast_in_dim3A_10 = vector.broadcast %broadcast_in_dim3A_9 : f32 to vector<16xf32>
    %swap3A_11 = arith.constant 16 : index
    %swap3A_12 = tpu.vector_load %arg5[%swap3A_11] {strides = array<i32>} : memref<64xf32, #tpu.memory_space<vmem>>, vector<16xf32>,
    %swap3A_13 = vector.shape_cast %swap3A_12 : vector<16xf32> to vector<16xf32>
    %swap3A_14 = vector.shape_cast %broadcast_in_dim3A_10 : vector<16xf32> to vector<16xf32>
    tpu.vector_store %arg5[%swap3A_11], %swap3A_14 {strides = array<i32>} : memref<64xf32, #tpu.memory_space<vmem>>, vector<16xf32>,
    %broadcast_in_dim3A_15 = arith.constant 1.000000e+00 : f32
    %broadcast_in_dim3A_16 = vector.broadcast %broadcast_in_dim3A_15 : f32 to vector<16xf32>
    %swap3A_17 = arith.constant 32 : index
    %swap3A_18 = tpu.vector_load %arg5[%swap3A_17] {strides = array<i32>} : memref<64xf32, #tpu.memory_space<vmem>>, vector<16xf32>,
    %swap3A_19 = vector.shape_cast %swap3A_18 : vector<16xf32> to vector<16xf32>
    %swap3A_20 = vector.shape_cast %broadcast_in_dim3A_16 : vector<16xf32> to vector<16xf32>
    tpu.vector_store %arg5[%swap3A_17], %swap3A_20 {strides = array<i32>} : memref<64xf32, #tpu.memory_space<vmem>>, vector<16xf32>,
    %broadcast_in_dim3A_21 = arith.constant 1.000000e+00 : f32
    %broadcast_in_dim3A_22 = vector.broadcast %broadcast_in_dim3A_21 : f32 to vector<16xf32>
    %swap3A_23 = arith.constant 48 : index
    %swap3A_24 = tpu.vector_load %arg5[%swap3A_23] {strides = array<i32>} : memref<64xf32, #tpu.memory_space<vmem>>, vector<16xf32>,
    %swap3A_25 = vector.shape_cast %swap3A_24 : vector<16xf32> to vector<16xf32>
    %swap3A_26 = vector.shape_cast %broadcast_in_dim3A_22 : vector<16xf32> to vector<16xf32>
    tpu.vector_store %arg5[%swap3A_23], %swap3A_26 {strides = array<i32>} : memref<64xf32, #tpu.memory_space<vmem>>, vector<16xf32>,
    %broadcast_in_dim3A_27 = arith.constant 0.000000e+00 : f32
    %broadcast_in_dim3A_28 = vector.broadcast %broadcast_in_dim3A_27 : f32 to vector<16xf32>
    %swap3A_29 = arith.constant 0 : index
    %swap3A_30 = tpu.vector_load %arg6[%swap3A_29] {strides = array<i32>} : memref<640xf32, #tpu.memory_space<vmem>>, vector<16xf32>,
    %swap3A_31 = vector.shape_cast %swap3A_30 : vector<16xf32> to vector<16xf32>
    %swap3A_32 = vector.shape_cast %broadcast_in_dim3A_28 : vector<16xf32> to vector<16xf32>
    tpu.vector_store %arg6[%swap3A_29], %swap3A_32 {strides = array<i32>} : memref<640xf32, #tpu.memory_space<vmem>>, vector<16xf32>,
    %broadcast_in_dim3A_33 = arith.constant 0.000000e+00 : f32
    %broadcast_in_dim3A_34 = vector.broadcast %broadcast_in_dim3A_33 : f32 to vector<16xf32>
    %swap3A_35 = arith.constant 16 : index
    %swap3A_36 = tpu.vector_load %arg6[%swap3A_35] {strides = array<i32>} : memref<640xf32, #tpu.memory_space<vmem>>, vector<16xf32>,
    %swap3A_37 = vector.shape_cast %swap3A_36 : vector<16xf32> to vector<16xf32>
    %swap3A_38 = vector.shape_cast %broadcast_in_dim3A_34 : vector<16xf32> to vector<16xf32>
    tpu.vector_store %arg6[%swap3A_35], %swap3A_38 {strides = array<i32>} : memref<640xf32, #tpu.memory_space<vmem>>, vector<16xf32>,
    %broadcast_in_dim3A_39 = arith.constant 0.000000e+00 : f32
    %broadcast_in_dim3A_40 = vector.broadcast %broadcast_in_dim3A_39 : f32 to vector<16xf32>
    %swap3A_41 = arith.constant 32 : index
    %swap3A_42 = tpu.vector_load %arg6[%swap3A_41] {strides = array<i32>} : memref<640xf32, #tpu.memory_space<vmem>>, vector<16xf32>,
    %swap3A_43 = vector.shape_cast %swap3A_42 : vector<16xf32> to vector<16xf32>
    %swap3A_44 = vector.shape_cast %broadcast_in_dim3A_40 : vector<16xf32> to vector<16xf32>
    tpu.vector_store %arg6[%swap3A_41], %swap3A_44 {strides = array<i32>} : memref<640xf32, #tpu.memory_space<vmem>>, vector<16xf32>,
    %broadcast_in_dim3A_45 = arith.constant 0.000000e+00 : f32
    %broadcast_in_dim3A_46 = vector.broadcast %broadcast_in_dim3A_45 : f32 to vector<16xf32>
    %swap3A_47 = arith.constant 48 : index
    %swap3A_48 = tpu.vector_load %arg6[%swap3A_47] {strides = array<i32>} : memref<640xf32, #tpu.memory_space<vmem>>, vector<16xf32>,
    %swap3A_49 = vector.shape_cast %swap3A_48 : vector<16xf32> to vector<16xf32>
    %swap3A_50 = vector.shape_cast %broadcast_in_dim3A_46 : vector<16xf32> to vector<16xf32>
    tpu.vector_store %arg6[%swap3A_47], %swap3A_50 {strides = array<i32>} : memref<640xf32, #tpu.memory_space<vmem>>, vector<16xf32>,
    %broadcast_in_dim3A_51 = arith.constant 0.000000e+00 : f32
    %broadcast_in_dim3A_52 = vector.broadcast %broadcast_in_dim3A_51 : f32 to vector<16xf32>
    %swap3A_53 = arith.constant 64 : index
    %swap3A_54 = tpu.vector_load %arg6[%swap3A_53] {strides = array<i32>} : memref<640xf32, #tpu.memory_space<vmem>>, vector<16xf32>,
    %swap3A_55 = vector.shape_cast %swap3A_54 : vector<16xf32> to vector<16xf32>
    %swap3A_56 = vector.shape_cast %broadcast_in_dim3A_52 : vector<16xf32> to vector<16xf32>
    tpu.vector_store %arg6[%swap3A_53], %swap3A_56 {strides = array<i32>} : memref<640xf32, #tpu.memory_space<vmem>>, vector<16xf32>,
    %broadcast_in_dim3A_57 = arith.constant 0.000000e+00 : f32
    %broadcast_in_dim3A_58 = vector.broadcast %broadcast_in_dim3A_57 : f32 to vector<16xf32>
    %swap3A_59 = arith.constant 80 : index
    %swap3A_60 = tpu.vector_load %arg6[%swap3A_59] {strides = array<i32>} : memref<640xf32, #tpu.memory_space<vmem>>, vector<16xf32>,
    %swap3A_61 = vector.shape_cast %swap3A_60 : vector<16xf32> to vector<16xf32>
    %swap3A_62 = vector.shape_cast %broadcast_in_dim3A_58 : vector<16xf32> to vector<16xf32>
    tpu.vector_store %arg6[%swap3A_59], %swap3A_62 {strides = array<i32>} : memref<640xf32, #tpu.memory_space<vmem>>, vector<16xf32>,
    %broadcast_in_dim3A_63 = arith.constant 0.000000e+00 : f32
    %broadcast_in_dim3A_64 = vector.broadcast %broadcast_in_dim3A_63 : f32 to vector<16xf32>
    %swap3A_65 = arith.constant 96 : index
    %swap3A_66 = tpu.vector_load %arg6[%swap3A_65] {strides = array<i32>} : memref<640xf32, #tpu.memory_space<vmem>>, vector<16xf32>,
    %swap3A_67 = vector.shape_cast %swap3A_66 : vector<16xf32> to vector<16xf32>
    %swap3A_68 = vector.shape_cast %broadcast_in_dim3A_64 : vector<16xf32> to vector<16xf32>
    tpu.vector_store %arg6[%swap3A_65], %swap3A_68 {strides = array<i32>} : memref<640xf32, #tpu.memory_space<vmem>>, vector<16xf32>,
    %broadcast_in_dim3A_69 = arith.constant 0.000000e+00 : f32
    %broadcast_in_dim3A_70 = vector.broadcast %broadcast_in_dim3A_69 : f32 to vector<16xf32>
    %swap3A_71 = arith.constant 112 : index
    %swap3A_72 = tpu.vector_load %arg6[%swap3A_71] {strides = array<i32>} : memref<640xf32, #tpu.memory_space<vmem>>, vector<16xf32>,
    %swap3A_73 = vector.shape_cast %swap3A_72 : vector<16xf32> to vector<16xf32>
    %swap3A_74 = vector.shape_cast %broadcast_in_dim3A_70 : vector<16xf32> to vector<16xf32>
    tpu.vector_store %arg6[%swap3A_71], %swap3A_74 {strides = array<i32>} : memref<640xf32, #tpu.memory_space<vmem>>, vector<16xf32>,
    %broadcast_in_dim3A_75 = arith.constant 0.000000e+00 : f32
    %broadcast_in_dim3A_76 = vector.broadcast %broadcast_in_dim3A_75 : f32 to vector<16xf32>
    %swap3A_77 = arith.constant 128 : index
    %swap3A_78 = tpu.vector_load %arg6[%swap3A_77] {strides = array<i32>} : memref<640xf32, #tpu.memory_space<vmem>>, vector<16xf32>,
    %swap3A_79 = vector.shape_cast %swap3A_78 : vector<16xf32> to vector<16xf32>
    %swap3A_80 = vector.shape_cast %broadcast_in_dim3A_76 : vector<16xf32> to vector<16xf32>
    tpu.vector_store %arg6[%swap3A_77], %swap3A_80 {strides = array<i32>} : memref<640xf32, #tpu.memory_space<vmem>>, vector<16xf32>,
    %broadcast_in_dim3A_81 = arith.constant 0.000000e+00 : f32
    %broadcast_in_dim3A_82 = vector.broadcast %broadcast_in_dim3A_81 : f32 to vector<16xf32>
    %swap3A_83 = arith.constant 144 : index
    %swap3A_84 = tpu.vector_load %arg6[%swap3A_83] {strides = array<i32>} : memref<640xf32, #tpu.memory_space<vmem>>, vector<16xf32>,
    %swap3A_85 = vector.shape_cast %swap3A_84 : vector<16xf32> to vector<16xf32>
    %swap3A_86 = vector.shape_cast %broadcast_in_dim3A_82 : vector<16xf32> to vector<16xf32>
    tpu.vector_store %arg6[%swap3A_83], %swap3A_86 {strides = array<i32>} : memref<640xf32, #tpu.memory_space<vmem>>, vector<16xf32>,
    %broadcast_in_dim3A_87 = arith.constant 0.000000e+00 : f32
    %broadcast_in_dim3A_88 = vector.broadcast %broadcast_in_dim3A_87 : f32 to vector<16xf32>
    %swap3A_89 = arith.constant 160 : index
    %swap3A_90 = tpu.vector_load %arg6[%swap3A_89] {strides = array<i32>} : memref<640xf32, #tpu.memory_space<vmem>>, vector<16xf32>,
    %swap3A_91 = vector.shape_cast %swap3A_90 : vector<16xf32> to vector<16xf32>
    %swap3A_92 = vector.shape_cast %broadcast_in_dim3A_88 : vector<16xf32> to vector<16xf32>
    tpu.vector_store %arg6[%swap3A_89], %swap3A_92 {strides = array<i32>} : memref<640xf32, #tpu.memory_space<vmem>>, vector<16xf32>,
    %broadcast_in_dim3A_93 = arith.constant 0.000000e+00 : f32
    %broadcast_in_dim3A_94 = vector.broadcast %broadcast_in_dim3A_93 : f32 to vector<16xf32>
    %swap3A_95 = arith.constant 176 : index
    %swap3A_96 = tpu.vector_load %arg6[%swap3A_95] {strides = array<i32>} : memref<640xf32, #tpu.memory_space<vmem>>, vector<16xf32>,
    %swap3A_97 = vector.shape_cast %swap3A_96 : vector<16xf32> to vector<16xf32>
    %swap3A_98 = vector.shape_cast %broadcast_in_dim3A_94 : vector<16xf32> to vector<16xf32>
    tpu.vector_store %arg6[%swap3A_95], %swap3A_98 {strides = array<i32>} : memref<640xf32, #tpu.memory_space<vmem>>, vector<16xf32>,
    %broadcast_in_dim3A_99 = arith.constant 0.000000e+00 : f32
    %broadcast_in_dim3A_100 = vector.broadcast %broadcast_in_dim3A_99 : f32 to vector<16xf32>
    %swap3A_101 = arith.constant 192 : index
    %swap3A_102 = tpu.vector_load %arg6[%swap3A_101] {strides = array<i32>} : memref<640xf32, #tpu.memory_space<vmem>>, vector<16xf32>,
    %swap3A_103 = vector.shape_cast %swap3A_102 : vector<16xf32> to vector<16xf32>
    %swap3A_104 = vector.shape_cast %broadcast_in_dim3A_100 : vector<16xf32> to vector<16xf32>
    tpu.vector_store %arg6[%swap3A_101], %swap3A_104 {strides = array<i32>} : memref<640xf32, #tpu.memory_space<vmem>>, vector<16xf32>,
    %broadcast_in_dim3A_105 = arith.constant 0.000000e+00 : f32
    %broadcast_in_dim3A_106 = vector.broadcast %broadcast_in_dim3A_105 : f32 to vector<16xf32>
    %swap3A_107 = arith.constant 208 : index
    %swap3A_108 = tpu.vector_load %arg6[%swap3A_107] {strides = array<i32>} : memref<640xf32, #tpu.memory_space<vmem>>, vector<16xf32>,
    %swap3A_109 = vector.shape_cast %swap3A_108 : vector<16xf32> to vector<16xf32>
    %swap3A_110 = vector.shape_cast %broadcast_in_dim3A_106 : vector<16xf32> to vector<16xf32>
    tpu.vector_store %arg6[%swap3A_107], %swap3A_110 {strides = array<i32>} : memref<640xf32, #tpu.memory_space<vmem>>, vector<16xf32>,
    %broadcast_in_dim3A_111 = arith.constant 0.000000e+00 : f32
    %broadcast_in_dim3A_112 = vector.broadcast %broadcast_in_dim3A_111 : f32 to vector<16xf32>
    %swap3A_113 = arith.constant 224 : index
    %swap3A_114 = tpu.vector_load %arg6[%swap3A_113] {strides = array<i32>} : memref<640xf32, #tpu.memory_space<vmem>>, vector<16xf32>,
    %swap3A_115 = vector.shape_cast %swap3A_114 : vector<16xf32> to vector<16xf32>
    %swap3A_116 = vector.shape_cast %broadcast_in_dim3A_112 : vector<16xf32> to vector<16xf32>
    tpu.vector_store %arg6[%swap3A_113], %swap3A_116 {strides = array<i32>} : memref<640xf32, #tpu.memory_space<vmem>>, vector<16xf32>,
    %broadcast_in_dim3A_117 = arith.constant 0.000000e+00 : f32
    %broadcast_in_dim3A_118 = vector.broadcast %broadcast_in_dim3A_117 : f32 to vector<16xf32>
    %swap3A_119 = arith.constant 240 : index
    %swap3A_120 = tpu.vector_load %arg6[%swap3A_119] {strides = array<i32>} : memref<640xf32, #tpu.memory_space<vmem>>, vector<16xf32>,
    %swap3A_121 = vector.shape_cast %swap3A_120 : vector<16xf32> to vector<16xf32>
    %swap3A_122 = vector.shape_cast %broadcast_in_dim3A_118 : vector<16xf32> to vector<16xf32>
    tpu.vector_store %arg6[%swap3A_119], %swap3A_122 {strides = array<i32>} : memref<640xf32, #tpu.memory_space<vmem>>, vector<16xf32>,
    %broadcast_in_dim3A_123 = arith.constant 0.000000e+00 : f32
    %broadcast_in_dim3A_124 = vector.broadcast %broadcast_in_dim3A_123 : f32 to vector<16xf32>
    %swap3A_125 = arith.constant 256 : index
    %swap3A_126 = tpu.vector_load %arg6[%swap3A_125] {strides = array<i32>} : memref<640xf32, #tpu.memory_space<vmem>>, vector<16xf32>,
    %swap3A_127 = vector.shape_cast %swap3A_126 : vector<16xf32> to vector<16xf32>
    %swap3A_128 = vector.shape_cast %broadcast_in_dim3A_124 : vector<16xf32> to vector<16xf32>
    tpu.vector_store %arg6[%swap3A_125], %swap3A_128 {strides = array<i32>} : memref<640xf32, #tpu.memory_space<vmem>>, vector<16xf32>,
    %broadcast_in_dim3A_129 = arith.constant 0.000000e+00 : f32
    %broadcast_in_dim3A_130 = vector.broadcast %broadcast_in_dim3A_129 : f32 to vector<16xf32>
    %swap3A_131 = arith.constant 272 : index
    %swap3A_132 = tpu.vector_load %arg6[%swap3A_131] {strides = array<i32>} : memref<640xf32, #tpu.memory_space<vmem>>, vector<16xf32>,
    %swap3A_133 = vector.shape_cast %swap3A_132 : vector<16xf32> to vector<16xf32>
    %swap3A_134 = vector.shape_cast %broadcast_in_dim3A_130 : vector<16xf32> to vector<16xf32>
    tpu.vector_store %arg6[%swap3A_131], %swap3A_134 {strides = array<i32>} : memref<640xf32, #tpu.memory_space<vmem>>, vector<16xf32>,
    %broadcast_in_dim3A_135 = arith.constant 0.000000e+00 : f32
    %broadcast_in_dim3A_136 = vector.broadcast %broadcast_in_dim3A_135 : f32 to vector<16xf32>
    %swap3A_137 = arith.constant 288 : index
    %swap3A_138 = tpu.vector_load %arg6[%swap3A_137] {strides = array<i32>} : memref<640xf32, #tpu.memory_space<vmem>>, vector<16xf32>,
    %swap3A_139 = vector.shape_cast %swap3A_138 : vector<16xf32> to vector<16xf32>
    %swap3A_140 = vector.shape_cast %broadcast_in_dim3A_136 : vector<16xf32> to vector<16xf32>
    tpu.vector_store %arg6[%swap3A_137], %swap3A_140 {strides = array<i32>} : memref<640xf32, #tpu.memory_space<vmem>>, vector<16xf32>,
    %broadcast_in_dim3A_141 = arith.constant 0.000000e+00 : f32
    %broadcast_in_dim3A_142 = vector.broadcast %broadcast_in_dim3A_141 : f32 to vector<16xf32>
    %swap3A_143 = arith.constant 304 : index
    %swap3A_144 = tpu.vector_load %arg6[%swap3A_143] {strides = array<i32>} : memref<640xf32, #tpu.memory_space<vmem>>, vector<16xf32>,
    %swap3A_145 = vector.shape_cast %swap3A_144 : vector<16xf32> to vector<16xf32>
    %swap3A_146 = vector.shape_cast %broadcast_in_dim3A_142 : vector<16xf32> to vector<16xf32>
    tpu.vector_store %arg6[%swap3A_143], %swap3A_146 {strides = array<i32>} : memref<640xf32, #tpu.memory_space<vmem>>, vector<16xf32>,
    %broadcast_in_dim3A_147 = arith.constant 0.000000e+00 : f32
    %broadcast_in_dim3A_148 = vector.broadcast %broadcast_in_dim3A_147 : f32 to vector<16xf32>
    %swap3A_149 = arith.constant 320 : index
    %swap3A_150 = tpu.vector_load %arg6[%swap3A_149] {strides = array<i32>} : memref<640xf32, #tpu.memory_space<vmem>>, vector<16xf32>,
    %swap3A_151 = vector.shape_cast %swap3A_150 : vector<16xf32> to vector<16xf32>
    %swap3A_152 = vector.shape_cast %broadcast_in_dim3A_148 : vector<16xf32> to vector<16xf32>
    tpu.vector_store %arg6[%swap3A_149], %swap3A_152 {strides = array<i32>} : memref<640xf32, #tpu.memory_space<vmem>>, vector<16xf32>,
    %broadcast_in_dim3A_153 = arith.constant 0.000000e+00 : f32
    %broadcast_in_dim3A_154 = vector.broadcast %broadcast_in_dim3A_153 : f32 to vector<16xf32>
    %swap3A_155 = arith.constant 336 : index
    %swap3A_156 = tpu.vector_load %arg6[%swap3A_155] {strides = array<i32>} : memref<640xf32, #tpu.memory_space<vmem>>, vector<16xf32>,
    %swap3A_157 = vector.shape_cast %swap3A_156 : vector<16xf32> to vector<16xf32>
    %swap3A_158 = vector.shape_cast %broadcast_in_dim3A_154 : vector<16xf32> to vector<16xf32>
    tpu.vector_store %arg6[%swap3A_155], %swap3A_158 {strides = array<i32>} : memref<640xf32, #tpu.memory_space<vmem>>, vector<16xf32>,
    %broadcast_in_dim3A_159 = arith.constant 0.000000e+00 : f32
    %broadcast_in_dim3A_160 = vector.broadcast %broadcast_in_dim3A_159 : f32 to vector<16xf32>
    %swap3A_161 = arith.constant 352 : index
    %swap3A_162 = tpu.vector_load %arg6[%swap3A_161] {strides = array<i32>} : memref<640xf32, #tpu.memory_space<vmem>>, vector<16xf32>,
    %swap3A_163 = vector.shape_cast %swap3A_162 : vector<16xf32> to vector<16xf32>
    %swap3A_164 = vector.shape_cast %broadcast_in_dim3A_160 : vector<16xf32> to vector<16xf32>
    tpu.vector_store %arg6[%swap3A_161], %swap3A_164 {strides = array<i32>} : memref<640xf32, #tpu.memory_space<vmem>>, vector<16xf32>,
    %broadcast_in_dim3A_165 = arith.constant 0.000000e+00 : f32
    %broadcast_in_dim3A_166 = vector.broadcast %broadcast_in_dim3A_165 : f32 to vector<16xf32>
    %swap3A_167 = arith.constant 368 : index
    %swap3A_168 = tpu.vector_load %arg6[%swap3A_167] {strides = array<i32>} : memref<640xf32, #tpu.memory_space<vmem>>, vector<16xf32>,
    %swap3A_169 = vector.shape_cast %swap3A_168 : vector<16xf32> to vector<16xf32>
    %swap3A_170 = vector.shape_cast %broadcast_in_dim3A_166 : vector<16xf32> to vector<16xf32>
    tpu.vector_store %arg6[%swap3A_167], %swap3A_170 {strides = array<i32>} : memref<640xf32, #tpu.memory_space<vmem>>, vector<16xf32>,
    %broadcast_in_dim3A_171 = arith.constant 0.000000e+00 : f32
    %broadcast_in_dim3A_172 = vector.broadcast %broadcast_in_dim3A_171 : f32 to vector<16xf32>
    %swap3A_173 = arith.constant 384 : index
    %swap3A_174 = tpu.vector_load %arg6[%swap3A_173] {strides = array<i32>} : memref<640xf32, #tpu.memory_space<vmem>>, vector<16xf32>,
    %swap3A_175 = vector.shape_cast %swap3A_174 : vector<16xf32> to vector<16xf32>
    %swap3A_176 = vector.shape_cast %broadcast_in_dim3A_172 : vector<16xf32> to vector<16xf32>
    tpu.vector_store %arg6[%swap3A_173], %swap3A_176 {strides = array<i32>} : memref<640xf32, #tpu.memory_space<vmem>>, vector<16xf32>,
    %broadcast_in_dim3A_177 = arith.constant 0.000000e+00 : f32
    %broadcast_in_dim3A_178 = vector.broadcast %broadcast_in_dim3A_177 : f32 to vector<16xf32>
    %swap3A_179 = arith.constant 400 : index
    %swap3A_180 = tpu.vector_load %arg6[%swap3A_179] {strides = array<i32>} : memref<640xf32, #tpu.memory_space<vmem>>, vector<16xf32>,
    %swap3A_181 = vector.shape_cast %swap3A_180 : vector<16xf32> to vector<16xf32>
    %swap3A_182 = vector.shape_cast %broadcast_in_dim3A_178 : vector<16xf32> to vector<16xf32>
    tpu.vector_store %arg6[%swap3A_179], %swap3A_182 {strides = array<i32>} : memref<640xf32, #tpu.memory_space<vmem>>, vector<16xf32>,
    %broadcast_in_dim3A_183 = arith.constant 0.000000e+00 : f32
    %broadcast_in_dim3A_184 = vector.broadcast %broadcast_in_dim3A_183 : f32 to vector<16xf32>
    %swap3A_185 = arith.constant 416 : index
    %swap3A_186 = tpu.vector_load %arg6[%swap3A_185] {strides = array<i32>} : memref<640xf32, #tpu.memory_space<vmem>>, vector<16xf32>,
    %swap3A_187 = vector.shape_cast %swap3A_186 : vector<16xf32> to vector<16xf32>
    %swap3A_188 = vector.shape_cast %broadcast_in_dim3A_184 : vector<16xf32> to vector<16xf32>
    tpu.vector_store %arg6[%swap3A_185], %swap3A_188 {strides = array<i32>} : memref<640xf32, #tpu.memory_space<vmem>>, vector<16xf32>,
    %broadcast_in_dim3A_189 = arith.constant 0.000000e+00 : f32
    %broadcast_in_dim3A_190 = vector.broadcast %broadcast_in_dim3A_189 : f32 to vector<16xf32>
    %swap3A_191 = arith.constant 432 : index
    %swap3A_192 = tpu.vector_load %arg6[%swap3A_191] {strides = array<i32>} : memref<640xf32, #tpu.memory_space<vmem>>, vector<16xf32>,
    %swap3A_193 = vector.shape_cast %swap3A_192 : vector<16xf32> to vector<16xf32>
    %swap3A_194 = vector.shape_cast %broadcast_in_dim3A_190 : vector<16xf32> to vector<16xf32>
    tpu.vector_store %arg6[%swap3A_191], %swap3A_194 {strides = array<i32>} : memref<640xf32, #tpu.memory_space<vmem>>, vector<16xf32>,
    %broadcast_in_dim3A_195 = arith.constant 0.000000e+00 : f32
    %broadcast_in_dim3A_196 = vector.broadcast %broadcast_in_dim3A_195 : f32 to vector<16xf32>
    %swap3A_197 = arith.constant 448 : index
    %swap3A_198 = tpu.vector_load %arg6[%swap3A_197] {strides = array<i32>} : memref<640xf32, #tpu.memory_space<vmem>>, vector<16xf32>,
    %swap3A_199 = vector.shape_cast %swap3A_198 : vector<16xf32> to vector<16xf32>
    %swap3A_200 = vector.shape_cast %broadcast_in_dim3A_196 : vector<16xf32> to vector<16xf32>
    tpu.vector_store %arg6[%swap3A_197], %swap3A_200 {strides = array<i32>} : memref<640xf32, #tpu.memory_space<vmem>>, vector<16xf32>,
    %broadcast_in_dim3A_201 = arith.constant 0.000000e+00 : f32
    %broadcast_in_dim3A_202 = vector.broadcast %broadcast_in_dim3A_201 : f32 to vector<16xf32>
    %swap3A_203 = arith.constant 464 : index
    %swap3A_204 = tpu.vector_load %arg6[%swap3A_203] {strides = array<i32>} : memref<640xf32, #tpu.memory_space<vmem>>, vector<16xf32>,
    %swap3A_205 = vector.shape_cast %swap3A_204 : vector<16xf32> to vector<16xf32>
    %swap3A_206 = vector.shape_cast %broadcast_in_dim3A_202 : vector<16xf32> to vector<16xf32>
    tpu.vector_store %arg6[%swap3A_203], %swap3A_206 {strides = array<i32>} : memref<640xf32, #tpu.memory_space<vmem>>, vector<16xf32>,
    %broadcast_in_dim3A_207 = arith.constant 0.000000e+00 : f32
    %broadcast_in_dim3A_208 = vector.broadcast %broadcast_in_dim3A_207 : f32 to vector<16xf32>
    %swap3A_209 = arith.constant 480 : index
    %swap3A_210 = tpu.vector_load %arg6[%swap3A_209] {strides = array<i32>} : memref<640xf32, #tpu.memory_space<vmem>>, vector<16xf32>,
    %swap3A_211 = vector.shape_cast %swap3A_210 : vector<16xf32> to vector<16xf32>
    %swap3A_212 = vector.shape_cast %broadcast_in_dim3A_208 : vector<16xf32> to vector<16xf32>
    tpu.vector_store %arg6[%swap3A_209], %swap3A_212 {strides = array<i32>} : memref<640xf32, #tpu.memory_space<vmem>>, vector<16xf32>,
    %broadcast_in_dim3A_213 = arith.constant 0.000000e+00 : f32
    %broadcast_in_dim3A_214 = vector.broadcast %broadcast_in_dim3A_213 : f32 to vector<16xf32>
    %swap3A_215 = arith.constant 496 : index
    %swap3A_216 = tpu.vector_load %arg6[%swap3A_215] {strides = array<i32>} : memref<640xf32, #tpu.memory_space<vmem>>, vector<16xf32>,
    %swap3A_217 = vector.shape_cast %swap3A_216 : vector<16xf32> to vector<16xf32>
    %swap3A_218 = vector.shape_cast %broadcast_in_dim3A_214 : vector<16xf32> to vector<16xf32>
    tpu.vector_store %arg6[%swap3A_215], %swap3A_218 {strides = array<i32>} : memref<640xf32, #tpu.memory_space<vmem>>, vector<16xf32>,
    %broadcast_in_dim3A_219 = arith.constant 0.000000e+00 : f32
    %broadcast_in_dim3A_220 = vector.broadcast %broadcast_in_dim3A_219 : f32 to vector<16xf32>
    %swap3A_221 = arith.constant 512 : index
    %swap3A_222 = tpu.vector_load %arg6[%swap3A_221] {strides = array<i32>} : memref<640xf32, #tpu.memory_space<vmem>>, vector<16xf32>,
    %swap3A_223 = vector.shape_cast %swap3A_222 : vector<16xf32> to vector<16xf32>
    %swap3A_224 = vector.shape_cast %broadcast_in_dim3A_220 : vector<16xf32> to vector<16xf32>
    tpu.vector_store %arg6[%swap3A_221], %swap3A_224 {strides = array<i32>} : memref<640xf32, #tpu.memory_space<vmem>>, vector<16xf32>,
    %broadcast_in_dim3A_225 = arith.constant 0.000000e+00 : f32
    %broadcast_in_dim3A_226 = vector.broadcast %broadcast_in_dim3A_225 : f32 to vector<16xf32>
    %swap3A_227 = arith.constant 528 : index
    %swap3A_228 = tpu.vector_load %arg6[%swap3A_227] {strides = array<i32>} : memref<640xf32, #tpu.memory_space<vmem>>, vector<16xf32>,
    %swap3A_229 = vector.shape_cast %swap3A_228 : vector<16xf32> to vector<16xf32>
    %swap3A_230 = vector.shape_cast %broadcast_in_dim3A_226 : vector<16xf32> to vector<16xf32>
    tpu.vector_store %arg6[%swap3A_227], %swap3A_230 {strides = array<i32>} : memref<640xf32, #tpu.memory_space<vmem>>, vector<16xf32>,
    %broadcast_in_dim3A_231 = arith.constant 0.000000e+00 : f32
    %broadcast_in_dim3A_232 = vector.broadcast %broadcast_in_dim3A_231 : f32 to vector<16xf32>
    %swap3A_233 = arith.constant 544 : index
    %swap3A_234 = tpu.vector_load %arg6[%swap3A_233] {strides = array<i32>} : memref<640xf32, #tpu.memory_space<vmem>>, vector<16xf32>,
    %swap3A_235 = vector.shape_cast %swap3A_234 : vector<16xf32> to vector<16xf32>
    %swap3A_236 = vector.shape_cast %broadcast_in_dim3A_232 : vector<16xf32> to vector<16xf32>
    tpu.vector_store %arg6[%swap3A_233], %swap3A_236 {strides = array<i32>} : memref<640xf32, #tpu.memory_space<vmem>>, vector<16xf32>,
    %broadcast_in_dim3A_237 = arith.constant 0.000000e+00 : f32
    %broadcast_in_dim3A_238 = vector.broadcast %broadcast_in_dim3A_237 : f32 to vector<16xf32>
    %swap3A_239 = arith.constant 560 : index
    %swap3A_240 = tpu.vector_load %arg6[%swap3A_239] {strides = array<i32>} : memref<640xf32, #tpu.memory_space<vmem>>, vector<16xf32>,
    %swap3A_241 = vector.shape_cast %swap3A_240 : vector<16xf32> to vector<16xf32>
    %swap3A_242 = vector.shape_cast %broadcast_in_dim3A_238 : vector<16xf32> to vector<16xf32>
    tpu.vector_store %arg6[%swap3A_239], %swap3A_242 {strides = array<i32>} : memref<640xf32, #tpu.memory_space<vmem>>, vector<16xf32>,
    %broadcast_in_dim3A_243 = arith.constant 0.000000e+00 : f32
    %broadcast_in_dim3A_244 = vector.broadcast %broadcast_in_dim3A_243 : f32 to vector<16xf32>
    %swap3A_245 = arith.constant 576 : index
    %swap3A_246 = tpu.vector_load %arg6[%swap3A_245] {strides = array<i32>} : memref<640xf32, #tpu.memory_space<vmem>>, vector<16xf32>,
    %swap3A_247 = vector.shape_cast %swap3A_246 : vector<16xf32> to vector<16xf32>
    %swap3A_248 = vector.shape_cast %broadcast_in_dim3A_244 : vector<16xf32> to vector<16xf32>
    tpu.vector_store %arg6[%swap3A_245], %swap3A_248 {strides = array<i32>} : memref<640xf32, #tpu.memory_space<vmem>>, vector<16xf32>,
    %broadcast_in_dim3A_249 = arith.constant 0.000000e+00 : f32
    %broadcast_in_dim3A_250 = vector.broadcast %broadcast_in_dim3A_249 : f32 to vector<16xf32>
    %swap3A_251 = arith.constant 592 : index
    %swap3A_252 = tpu.vector_load %arg6[%swap3A_251] {strides = array<i32>} : memref<640xf32, #tpu.memory_space<vmem>>, vector<16xf32>,
    %swap3A_253 = vector.shape_cast %swap3A_252 : vector<16xf32> to vector<16xf32>
    %swap3A_254 = vector.shape_cast %broadcast_in_dim3A_250 : vector<16xf32> to vector<16xf32>
    tpu.vector_store %arg6[%swap3A_251], %swap3A_254 {strides = array<i32>} : memref<640xf32, #tpu.memory_space<vmem>>, vector<16xf32>,
    %broadcast_in_dim3A_255 = arith.constant 0.000000e+00 : f32
    %broadcast_in_dim3A_256 = vector.broadcast %broadcast_in_dim3A_255 : f32 to vector<16xf32>
    %swap3A_257 = arith.constant 608 : index
    %swap3A_258 = tpu.vector_load %arg6[%swap3A_257] {strides = array<i32>} : memref<640xf32, #tpu.memory_space<vmem>>, vector<16xf32>,
    %swap3A_259 = vector.shape_cast %swap3A_258 : vector<16xf32> to vector<16xf32>
    %swap3A_260 = vector.shape_cast %broadcast_in_dim3A_256 : vector<16xf32> to vector<16xf32>
    tpu.vector_store %arg6[%swap3A_257], %swap3A_260 {strides = array<i32>} : memref<640xf32, #tpu.memory_space<vmem>>, vector<16xf32>,
    %broadcast_in_dim3A_261 = arith.constant 0.000000e+00 : f32
    %broadcast_in_dim3A_262 = vector.broadcast %broadcast_in_dim3A_261 : f32 to vector<16xf32>
    %swap3A_263 = arith.constant 624 : index
    %swap3A_264 = tpu.vector_load %arg6[%swap3A_263] {strides = array<i32>} : memref<640xf32, #tpu.memory_space<vmem>>, vector<16xf32>,
    %swap3A_265 = vector.shape_cast %swap3A_264 : vector<16xf32> to vector<16xf32>
    %swap3A_266 = vector.shape_cast %broadcast_in_dim3A_262 : vector<16xf32> to vector<16xf32>
    tpu.vector_store %arg6[%swap3A_263], %swap3A_266 {strides = array<i32>} : memref<640xf32, #tpu.memory_space<vmem>>, vector<16xf32>,
    %mul3A_267 = arith.constant 640 : i32
    %mul3A_268 = arith.muli %arg1, %mul3A_267 : i32
    "tpu.region"() ({
      %run_scoped3A = tpu.sem_alloc : memref<!tpu.dma_semaphore, #tpu.memory_space<semaphore_mem>>
      %dma_start3A = tpu.memref_slice %arg7[%mul3A_268] : memref<10240xf32, #tpu.memory_space<vmem_shared>> -> memref<640xf32, #tpu.memory_space<vmem_shared>>
      %dma_start3A_279 = tpu.memref_slice %arg7[%mul3A_268] : memref<10240xf32, #tpu.memory_space<vmem_shared>> -> memref<640xf32, #tpu.memory_space<vmem_shared>>
      tpu.enqueue_dma source(%arg6 : memref<640xf32, #tpu.memory_space<vmem>>) target(%dma_start3A_279 : memref<640xf32, #tpu.memory_space<vmem_shared>>) target_semaphore(%run_scoped3A : memref<!tpu.dma_semaphore, #tpu.memory_space<semaphore_mem>>)
      %dma_wait3A = tpu.memref_slice %arg7[%mul3A_268] : memref<10240xf32, #tpu.memory_space<vmem_shared>> -> memref<640xf32, #tpu.memory_space<vmem_shared>>
      %dma_wait3A_280 = tpu.memref_slice %arg7[%mul3A_268] : memref<10240xf32, #tpu.memory_space<vmem_shared>> -> memref<640xf32, #tpu.memory_space<vmem_shared>>
      tpu.wait_dma2 semaphore(%run_scoped3A : memref<!tpu.dma_semaphore, #tpu.memory_space<semaphore_mem>>) src(%arg6 : memref<640xf32, #tpu.memory_space<vmem>>) dst(%dma_wait3A_280 : memref<640xf32, #tpu.memory_space<vmem_shared>>)
      tpu.yield
    }) : () -> ()
    %barrier3A = arith.constant 0 : index
    tpu.barrier barrier_id(%barrier3A)
    %scan3A = arith.constant 0 : i32
    %scan3A_269 = arith.constant 0 : i32
    %scan3A_270 = arith.constant 80 : i32
    %scan3A_271 = arith.addi %scan3A_269, %scan3A_270 : i32
    %scan3A_272 = arith.constant 1 : i32
    scf.for %scan3A_279 = %scan3A_269 to %scan3A_271 step %scan3A_272  : i32 {
      "tpu.region"() ({
        %run_scoped3A = tpu.sem_alloc : memref<!tpu.dma_semaphore, #tpu.memory_space<semaphore_mem>>
        %dma_start3A = arith.constant 0 : i32
        %dma_start3A_280 = tpu.memref_slice %arg4[%scan3A_279, %dma_start3A] : memref<80x64xi32, #tpu.memory_space<vmem>> -> memref<1x64xi32, #tpu.memory_space<vmem>>
        %dma_start3A_281 = tpu.memref_squeeze %dma_start3A_280 : memref<1x64xi32, #tpu.memory_space<vmem>> -> memref<64xi32, #tpu.memory_space<vmem>>
        %dma_start3A_282 = arith.constant 0 : i32
        %dma_start3A_283 = tpu.memref_slice %arg7[%dma_start3A_282] : memref<10240xf32, #tpu.memory_space<vmem_shared>> -> memref<10240xf32, #tpu.memory_space<vmem_shared>>
        tpu.enqueue_indirect_dma source(%arg5 : memref<64xf32, #tpu.memory_space<vmem>>) target(%dma_start3A_283 : memref<10240xf32, #tpu.memory_space<vmem_shared>>) offsets(%dma_start3A_281 : memref<64xi32, #tpu.memory_space<vmem>>) semaphore(%run_scoped3A : memref<!tpu.dma_semaphore, #tpu.memory_space<semaphore_mem>>) {add = true}
        %dma_wait3A = arith.constant 0 : i32
        %dma_wait3A_284 = tpu.memref_slice %arg4[%scan3A_279, %dma_wait3A] : memref<80x64xi32, #tpu.memory_space<vmem>> -> memref<1x64xi32, #tpu.memory_space<vmem>>
        %dma_wait3A_285 = tpu.memref_squeeze %dma_wait3A_284 : memref<1x64xi32, #tpu.memory_space<vmem>> -> memref<64xi32, #tpu.memory_space<vmem>>
        %dma_wait3A_286 = arith.constant 0 : i32
        %dma_wait3A_287 = tpu.memref_slice %arg7[%dma_wait3A_286] : memref<10240xf32, #tpu.memory_space<vmem_shared>> -> memref<10240xf32, #tpu.memory_space<vmem_shared>>
        tpu.wait_indirect_dma semaphore(%run_scoped3A : memref<!tpu.dma_semaphore, #tpu.memory_space<semaphore_mem>>) src(%arg5 : memref<64xf32, #tpu.memory_space<vmem>>) dst(%dma_wait3A_287 : memref<10240xf32, #tpu.memory_space<vmem_shared>>)
        tpu.yield
      }) : () -> ()
    }
    %scan3A_273 = arith.constant 80 : i32
    %barrier3A_274 = arith.constant 0 : index
    tpu.barrier barrier_id(%barrier3A_274)
    %mul3A_275 = arith.constant 640 : i32
    %mul3A_276 = arith.muli %arg1, %mul3A_275 : i32
    %mul3A_277 = arith.constant 640 : i32
    %mul3A_278 = arith.muli %arg1, %mul3A_277 : i32
    "tpu.region"() ({
      %run_scoped3A = tpu.sem_alloc : memref<!tpu.dma_semaphore, #tpu.memory_space<semaphore_mem>>
      %dma_start3A = tpu.memref_slice %arg3[%arg0, %mul3A_278] : memref<2x10240xf32, #tpu.memory_space<hbm>> -> memref<1x640xf32, #tpu.memory_space<hbm>>
      %dma_start3A_279 = tpu.memref_squeeze %dma_start3A : memref<1x640xf32, #tpu.memory_space<hbm>> -> memref<640xf32, #tpu.memory_space<hbm>>
      %dma_start3A_280 = tpu.memref_slice %arg7[%mul3A_276] : memref<10240xf32, #tpu.memory_space<vmem_shared>> -> memref<640xf32, #tpu.memory_space<vmem_shared>>
      tpu.enqueue_dma source(%dma_start3A_280 : memref<640xf32, #tpu.memory_space<vmem_shared>>) target(%dma_start3A_279 : memref<640xf32, #tpu.memory_space<hbm>>) target_semaphore(%run_scoped3A : memref<!tpu.dma_semaphore, #tpu.memory_space<semaphore_mem>>)
      %dma_wait3A = tpu.memref_slice %arg3[%arg0, %mul3A_278] : memref<2x10240xf32, #tpu.memory_space<hbm>> -> memref<1x640xf32, #tpu.memory_space<hbm>>
      %dma_wait3A_281 = tpu.memref_squeeze %dma_wait3A : memref<1x640xf32, #tpu.memory_space<hbm>> -> memref<640xf32, #tpu.memory_space<hbm>>
      %dma_wait3A_282 = tpu.memref_slice %arg7[%mul3A_276] : memref<10240xf32, #tpu.memory_space<vmem_shared>> -> memref<640xf32, #tpu.memory_space<vmem_shared>>
      tpu.wait_dma2 semaphore(%run_scoped3A : memref<!tpu.dma_semaphore, #tpu.memory_space<semaphore_mem>>) src(%dma_wait3A_282 : memref<640xf32, #tpu.memory_space<vmem_shared>>) dst(%dma_wait3A_281 : memref<640xf32, #tpu.memory_space<hbm>>)
      tpu.yield
    }) : () -> ()
    return
  }
}

#map = affine_map<(d0, d1) -> (0, 0)>
#map1 = affine_map<(d0, d1) -> (0, 0, 0)>
module attributes {stable_mosaic.version = 14 : i64} {
  func.func @agg_kernel(%arg0: i32, %arg1: i32, %arg2: memref<10240x128xf32, #tpu.memory_space<hbm>>, %arg3: memref<2560x64xi32, #tpu.memory_space<hbm>>, %arg4: memref<2560x64xi32, #tpu.memory_space<hbm>>, %arg5: memref<2x10240x128xf32, #tpu.memory_space<hbm>>, %arg6: memref<16x64xi32, #tpu.memory_space<vmem>>, %arg7: memref<16x64xi32, #tpu.memory_space<vmem>>, %arg8: memref<4x64x128xf32, #tpu.memory_space<vmem>>, %arg9: memref<10240x128xf32, #tpu.memory_space<vmem_shared>>, %arg10: memref<!tpu.dma_semaphore, #tpu.memory_space<semaphore_mem>>, %arg11: memref<!tpu.dma_semaphore, #tpu.memory_space<semaphore_mem>>, %arg12: memref<!tpu.dma_semaphore, #tpu.memory_space<semaphore_mem>>, %arg13: memref<!tpu.dma_semaphore, #tpu.memory_space<semaphore_mem>>) attributes {dimension_semantics = [#tpu.dimension_semantics<core_parallel>, #tpu.dimension_semantics<subcore_parallel>], iteration_bounds = array<i64: 2, 16>, scalar_prefetch = 0 : i64, scratch_operands = 8 : i64, tpu.core_type = #tpu.core_type<sc_vector_subcore>, window_params = [{transform_indices = #map}, {transform_indices = #map}, {transform_indices = #map}, {transform_indices = #map1}]} {
    %mul3A = arith.constant 16 : i32
    %mul3A_0 = arith.muli %arg0, %mul3A : i32
    %add3A = arith.addi %mul3A_0, %arg1 : i32
    %scan3A = arith.constant 0 : i32
    %scan3A_1 = arith.constant 0 : i32
    %scan3A_2 = arith.constant 64 : i32
    %scan3A_3 = arith.addi %scan3A_1, %scan3A_2 : i32
    %scan3A_4 = arith.constant 1 : i32
    scf.for %scan3A_68 = %scan3A_1 to %scan3A_3 step %scan3A_4  : i32 {
      %broadcast_in_dim3A = arith.constant 0.000000e+00 : f32
      %broadcast_in_dim3A_69 = vector.broadcast %broadcast_in_dim3A : f32 to vector<16xf32>
      %swap3A = arith.constant 0 : i32
      %swap3A_70 = arith.index_cast %swap3A : i32 to index
      %swap3A_71 = arith.index_cast %scan3A_68 : i32 to index
      %swap3A_72 = arith.constant 0 : index
      %swap3A_73 = tpu.vector_load %arg8[%swap3A_70, %swap3A_71, %swap3A_72] {strides = array<i32>} : memref<4x64x128xf32, #tpu.memory_space<vmem>>, vector<1x1x16xf32>,
      %swap3A_74 = vector.shape_cast %swap3A_73 : vector<1x1x16xf32> to vector<16xf32>
      %swap3A_75 = vector.shape_cast %broadcast_in_dim3A_69 : vector<16xf32> to vector<1x1x16xf32>
      tpu.vector_store %arg8[%swap3A_70, %swap3A_71, %swap3A_72], %swap3A_75 {strides = array<i32>} : memref<4x64x128xf32, #tpu.memory_space<vmem>>, vector<1x1x16xf32>,
      %broadcast_in_dim3A_76 = arith.constant 0.000000e+00 : f32
      %broadcast_in_dim3A_77 = vector.broadcast %broadcast_in_dim3A_76 : f32 to vector<16xf32>
      %swap3A_78 = arith.constant 0 : i32
      %swap3A_79 = arith.index_cast %swap3A_78 : i32 to index
      %swap3A_80 = arith.index_cast %scan3A_68 : i32 to index
      %swap3A_81 = arith.constant 16 : index
      %swap3A_82 = tpu.vector_load %arg8[%swap3A_79, %swap3A_80, %swap3A_81] {strides = array<i32>} : memref<4x64x128xf32, #tpu.memory_space<vmem>>, vector<1x1x16xf32>,
      %swap3A_83 = vector.shape_cast %swap3A_82 : vector<1x1x16xf32> to vector<16xf32>
      %swap3A_84 = vector.shape_cast %broadcast_in_dim3A_77 : vector<16xf32> to vector<1x1x16xf32>
      tpu.vector_store %arg8[%swap3A_79, %swap3A_80, %swap3A_81], %swap3A_84 {strides = array<i32>} : memref<4x64x128xf32, #tpu.memory_space<vmem>>, vector<1x1x16xf32>,
      %broadcast_in_dim3A_85 = arith.constant 0.000000e+00 : f32
      %broadcast_in_dim3A_86 = vector.broadcast %broadcast_in_dim3A_85 : f32 to vector<16xf32>
      %swap3A_87 = arith.constant 0 : i32
      %swap3A_88 = arith.index_cast %swap3A_87 : i32 to index
      %swap3A_89 = arith.index_cast %scan3A_68 : i32 to index
      %swap3A_90 = arith.constant 32 : index
      %swap3A_91 = tpu.vector_load %arg8[%swap3A_88, %swap3A_89, %swap3A_90] {strides = array<i32>} : memref<4x64x128xf32, #tpu.memory_space<vmem>>, vector<1x1x16xf32>,
      %swap3A_92 = vector.shape_cast %swap3A_91 : vector<1x1x16xf32> to vector<16xf32>
      %swap3A_93 = vector.shape_cast %broadcast_in_dim3A_86 : vector<16xf32> to vector<1x1x16xf32>
      tpu.vector_store %arg8[%swap3A_88, %swap3A_89, %swap3A_90], %swap3A_93 {strides = array<i32>} : memref<4x64x128xf32, #tpu.memory_space<vmem>>, vector<1x1x16xf32>,
      %broadcast_in_dim3A_94 = arith.constant 0.000000e+00 : f32
      %broadcast_in_dim3A_95 = vector.broadcast %broadcast_in_dim3A_94 : f32 to vector<16xf32>
      %swap3A_96 = arith.constant 0 : i32
      %swap3A_97 = arith.index_cast %swap3A_96 : i32 to index
      %swap3A_98 = arith.index_cast %scan3A_68 : i32 to index
      %swap3A_99 = arith.constant 48 : index
      %swap3A_100 = tpu.vector_load %arg8[%swap3A_97, %swap3A_98, %swap3A_99] {strides = array<i32>} : memref<4x64x128xf32, #tpu.memory_space<vmem>>, vector<1x1x16xf32>,
      %swap3A_101 = vector.shape_cast %swap3A_100 : vector<1x1x16xf32> to vector<16xf32>
      %swap3A_102 = vector.shape_cast %broadcast_in_dim3A_95 : vector<16xf32> to vector<1x1x16xf32>
      tpu.vector_store %arg8[%swap3A_97, %swap3A_98, %swap3A_99], %swap3A_102 {strides = array<i32>} : memref<4x64x128xf32, #tpu.memory_space<vmem>>, vector<1x1x16xf32>,
      %broadcast_in_dim3A_103 = arith.constant 0.000000e+00 : f32
      %broadcast_in_dim3A_104 = vector.broadcast %broadcast_in_dim3A_103 : f32 to vector<16xf32>
      %swap3A_105 = arith.constant 0 : i32
      %swap3A_106 = arith.index_cast %swap3A_105 : i32 to index
      %swap3A_107 = arith.index_cast %scan3A_68 : i32 to index
      %swap3A_108 = arith.constant 64 : index
      %swap3A_109 = tpu.vector_load %arg8[%swap3A_106, %swap3A_107, %swap3A_108] {strides = array<i32>} : memref<4x64x128xf32, #tpu.memory_space<vmem>>, vector<1x1x16xf32>,
      %swap3A_110 = vector.shape_cast %swap3A_109 : vector<1x1x16xf32> to vector<16xf32>
      %swap3A_111 = vector.shape_cast %broadcast_in_dim3A_104 : vector<16xf32> to vector<1x1x16xf32>
      tpu.vector_store %arg8[%swap3A_106, %swap3A_107, %swap3A_108], %swap3A_111 {strides = array<i32>} : memref<4x64x128xf32, #tpu.memory_space<vmem>>, vector<1x1x16xf32>,
      %broadcast_in_dim3A_112 = arith.constant 0.000000e+00 : f32
      %broadcast_in_dim3A_113 = vector.broadcast %broadcast_in_dim3A_112 : f32 to vector<16xf32>
      %swap3A_114 = arith.constant 0 : i32
      %swap3A_115 = arith.index_cast %swap3A_114 : i32 to index
      %swap3A_116 = arith.index_cast %scan3A_68 : i32 to index
      %swap3A_117 = arith.constant 80 : index
      %swap3A_118 = tpu.vector_load %arg8[%swap3A_115, %swap3A_116, %swap3A_117] {strides = array<i32>} : memref<4x64x128xf32, #tpu.memory_space<vmem>>, vector<1x1x16xf32>,
      %swap3A_119 = vector.shape_cast %swap3A_118 : vector<1x1x16xf32> to vector<16xf32>
      %swap3A_120 = vector.shape_cast %broadcast_in_dim3A_113 : vector<16xf32> to vector<1x1x16xf32>
      tpu.vector_store %arg8[%swap3A_115, %swap3A_116, %swap3A_117], %swap3A_120 {strides = array<i32>} : memref<4x64x128xf32, #tpu.memory_space<vmem>>, vector<1x1x16xf32>,
      %broadcast_in_dim3A_121 = arith.constant 0.000000e+00 : f32
      %broadcast_in_dim3A_122 = vector.broadcast %broadcast_in_dim3A_121 : f32 to vector<16xf32>
      %swap3A_123 = arith.constant 0 : i32
      %swap3A_124 = arith.index_cast %swap3A_123 : i32 to index
      %swap3A_125 = arith.index_cast %scan3A_68 : i32 to index
      %swap3A_126 = arith.constant 96 : index
      %swap3A_127 = tpu.vector_load %arg8[%swap3A_124, %swap3A_125, %swap3A_126] {strides = array<i32>} : memref<4x64x128xf32, #tpu.memory_space<vmem>>, vector<1x1x16xf32>,
      %swap3A_128 = vector.shape_cast %swap3A_127 : vector<1x1x16xf32> to vector<16xf32>
      %swap3A_129 = vector.shape_cast %broadcast_in_dim3A_122 : vector<16xf32> to vector<1x1x16xf32>
      tpu.vector_store %arg8[%swap3A_124, %swap3A_125, %swap3A_126], %swap3A_129 {strides = array<i32>} : memref<4x64x128xf32, #tpu.memory_space<vmem>>, vector<1x1x16xf32>,
      %broadcast_in_dim3A_130 = arith.constant 0.000000e+00 : f32
      %broadcast_in_dim3A_131 = vector.broadcast %broadcast_in_dim3A_130 : f32 to vector<16xf32>
      %swap3A_132 = arith.constant 0 : i32
      %swap3A_133 = arith.index_cast %swap3A_132 : i32 to index
      %swap3A_134 = arith.index_cast %scan3A_68 : i32 to index
      %swap3A_135 = arith.constant 112 : index
      %swap3A_136 = tpu.vector_load %arg8[%swap3A_133, %swap3A_134, %swap3A_135] {strides = array<i32>} : memref<4x64x128xf32, #tpu.memory_space<vmem>>, vector<1x1x16xf32>,
      %swap3A_137 = vector.shape_cast %swap3A_136 : vector<1x1x16xf32> to vector<16xf32>
      %swap3A_138 = vector.shape_cast %broadcast_in_dim3A_131 : vector<16xf32> to vector<1x1x16xf32>
      tpu.vector_store %arg8[%swap3A_133, %swap3A_134, %swap3A_135], %swap3A_138 {strides = array<i32>} : memref<4x64x128xf32, #tpu.memory_space<vmem>>, vector<1x1x16xf32>,
    }
    %scan3A_5 = arith.constant 64 : i32
    %mul3A_6 = arith.constant 640 : i32
    %mul3A_7 = arith.muli %arg1, %mul3A_6 : i32
    %add3A_8 = arith.constant 0 : i32
    %add3A_9 = arith.addi %mul3A_7, %add3A_8 : i32
    %run_scoped3A = arith.constant 0 : i32
    "tpu.region"() ({
      %run_scoped3A_68 = tpu.sem_alloc : memref<!tpu.dma_semaphore, #tpu.memory_space<semaphore_mem>>
      %dma_start3A = arith.constant 0 : i32
      %dma_start3A_69 = arith.constant 0 : i32
      %dma_start3A_70 = tpu.memref_slice %arg8[%run_scoped3A, %dma_start3A, %dma_start3A_69] : memref<4x64x128xf32, #tpu.memory_space<vmem>> -> memref<1x64x128xf32, #tpu.memory_space<vmem>>
      %dma_start3A_71 = tpu.memref_squeeze %dma_start3A_70 : memref<1x64x128xf32, #tpu.memory_space<vmem>> -> memref<64x128xf32, #tpu.memory_space<vmem>>
      %dma_start3A_72 = arith.constant 0 : i32
      %dma_start3A_73 = tpu.memref_slice %arg9[%add3A_9, %dma_start3A_72] : memref<10240x128xf32, #tpu.memory_space<vmem_shared>> -> memref<64x128xf32, #tpu.memory_space<vmem_shared>>
      %dma_start3A_74 = arith.constant 0 : i32
      %dma_start3A_75 = tpu.memref_slice %arg9[%add3A_9, %dma_start3A_74] : memref<10240x128xf32, #tpu.memory_space<vmem_shared>> -> memref<64x128xf32, #tpu.memory_space<vmem_shared>>
      %dma_start3A_76 = arith.constant 0 : i32
      %dma_start3A_77 = arith.constant 0 : i32
      %dma_start3A_78 = tpu.memref_slice %arg8[%run_scoped3A, %dma_start3A_76, %dma_start3A_77] : memref<4x64x128xf32, #tpu.memory_space<vmem>> -> memref<1x64x128xf32, #tpu.memory_space<vmem>>
      %dma_start3A_79 = tpu.memref_squeeze %dma_start3A_78 : memref<1x64x128xf32, #tpu.memory_space<vmem>> -> memref<64x128xf32, #tpu.memory_space<vmem>>
      tpu.enqueue_dma source(%dma_start3A_79 : memref<64x128xf32, #tpu.memory_space<vmem>>) target(%dma_start3A_75 : memref<64x128xf32, #tpu.memory_space<vmem_shared>>) target_semaphore(%run_scoped3A_68 : memref<!tpu.dma_semaphore, #tpu.memory_space<semaphore_mem>>)
      %dma_wait3A = arith.constant 0 : i32
      %dma_wait3A_80 = arith.constant 0 : i32
      %dma_wait3A_81 = tpu.memref_slice %arg8[%run_scoped3A, %dma_wait3A, %dma_wait3A_80] : memref<4x64x128xf32, #tpu.memory_space<vmem>> -> memref<1x64x128xf32, #tpu.memory_space<vmem>>
      %dma_wait3A_82 = tpu.memref_squeeze %dma_wait3A_81 : memref<1x64x128xf32, #tpu.memory_space<vmem>> -> memref<64x128xf32, #tpu.memory_space<vmem>>
      %dma_wait3A_83 = arith.constant 0 : i32
      %dma_wait3A_84 = tpu.memref_slice %arg9[%add3A_9, %dma_wait3A_83] : memref<10240x128xf32, #tpu.memory_space<vmem_shared>> -> memref<64x128xf32, #tpu.memory_space<vmem_shared>>
      %dma_wait3A_85 = arith.constant 0 : i32
      %dma_wait3A_86 = tpu.memref_slice %arg9[%add3A_9, %dma_wait3A_85] : memref<10240x128xf32, #tpu.memory_space<vmem_shared>> -> memref<64x128xf32, #tpu.memory_space<vmem_shared>>
      %dma_wait3A_87 = arith.constant 0 : i32
      %dma_wait3A_88 = arith.constant 0 : i32
      %dma_wait3A_89 = tpu.memref_slice %arg8[%run_scoped3A, %dma_wait3A_87, %dma_wait3A_88] : memref<4x64x128xf32, #tpu.memory_space<vmem>> -> memref<1x64x128xf32, #tpu.memory_space<vmem>>
      %dma_wait3A_90 = tpu.memref_squeeze %dma_wait3A_89 : memref<1x64x128xf32, #tpu.memory_space<vmem>> -> memref<64x128xf32, #tpu.memory_space<vmem>>
      tpu.wait_dma2 semaphore(%run_scoped3A_68 : memref<!tpu.dma_semaphore, #tpu.memory_space<semaphore_mem>>) src(%dma_wait3A_90 : memref<64x128xf32, #tpu.memory_space<vmem>>) dst(%dma_wait3A_86 : memref<64x128xf32, #tpu.memory_space<vmem_shared>>)
      tpu.yield
    }) : () -> ()
    %mul3A_10 = arith.constant 640 : i32
    %mul3A_11 = arith.muli %arg1, %mul3A_10 : i32
    %add3A_12 = arith.constant 64 : i32
    %add3A_13 = arith.addi %mul3A_11, %add3A_12 : i32
    %run_scoped3A_14 = arith.constant 0 : i32
    "tpu.region"() ({
      %run_scoped3A_68 = tpu.sem_alloc : memref<!tpu.dma_semaphore, #tpu.memory_space<semaphore_mem>>
      %dma_start3A = arith.constant 0 : i32
      %dma_start3A_69 = arith.constant 0 : i32
      %dma_start3A_70 = tpu.memref_slice %arg8[%run_scoped3A_14, %dma_start3A, %dma_start3A_69] : memref<4x64x128xf32, #tpu.memory_space<vmem>> -> memref<1x64x128xf32, #tpu.memory_space<vmem>>
      %dma_start3A_71 = tpu.memref_squeeze %dma_start3A_70 : memref<1x64x128xf32, #tpu.memory_space<vmem>> -> memref<64x128xf32, #tpu.memory_space<vmem>>
      %dma_start3A_72 = arith.constant 0 : i32
      %dma_start3A_73 = tpu.memref_slice %arg9[%add3A_13, %dma_start3A_72] : memref<10240x128xf32, #tpu.memory_space<vmem_shared>> -> memref<64x128xf32, #tpu.memory_space<vmem_shared>>
      %dma_start3A_74 = arith.constant 0 : i32
      %dma_start3A_75 = tpu.memref_slice %arg9[%add3A_13, %dma_start3A_74] : memref<10240x128xf32, #tpu.memory_space<vmem_shared>> -> memref<64x128xf32, #tpu.memory_space<vmem_shared>>
      %dma_start3A_76 = arith.constant 0 : i32
      %dma_start3A_77 = arith.constant 0 : i32
      %dma_start3A_78 = tpu.memref_slice %arg8[%run_scoped3A_14, %dma_start3A_76, %dma_start3A_77] : memref<4x64x128xf32, #tpu.memory_space<vmem>> -> memref<1x64x128xf32, #tpu.memory_space<vmem>>
      %dma_start3A_79 = tpu.memref_squeeze %dma_start3A_78 : memref<1x64x128xf32, #tpu.memory_space<vmem>> -> memref<64x128xf32, #tpu.memory_space<vmem>>
      tpu.enqueue_dma source(%dma_start3A_79 : memref<64x128xf32, #tpu.memory_space<vmem>>) target(%dma_start3A_75 : memref<64x128xf32, #tpu.memory_space<vmem_shared>>) target_semaphore(%run_scoped3A_68 : memref<!tpu.dma_semaphore, #tpu.memory_space<semaphore_mem>>)
      %dma_wait3A = arith.constant 0 : i32
      %dma_wait3A_80 = arith.constant 0 : i32
      %dma_wait3A_81 = tpu.memref_slice %arg8[%run_scoped3A_14, %dma_wait3A, %dma_wait3A_80] : memref<4x64x128xf32, #tpu.memory_space<vmem>> -> memref<1x64x128xf32, #tpu.memory_space<vmem>>
      %dma_wait3A_82 = tpu.memref_squeeze %dma_wait3A_81 : memref<1x64x128xf32, #tpu.memory_space<vmem>> -> memref<64x128xf32, #tpu.memory_space<vmem>>
      %dma_wait3A_83 = arith.constant 0 : i32
      %dma_wait3A_84 = tpu.memref_slice %arg9[%add3A_13, %dma_wait3A_83] : memref<10240x128xf32, #tpu.memory_space<vmem_shared>> -> memref<64x128xf32, #tpu.memory_space<vmem_shared>>
      %dma_wait3A_85 = arith.constant 0 : i32
      %dma_wait3A_86 = tpu.memref_slice %arg9[%add3A_13, %dma_wait3A_85] : memref<10240x128xf32, #tpu.memory_space<vmem_shared>> -> memref<64x128xf32, #tpu.memory_space<vmem_shared>>
      %dma_wait3A_87 = arith.constant 0 : i32
      %dma_wait3A_88 = arith.constant 0 : i32
      %dma_wait3A_89 = tpu.memref_slice %arg8[%run_scoped3A_14, %dma_wait3A_87, %dma_wait3A_88] : memref<4x64x128xf32, #tpu.memory_space<vmem>> -> memref<1x64x128xf32, #tpu.memory_space<vmem>>
      %dma_wait3A_90 = tpu.memref_squeeze %dma_wait3A_89 : memref<1x64x128xf32, #tpu.memory_space<vmem>> -> memref<64x128xf32, #tpu.memory_space<vmem>>
      tpu.wait_dma2 semaphore(%run_scoped3A_68 : memref<!tpu.dma_semaphore, #tpu.memory_space<semaphore_mem>>) src(%dma_wait3A_90 : memref<64x128xf32, #tpu.memory_space<vmem>>) dst(%dma_wait3A_86 : memref<64x128xf32, #tpu.memory_space<vmem_shared>>)
      tpu.yield
    }) : () -> ()
    %mul3A_15 = arith.constant 640 : i32
    %mul3A_16 = arith.muli %arg1, %mul3A_15 : i32
    %add3A_17 = arith.constant 128 : i32
    %add3A_18 = arith.addi %mul3A_16, %add3A_17 : i32
    %run_scoped3A_19 = arith.constant 0 : i32
    "tpu.region"() ({
      %run_scoped3A_68 = tpu.sem_alloc : memref<!tpu.dma_semaphore, #tpu.memory_space<semaphore_mem>>
      %dma_start3A = arith.constant 0 : i32
      %dma_start3A_69 = arith.constant 0 : i32
      %dma_start3A_70 = tpu.memref_slice %arg8[%run_scoped3A_19, %dma_start3A, %dma_start3A_69] : memref<4x64x128xf32, #tpu.memory_space<vmem>> -> memref<1x64x128xf32, #tpu.memory_space<vmem>>
      %dma_start3A_71 = tpu.memref_squeeze %dma_start3A_70 : memref<1x64x128xf32, #tpu.memory_space<vmem>> -> memref<64x128xf32, #tpu.memory_space<vmem>>
      %dma_start3A_72 = arith.constant 0 : i32
      %dma_start3A_73 = tpu.memref_slice %arg9[%add3A_18, %dma_start3A_72] : memref<10240x128xf32, #tpu.memory_space<vmem_shared>> -> memref<64x128xf32, #tpu.memory_space<vmem_shared>>
      %dma_start3A_74 = arith.constant 0 : i32
      %dma_start3A_75 = tpu.memref_slice %arg9[%add3A_18, %dma_start3A_74] : memref<10240x128xf32, #tpu.memory_space<vmem_shared>> -> memref<64x128xf32, #tpu.memory_space<vmem_shared>>
      %dma_start3A_76 = arith.constant 0 : i32
      %dma_start3A_77 = arith.constant 0 : i32
      %dma_start3A_78 = tpu.memref_slice %arg8[%run_scoped3A_19, %dma_start3A_76, %dma_start3A_77] : memref<4x64x128xf32, #tpu.memory_space<vmem>> -> memref<1x64x128xf32, #tpu.memory_space<vmem>>
      %dma_start3A_79 = tpu.memref_squeeze %dma_start3A_78 : memref<1x64x128xf32, #tpu.memory_space<vmem>> -> memref<64x128xf32, #tpu.memory_space<vmem>>
      tpu.enqueue_dma source(%dma_start3A_79 : memref<64x128xf32, #tpu.memory_space<vmem>>) target(%dma_start3A_75 : memref<64x128xf32, #tpu.memory_space<vmem_shared>>) target_semaphore(%run_scoped3A_68 : memref<!tpu.dma_semaphore, #tpu.memory_space<semaphore_mem>>)
      %dma_wait3A = arith.constant 0 : i32
      %dma_wait3A_80 = arith.constant 0 : i32
      %dma_wait3A_81 = tpu.memref_slice %arg8[%run_scoped3A_19, %dma_wait3A, %dma_wait3A_80] : memref<4x64x128xf32, #tpu.memory_space<vmem>> -> memref<1x64x128xf32, #tpu.memory_space<vmem>>
      %dma_wait3A_82 = tpu.memref_squeeze %dma_wait3A_81 : memref<1x64x128xf32, #tpu.memory_space<vmem>> -> memref<64x128xf32, #tpu.memory_space<vmem>>
      %dma_wait3A_83 = arith.constant 0 : i32
      %dma_wait3A_84 = tpu.memref_slice %arg9[%add3A_18, %dma_wait3A_83] : memref<10240x128xf32, #tpu.memory_space<vmem_shared>> -> memref<64x128xf32, #tpu.memory_space<vmem_shared>>
      %dma_wait3A_85 = arith.constant 0 : i32
      %dma_wait3A_86 = tpu.memref_slice %arg9[%add3A_18, %dma_wait3A_85] : memref<10240x128xf32, #tpu.memory_space<vmem_shared>> -> memref<64x128xf32, #tpu.memory_space<vmem_shared>>
      %dma_wait3A_87 = arith.constant 0 : i32
      %dma_wait3A_88 = arith.constant 0 : i32
      %dma_wait3A_89 = tpu.memref_slice %arg8[%run_scoped3A_19, %dma_wait3A_87, %dma_wait3A_88] : memref<4x64x128xf32, #tpu.memory_space<vmem>> -> memref<1x64x128xf32, #tpu.memory_space<vmem>>
      %dma_wait3A_90 = tpu.memref_squeeze %dma_wait3A_89 : memref<1x64x128xf32, #tpu.memory_space<vmem>> -> memref<64x128xf32, #tpu.memory_space<vmem>>
      tpu.wait_dma2 semaphore(%run_scoped3A_68 : memref<!tpu.dma_semaphore, #tpu.memory_space<semaphore_mem>>) src(%dma_wait3A_90 : memref<64x128xf32, #tpu.memory_space<vmem>>) dst(%dma_wait3A_86 : memref<64x128xf32, #tpu.memory_space<vmem_shared>>)
      tpu.yield
    }) : () -> ()
    %mul3A_20 = arith.constant 640 : i32
    %mul3A_21 = arith.muli %arg1, %mul3A_20 : i32
    %add3A_22 = arith.constant 192 : i32
    %add3A_23 = arith.addi %mul3A_21, %add3A_22 : i32
    %run_scoped3A_24 = arith.constant 0 : i32
    "tpu.region"() ({
      %run_scoped3A_68 = tpu.sem_alloc : memref<!tpu.dma_semaphore, #tpu.memory_space<semaphore_mem>>
      %dma_start3A = arith.constant 0 : i32
      %dma_start3A_69 = arith.constant 0 : i32
      %dma_start3A_70 = tpu.memref_slice %arg8[%run_scoped3A_24, %dma_start3A, %dma_start3A_69] : memref<4x64x128xf32, #tpu.memory_space<vmem>> -> memref<1x64x128xf32, #tpu.memory_space<vmem>>
      %dma_start3A_71 = tpu.memref_squeeze %dma_start3A_70 : memref<1x64x128xf32, #tpu.memory_space<vmem>> -> memref<64x128xf32, #tpu.memory_space<vmem>>
      %dma_start3A_72 = arith.constant 0 : i32
      %dma_start3A_73 = tpu.memref_slice %arg9[%add3A_23, %dma_start3A_72] : memref<10240x128xf32, #tpu.memory_space<vmem_shared>> -> memref<64x128xf32, #tpu.memory_space<vmem_shared>>
      %dma_start3A_74 = arith.constant 0 : i32
      %dma_start3A_75 = tpu.memref_slice %arg9[%add3A_23, %dma_start3A_74] : memref<10240x128xf32, #tpu.memory_space<vmem_shared>> -> memref<64x128xf32, #tpu.memory_space<vmem_shared>>
      %dma_start3A_76 = arith.constant 0 : i32
      %dma_start3A_77 = arith.constant 0 : i32
      %dma_start3A_78 = tpu.memref_slice %arg8[%run_scoped3A_24, %dma_start3A_76, %dma_start3A_77] : memref<4x64x128xf32, #tpu.memory_space<vmem>> -> memref<1x64x128xf32, #tpu.memory_space<vmem>>
      %dma_start3A_79 = tpu.memref_squeeze %dma_start3A_78 : memref<1x64x128xf32, #tpu.memory_space<vmem>> -> memref<64x128xf32, #tpu.memory_space<vmem>>
      tpu.enqueue_dma source(%dma_start3A_79 : memref<64x128xf32, #tpu.memory_space<vmem>>) target(%dma_start3A_75 : memref<64x128xf32, #tpu.memory_space<vmem_shared>>) target_semaphore(%run_scoped3A_68 : memref<!tpu.dma_semaphore, #tpu.memory_space<semaphore_mem>>)
      %dma_wait3A = arith.constant 0 : i32
      %dma_wait3A_80 = arith.constant 0 : i32
      %dma_wait3A_81 = tpu.memref_slice %arg8[%run_scoped3A_24, %dma_wait3A, %dma_wait3A_80] : memref<4x64x128xf32, #tpu.memory_space<vmem>> -> memref<1x64x128xf32, #tpu.memory_space<vmem>>
      %dma_wait3A_82 = tpu.memref_squeeze %dma_wait3A_81 : memref<1x64x128xf32, #tpu.memory_space<vmem>> -> memref<64x128xf32, #tpu.memory_space<vmem>>
      %dma_wait3A_83 = arith.constant 0 : i32
      %dma_wait3A_84 = tpu.memref_slice %arg9[%add3A_23, %dma_wait3A_83] : memref<10240x128xf32, #tpu.memory_space<vmem_shared>> -> memref<64x128xf32, #tpu.memory_space<vmem_shared>>
      %dma_wait3A_85 = arith.constant 0 : i32
      %dma_wait3A_86 = tpu.memref_slice %arg9[%add3A_23, %dma_wait3A_85] : memref<10240x128xf32, #tpu.memory_space<vmem_shared>> -> memref<64x128xf32, #tpu.memory_space<vmem_shared>>
      %dma_wait3A_87 = arith.constant 0 : i32
      %dma_wait3A_88 = arith.constant 0 : i32
      %dma_wait3A_89 = tpu.memref_slice %arg8[%run_scoped3A_24, %dma_wait3A_87, %dma_wait3A_88] : memref<4x64x128xf32, #tpu.memory_space<vmem>> -> memref<1x64x128xf32, #tpu.memory_space<vmem>>
      %dma_wait3A_90 = tpu.memref_squeeze %dma_wait3A_89 : memref<1x64x128xf32, #tpu.memory_space<vmem>> -> memref<64x128xf32, #tpu.memory_space<vmem>>
      tpu.wait_dma2 semaphore(%run_scoped3A_68 : memref<!tpu.dma_semaphore, #tpu.memory_space<semaphore_mem>>) src(%dma_wait3A_90 : memref<64x128xf32, #tpu.memory_space<vmem>>) dst(%dma_wait3A_86 : memref<64x128xf32, #tpu.memory_space<vmem_shared>>)
      tpu.yield
    }) : () -> ()
    %mul3A_25 = arith.constant 640 : i32
    %mul3A_26 = arith.muli %arg1, %mul3A_25 : i32
    %add3A_27 = arith.constant 256 : i32
    %add3A_28 = arith.addi %mul3A_26, %add3A_27 : i32
    %run_scoped3A_29 = arith.constant 0 : i32
    "tpu.region"() ({
      %run_scoped3A_68 = tpu.sem_alloc : memref<!tpu.dma_semaphore, #tpu.memory_space<semaphore_mem>>
      %dma_start3A = arith.constant 0 : i32
      %dma_start3A_69 = arith.constant 0 : i32
      %dma_start3A_70 = tpu.memref_slice %arg8[%run_scoped3A_29, %dma_start3A, %dma_start3A_69] : memref<4x64x128xf32, #tpu.memory_space<vmem>> -> memref<1x64x128xf32, #tpu.memory_space<vmem>>
      %dma_start3A_71 = tpu.memref_squeeze %dma_start3A_70 : memref<1x64x128xf32, #tpu.memory_space<vmem>> -> memref<64x128xf32, #tpu.memory_space<vmem>>
      %dma_start3A_72 = arith.constant 0 : i32
      %dma_start3A_73 = tpu.memref_slice %arg9[%add3A_28, %dma_start3A_72] : memref<10240x128xf32, #tpu.memory_space<vmem_shared>> -> memref<64x128xf32, #tpu.memory_space<vmem_shared>>
      %dma_start3A_74 = arith.constant 0 : i32
      %dma_start3A_75 = tpu.memref_slice %arg9[%add3A_28, %dma_start3A_74] : memref<10240x128xf32, #tpu.memory_space<vmem_shared>> -> memref<64x128xf32, #tpu.memory_space<vmem_shared>>
      %dma_start3A_76 = arith.constant 0 : i32
      %dma_start3A_77 = arith.constant 0 : i32
      %dma_start3A_78 = tpu.memref_slice %arg8[%run_scoped3A_29, %dma_start3A_76, %dma_start3A_77] : memref<4x64x128xf32, #tpu.memory_space<vmem>> -> memref<1x64x128xf32, #tpu.memory_space<vmem>>
      %dma_start3A_79 = tpu.memref_squeeze %dma_start3A_78 : memref<1x64x128xf32, #tpu.memory_space<vmem>> -> memref<64x128xf32, #tpu.memory_space<vmem>>
      tpu.enqueue_dma source(%dma_start3A_79 : memref<64x128xf32, #tpu.memory_space<vmem>>) target(%dma_start3A_75 : memref<64x128xf32, #tpu.memory_space<vmem_shared>>) target_semaphore(%run_scoped3A_68 : memref<!tpu.dma_semaphore, #tpu.memory_space<semaphore_mem>>)
      %dma_wait3A = arith.constant 0 : i32
      %dma_wait3A_80 = arith.constant 0 : i32
      %dma_wait3A_81 = tpu.memref_slice %arg8[%run_scoped3A_29, %dma_wait3A, %dma_wait3A_80] : memref<4x64x128xf32, #tpu.memory_space<vmem>> -> memref<1x64x128xf32, #tpu.memory_space<vmem>>
      %dma_wait3A_82 = tpu.memref_squeeze %dma_wait3A_81 : memref<1x64x128xf32, #tpu.memory_space<vmem>> -> memref<64x128xf32, #tpu.memory_space<vmem>>
      %dma_wait3A_83 = arith.constant 0 : i32
      %dma_wait3A_84 = tpu.memref_slice %arg9[%add3A_28, %dma_wait3A_83] : memref<10240x128xf32, #tpu.memory_space<vmem_shared>> -> memref<64x128xf32, #tpu.memory_space<vmem_shared>>
      %dma_wait3A_85 = arith.constant 0 : i32
      %dma_wait3A_86 = tpu.memref_slice %arg9[%add3A_28, %dma_wait3A_85] : memref<10240x128xf32, #tpu.memory_space<vmem_shared>> -> memref<64x128xf32, #tpu.memory_space<vmem_shared>>
      %dma_wait3A_87 = arith.constant 0 : i32
      %dma_wait3A_88 = arith.constant 0 : i32
      %dma_wait3A_89 = tpu.memref_slice %arg8[%run_scoped3A_29, %dma_wait3A_87, %dma_wait3A_88] : memref<4x64x128xf32, #tpu.memory_space<vmem>> -> memref<1x64x128xf32, #tpu.memory_space<vmem>>
      %dma_wait3A_90 = tpu.memref_squeeze %dma_wait3A_89 : memref<1x64x128xf32, #tpu.memory_space<vmem>> -> memref<64x128xf32, #tpu.memory_space<vmem>>
      tpu.wait_dma2 semaphore(%run_scoped3A_68 : memref<!tpu.dma_semaphore, #tpu.memory_space<semaphore_mem>>) src(%dma_wait3A_90 : memref<64x128xf32, #tpu.memory_space<vmem>>) dst(%dma_wait3A_86 : memref<64x128xf32, #tpu.memory_space<vmem_shared>>)
      tpu.yield
    }) : () -> ()
    %mul3A_30 = arith.constant 640 : i32
    %mul3A_31 = arith.muli %arg1, %mul3A_30 : i32
    %add3A_32 = arith.constant 320 : i32
    %add3A_33 = arith.addi %mul3A_31, %add3A_32 : i32
    %run_scoped3A_34 = arith.constant 0 : i32
    "tpu.region"() ({
      %run_scoped3A_68 = tpu.sem_alloc : memref<!tpu.dma_semaphore, #tpu.memory_space<semaphore_mem>>
      %dma_start3A = arith.constant 0 : i32
      %dma_start3A_69 = arith.constant 0 : i32
      %dma_start3A_70 = tpu.memref_slice %arg8[%run_scoped3A_34, %dma_start3A, %dma_start3A_69] : memref<4x64x128xf32, #tpu.memory_space<vmem>> -> memref<1x64x128xf32, #tpu.memory_space<vmem>>
      %dma_start3A_71 = tpu.memref_squeeze %dma_start3A_70 : memref<1x64x128xf32, #tpu.memory_space<vmem>> -> memref<64x128xf32, #tpu.memory_space<vmem>>
      %dma_start3A_72 = arith.constant 0 : i32
      %dma_start3A_73 = tpu.memref_slice %arg9[%add3A_33, %dma_start3A_72] : memref<10240x128xf32, #tpu.memory_space<vmem_shared>> -> memref<64x128xf32, #tpu.memory_space<vmem_shared>>
      %dma_start3A_74 = arith.constant 0 : i32
      %dma_start3A_75 = tpu.memref_slice %arg9[%add3A_33, %dma_start3A_74] : memref<10240x128xf32, #tpu.memory_space<vmem_shared>> -> memref<64x128xf32, #tpu.memory_space<vmem_shared>>
      %dma_start3A_76 = arith.constant 0 : i32
      %dma_start3A_77 = arith.constant 0 : i32
      %dma_start3A_78 = tpu.memref_slice %arg8[%run_scoped3A_34, %dma_start3A_76, %dma_start3A_77] : memref<4x64x128xf32, #tpu.memory_space<vmem>> -> memref<1x64x128xf32, #tpu.memory_space<vmem>>
      %dma_start3A_79 = tpu.memref_squeeze %dma_start3A_78 : memref<1x64x128xf32, #tpu.memory_space<vmem>> -> memref<64x128xf32, #tpu.memory_space<vmem>>
      tpu.enqueue_dma source(%dma_start3A_79 : memref<64x128xf32, #tpu.memory_space<vmem>>) target(%dma_start3A_75 : memref<64x128xf32, #tpu.memory_space<vmem_shared>>) target_semaphore(%run_scoped3A_68 : memref<!tpu.dma_semaphore, #tpu.memory_space<semaphore_mem>>)
      %dma_wait3A = arith.constant 0 : i32
      %dma_wait3A_80 = arith.constant 0 : i32
      %dma_wait3A_81 = tpu.memref_slice %arg8[%run_scoped3A_34, %dma_wait3A, %dma_wait3A_80] : memref<4x64x128xf32, #tpu.memory_space<vmem>> -> memref<1x64x128xf32, #tpu.memory_space<vmem>>
      %dma_wait3A_82 = tpu.memref_squeeze %dma_wait3A_81 : memref<1x64x128xf32, #tpu.memory_space<vmem>> -> memref<64x128xf32, #tpu.memory_space<vmem>>
      %dma_wait3A_83 = arith.constant 0 : i32
      %dma_wait3A_84 = tpu.memref_slice %arg9[%add3A_33, %dma_wait3A_83] : memref<10240x128xf32, #tpu.memory_space<vmem_shared>> -> memref<64x128xf32, #tpu.memory_space<vmem_shared>>
      %dma_wait3A_85 = arith.constant 0 : i32
      %dma_wait3A_86 = tpu.memref_slice %arg9[%add3A_33, %dma_wait3A_85] : memref<10240x128xf32, #tpu.memory_space<vmem_shared>> -> memref<64x128xf32, #tpu.memory_space<vmem_shared>>
      %dma_wait3A_87 = arith.constant 0 : i32
      %dma_wait3A_88 = arith.constant 0 : i32
      %dma_wait3A_89 = tpu.memref_slice %arg8[%run_scoped3A_34, %dma_wait3A_87, %dma_wait3A_88] : memref<4x64x128xf32, #tpu.memory_space<vmem>> -> memref<1x64x128xf32, #tpu.memory_space<vmem>>
      %dma_wait3A_90 = tpu.memref_squeeze %dma_wait3A_89 : memref<1x64x128xf32, #tpu.memory_space<vmem>> -> memref<64x128xf32, #tpu.memory_space<vmem>>
      tpu.wait_dma2 semaphore(%run_scoped3A_68 : memref<!tpu.dma_semaphore, #tpu.memory_space<semaphore_mem>>) src(%dma_wait3A_90 : memref<64x128xf32, #tpu.memory_space<vmem>>) dst(%dma_wait3A_86 : memref<64x128xf32, #tpu.memory_space<vmem_shared>>)
      tpu.yield
    }) : () -> ()
    %mul3A_35 = arith.constant 640 : i32
    %mul3A_36 = arith.muli %arg1, %mul3A_35 : i32
    %add3A_37 = arith.constant 384 : i32
    %add3A_38 = arith.addi %mul3A_36, %add3A_37 : i32
    %run_scoped3A_39 = arith.constant 0 : i32
    "tpu.region"() ({
      %run_scoped3A_68 = tpu.sem_alloc : memref<!tpu.dma_semaphore, #tpu.memory_space<semaphore_mem>>
      %dma_start3A = arith.constant 0 : i32
      %dma_start3A_69 = arith.constant 0 : i32
      %dma_start3A_70 = tpu.memref_slice %arg8[%run_scoped3A_39, %dma_start3A, %dma_start3A_69] : memref<4x64x128xf32, #tpu.memory_space<vmem>> -> memref<1x64x128xf32, #tpu.memory_space<vmem>>
      %dma_start3A_71 = tpu.memref_squeeze %dma_start3A_70 : memref<1x64x128xf32, #tpu.memory_space<vmem>> -> memref<64x128xf32, #tpu.memory_space<vmem>>
      %dma_start3A_72 = arith.constant 0 : i32
      %dma_start3A_73 = tpu.memref_slice %arg9[%add3A_38, %dma_start3A_72] : memref<10240x128xf32, #tpu.memory_space<vmem_shared>> -> memref<64x128xf32, #tpu.memory_space<vmem_shared>>
      %dma_start3A_74 = arith.constant 0 : i32
      %dma_start3A_75 = tpu.memref_slice %arg9[%add3A_38, %dma_start3A_74] : memref<10240x128xf32, #tpu.memory_space<vmem_shared>> -> memref<64x128xf32, #tpu.memory_space<vmem_shared>>
      %dma_start3A_76 = arith.constant 0 : i32
      %dma_start3A_77 = arith.constant 0 : i32
      %dma_start3A_78 = tpu.memref_slice %arg8[%run_scoped3A_39, %dma_start3A_76, %dma_start3A_77] : memref<4x64x128xf32, #tpu.memory_space<vmem>> -> memref<1x64x128xf32, #tpu.memory_space<vmem>>
      %dma_start3A_79 = tpu.memref_squeeze %dma_start3A_78 : memref<1x64x128xf32, #tpu.memory_space<vmem>> -> memref<64x128xf32, #tpu.memory_space<vmem>>
      tpu.enqueue_dma source(%dma_start3A_79 : memref<64x128xf32, #tpu.memory_space<vmem>>) target(%dma_start3A_75 : memref<64x128xf32, #tpu.memory_space<vmem_shared>>) target_semaphore(%run_scoped3A_68 : memref<!tpu.dma_semaphore, #tpu.memory_space<semaphore_mem>>)
      %dma_wait3A = arith.constant 0 : i32
      %dma_wait3A_80 = arith.constant 0 : i32
      %dma_wait3A_81 = tpu.memref_slice %arg8[%run_scoped3A_39, %dma_wait3A, %dma_wait3A_80] : memref<4x64x128xf32, #tpu.memory_space<vmem>> -> memref<1x64x128xf32, #tpu.memory_space<vmem>>
      %dma_wait3A_82 = tpu.memref_squeeze %dma_wait3A_81 : memref<1x64x128xf32, #tpu.memory_space<vmem>> -> memref<64x128xf32, #tpu.memory_space<vmem>>
      %dma_wait3A_83 = arith.constant 0 : i32
      %dma_wait3A_84 = tpu.memref_slice %arg9[%add3A_38, %dma_wait3A_83] : memref<10240x128xf32, #tpu.memory_space<vmem_shared>> -> memref<64x128xf32, #tpu.memory_space<vmem_shared>>
      %dma_wait3A_85 = arith.constant 0 : i32
      %dma_wait3A_86 = tpu.memref_slice %arg9[%add3A_38, %dma_wait3A_85] : memref<10240x128xf32, #tpu.memory_space<vmem_shared>> -> memref<64x128xf32, #tpu.memory_space<vmem_shared>>
      %dma_wait3A_87 = arith.constant 0 : i32
      %dma_wait3A_88 = arith.constant 0 : i32
      %dma_wait3A_89 = tpu.memref_slice %arg8[%run_scoped3A_39, %dma_wait3A_87, %dma_wait3A_88] : memref<4x64x128xf32, #tpu.memory_space<vmem>> -> memref<1x64x128xf32, #tpu.memory_space<vmem>>
      %dma_wait3A_90 = tpu.memref_squeeze %dma_wait3A_89 : memref<1x64x128xf32, #tpu.memory_space<vmem>> -> memref<64x128xf32, #tpu.memory_space<vmem>>
      tpu.wait_dma2 semaphore(%run_scoped3A_68 : memref<!tpu.dma_semaphore, #tpu.memory_space<semaphore_mem>>) src(%dma_wait3A_90 : memref<64x128xf32, #tpu.memory_space<vmem>>) dst(%dma_wait3A_86 : memref<64x128xf32, #tpu.memory_space<vmem_shared>>)
      tpu.yield
    }) : () -> ()
    %mul3A_40 = arith.constant 640 : i32
    %mul3A_41 = arith.muli %arg1, %mul3A_40 : i32
    %add3A_42 = arith.constant 448 : i32
    %add3A_43 = arith.addi %mul3A_41, %add3A_42 : i32
    %run_scoped3A_44 = arith.constant 0 : i32
    "tpu.region"() ({
      %run_scoped3A_68 = tpu.sem_alloc : memref<!tpu.dma_semaphore, #tpu.memory_space<semaphore_mem>>
      %dma_start3A = arith.constant 0 : i32
      %dma_start3A_69 = arith.constant 0 : i32
      %dma_start3A_70 = tpu.memref_slice %arg8[%run_scoped3A_44, %dma_start3A, %dma_start3A_69] : memref<4x64x128xf32, #tpu.memory_space<vmem>> -> memref<1x64x128xf32, #tpu.memory_space<vmem>>
      %dma_start3A_71 = tpu.memref_squeeze %dma_start3A_70 : memref<1x64x128xf32, #tpu.memory_space<vmem>> -> memref<64x128xf32, #tpu.memory_space<vmem>>
      %dma_start3A_72 = arith.constant 0 : i32
      %dma_start3A_73 = tpu.memref_slice %arg9[%add3A_43, %dma_start3A_72] : memref<10240x128xf32, #tpu.memory_space<vmem_shared>> -> memref<64x128xf32, #tpu.memory_space<vmem_shared>>
      %dma_start3A_74 = arith.constant 0 : i32
      %dma_start3A_75 = tpu.memref_slice %arg9[%add3A_43, %dma_start3A_74] : memref<10240x128xf32, #tpu.memory_space<vmem_shared>> -> memref<64x128xf32, #tpu.memory_space<vmem_shared>>
      %dma_start3A_76 = arith.constant 0 : i32
      %dma_start3A_77 = arith.constant 0 : i32
      %dma_start3A_78 = tpu.memref_slice %arg8[%run_scoped3A_44, %dma_start3A_76, %dma_start3A_77] : memref<4x64x128xf32, #tpu.memory_space<vmem>> -> memref<1x64x128xf32, #tpu.memory_space<vmem>>
      %dma_start3A_79 = tpu.memref_squeeze %dma_start3A_78 : memref<1x64x128xf32, #tpu.memory_space<vmem>> -> memref<64x128xf32, #tpu.memory_space<vmem>>
      tpu.enqueue_dma source(%dma_start3A_79 : memref<64x128xf32, #tpu.memory_space<vmem>>) target(%dma_start3A_75 : memref<64x128xf32, #tpu.memory_space<vmem_shared>>) target_semaphore(%run_scoped3A_68 : memref<!tpu.dma_semaphore, #tpu.memory_space<semaphore_mem>>)
      %dma_wait3A = arith.constant 0 : i32
      %dma_wait3A_80 = arith.constant 0 : i32
      %dma_wait3A_81 = tpu.memref_slice %arg8[%run_scoped3A_44, %dma_wait3A, %dma_wait3A_80] : memref<4x64x128xf32, #tpu.memory_space<vmem>> -> memref<1x64x128xf32, #tpu.memory_space<vmem>>
      %dma_wait3A_82 = tpu.memref_squeeze %dma_wait3A_81 : memref<1x64x128xf32, #tpu.memory_space<vmem>> -> memref<64x128xf32, #tpu.memory_space<vmem>>
      %dma_wait3A_83 = arith.constant 0 : i32
      %dma_wait3A_84 = tpu.memref_slice %arg9[%add3A_43, %dma_wait3A_83] : memref<10240x128xf32, #tpu.memory_space<vmem_shared>> -> memref<64x128xf32, #tpu.memory_space<vmem_shared>>
      %dma_wait3A_85 = arith.constant 0 : i32
      %dma_wait3A_86 = tpu.memref_slice %arg9[%add3A_43, %dma_wait3A_85] : memref<10240x128xf32, #tpu.memory_space<vmem_shared>> -> memref<64x128xf32, #tpu.memory_space<vmem_shared>>
      %dma_wait3A_87 = arith.constant 0 : i32
      %dma_wait3A_88 = arith.constant 0 : i32
      %dma_wait3A_89 = tpu.memref_slice %arg8[%run_scoped3A_44, %dma_wait3A_87, %dma_wait3A_88] : memref<4x64x128xf32, #tpu.memory_space<vmem>> -> memref<1x64x128xf32, #tpu.memory_space<vmem>>
      %dma_wait3A_90 = tpu.memref_squeeze %dma_wait3A_89 : memref<1x64x128xf32, #tpu.memory_space<vmem>> -> memref<64x128xf32, #tpu.memory_space<vmem>>
      tpu.wait_dma2 semaphore(%run_scoped3A_68 : memref<!tpu.dma_semaphore, #tpu.memory_space<semaphore_mem>>) src(%dma_wait3A_90 : memref<64x128xf32, #tpu.memory_space<vmem>>) dst(%dma_wait3A_86 : memref<64x128xf32, #tpu.memory_space<vmem_shared>>)
      tpu.yield
    }) : () -> ()
    %mul3A_45 = arith.constant 640 : i32
    %mul3A_46 = arith.muli %arg1, %mul3A_45 : i32
    %add3A_47 = arith.constant 512 : i32
    %add3A_48 = arith.addi %mul3A_46, %add3A_47 : i32
    %run_scoped3A_49 = arith.constant 0 : i32
    "tpu.region"() ({
      %run_scoped3A_68 = tpu.sem_alloc : memref<!tpu.dma_semaphore, #tpu.memory_space<semaphore_mem>>
      %dma_start3A = arith.constant 0 : i32
      %dma_start3A_69 = arith.constant 0 : i32
      %dma_start3A_70 = tpu.memref_slice %arg8[%run_scoped3A_49, %dma_start3A, %dma_start3A_69] : memref<4x64x128xf32, #tpu.memory_space<vmem>> -> memref<1x64x128xf32, #tpu.memory_space<vmem>>
      %dma_start3A_71 = tpu.memref_squeeze %dma_start3A_70 : memref<1x64x128xf32, #tpu.memory_space<vmem>> -> memref<64x128xf32, #tpu.memory_space<vmem>>
      %dma_start3A_72 = arith.constant 0 : i32
      %dma_start3A_73 = tpu.memref_slice %arg9[%add3A_48, %dma_start3A_72] : memref<10240x128xf32, #tpu.memory_space<vmem_shared>> -> memref<64x128xf32, #tpu.memory_space<vmem_shared>>
      %dma_start3A_74 = arith.constant 0 : i32
      %dma_start3A_75 = tpu.memref_slice %arg9[%add3A_48, %dma_start3A_74] : memref<10240x128xf32, #tpu.memory_space<vmem_shared>> -> memref<64x128xf32, #tpu.memory_space<vmem_shared>>
      %dma_start3A_76 = arith.constant 0 : i32
      %dma_start3A_77 = arith.constant 0 : i32
      %dma_start3A_78 = tpu.memref_slice %arg8[%run_scoped3A_49, %dma_start3A_76, %dma_start3A_77] : memref<4x64x128xf32, #tpu.memory_space<vmem>> -> memref<1x64x128xf32, #tpu.memory_space<vmem>>
      %dma_start3A_79 = tpu.memref_squeeze %dma_start3A_78 : memref<1x64x128xf32, #tpu.memory_space<vmem>> -> memref<64x128xf32, #tpu.memory_space<vmem>>
      tpu.enqueue_dma source(%dma_start3A_79 : memref<64x128xf32, #tpu.memory_space<vmem>>) target(%dma_start3A_75 : memref<64x128xf32, #tpu.memory_space<vmem_shared>>) target_semaphore(%run_scoped3A_68 : memref<!tpu.dma_semaphore, #tpu.memory_space<semaphore_mem>>)
      %dma_wait3A = arith.constant 0 : i32
      %dma_wait3A_80 = arith.constant 0 : i32
      %dma_wait3A_81 = tpu.memref_slice %arg8[%run_scoped3A_49, %dma_wait3A, %dma_wait3A_80] : memref<4x64x128xf32, #tpu.memory_space<vmem>> -> memref<1x64x128xf32, #tpu.memory_space<vmem>>
      %dma_wait3A_82 = tpu.memref_squeeze %dma_wait3A_81 : memref<1x64x128xf32, #tpu.memory_space<vmem>> -> memref<64x128xf32, #tpu.memory_space<vmem>>
      %dma_wait3A_83 = arith.constant 0 : i32
      %dma_wait3A_84 = tpu.memref_slice %arg9[%add3A_48, %dma_wait3A_83] : memref<10240x128xf32, #tpu.memory_space<vmem_shared>> -> memref<64x128xf32, #tpu.memory_space<vmem_shared>>
      %dma_wait3A_85 = arith.constant 0 : i32
      %dma_wait3A_86 = tpu.memref_slice %arg9[%add3A_48, %dma_wait3A_85] : memref<10240x128xf32, #tpu.memory_space<vmem_shared>> -> memref<64x128xf32, #tpu.memory_space<vmem_shared>>
      %dma_wait3A_87 = arith.constant 0 : i32
      %dma_wait3A_88 = arith.constant 0 : i32
      %dma_wait3A_89 = tpu.memref_slice %arg8[%run_scoped3A_49, %dma_wait3A_87, %dma_wait3A_88] : memref<4x64x128xf32, #tpu.memory_space<vmem>> -> memref<1x64x128xf32, #tpu.memory_space<vmem>>
      %dma_wait3A_90 = tpu.memref_squeeze %dma_wait3A_89 : memref<1x64x128xf32, #tpu.memory_space<vmem>> -> memref<64x128xf32, #tpu.memory_space<vmem>>
      tpu.wait_dma2 semaphore(%run_scoped3A_68 : memref<!tpu.dma_semaphore, #tpu.memory_space<semaphore_mem>>) src(%dma_wait3A_90 : memref<64x128xf32, #tpu.memory_space<vmem>>) dst(%dma_wait3A_86 : memref<64x128xf32, #tpu.memory_space<vmem_shared>>)
      tpu.yield
    }) : () -> ()
    %mul3A_50 = arith.constant 640 : i32
    %mul3A_51 = arith.muli %arg1, %mul3A_50 : i32
    %add3A_52 = arith.constant 576 : i32
    %add3A_53 = arith.addi %mul3A_51, %add3A_52 : i32
    %run_scoped3A_54 = arith.constant 0 : i32
    "tpu.region"() ({
      %run_scoped3A_68 = tpu.sem_alloc : memref<!tpu.dma_semaphore, #tpu.memory_space<semaphore_mem>>
      %dma_start3A = arith.constant 0 : i32
      %dma_start3A_69 = arith.constant 0 : i32
      %dma_start3A_70 = tpu.memref_slice %arg8[%run_scoped3A_54, %dma_start3A, %dma_start3A_69] : memref<4x64x128xf32, #tpu.memory_space<vmem>> -> memref<1x64x128xf32, #tpu.memory_space<vmem>>
      %dma_start3A_71 = tpu.memref_squeeze %dma_start3A_70 : memref<1x64x128xf32, #tpu.memory_space<vmem>> -> memref<64x128xf32, #tpu.memory_space<vmem>>
      %dma_start3A_72 = arith.constant 0 : i32
      %dma_start3A_73 = tpu.memref_slice %arg9[%add3A_53, %dma_start3A_72] : memref<10240x128xf32, #tpu.memory_space<vmem_shared>> -> memref<64x128xf32, #tpu.memory_space<vmem_shared>>
      %dma_start3A_74 = arith.constant 0 : i32
      %dma_start3A_75 = tpu.memref_slice %arg9[%add3A_53, %dma_start3A_74] : memref<10240x128xf32, #tpu.memory_space<vmem_shared>> -> memref<64x128xf32, #tpu.memory_space<vmem_shared>>
      %dma_start3A_76 = arith.constant 0 : i32
      %dma_start3A_77 = arith.constant 0 : i32
      %dma_start3A_78 = tpu.memref_slice %arg8[%run_scoped3A_54, %dma_start3A_76, %dma_start3A_77] : memref<4x64x128xf32, #tpu.memory_space<vmem>> -> memref<1x64x128xf32, #tpu.memory_space<vmem>>
      %dma_start3A_79 = tpu.memref_squeeze %dma_start3A_78 : memref<1x64x128xf32, #tpu.memory_space<vmem>> -> memref<64x128xf32, #tpu.memory_space<vmem>>
      tpu.enqueue_dma source(%dma_start3A_79 : memref<64x128xf32, #tpu.memory_space<vmem>>) target(%dma_start3A_75 : memref<64x128xf32, #tpu.memory_space<vmem_shared>>) target_semaphore(%run_scoped3A_68 : memref<!tpu.dma_semaphore, #tpu.memory_space<semaphore_mem>>)
      %dma_wait3A = arith.constant 0 : i32
      %dma_wait3A_80 = arith.constant 0 : i32
      %dma_wait3A_81 = tpu.memref_slice %arg8[%run_scoped3A_54, %dma_wait3A, %dma_wait3A_80] : memref<4x64x128xf32, #tpu.memory_space<vmem>> -> memref<1x64x128xf32, #tpu.memory_space<vmem>>
      %dma_wait3A_82 = tpu.memref_squeeze %dma_wait3A_81 : memref<1x64x128xf32, #tpu.memory_space<vmem>> -> memref<64x128xf32, #tpu.memory_space<vmem>>
      %dma_wait3A_83 = arith.constant 0 : i32
      %dma_wait3A_84 = tpu.memref_slice %arg9[%add3A_53, %dma_wait3A_83] : memref<10240x128xf32, #tpu.memory_space<vmem_shared>> -> memref<64x128xf32, #tpu.memory_space<vmem_shared>>
      %dma_wait3A_85 = arith.constant 0 : i32
      %dma_wait3A_86 = tpu.memref_slice %arg9[%add3A_53, %dma_wait3A_85] : memref<10240x128xf32, #tpu.memory_space<vmem_shared>> -> memref<64x128xf32, #tpu.memory_space<vmem_shared>>
      %dma_wait3A_87 = arith.constant 0 : i32
      %dma_wait3A_88 = arith.constant 0 : i32
      %dma_wait3A_89 = tpu.memref_slice %arg8[%run_scoped3A_54, %dma_wait3A_87, %dma_wait3A_88] : memref<4x64x128xf32, #tpu.memory_space<vmem>> -> memref<1x64x128xf32, #tpu.memory_space<vmem>>
      %dma_wait3A_90 = tpu.memref_squeeze %dma_wait3A_89 : memref<1x64x128xf32, #tpu.memory_space<vmem>> -> memref<64x128xf32, #tpu.memory_space<vmem>>
      tpu.wait_dma2 semaphore(%run_scoped3A_68 : memref<!tpu.dma_semaphore, #tpu.memory_space<semaphore_mem>>) src(%dma_wait3A_90 : memref<64x128xf32, #tpu.memory_space<vmem>>) dst(%dma_wait3A_86 : memref<64x128xf32, #tpu.memory_space<vmem_shared>>)
      tpu.yield
    }) : () -> ()
    %barrier3A = arith.constant 0 : index
    tpu.barrier barrier_id(%barrier3A)
    %mul3A_55 = arith.constant 40 : i32
    %mul3A_56 = arith.muli %add3A, %mul3A_55 : i32
    %scan3A_57 = arith.constant 0 : i32
    %scan3A_58 = arith.constant 0 : i32
    %scan3A_59 = arith.constant 5 : i32
    %scan3A_60 = arith.addi %scan3A_58, %scan3A_59 : i32
    %scan3A_61 = arith.constant 1 : i32
    scf.for %scan3A_68 = %scan3A_58 to %scan3A_60 step %scan3A_61  : i32 {
      %mul3A_69 = arith.constant 8 : i32
      %mul3A_70 = arith.muli %scan3A_68, %mul3A_69 : i32
      %add3A_71 = arith.addi %mul3A_56, %mul3A_70 : i32
      %mul3A_72 = arith.constant 2 : i32
      %mul3A_73 = arith.muli %mul3A_72, %add3A_71 : i32
      "tpu.region"() ({
        %run_scoped3A_127 = tpu.sem_alloc : memref<!tpu.dma_semaphore, #tpu.memory_space<semaphore_mem>>
        %dma_start3A_128 = arith.constant 0 : i32
        %dma_start3A_129 = tpu.memref_slice %arg3[%mul3A_73, %dma_start3A_128] : memref<2560x64xi32, #tpu.memory_space<hbm>> -> memref<16x64xi32, #tpu.memory_space<hbm>>
        %dma_start3A_130 = arith.constant 0 : i32
        %dma_start3A_131 = tpu.memref_slice %arg3[%mul3A_73, %dma_start3A_130] : memref<2560x64xi32, #tpu.memory_space<hbm>> -> memref<16x64xi32, #tpu.memory_space<hbm>>
        tpu.enqueue_dma source(%dma_start3A_131 : memref<16x64xi32, #tpu.memory_space<hbm>>) target(%arg6 : memref<16x64xi32, #tpu.memory_space<vmem>>) target_semaphore(%run_scoped3A_127 : memref<!tpu.dma_semaphore, #tpu.memory_space<semaphore_mem>>)
        %dma_wait3A = arith.constant 0 : i32
        %dma_wait3A_132 = tpu.memref_slice %arg3[%mul3A_73, %dma_wait3A] : memref<2560x64xi32, #tpu.memory_space<hbm>> -> memref<16x64xi32, #tpu.memory_space<hbm>>
        %dma_wait3A_133 = arith.constant 0 : i32
        %dma_wait3A_134 = tpu.memref_slice %arg3[%mul3A_73, %dma_wait3A_133] : memref<2560x64xi32, #tpu.memory_space<hbm>> -> memref<16x64xi32, #tpu.memory_space<hbm>>
        tpu.wait_dma2 semaphore(%run_scoped3A_127 : memref<!tpu.dma_semaphore, #tpu.memory_space<semaphore_mem>>) src(%dma_wait3A_134 : memref<16x64xi32, #tpu.memory_space<hbm>>) dst(%arg6 : memref<16x64xi32, #tpu.memory_space<vmem>>)
        tpu.yield
      }) : () -> ()
      "tpu.region"() ({
        %run_scoped3A_127 = tpu.sem_alloc : memref<!tpu.dma_semaphore, #tpu.memory_space<semaphore_mem>>
        %dma_start3A_128 = arith.constant 0 : i32
        %dma_start3A_129 = tpu.memref_slice %arg4[%mul3A_73, %dma_start3A_128] : memref<2560x64xi32, #tpu.memory_space<hbm>> -> memref<16x64xi32, #tpu.memory_space<hbm>>
        %dma_start3A_130 = arith.constant 0 : i32
        %dma_start3A_131 = tpu.memref_slice %arg4[%mul3A_73, %dma_start3A_130] : memref<2560x64xi32, #tpu.memory_space<hbm>> -> memref<16x64xi32, #tpu.memory_space<hbm>>
        tpu.enqueue_dma source(%dma_start3A_131 : memref<16x64xi32, #tpu.memory_space<hbm>>) target(%arg7 : memref<16x64xi32, #tpu.memory_space<vmem>>) target_semaphore(%run_scoped3A_127 : memref<!tpu.dma_semaphore, #tpu.memory_space<semaphore_mem>>)
        %dma_wait3A = arith.constant 0 : i32
        %dma_wait3A_132 = tpu.memref_slice %arg4[%mul3A_73, %dma_wait3A] : memref<2560x64xi32, #tpu.memory_space<hbm>> -> memref<16x64xi32, #tpu.memory_space<hbm>>
        %dma_wait3A_133 = arith.constant 0 : i32
        %dma_wait3A_134 = tpu.memref_slice %arg4[%mul3A_73, %dma_wait3A_133] : memref<2560x64xi32, #tpu.memory_space<hbm>> -> memref<16x64xi32, #tpu.memory_space<hbm>>
        tpu.wait_dma2 semaphore(%run_scoped3A_127 : memref<!tpu.dma_semaphore, #tpu.memory_space<semaphore_mem>>) src(%dma_wait3A_134 : memref<16x64xi32, #tpu.memory_space<hbm>>) dst(%arg7 : memref<16x64xi32, #tpu.memory_space<vmem>>)
        tpu.yield
      }) : () -> ()
      %dma_start3A = arith.constant 0 : i32
      %dma_start3A_74 = arith.constant 0 : i32
      %dma_start3A_75 = arith.constant 0 : i32
      %dma_start3A_76 = arith.constant 0 : i32
      %dma_start3A_77 = tpu.memref_slice %arg8[%dma_start3A_74, %dma_start3A_75, %dma_start3A_76] : memref<4x64x128xf32, #tpu.memory_space<vmem>> -> memref<1x64x128xf32, #tpu.memory_space<vmem>>
      %dma_start3A_78 = tpu.memref_squeeze %dma_start3A_77 : memref<1x64x128xf32, #tpu.memory_space<vmem>> -> memref<64x128xf32, #tpu.memory_space<vmem>>
      %dma_start3A_79 = arith.constant 0 : i32
      %dma_start3A_80 = tpu.memref_slice %arg6[%dma_start3A, %dma_start3A_79] : memref<16x64xi32, #tpu.memory_space<vmem>> -> memref<1x64xi32, #tpu.memory_space<vmem>>
      %dma_start3A_81 = tpu.memref_squeeze %dma_start3A_80 : memref<1x64xi32, #tpu.memory_space<vmem>> -> memref<64xi32, #tpu.memory_space<vmem>>
      %dma_start3A_82 = arith.constant 0 : i32
      %dma_start3A_83 = arith.constant 0 : i32
      %dma_start3A_84 = tpu.memref_slice %arg2[%dma_start3A_82, %dma_start3A_83] : memref<10240x128xf32, #tpu.memory_space<hbm>> -> memref<10240x128xf32, #tpu.memory_space<hbm>>
      tpu.enqueue_indirect_dma source(%dma_start3A_84 : memref<10240x128xf32, #tpu.memory_space<hbm>>) target(%dma_start3A_78 : memref<64x128xf32, #tpu.memory_space<vmem>>) offsets(%dma_start3A_81 : memref<64xi32, #tpu.memory_space<vmem>>) semaphore(%arg10 : memref<!tpu.dma_semaphore, #tpu.memory_space<semaphore_mem>>)
      %dma_start3A_85 = arith.constant 1 : i32
      %dma_start3A_86 = arith.constant 1 : i32
      %dma_start3A_87 = arith.constant 0 : i32
      %dma_start3A_88 = arith.constant 0 : i32
      %dma_start3A_89 = tpu.memref_slice %arg8[%dma_start3A_86, %dma_start3A_87, %dma_start3A_88] : memref<4x64x128xf32, #tpu.memory_space<vmem>> -> memref<1x64x128xf32, #tpu.memory_space<vmem>>
      %dma_start3A_90 = tpu.memref_squeeze %dma_start3A_89 : memref<1x64x128xf32, #tpu.memory_space<vmem>> -> memref<64x128xf32, #tpu.memory_space<vmem>>
      %dma_start3A_91 = arith.constant 0 : i32
      %dma_start3A_92 = tpu.memref_slice %arg6[%dma_start3A_85, %dma_start3A_91] : memref<16x64xi32, #tpu.memory_space<vmem>> -> memref<1x64xi32, #tpu.memory_space<vmem>>
      %dma_start3A_93 = tpu.memref_squeeze %dma_start3A_92 : memref<1x64xi32, #tpu.memory_space<vmem>> -> memref<64xi32, #tpu.memory_space<vmem>>
      %dma_start3A_94 = arith.constant 0 : i32
      %dma_start3A_95 = arith.constant 0 : i32
      %dma_start3A_96 = tpu.memref_slice %arg2[%dma_start3A_94, %dma_start3A_95] : memref<10240x128xf32, #tpu.memory_space<hbm>> -> memref<10240x128xf32, #tpu.memory_space<hbm>>
      tpu.enqueue_indirect_dma source(%dma_start3A_96 : memref<10240x128xf32, #tpu.memory_space<hbm>>) target(%dma_start3A_90 : memref<64x128xf32, #tpu.memory_space<vmem>>) offsets(%dma_start3A_93 : memref<64xi32, #tpu.memory_space<vmem>>) semaphore(%arg11 : memref<!tpu.dma_semaphore, #tpu.memory_space<semaphore_mem>>)
      %dma_start3A_97 = arith.constant 2 : i32
      %dma_start3A_98 = arith.constant 2 : i32
      %dma_start3A_99 = arith.constant 0 : i32
      %dma_start3A_100 = arith.constant 0 : i32
      %dma_start3A_101 = tpu.memref_slice %arg8[%dma_start3A_98, %dma_start3A_99, %dma_start3A_100] : memref<4x64x128xf32, #tpu.memory_space<vmem>> -> memref<1x64x128xf32, #tpu.memory_space<vmem>>
      %dma_start3A_102 = tpu.memref_squeeze %dma_start3A_101 : memref<1x64x128xf32, #tpu.memory_space<vmem>> -> memref<64x128xf32, #tpu.memory_space<vmem>>
      %dma_start3A_103 = arith.constant 0 : i32
      %dma_start3A_104 = tpu.memref_slice %arg6[%dma_start3A_97, %dma_start3A_103] : memref<16x64xi32, #tpu.memory_space<vmem>> -> memref<1x64xi32, #tpu.memory_space<vmem>>
      %dma_start3A_105 = tpu.memref_squeeze %dma_start3A_104 : memref<1x64xi32, #tpu.memory_space<vmem>> -> memref<64xi32, #tpu.memory_space<vmem>>
      %dma_start3A_106 = arith.constant 0 : i32
      %dma_start3A_107 = arith.constant 0 : i32
      %dma_start3A_108 = tpu.memref_slice %arg2[%dma_start3A_106, %dma_start3A_107] : memref<10240x128xf32, #tpu.memory_space<hbm>> -> memref<10240x128xf32, #tpu.memory_space<hbm>>
      tpu.enqueue_indirect_dma source(%dma_start3A_108 : memref<10240x128xf32, #tpu.memory_space<hbm>>) target(%dma_start3A_102 : memref<64x128xf32, #tpu.memory_space<vmem>>) offsets(%dma_start3A_105 : memref<64xi32, #tpu.memory_space<vmem>>) semaphore(%arg12 : memref<!tpu.dma_semaphore, #tpu.memory_space<semaphore_mem>>)
      %dma_start3A_109 = arith.constant 3 : i32
      %dma_start3A_110 = arith.constant 3 : i32
      %dma_start3A_111 = arith.constant 0 : i32
      %dma_start3A_112 = arith.constant 0 : i32
      %dma_start3A_113 = tpu.memref_slice %arg8[%dma_start3A_110, %dma_start3A_111, %dma_start3A_112] : memref<4x64x128xf32, #tpu.memory_space<vmem>> -> memref<1x64x128xf32, #tpu.memory_space<vmem>>
      %dma_start3A_114 = tpu.memref_squeeze %dma_start3A_113 : memref<1x64x128xf32, #tpu.memory_space<vmem>> -> memref<64x128xf32, #tpu.memory_space<vmem>>
      %dma_start3A_115 = arith.constant 0 : i32
      %dma_start3A_116 = tpu.memref_slice %arg6[%dma_start3A_109, %dma_start3A_115] : memref<16x64xi32, #tpu.memory_space<vmem>> -> memref<1x64xi32, #tpu.memory_space<vmem>>
      %dma_start3A_117 = tpu.memref_squeeze %dma_start3A_116 : memref<1x64xi32, #tpu.memory_space<vmem>> -> memref<64xi32, #tpu.memory_space<vmem>>
      %dma_start3A_118 = arith.constant 0 : i32
      %dma_start3A_119 = arith.constant 0 : i32
      %dma_start3A_120 = tpu.memref_slice %arg2[%dma_start3A_118, %dma_start3A_119] : memref<10240x128xf32, #tpu.memory_space<hbm>> -> memref<10240x128xf32, #tpu.memory_space<hbm>>
      tpu.enqueue_indirect_dma source(%dma_start3A_120 : memref<10240x128xf32, #tpu.memory_space<hbm>>) target(%dma_start3A_114 : memref<64x128xf32, #tpu.memory_space<vmem>>) offsets(%dma_start3A_117 : memref<64xi32, #tpu.memory_space<vmem>>) semaphore(%arg13 : memref<!tpu.dma_semaphore, #tpu.memory_space<semaphore_mem>>)
      %scan3A_121 = arith.constant 0 : i32
      %scan3A_122 = arith.constant 0 : i32
      %scan3A_123 = arith.constant 4 : i32
      %scan3A_124 = arith.addi %scan3A_122, %scan3A_123 : i32
      %scan3A_125 = arith.constant 1 : i32
      scf.for %scan3A_127 = %scan3A_122 to %scan3A_124 step %scan3A_125  : i32 {
        %mul3A_128 = arith.constant 4 : i32
        %mul3A_129 = arith.muli %scan3A_127, %mul3A_128 : i32
        %add3A_130 = arith.constant 0 : i32
        %add3A_131 = arith.addi %mul3A_129, %add3A_130 : i32
        %dma_wait3A = arith.constant 0 : i32
        %dma_wait3A_132 = arith.constant 0 : i32
        %dma_wait3A_133 = arith.constant 0 : i32
        %dma_wait3A_134 = tpu.memref_slice %arg8[%dma_wait3A, %dma_wait3A_132, %dma_wait3A_133] : memref<4x64x128xf32, #tpu.memory_space<vmem>> -> memref<1x64x128xf32, #tpu.memory_space<vmem>>
        %dma_wait3A_135 = tpu.memref_squeeze %dma_wait3A_134 : memref<1x64x128xf32, #tpu.memory_space<vmem>> -> memref<64x128xf32, #tpu.memory_space<vmem>>
        %dma_wait3A_136 = arith.constant 0 : i32
        %dma_wait3A_137 = tpu.memref_slice %arg6[%add3A_131, %dma_wait3A_136] : memref<16x64xi32, #tpu.memory_space<vmem>> -> memref<1x64xi32, #tpu.memory_space<vmem>>
        %dma_wait3A_138 = tpu.memref_squeeze %dma_wait3A_137 : memref<1x64xi32, #tpu.memory_space<vmem>> -> memref<64xi32, #tpu.memory_space<vmem>>
        %dma_wait3A_139 = arith.constant 0 : i32
        %dma_wait3A_140 = arith.constant 0 : i32
        %dma_wait3A_141 = tpu.memref_slice %arg2[%dma_wait3A_139, %dma_wait3A_140] : memref<10240x128xf32, #tpu.memory_space<hbm>> -> memref<10240x128xf32, #tpu.memory_space<hbm>>
        tpu.wait_indirect_dma semaphore(%arg10 : memref<!tpu.dma_semaphore, #tpu.memory_space<semaphore_mem>>) src(%dma_wait3A_141 : memref<10240x128xf32, #tpu.memory_space<hbm>>) dst(%dma_wait3A_135 : memref<64x128xf32, #tpu.memory_space<vmem>>)
        %add3A_142 = arith.constant 0 : i32
        %add3A_143 = arith.addi %mul3A_129, %add3A_142 : i32
        %run_scoped3A_144 = arith.constant 0 : i32
        "tpu.region"() ({
          %run_scoped3A_226 = tpu.sem_alloc : memref<!tpu.dma_semaphore, #tpu.memory_space<semaphore_mem>>
          %dma_start3A_227 = arith.constant 0 : i32
          %dma_start3A_228 = arith.constant 0 : i32
          %dma_start3A_229 = tpu.memref_slice %arg8[%run_scoped3A_144, %dma_start3A_227, %dma_start3A_228] : memref<4x64x128xf32, #tpu.memory_space<vmem>> -> memref<1x64x128xf32, #tpu.memory_space<vmem>>
          %dma_start3A_230 = tpu.memref_squeeze %dma_start3A_229 : memref<1x64x128xf32, #tpu.memory_space<vmem>> -> memref<64x128xf32, #tpu.memory_space<vmem>>
          %dma_start3A_231 = arith.constant 0 : i32
          %dma_start3A_232 = tpu.memref_slice %arg7[%add3A_143, %dma_start3A_231] : memref<16x64xi32, #tpu.memory_space<vmem>> -> memref<1x64xi32, #tpu.memory_space<vmem>>
          %dma_start3A_233 = tpu.memref_squeeze %dma_start3A_232 : memref<1x64xi32, #tpu.memory_space<vmem>> -> memref<64xi32, #tpu.memory_space<vmem>>
          %dma_start3A_234 = arith.constant 0 : i32
          %dma_start3A_235 = arith.constant 0 : i32
          %dma_start3A_236 = tpu.memref_slice %arg9[%dma_start3A_234, %dma_start3A_235] : memref<10240x128xf32, #tpu.memory_space<vmem_shared>> -> memref<10240x128xf32, #tpu.memory_space<vmem_shared>>
          tpu.enqueue_indirect_dma source(%dma_start3A_230 : memref<64x128xf32, #tpu.memory_space<vmem>>) target(%dma_start3A_236 : memref<10240x128xf32, #tpu.memory_space<vmem_shared>>) offsets(%dma_start3A_233 : memref<64xi32, #tpu.memory_space<vmem>>) semaphore(%run_scoped3A_226 : memref<!tpu.dma_semaphore, #tpu.memory_space<semaphore_mem>>) {add = true}
          %dma_wait3A_237 = arith.constant 0 : i32
          %dma_wait3A_238 = arith.constant 0 : i32
          %dma_wait3A_239 = tpu.memref_slice %arg8[%run_scoped3A_144, %dma_wait3A_237, %dma_wait3A_238] : memref<4x64x128xf32, #tpu.memory_space<vmem>> -> memref<1x64x128xf32, #tpu.memory_space<vmem>>
          %dma_wait3A_240 = tpu.memref_squeeze %dma_wait3A_239 : memref<1x64x128xf32, #tpu.memory_space<vmem>> -> memref<64x128xf32, #tpu.memory_space<vmem>>
          %dma_wait3A_241 = arith.constant 0 : i32
          %dma_wait3A_242 = tpu.memref_slice %arg7[%add3A_143, %dma_wait3A_241] : memref<16x64xi32, #tpu.memory_space<vmem>> -> memref<1x64xi32, #tpu.memory_space<vmem>>
          %dma_wait3A_243 = tpu.memref_squeeze %dma_wait3A_242 : memref<1x64xi32, #tpu.memory_space<vmem>> -> memref<64xi32, #tpu.memory_space<vmem>>
          %dma_wait3A_244 = arith.constant 0 : i32
          %dma_wait3A_245 = arith.constant 0 : i32
          %dma_wait3A_246 = tpu.memref_slice %arg9[%dma_wait3A_244, %dma_wait3A_245] : memref<10240x128xf32, #tpu.memory_space<vmem_shared>> -> memref<10240x128xf32, #tpu.memory_space<vmem_shared>>
          tpu.wait_indirect_dma semaphore(%run_scoped3A_226 : memref<!tpu.dma_semaphore, #tpu.memory_space<semaphore_mem>>) src(%dma_wait3A_240 : memref<64x128xf32, #tpu.memory_space<vmem>>) dst(%dma_wait3A_246 : memref<10240x128xf32, #tpu.memory_space<vmem_shared>>)
          tpu.yield
        }) : () -> ()
        %add3A_145 = arith.constant 0 : i32
        %add3A_146 = arith.addi %mul3A_129, %add3A_145 : i32
        %add3A_147 = arith.constant 4 : i32
        %add3A_148 = arith.addi %add3A_146, %add3A_147 : i32
        %lt3A = arith.constant 16 : i32
        %lt3A_149 = arith.cmpi slt, %add3A_148, %lt3A : i32
        %convert_element_type3A = arith.extui %lt3A_149 : i1 to i32
        %cond3A = arith.constant 0 : i32
        %cond3A_150 = arith.cmpi ne, %convert_element_type3A, %cond3A : i32
        scf.if %cond3A_150 {
          %add3A_226 = arith.constant 0 : i32
          %add3A_227 = arith.addi %mul3A_129, %add3A_226 : i32
          %add3A_228 = arith.constant 4 : i32
          %add3A_229 = arith.addi %add3A_227, %add3A_228 : i32
          %dma_start3A_230 = arith.constant 0 : i32
          %dma_start3A_231 = arith.constant 0 : i32
          %dma_start3A_232 = arith.constant 0 : i32
          %dma_start3A_233 = tpu.memref_slice %arg8[%dma_start3A_230, %dma_start3A_231, %dma_start3A_232] : memref<4x64x128xf32, #tpu.memory_space<vmem>> -> memref<1x64x128xf32, #tpu.memory_space<vmem>>
          %dma_start3A_234 = tpu.memref_squeeze %dma_start3A_233 : memref<1x64x128xf32, #tpu.memory_space<vmem>> -> memref<64x128xf32, #tpu.memory_space<vmem>>
          %dma_start3A_235 = arith.constant 0 : i32
          %dma_start3A_236 = tpu.memref_slice %arg6[%add3A_229, %dma_start3A_235] : memref<16x64xi32, #tpu.memory_space<vmem>> -> memref<1x64xi32, #tpu.memory_space<vmem>>
          %dma_start3A_237 = tpu.memref_squeeze %dma_start3A_236 : memref<1x64xi32, #tpu.memory_space<vmem>> -> memref<64xi32, #tpu.memory_space<vmem>>
          %dma_start3A_238 = arith.constant 0 : i32
          %dma_start3A_239 = arith.constant 0 : i32
          %dma_start3A_240 = tpu.memref_slice %arg2[%dma_start3A_238, %dma_start3A_239] : memref<10240x128xf32, #tpu.memory_space<hbm>> -> memref<10240x128xf32, #tpu.memory_space<hbm>>
          tpu.enqueue_indirect_dma source(%dma_start3A_240 : memref<10240x128xf32, #tpu.memory_space<hbm>>) target(%dma_start3A_234 : memref<64x128xf32, #tpu.memory_space<vmem>>) offsets(%dma_start3A_237 : memref<64xi32, #tpu.memory_space<vmem>>) semaphore(%arg10 : memref<!tpu.dma_semaphore, #tpu.memory_space<semaphore_mem>>)
        } else {
        }
        %add3A_151 = arith.constant 1 : i32
        %add3A_152 = arith.addi %mul3A_129, %add3A_151 : i32
        %dma_wait3A_153 = arith.constant 1 : i32
        %dma_wait3A_154 = arith.constant 0 : i32
        %dma_wait3A_155 = arith.constant 0 : i32
        %dma_wait3A_156 = tpu.memref_slice %arg8[%dma_wait3A_153, %dma_wait3A_154, %dma_wait3A_155] : memref<4x64x128xf32, #tpu.memory_space<vmem>> -> memref<1x64x128xf32, #tpu.memory_space<vmem>>
        %dma_wait3A_157 = tpu.memref_squeeze %dma_wait3A_156 : memref<1x64x128xf32, #tpu.memory_space<vmem>> -> memref<64x128xf32, #tpu.memory_space<vmem>>
        %dma_wait3A_158 = arith.constant 0 : i32
        %dma_wait3A_159 = tpu.memref_slice %arg6[%add3A_152, %dma_wait3A_158] : memref<16x64xi32, #tpu.memory_space<vmem>> -> memref<1x64xi32, #tpu.memory_space<vmem>>
        %dma_wait3A_160 = tpu.memref_squeeze %dma_wait3A_159 : memref<1x64xi32, #tpu.memory_space<vmem>> -> memref<64xi32, #tpu.memory_space<vmem>>
        %dma_wait3A_161 = arith.constant 0 : i32
        %dma_wait3A_162 = arith.constant 0 : i32
        %dma_wait3A_163 = tpu.memref_slice %arg2[%dma_wait3A_161, %dma_wait3A_162] : memref<10240x128xf32, #tpu.memory_space<hbm>> -> memref<10240x128xf32, #tpu.memory_space<hbm>>
        tpu.wait_indirect_dma semaphore(%arg11 : memref<!tpu.dma_semaphore, #tpu.memory_space<semaphore_mem>>) src(%dma_wait3A_163 : memref<10240x128xf32, #tpu.memory_space<hbm>>) dst(%dma_wait3A_157 : memref<64x128xf32, #tpu.memory_space<vmem>>)
        %add3A_164 = arith.constant 1 : i32
        %add3A_165 = arith.addi %mul3A_129, %add3A_164 : i32
        %run_scoped3A_166 = arith.constant 1 : i32
        "tpu.region"() ({
          %run_scoped3A_226 = tpu.sem_alloc : memref<!tpu.dma_semaphore, #tpu.memory_space<semaphore_mem>>
          %dma_start3A_227 = arith.constant 0 : i32
          %dma_start3A_228 = arith.constant 0 : i32
          %dma_start3A_229 = tpu.memref_slice %arg8[%run_scoped3A_166, %dma_start3A_227, %dma_start3A_228] : memref<4x64x128xf32, #tpu.memory_space<vmem>> -> memref<1x64x128xf32, #tpu.memory_space<vmem>>
          %dma_start3A_230 = tpu.memref_squeeze %dma_start3A_229 : memref<1x64x128xf32, #tpu.memory_space<vmem>> -> memref<64x128xf32, #tpu.memory_space<vmem>>
          %dma_start3A_231 = arith.constant 0 : i32
          %dma_start3A_232 = tpu.memref_slice %arg7[%add3A_165, %dma_start3A_231] : memref<16x64xi32, #tpu.memory_space<vmem>> -> memref<1x64xi32, #tpu.memory_space<vmem>>
          %dma_start3A_233 = tpu.memref_squeeze %dma_start3A_232 : memref<1x64xi32, #tpu.memory_space<vmem>> -> memref<64xi32, #tpu.memory_space<vmem>>
          %dma_start3A_234 = arith.constant 0 : i32
          %dma_start3A_235 = arith.constant 0 : i32
          %dma_start3A_236 = tpu.memref_slice %arg9[%dma_start3A_234, %dma_start3A_235] : memref<10240x128xf32, #tpu.memory_space<vmem_shared>> -> memref<10240x128xf32, #tpu.memory_space<vmem_shared>>
          tpu.enqueue_indirect_dma source(%dma_start3A_230 : memref<64x128xf32, #tpu.memory_space<vmem>>) target(%dma_start3A_236 : memref<10240x128xf32, #tpu.memory_space<vmem_shared>>) offsets(%dma_start3A_233 : memref<64xi32, #tpu.memory_space<vmem>>) semaphore(%run_scoped3A_226 : memref<!tpu.dma_semaphore, #tpu.memory_space<semaphore_mem>>) {add = true}
          %dma_wait3A_237 = arith.constant 0 : i32
          %dma_wait3A_238 = arith.constant 0 : i32
          %dma_wait3A_239 = tpu.memref_slice %arg8[%run_scoped3A_166, %dma_wait3A_237, %dma_wait3A_238] : memref<4x64x128xf32, #tpu.memory_space<vmem>> -> memref<1x64x128xf32, #tpu.memory_space<vmem>>
          %dma_wait3A_240 = tpu.memref_squeeze %dma_wait3A_239 : memref<1x64x128xf32, #tpu.memory_space<vmem>> -> memref<64x128xf32, #tpu.memory_space<vmem>>
          %dma_wait3A_241 = arith.constant 0 : i32
          %dma_wait3A_242 = tpu.memref_slice %arg7[%add3A_165, %dma_wait3A_241] : memref<16x64xi32, #tpu.memory_space<vmem>> -> memref<1x64xi32, #tpu.memory_space<vmem>>
          %dma_wait3A_243 = tpu.memref_squeeze %dma_wait3A_242 : memref<1x64xi32, #tpu.memory_space<vmem>> -> memref<64xi32, #tpu.memory_space<vmem>>
          %dma_wait3A_244 = arith.constant 0 : i32
          %dma_wait3A_245 = arith.constant 0 : i32
          %dma_wait3A_246 = tpu.memref_slice %arg9[%dma_wait3A_244, %dma_wait3A_245] : memref<10240x128xf32, #tpu.memory_space<vmem_shared>> -> memref<10240x128xf32, #tpu.memory_space<vmem_shared>>
          tpu.wait_indirect_dma semaphore(%run_scoped3A_226 : memref<!tpu.dma_semaphore, #tpu.memory_space<semaphore_mem>>) src(%dma_wait3A_240 : memref<64x128xf32, #tpu.memory_space<vmem>>) dst(%dma_wait3A_246 : memref<10240x128xf32, #tpu.memory_space<vmem_shared>>)
          tpu.yield
        }) : () -> ()
        %add3A_167 = arith.constant 1 : i32
        %add3A_168 = arith.addi %mul3A_129, %add3A_167 : i32
        %add3A_169 = arith.constant 4 : i32
        %add3A_170 = arith.addi %add3A_168, %add3A_169 : i32
        %lt3A_171 = arith.constant 16 : i32
        %lt3A_172 = arith.cmpi slt, %add3A_170, %lt3A_171 : i32
        %convert_element_type3A_173 = arith.extui %lt3A_172 : i1 to i32
        %cond3A_174 = arith.constant 0 : i32
        %cond3A_175 = arith.cmpi ne, %convert_element_type3A_173, %cond3A_174 : i32
        scf.if %cond3A_175 {
          %add3A_226 = arith.constant 1 : i32
          %add3A_227 = arith.addi %mul3A_129, %add3A_226 : i32
          %add3A_228 = arith.constant 4 : i32
          %add3A_229 = arith.addi %add3A_227, %add3A_228 : i32
          %dma_start3A_230 = arith.constant 1 : i32
          %dma_start3A_231 = arith.constant 0 : i32
          %dma_start3A_232 = arith.constant 0 : i32
          %dma_start3A_233 = tpu.memref_slice %arg8[%dma_start3A_230, %dma_start3A_231, %dma_start3A_232] : memref<4x64x128xf32, #tpu.memory_space<vmem>> -> memref<1x64x128xf32, #tpu.memory_space<vmem>>
          %dma_start3A_234 = tpu.memref_squeeze %dma_start3A_233 : memref<1x64x128xf32, #tpu.memory_space<vmem>> -> memref<64x128xf32, #tpu.memory_space<vmem>>
          %dma_start3A_235 = arith.constant 0 : i32
          %dma_start3A_236 = tpu.memref_slice %arg6[%add3A_229, %dma_start3A_235] : memref<16x64xi32, #tpu.memory_space<vmem>> -> memref<1x64xi32, #tpu.memory_space<vmem>>
          %dma_start3A_237 = tpu.memref_squeeze %dma_start3A_236 : memref<1x64xi32, #tpu.memory_space<vmem>> -> memref<64xi32, #tpu.memory_space<vmem>>
          %dma_start3A_238 = arith.constant 0 : i32
          %dma_start3A_239 = arith.constant 0 : i32
          %dma_start3A_240 = tpu.memref_slice %arg2[%dma_start3A_238, %dma_start3A_239] : memref<10240x128xf32, #tpu.memory_space<hbm>> -> memref<10240x128xf32, #tpu.memory_space<hbm>>
          tpu.enqueue_indirect_dma source(%dma_start3A_240 : memref<10240x128xf32, #tpu.memory_space<hbm>>) target(%dma_start3A_234 : memref<64x128xf32, #tpu.memory_space<vmem>>) offsets(%dma_start3A_237 : memref<64xi32, #tpu.memory_space<vmem>>) semaphore(%arg11 : memref<!tpu.dma_semaphore, #tpu.memory_space<semaphore_mem>>)
        } else {
        }
        %add3A_176 = arith.constant 2 : i32
        %add3A_177 = arith.addi %mul3A_129, %add3A_176 : i32
        %dma_wait3A_178 = arith.constant 2 : i32
        %dma_wait3A_179 = arith.constant 0 : i32
        %dma_wait3A_180 = arith.constant 0 : i32
        %dma_wait3A_181 = tpu.memref_slice %arg8[%dma_wait3A_178, %dma_wait3A_179, %dma_wait3A_180] : memref<4x64x128xf32, #tpu.memory_space<vmem>> -> memref<1x64x128xf32, #tpu.memory_space<vmem>>
        %dma_wait3A_182 = tpu.memref_squeeze %dma_wait3A_181 : memref<1x64x128xf32, #tpu.memory_space<vmem>> -> memref<64x128xf32, #tpu.memory_space<vmem>>
        %dma_wait3A_183 = arith.constant 0 : i32
        %dma_wait3A_184 = tpu.memref_slice %arg6[%add3A_177, %dma_wait3A_183] : memref<16x64xi32, #tpu.memory_space<vmem>> -> memref<1x64xi32, #tpu.memory_space<vmem>>
        %dma_wait3A_185 = tpu.memref_squeeze %dma_wait3A_184 : memref<1x64xi32, #tpu.memory_space<vmem>> -> memref<64xi32, #tpu.memory_space<vmem>>
        %dma_wait3A_186 = arith.constant 0 : i32
        %dma_wait3A_187 = arith.constant 0 : i32
        %dma_wait3A_188 = tpu.memref_slice %arg2[%dma_wait3A_186, %dma_wait3A_187] : memref<10240x128xf32, #tpu.memory_space<hbm>> -> memref<10240x128xf32, #tpu.memory_space<hbm>>
        tpu.wait_indirect_dma semaphore(%arg12 : memref<!tpu.dma_semaphore, #tpu.memory_space<semaphore_mem>>) src(%dma_wait3A_188 : memref<10240x128xf32, #tpu.memory_space<hbm>>) dst(%dma_wait3A_182 : memref<64x128xf32, #tpu.memory_space<vmem>>)
        %add3A_189 = arith.constant 2 : i32
        %add3A_190 = arith.addi %mul3A_129, %add3A_189 : i32
        %run_scoped3A_191 = arith.constant 2 : i32
        "tpu.region"() ({
          %run_scoped3A_226 = tpu.sem_alloc : memref<!tpu.dma_semaphore, #tpu.memory_space<semaphore_mem>>
          %dma_start3A_227 = arith.constant 0 : i32
          %dma_start3A_228 = arith.constant 0 : i32
          %dma_start3A_229 = tpu.memref_slice %arg8[%run_scoped3A_191, %dma_start3A_227, %dma_start3A_228] : memref<4x64x128xf32, #tpu.memory_space<vmem>> -> memref<1x64x128xf32, #tpu.memory_space<vmem>>
          %dma_start3A_230 = tpu.memref_squeeze %dma_start3A_229 : memref<1x64x128xf32, #tpu.memory_space<vmem>> -> memref<64x128xf32, #tpu.memory_space<vmem>>
          %dma_start3A_231 = arith.constant 0 : i32
          %dma_start3A_232 = tpu.memref_slice %arg7[%add3A_190, %dma_start3A_231] : memref<16x64xi32, #tpu.memory_space<vmem>> -> memref<1x64xi32, #tpu.memory_space<vmem>>
          %dma_start3A_233 = tpu.memref_squeeze %dma_start3A_232 : memref<1x64xi32, #tpu.memory_space<vmem>> -> memref<64xi32, #tpu.memory_space<vmem>>
          %dma_start3A_234 = arith.constant 0 : i32
          %dma_start3A_235 = arith.constant 0 : i32
          %dma_start3A_236 = tpu.memref_slice %arg9[%dma_start3A_234, %dma_start3A_235] : memref<10240x128xf32, #tpu.memory_space<vmem_shared>> -> memref<10240x128xf32, #tpu.memory_space<vmem_shared>>
          tpu.enqueue_indirect_dma source(%dma_start3A_230 : memref<64x128xf32, #tpu.memory_space<vmem>>) target(%dma_start3A_236 : memref<10240x128xf32, #tpu.memory_space<vmem_shared>>) offsets(%dma_start3A_233 : memref<64xi32, #tpu.memory_space<vmem>>) semaphore(%run_scoped3A_226 : memref<!tpu.dma_semaphore, #tpu.memory_space<semaphore_mem>>) {add = true}
          %dma_wait3A_237 = arith.constant 0 : i32
          %dma_wait3A_238 = arith.constant 0 : i32
          %dma_wait3A_239 = tpu.memref_slice %arg8[%run_scoped3A_191, %dma_wait3A_237, %dma_wait3A_238] : memref<4x64x128xf32, #tpu.memory_space<vmem>> -> memref<1x64x128xf32, #tpu.memory_space<vmem>>
          %dma_wait3A_240 = tpu.memref_squeeze %dma_wait3A_239 : memref<1x64x128xf32, #tpu.memory_space<vmem>> -> memref<64x128xf32, #tpu.memory_space<vmem>>
          %dma_wait3A_241 = arith.constant 0 : i32
          %dma_wait3A_242 = tpu.memref_slice %arg7[%add3A_190, %dma_wait3A_241] : memref<16x64xi32, #tpu.memory_space<vmem>> -> memref<1x64xi32, #tpu.memory_space<vmem>>
          %dma_wait3A_243 = tpu.memref_squeeze %dma_wait3A_242 : memref<1x64xi32, #tpu.memory_space<vmem>> -> memref<64xi32, #tpu.memory_space<vmem>>
          %dma_wait3A_244 = arith.constant 0 : i32
          %dma_wait3A_245 = arith.constant 0 : i32
          %dma_wait3A_246 = tpu.memref_slice %arg9[%dma_wait3A_244, %dma_wait3A_245] : memref<10240x128xf32, #tpu.memory_space<vmem_shared>> -> memref<10240x128xf32, #tpu.memory_space<vmem_shared>>
          tpu.wait_indirect_dma semaphore(%run_scoped3A_226 : memref<!tpu.dma_semaphore, #tpu.memory_space<semaphore_mem>>) src(%dma_wait3A_240 : memref<64x128xf32, #tpu.memory_space<vmem>>) dst(%dma_wait3A_246 : memref<10240x128xf32, #tpu.memory_space<vmem_shared>>)
          tpu.yield
        }) : () -> ()
        %add3A_192 = arith.constant 2 : i32
        %add3A_193 = arith.addi %mul3A_129, %add3A_192 : i32
        %add3A_194 = arith.constant 4 : i32
        %add3A_195 = arith.addi %add3A_193, %add3A_194 : i32
        %lt3A_196 = arith.constant 16 : i32
        %lt3A_197 = arith.cmpi slt, %add3A_195, %lt3A_196 : i32
        %convert_element_type3A_198 = arith.extui %lt3A_197 : i1 to i32
        %cond3A_199 = arith.constant 0 : i32
        %cond3A_200 = arith.cmpi ne, %convert_element_type3A_198, %cond3A_199 : i32
        scf.if %cond3A_200 {
          %add3A_226 = arith.constant 2 : i32
          %add3A_227 = arith.addi %mul3A_129, %add3A_226 : i32
          %add3A_228 = arith.constant 4 : i32
          %add3A_229 = arith.addi %add3A_227, %add3A_228 : i32
          %dma_start3A_230 = arith.constant 2 : i32
          %dma_start3A_231 = arith.constant 0 : i32
          %dma_start3A_232 = arith.constant 0 : i32
          %dma_start3A_233 = tpu.memref_slice %arg8[%dma_start3A_230, %dma_start3A_231, %dma_start3A_232] : memref<4x64x128xf32, #tpu.memory_space<vmem>> -> memref<1x64x128xf32, #tpu.memory_space<vmem>>
          %dma_start3A_234 = tpu.memref_squeeze %dma_start3A_233 : memref<1x64x128xf32, #tpu.memory_space<vmem>> -> memref<64x128xf32, #tpu.memory_space<vmem>>
          %dma_start3A_235 = arith.constant 0 : i32
          %dma_start3A_236 = tpu.memref_slice %arg6[%add3A_229, %dma_start3A_235] : memref<16x64xi32, #tpu.memory_space<vmem>> -> memref<1x64xi32, #tpu.memory_space<vmem>>
          %dma_start3A_237 = tpu.memref_squeeze %dma_start3A_236 : memref<1x64xi32, #tpu.memory_space<vmem>> -> memref<64xi32, #tpu.memory_space<vmem>>
          %dma_start3A_238 = arith.constant 0 : i32
          %dma_start3A_239 = arith.constant 0 : i32
          %dma_start3A_240 = tpu.memref_slice %arg2[%dma_start3A_238, %dma_start3A_239] : memref<10240x128xf32, #tpu.memory_space<hbm>> -> memref<10240x128xf32, #tpu.memory_space<hbm>>
          tpu.enqueue_indirect_dma source(%dma_start3A_240 : memref<10240x128xf32, #tpu.memory_space<hbm>>) target(%dma_start3A_234 : memref<64x128xf32, #tpu.memory_space<vmem>>) offsets(%dma_start3A_237 : memref<64xi32, #tpu.memory_space<vmem>>) semaphore(%arg12 : memref<!tpu.dma_semaphore, #tpu.memory_space<semaphore_mem>>)
        } else {
        }
        %add3A_201 = arith.constant 3 : i32
        %add3A_202 = arith.addi %mul3A_129, %add3A_201 : i32
        %dma_wait3A_203 = arith.constant 3 : i32
        %dma_wait3A_204 = arith.constant 0 : i32
        %dma_wait3A_205 = arith.constant 0 : i32
        %dma_wait3A_206 = tpu.memref_slice %arg8[%dma_wait3A_203, %dma_wait3A_204, %dma_wait3A_205] : memref<4x64x128xf32, #tpu.memory_space<vmem>> -> memref<1x64x128xf32, #tpu.memory_space<vmem>>
        %dma_wait3A_207 = tpu.memref_squeeze %dma_wait3A_206 : memref<1x64x128xf32, #tpu.memory_space<vmem>> -> memref<64x128xf32, #tpu.memory_space<vmem>>
        %dma_wait3A_208 = arith.constant 0 : i32
        %dma_wait3A_209 = tpu.memref_slice %arg6[%add3A_202, %dma_wait3A_208] : memref<16x64xi32, #tpu.memory_space<vmem>> -> memref<1x64xi32, #tpu.memory_space<vmem>>
        %dma_wait3A_210 = tpu.memref_squeeze %dma_wait3A_209 : memref<1x64xi32, #tpu.memory_space<vmem>> -> memref<64xi32, #tpu.memory_space<vmem>>
        %dma_wait3A_211 = arith.constant 0 : i32
        %dma_wait3A_212 = arith.constant 0 : i32
        %dma_wait3A_213 = tpu.memref_slice %arg2[%dma_wait3A_211, %dma_wait3A_212] : memref<10240x128xf32, #tpu.memory_space<hbm>> -> memref<10240x128xf32, #tpu.memory_space<hbm>>
        tpu.wait_indirect_dma semaphore(%arg13 : memref<!tpu.dma_semaphore, #tpu.memory_space<semaphore_mem>>) src(%dma_wait3A_213 : memref<10240x128xf32, #tpu.memory_space<hbm>>) dst(%dma_wait3A_207 : memref<64x128xf32, #tpu.memory_space<vmem>>)
        %add3A_214 = arith.constant 3 : i32
        %add3A_215 = arith.addi %mul3A_129, %add3A_214 : i32
        %run_scoped3A_216 = arith.constant 3 : i32
        "tpu.region"() ({
          %run_scoped3A_226 = tpu.sem_alloc : memref<!tpu.dma_semaphore, #tpu.memory_space<semaphore_mem>>
          %dma_start3A_227 = arith.constant 0 : i32
          %dma_start3A_228 = arith.constant 0 : i32
          %dma_start3A_229 = tpu.memref_slice %arg8[%run_scoped3A_216, %dma_start3A_227, %dma_start3A_228] : memref<4x64x128xf32, #tpu.memory_space<vmem>> -> memref<1x64x128xf32, #tpu.memory_space<vmem>>
          %dma_start3A_230 = tpu.memref_squeeze %dma_start3A_229 : memref<1x64x128xf32, #tpu.memory_space<vmem>> -> memref<64x128xf32, #tpu.memory_space<vmem>>
          %dma_start3A_231 = arith.constant 0 : i32
          %dma_start3A_232 = tpu.memref_slice %arg7[%add3A_215, %dma_start3A_231] : memref<16x64xi32, #tpu.memory_space<vmem>> -> memref<1x64xi32, #tpu.memory_space<vmem>>
          %dma_start3A_233 = tpu.memref_squeeze %dma_start3A_232 : memref<1x64xi32, #tpu.memory_space<vmem>> -> memref<64xi32, #tpu.memory_space<vmem>>
          %dma_start3A_234 = arith.constant 0 : i32
          %dma_start3A_235 = arith.constant 0 : i32
          %dma_start3A_236 = tpu.memref_slice %arg9[%dma_start3A_234, %dma_start3A_235] : memref<10240x128xf32, #tpu.memory_space<vmem_shared>> -> memref<10240x128xf32, #tpu.memory_space<vmem_shared>>
          tpu.enqueue_indirect_dma source(%dma_start3A_230 : memref<64x128xf32, #tpu.memory_space<vmem>>) target(%dma_start3A_236 : memref<10240x128xf32, #tpu.memory_space<vmem_shared>>) offsets(%dma_start3A_233 : memref<64xi32, #tpu.memory_space<vmem>>) semaphore(%run_scoped3A_226 : memref<!tpu.dma_semaphore, #tpu.memory_space<semaphore_mem>>) {add = true}
          %dma_wait3A_237 = arith.constant 0 : i32
          %dma_wait3A_238 = arith.constant 0 : i32
          %dma_wait3A_239 = tpu.memref_slice %arg8[%run_scoped3A_216, %dma_wait3A_237, %dma_wait3A_238] : memref<4x64x128xf32, #tpu.memory_space<vmem>> -> memref<1x64x128xf32, #tpu.memory_space<vmem>>
          %dma_wait3A_240 = tpu.memref_squeeze %dma_wait3A_239 : memref<1x64x128xf32, #tpu.memory_space<vmem>> -> memref<64x128xf32, #tpu.memory_space<vmem>>
          %dma_wait3A_241 = arith.constant 0 : i32
          %dma_wait3A_242 = tpu.memref_slice %arg7[%add3A_215, %dma_wait3A_241] : memref<16x64xi32, #tpu.memory_space<vmem>> -> memref<1x64xi32, #tpu.memory_space<vmem>>
          %dma_wait3A_243 = tpu.memref_squeeze %dma_wait3A_242 : memref<1x64xi32, #tpu.memory_space<vmem>> -> memref<64xi32, #tpu.memory_space<vmem>>
          %dma_wait3A_244 = arith.constant 0 : i32
          %dma_wait3A_245 = arith.constant 0 : i32
          %dma_wait3A_246 = tpu.memref_slice %arg9[%dma_wait3A_244, %dma_wait3A_245] : memref<10240x128xf32, #tpu.memory_space<vmem_shared>> -> memref<10240x128xf32, #tpu.memory_space<vmem_shared>>
          tpu.wait_indirect_dma semaphore(%run_scoped3A_226 : memref<!tpu.dma_semaphore, #tpu.memory_space<semaphore_mem>>) src(%dma_wait3A_240 : memref<64x128xf32, #tpu.memory_space<vmem>>) dst(%dma_wait3A_246 : memref<10240x128xf32, #tpu.memory_space<vmem_shared>>)
          tpu.yield
        }) : () -> ()
        %add3A_217 = arith.constant 3 : i32
        %add3A_218 = arith.addi %mul3A_129, %add3A_217 : i32
        %add3A_219 = arith.constant 4 : i32
        %add3A_220 = arith.addi %add3A_218, %add3A_219 : i32
        %lt3A_221 = arith.constant 16 : i32
        %lt3A_222 = arith.cmpi slt, %add3A_220, %lt3A_221 : i32
        %convert_element_type3A_223 = arith.extui %lt3A_222 : i1 to i32
        %cond3A_224 = arith.constant 0 : i32
        %cond3A_225 = arith.cmpi ne, %convert_element_type3A_223, %cond3A_224 : i32
        scf.if %cond3A_225 {
          %add3A_226 = arith.constant 3 : i32
          %add3A_227 = arith.addi %mul3A_129, %add3A_226 : i32
          %add3A_228 = arith.constant 4 : i32
          %add3A_229 = arith.addi %add3A_227, %add3A_228 : i32
          %dma_start3A_230 = arith.constant 3 : i32
          %dma_start3A_231 = arith.constant 0 : i32
          %dma_start3A_232 = arith.constant 0 : i32
          %dma_start3A_233 = tpu.memref_slice %arg8[%dma_start3A_230, %dma_start3A_231, %dma_start3A_232] : memref<4x64x128xf32, #tpu.memory_space<vmem>> -> memref<1x64x128xf32, #tpu.memory_space<vmem>>
          %dma_start3A_234 = tpu.memref_squeeze %dma_start3A_233 : memref<1x64x128xf32, #tpu.memory_space<vmem>> -> memref<64x128xf32, #tpu.memory_space<vmem>>
          %dma_start3A_235 = arith.constant 0 : i32
          %dma_start3A_236 = tpu.memref_slice %arg6[%add3A_229, %dma_start3A_235] : memref<16x64xi32, #tpu.memory_space<vmem>> -> memref<1x64xi32, #tpu.memory_space<vmem>>
          %dma_start3A_237 = tpu.memref_squeeze %dma_start3A_236 : memref<1x64xi32, #tpu.memory_space<vmem>> -> memref<64xi32, #tpu.memory_space<vmem>>
          %dma_start3A_238 = arith.constant 0 : i32
          %dma_start3A_239 = arith.constant 0 : i32
          %dma_start3A_240 = tpu.memref_slice %arg2[%dma_start3A_238, %dma_start3A_239] : memref<10240x128xf32, #tpu.memory_space<hbm>> -> memref<10240x128xf32, #tpu.memory_space<hbm>>
          tpu.enqueue_indirect_dma source(%dma_start3A_240 : memref<10240x128xf32, #tpu.memory_space<hbm>>) target(%dma_start3A_234 : memref<64x128xf32, #tpu.memory_space<vmem>>) offsets(%dma_start3A_237 : memref<64xi32, #tpu.memory_space<vmem>>) semaphore(%arg13 : memref<!tpu.dma_semaphore, #tpu.memory_space<semaphore_mem>>)
        } else {
        }
      }
      %scan3A_126 = arith.constant 4 : i32
    }
    %scan3A_62 = arith.constant 5 : i32
    %barrier3A_63 = arith.constant 0 : index
    tpu.barrier barrier_id(%barrier3A_63)
    %mul3A_64 = arith.constant 640 : i32
    %mul3A_65 = arith.muli %arg1, %mul3A_64 : i32
    %mul3A_66 = arith.constant 640 : i32
    %mul3A_67 = arith.muli %arg1, %mul3A_66 : i32
    "tpu.region"() ({
      %run_scoped3A_68 = tpu.sem_alloc : memref<!tpu.dma_semaphore, #tpu.memory_space<semaphore_mem>>
      %dma_start3A = arith.constant 0 : i32
      %dma_start3A_69 = tpu.memref_slice %arg5[%arg0, %mul3A_67, %dma_start3A] : memref<2x10240x128xf32, #tpu.memory_space<hbm>> -> memref<1x640x128xf32, #tpu.memory_space<hbm>>
      %dma_start3A_70 = tpu.memref_squeeze %dma_start3A_69 : memref<1x640x128xf32, #tpu.memory_space<hbm>> -> memref<640x128xf32, #tpu.memory_space<hbm>>
      %dma_start3A_71 = arith.constant 0 : i32
      %dma_start3A_72 = tpu.memref_slice %arg9[%mul3A_65, %dma_start3A_71] : memref<10240x128xf32, #tpu.memory_space<vmem_shared>> -> memref<640x128xf32, #tpu.memory_space<vmem_shared>>
      tpu.enqueue_dma source(%dma_start3A_72 : memref<640x128xf32, #tpu.memory_space<vmem_shared>>) target(%dma_start3A_70 : memref<640x128xf32, #tpu.memory_space<hbm>>) target_semaphore(%run_scoped3A_68 : memref<!tpu.dma_semaphore, #tpu.memory_space<semaphore_mem>>)
      %dma_wait3A = arith.constant 0 : i32
      %dma_wait3A_73 = tpu.memref_slice %arg5[%arg0, %mul3A_67, %dma_wait3A] : memref<2x10240x128xf32, #tpu.memory_space<hbm>> -> memref<1x640x128xf32, #tpu.memory_space<hbm>>
      %dma_wait3A_74 = tpu.memref_squeeze %dma_wait3A_73 : memref<1x640x128xf32, #tpu.memory_space<hbm>> -> memref<640x128xf32, #tpu.memory_space<hbm>>
      %dma_wait3A_75 = arith.constant 0 : i32
      %dma_wait3A_76 = tpu.memref_slice %arg9[%mul3A_65, %dma_wait3A_75] : memref<10240x128xf32, #tpu.memory_space<vmem_shared>> -> memref<640x128xf32, #tpu.memory_space<vmem_shared>>
      tpu.wait_dma2 semaphore(%run_scoped3A_68 : memref<!tpu.dma_semaphore, #tpu.memory_space<semaphore_mem>>) src(%dma_wait3A_76 : memref<640x128xf32, #tpu.memory_space<vmem_shared>>) dst(%dma_wait3A_74 : memref<640x128xf32, #tpu.memory_space<hbm>>)
      tpu.yield
    }) : () -> ()
    return
  }
}

#map = affine_map<(d0, d1) -> (0, 0)>
module attributes {stable_mosaic.version = 14 : i64} {
  func.func @agg_kernel(%arg0: i32, %arg1: i32, %arg2: memref<10240x128xf32, #tpu.memory_space<hbm>>, %arg3: memref<10240x128xf32, #tpu.memory_space<hbm>>, %arg4: memref<2560x64xi32, #tpu.memory_space<hbm>>, %arg5: memref<2560x64xi32, #tpu.memory_space<hbm>>, %arg6: memref<10240x128xf32, #tpu.memory_space<hbm>>, %arg7: memref<10240x128xf32, #tpu.memory_space<hbm>>, %arg8: memref<16x64xi32, #tpu.memory_space<vmem>>, %arg9: memref<16x64xi32, #tpu.memory_space<vmem>>, %arg10: memref<4x64x128xf32, #tpu.memory_space<vmem>>, %arg11: memref<10240x128xf32, #tpu.memory_space<vmem_shared>>, %arg12: memref<!tpu.dma_semaphore, #tpu.memory_space<semaphore_mem>>, %arg13: memref<!tpu.dma_semaphore, #tpu.memory_space<semaphore_mem>>, %arg14: memref<!tpu.dma_semaphore, #tpu.memory_space<semaphore_mem>>, %arg15: memref<!tpu.dma_semaphore, #tpu.memory_space<semaphore_mem>>) attributes {dimension_semantics = [#tpu.dimension_semantics<core_parallel>, #tpu.dimension_semantics<subcore_parallel>], iteration_bounds = array<i64: 2, 16>, scalar_prefetch = 0 : i64, scratch_operands = 8 : i64, tpu.core_type = #tpu.core_type<sc_vector_subcore>, window_params = [{transform_indices = #map}, {transform_indices = #map}, {transform_indices = #map}, {transform_indices = #map}, {transform_indices = #map}, {transform_indices = #map}]} {
    %eq3A = arith.constant 0 : i32
    %eq3A_0 = arith.cmpi eq, %arg0, %eq3A : i32
    %convert_element_type3A = arith.extui %eq3A_0 : i1 to i32
    %cond3A = arith.constant 0 : i32
    %cond3A_1 = arith.cmpi ne, %convert_element_type3A, %cond3A : i32
    scf.if %cond3A_1 {
      %mul3A = arith.constant 640 : i32
      %mul3A_7 = arith.muli %arg1, %mul3A : i32
      %mul3A_8 = arith.constant 640 : i32
      %mul3A_9 = arith.muli %arg1, %mul3A_8 : i32
      "tpu.region"() ({
        %run_scoped3A = tpu.sem_alloc : memref<!tpu.dma_semaphore, #tpu.memory_space<semaphore_mem>>
        %dma_start3A = arith.constant 0 : i32
        %dma_start3A_22 = tpu.memref_slice %arg11[%mul3A_9, %dma_start3A] : memref<10240x128xf32, #tpu.memory_space<vmem_shared>> -> memref<640x128xf32, #tpu.memory_space<vmem_shared>>
        %dma_start3A_23 = arith.constant 0 : i32
        %dma_start3A_24 = tpu.memref_slice %arg2[%mul3A_7, %dma_start3A_23] : memref<10240x128xf32, #tpu.memory_space<hbm>> -> memref<640x128xf32, #tpu.memory_space<hbm>>
        tpu.enqueue_dma source(%dma_start3A_24 : memref<640x128xf32, #tpu.memory_space<hbm>>) target(%dma_start3A_22 : memref<640x128xf32, #tpu.memory_space<vmem_shared>>) target_semaphore(%run_scoped3A : memref<!tpu.dma_semaphore, #tpu.memory_space<semaphore_mem>>)
        %dma_wait3A = arith.constant 0 : i32
        %dma_wait3A_25 = tpu.memref_slice %arg11[%mul3A_9, %dma_wait3A] : memref<10240x128xf32, #tpu.memory_space<vmem_shared>> -> memref<640x128xf32, #tpu.memory_space<vmem_shared>>
        %dma_wait3A_26 = arith.constant 0 : i32
        %dma_wait3A_27 = tpu.memref_slice %arg2[%mul3A_7, %dma_wait3A_26] : memref<10240x128xf32, #tpu.memory_space<hbm>> -> memref<640x128xf32, #tpu.memory_space<hbm>>
        tpu.wait_dma2 semaphore(%run_scoped3A : memref<!tpu.dma_semaphore, #tpu.memory_space<semaphore_mem>>) src(%dma_wait3A_27 : memref<640x128xf32, #tpu.memory_space<hbm>>) dst(%dma_wait3A_25 : memref<640x128xf32, #tpu.memory_space<vmem_shared>>)
        tpu.yield
      }) : () -> ()
      %barrier3A = arith.constant 0 : index
      tpu.barrier barrier_id(%barrier3A)
      %mul3A_10 = arith.constant 80 : i32
      %mul3A_11 = arith.muli %arg1, %mul3A_10 : i32
      %scan3A = arith.constant 0 : i32
      %scan3A_12 = arith.constant 0 : i32
      %scan3A_13 = arith.constant 10 : i32
      %scan3A_14 = arith.addi %scan3A_12, %scan3A_13 : i32
      %scan3A_15 = arith.constant 1 : i32
      scf.for %scan3A_22 = %scan3A_12 to %scan3A_14 step %scan3A_15  : i32 {
        %mul3A_23 = arith.constant 8 : i32
        %mul3A_24 = arith.muli %scan3A_22, %mul3A_23 : i32
        %add3A = arith.addi %mul3A_11, %mul3A_24 : i32
        %mul3A_25 = arith.constant 2 : i32
        %mul3A_26 = arith.muli %mul3A_25, %add3A : i32
        "tpu.region"() ({
          %run_scoped3A = tpu.sem_alloc : memref<!tpu.dma_semaphore, #tpu.memory_space<semaphore_mem>>
          %dma_start3A_80 = arith.constant 0 : i32
          %dma_start3A_81 = tpu.memref_slice %arg4[%mul3A_26, %dma_start3A_80] : memref<2560x64xi32, #tpu.memory_space<hbm>> -> memref<16x64xi32, #tpu.memory_space<hbm>>
          %dma_start3A_82 = arith.constant 0 : i32
          %dma_start3A_83 = tpu.memref_slice %arg4[%mul3A_26, %dma_start3A_82] : memref<2560x64xi32, #tpu.memory_space<hbm>> -> memref<16x64xi32, #tpu.memory_space<hbm>>
          tpu.enqueue_dma source(%dma_start3A_83 : memref<16x64xi32, #tpu.memory_space<hbm>>) target(%arg8 : memref<16x64xi32, #tpu.memory_space<vmem>>) target_semaphore(%run_scoped3A : memref<!tpu.dma_semaphore, #tpu.memory_space<semaphore_mem>>)
          %dma_wait3A = arith.constant 0 : i32
          %dma_wait3A_84 = tpu.memref_slice %arg4[%mul3A_26, %dma_wait3A] : memref<2560x64xi32, #tpu.memory_space<hbm>> -> memref<16x64xi32, #tpu.memory_space<hbm>>
          %dma_wait3A_85 = arith.constant 0 : i32
          %dma_wait3A_86 = tpu.memref_slice %arg4[%mul3A_26, %dma_wait3A_85] : memref<2560x64xi32, #tpu.memory_space<hbm>> -> memref<16x64xi32, #tpu.memory_space<hbm>>
          tpu.wait_dma2 semaphore(%run_scoped3A : memref<!tpu.dma_semaphore, #tpu.memory_space<semaphore_mem>>) src(%dma_wait3A_86 : memref<16x64xi32, #tpu.memory_space<hbm>>) dst(%arg8 : memref<16x64xi32, #tpu.memory_space<vmem>>)
          tpu.yield
        }) : () -> ()
        "tpu.region"() ({
          %run_scoped3A = tpu.sem_alloc : memref<!tpu.dma_semaphore, #tpu.memory_space<semaphore_mem>>
          %dma_start3A_80 = arith.constant 0 : i32
          %dma_start3A_81 = tpu.memref_slice %arg5[%mul3A_26, %dma_start3A_80] : memref<2560x64xi32, #tpu.memory_space<hbm>> -> memref<16x64xi32, #tpu.memory_space<hbm>>
          %dma_start3A_82 = arith.constant 0 : i32
          %dma_start3A_83 = tpu.memref_slice %arg5[%mul3A_26, %dma_start3A_82] : memref<2560x64xi32, #tpu.memory_space<hbm>> -> memref<16x64xi32, #tpu.memory_space<hbm>>
          tpu.enqueue_dma source(%dma_start3A_83 : memref<16x64xi32, #tpu.memory_space<hbm>>) target(%arg9 : memref<16x64xi32, #tpu.memory_space<vmem>>) target_semaphore(%run_scoped3A : memref<!tpu.dma_semaphore, #tpu.memory_space<semaphore_mem>>)
          %dma_wait3A = arith.constant 0 : i32
          %dma_wait3A_84 = tpu.memref_slice %arg5[%mul3A_26, %dma_wait3A] : memref<2560x64xi32, #tpu.memory_space<hbm>> -> memref<16x64xi32, #tpu.memory_space<hbm>>
          %dma_wait3A_85 = arith.constant 0 : i32
          %dma_wait3A_86 = tpu.memref_slice %arg5[%mul3A_26, %dma_wait3A_85] : memref<2560x64xi32, #tpu.memory_space<hbm>> -> memref<16x64xi32, #tpu.memory_space<hbm>>
          tpu.wait_dma2 semaphore(%run_scoped3A : memref<!tpu.dma_semaphore, #tpu.memory_space<semaphore_mem>>) src(%dma_wait3A_86 : memref<16x64xi32, #tpu.memory_space<hbm>>) dst(%arg9 : memref<16x64xi32, #tpu.memory_space<vmem>>)
          tpu.yield
        }) : () -> ()
        %dma_start3A = arith.constant 0 : i32
        %dma_start3A_27 = arith.constant 0 : i32
        %dma_start3A_28 = arith.constant 0 : i32
        %dma_start3A_29 = arith.constant 0 : i32
        %dma_start3A_30 = tpu.memref_slice %arg10[%dma_start3A_27, %dma_start3A_28, %dma_start3A_29] : memref<4x64x128xf32, #tpu.memory_space<vmem>> -> memref<1x64x128xf32, #tpu.memory_space<vmem>>
        %dma_start3A_31 = tpu.memref_squeeze %dma_start3A_30 : memref<1x64x128xf32, #tpu.memory_space<vmem>> -> memref<64x128xf32, #tpu.memory_space<vmem>>
        %dma_start3A_32 = arith.constant 0 : i32
        %dma_start3A_33 = tpu.memref_slice %arg8[%dma_start3A, %dma_start3A_32] : memref<16x64xi32, #tpu.memory_space<vmem>> -> memref<1x64xi32, #tpu.memory_space<vmem>>
        %dma_start3A_34 = tpu.memref_squeeze %dma_start3A_33 : memref<1x64xi32, #tpu.memory_space<vmem>> -> memref<64xi32, #tpu.memory_space<vmem>>
        %dma_start3A_35 = arith.constant 0 : i32
        %dma_start3A_36 = arith.constant 0 : i32
        %dma_start3A_37 = tpu.memref_slice %arg2[%dma_start3A_35, %dma_start3A_36] : memref<10240x128xf32, #tpu.memory_space<hbm>> -> memref<10240x128xf32, #tpu.memory_space<hbm>>
        tpu.enqueue_indirect_dma source(%dma_start3A_37 : memref<10240x128xf32, #tpu.memory_space<hbm>>) target(%dma_start3A_31 : memref<64x128xf32, #tpu.memory_space<vmem>>) offsets(%dma_start3A_34 : memref<64xi32, #tpu.memory_space<vmem>>) semaphore(%arg12 : memref<!tpu.dma_semaphore, #tpu.memory_space<semaphore_mem>>)
        %dma_start3A_38 = arith.constant 1 : i32
        %dma_start3A_39 = arith.constant 1 : i32
        %dma_start3A_40 = arith.constant 0 : i32
        %dma_start3A_41 = arith.constant 0 : i32
        %dma_start3A_42 = tpu.memref_slice %arg10[%dma_start3A_39, %dma_start3A_40, %dma_start3A_41] : memref<4x64x128xf32, #tpu.memory_space<vmem>> -> memref<1x64x128xf32, #tpu.memory_space<vmem>>
        %dma_start3A_43 = tpu.memref_squeeze %dma_start3A_42 : memref<1x64x128xf32, #tpu.memory_space<vmem>> -> memref<64x128xf32, #tpu.memory_space<vmem>>
        %dma_start3A_44 = arith.constant 0 : i32
        %dma_start3A_45 = tpu.memref_slice %arg8[%dma_start3A_38, %dma_start3A_44] : memref<16x64xi32, #tpu.memory_space<vmem>> -> memref<1x64xi32, #tpu.memory_space<vmem>>
        %dma_start3A_46 = tpu.memref_squeeze %dma_start3A_45 : memref<1x64xi32, #tpu.memory_space<vmem>> -> memref<64xi32, #tpu.memory_space<vmem>>
        %dma_start3A_47 = arith.constant 0 : i32
        %dma_start3A_48 = arith.constant 0 : i32
        %dma_start3A_49 = tpu.memref_slice %arg2[%dma_start3A_47, %dma_start3A_48] : memref<10240x128xf32, #tpu.memory_space<hbm>> -> memref<10240x128xf32, #tpu.memory_space<hbm>>
        tpu.enqueue_indirect_dma source(%dma_start3A_49 : memref<10240x128xf32, #tpu.memory_space<hbm>>) target(%dma_start3A_43 : memref<64x128xf32, #tpu.memory_space<vmem>>) offsets(%dma_start3A_46 : memref<64xi32, #tpu.memory_space<vmem>>) semaphore(%arg13 : memref<!tpu.dma_semaphore, #tpu.memory_space<semaphore_mem>>)
        %dma_start3A_50 = arith.constant 2 : i32
        %dma_start3A_51 = arith.constant 2 : i32
        %dma_start3A_52 = arith.constant 0 : i32
        %dma_start3A_53 = arith.constant 0 : i32
        %dma_start3A_54 = tpu.memref_slice %arg10[%dma_start3A_51, %dma_start3A_52, %dma_start3A_53] : memref<4x64x128xf32, #tpu.memory_space<vmem>> -> memref<1x64x128xf32, #tpu.memory_space<vmem>>
        %dma_start3A_55 = tpu.memref_squeeze %dma_start3A_54 : memref<1x64x128xf32, #tpu.memory_space<vmem>> -> memref<64x128xf32, #tpu.memory_space<vmem>>
        %dma_start3A_56 = arith.constant 0 : i32
        %dma_start3A_57 = tpu.memref_slice %arg8[%dma_start3A_50, %dma_start3A_56] : memref<16x64xi32, #tpu.memory_space<vmem>> -> memref<1x64xi32, #tpu.memory_space<vmem>>
        %dma_start3A_58 = tpu.memref_squeeze %dma_start3A_57 : memref<1x64xi32, #tpu.memory_space<vmem>> -> memref<64xi32, #tpu.memory_space<vmem>>
        %dma_start3A_59 = arith.constant 0 : i32
        %dma_start3A_60 = arith.constant 0 : i32
        %dma_start3A_61 = tpu.memref_slice %arg2[%dma_start3A_59, %dma_start3A_60] : memref<10240x128xf32, #tpu.memory_space<hbm>> -> memref<10240x128xf32, #tpu.memory_space<hbm>>
        tpu.enqueue_indirect_dma source(%dma_start3A_61 : memref<10240x128xf32, #tpu.memory_space<hbm>>) target(%dma_start3A_55 : memref<64x128xf32, #tpu.memory_space<vmem>>) offsets(%dma_start3A_58 : memref<64xi32, #tpu.memory_space<vmem>>) semaphore(%arg14 : memref<!tpu.dma_semaphore, #tpu.memory_space<semaphore_mem>>)
        %dma_start3A_62 = arith.constant 3 : i32
        %dma_start3A_63 = arith.constant 3 : i32
        %dma_start3A_64 = arith.constant 0 : i32
        %dma_start3A_65 = arith.constant 0 : i32
        %dma_start3A_66 = tpu.memref_slice %arg10[%dma_start3A_63, %dma_start3A_64, %dma_start3A_65] : memref<4x64x128xf32, #tpu.memory_space<vmem>> -> memref<1x64x128xf32, #tpu.memory_space<vmem>>
        %dma_start3A_67 = tpu.memref_squeeze %dma_start3A_66 : memref<1x64x128xf32, #tpu.memory_space<vmem>> -> memref<64x128xf32, #tpu.memory_space<vmem>>
        %dma_start3A_68 = arith.constant 0 : i32
        %dma_start3A_69 = tpu.memref_slice %arg8[%dma_start3A_62, %dma_start3A_68] : memref<16x64xi32, #tpu.memory_space<vmem>> -> memref<1x64xi32, #tpu.memory_space<vmem>>
        %dma_start3A_70 = tpu.memref_squeeze %dma_start3A_69 : memref<1x64xi32, #tpu.memory_space<vmem>> -> memref<64xi32, #tpu.memory_space<vmem>>
        %dma_start3A_71 = arith.constant 0 : i32
        %dma_start3A_72 = arith.constant 0 : i32
        %dma_start3A_73 = tpu.memref_slice %arg2[%dma_start3A_71, %dma_start3A_72] : memref<10240x128xf32, #tpu.memory_space<hbm>> -> memref<10240x128xf32, #tpu.memory_space<hbm>>
        tpu.enqueue_indirect_dma source(%dma_start3A_73 : memref<10240x128xf32, #tpu.memory_space<hbm>>) target(%dma_start3A_67 : memref<64x128xf32, #tpu.memory_space<vmem>>) offsets(%dma_start3A_70 : memref<64xi32, #tpu.memory_space<vmem>>) semaphore(%arg15 : memref<!tpu.dma_semaphore, #tpu.memory_space<semaphore_mem>>)
        %scan3A_74 = arith.constant 0 : i32
        %scan3A_75 = arith.constant 0 : i32
        %scan3A_76 = arith.constant 4 : i32
        %scan3A_77 = arith.addi %scan3A_75, %scan3A_76 : i32
        %scan3A_78 = arith.constant 1 : i32
        scf.for %scan3A_80 = %scan3A_75 to %scan3A_77 step %scan3A_78  : i32 {
          %mul3A_81 = arith.constant 4 : i32
          %mul3A_82 = arith.muli %scan3A_80, %mul3A_81 : i32
          %add3A_83 = arith.constant 0 : i32
          %add3A_84 = arith.addi %mul3A_82, %add3A_83 : i32
          %dma_wait3A = arith.constant 0 : i32
          %dma_wait3A_85 = arith.constant 0 : i32
          %dma_wait3A_86 = arith.constant 0 : i32
          %dma_wait3A_87 = tpu.memref_slice %arg10[%dma_wait3A, %dma_wait3A_85, %dma_wait3A_86] : memref<4x64x128xf32, #tpu.memory_space<vmem>> -> memref<1x64x128xf32, #tpu.memory_space<vmem>>
          %dma_wait3A_88 = tpu.memref_squeeze %dma_wait3A_87 : memref<1x64x128xf32, #tpu.memory_space<vmem>> -> memref<64x128xf32, #tpu.memory_space<vmem>>
          %dma_wait3A_89 = arith.constant 0 : i32
          %dma_wait3A_90 = tpu.memref_slice %arg8[%add3A_84, %dma_wait3A_89] : memref<16x64xi32, #tpu.memory_space<vmem>> -> memref<1x64xi32, #tpu.memory_space<vmem>>
          %dma_wait3A_91 = tpu.memref_squeeze %dma_wait3A_90 : memref<1x64xi32, #tpu.memory_space<vmem>> -> memref<64xi32, #tpu.memory_space<vmem>>
          %dma_wait3A_92 = arith.constant 0 : i32
          %dma_wait3A_93 = arith.constant 0 : i32
          %dma_wait3A_94 = tpu.memref_slice %arg2[%dma_wait3A_92, %dma_wait3A_93] : memref<10240x128xf32, #tpu.memory_space<hbm>> -> memref<10240x128xf32, #tpu.memory_space<hbm>>
          tpu.wait_indirect_dma semaphore(%arg12 : memref<!tpu.dma_semaphore, #tpu.memory_space<semaphore_mem>>) src(%dma_wait3A_94 : memref<10240x128xf32, #tpu.memory_space<hbm>>) dst(%dma_wait3A_88 : memref<64x128xf32, #tpu.memory_space<vmem>>)
          %add3A_95 = arith.constant 0 : i32
          %add3A_96 = arith.addi %mul3A_82, %add3A_95 : i32
          %run_scoped3A = arith.constant 0 : i32
          "tpu.region"() ({
            %run_scoped3A_180 = tpu.sem_alloc : memref<!tpu.dma_semaphore, #tpu.memory_space<semaphore_mem>>
            %dma_start3A_181 = arith.constant 0 : i32
            %dma_start3A_182 = arith.constant 0 : i32
            %dma_start3A_183 = tpu.memref_slice %arg10[%run_scoped3A, %dma_start3A_181, %dma_start3A_182] : memref<4x64x128xf32, #tpu.memory_space<vmem>> -> memref<1x64x128xf32, #tpu.memory_space<vmem>>
            %dma_start3A_184 = tpu.memref_squeeze %dma_start3A_183 : memref<1x64x128xf32, #tpu.memory_space<vmem>> -> memref<64x128xf32, #tpu.memory_space<vmem>>
            %dma_start3A_185 = arith.constant 0 : i32
            %dma_start3A_186 = tpu.memref_slice %arg9[%add3A_96, %dma_start3A_185] : memref<16x64xi32, #tpu.memory_space<vmem>> -> memref<1x64xi32, #tpu.memory_space<vmem>>
            %dma_start3A_187 = tpu.memref_squeeze %dma_start3A_186 : memref<1x64xi32, #tpu.memory_space<vmem>> -> memref<64xi32, #tpu.memory_space<vmem>>
            %dma_start3A_188 = arith.constant 0 : i32
            %dma_start3A_189 = arith.constant 0 : i32
            %dma_start3A_190 = tpu.memref_slice %arg11[%dma_start3A_188, %dma_start3A_189] : memref<10240x128xf32, #tpu.memory_space<vmem_shared>> -> memref<10240x128xf32, #tpu.memory_space<vmem_shared>>
            tpu.enqueue_indirect_dma source(%dma_start3A_184 : memref<64x128xf32, #tpu.memory_space<vmem>>) target(%dma_start3A_190 : memref<10240x128xf32, #tpu.memory_space<vmem_shared>>) offsets(%dma_start3A_187 : memref<64xi32, #tpu.memory_space<vmem>>) semaphore(%run_scoped3A_180 : memref<!tpu.dma_semaphore, #tpu.memory_space<semaphore_mem>>) {add = true}
            %dma_wait3A_191 = arith.constant 0 : i32
            %dma_wait3A_192 = arith.constant 0 : i32
            %dma_wait3A_193 = tpu.memref_slice %arg10[%run_scoped3A, %dma_wait3A_191, %dma_wait3A_192] : memref<4x64x128xf32, #tpu.memory_space<vmem>> -> memref<1x64x128xf32, #tpu.memory_space<vmem>>
            %dma_wait3A_194 = tpu.memref_squeeze %dma_wait3A_193 : memref<1x64x128xf32, #tpu.memory_space<vmem>> -> memref<64x128xf32, #tpu.memory_space<vmem>>
            %dma_wait3A_195 = arith.constant 0 : i32
            %dma_wait3A_196 = tpu.memref_slice %arg9[%add3A_96, %dma_wait3A_195] : memref<16x64xi32, #tpu.memory_space<vmem>> -> memref<1x64xi32, #tpu.memory_space<vmem>>
            %dma_wait3A_197 = tpu.memref_squeeze %dma_wait3A_196 : memref<1x64xi32, #tpu.memory_space<vmem>> -> memref<64xi32, #tpu.memory_space<vmem>>
            %dma_wait3A_198 = arith.constant 0 : i32
            %dma_wait3A_199 = arith.constant 0 : i32
            %dma_wait3A_200 = tpu.memref_slice %arg11[%dma_wait3A_198, %dma_wait3A_199] : memref<10240x128xf32, #tpu.memory_space<vmem_shared>> -> memref<10240x128xf32, #tpu.memory_space<vmem_shared>>
            tpu.wait_indirect_dma semaphore(%run_scoped3A_180 : memref<!tpu.dma_semaphore, #tpu.memory_space<semaphore_mem>>) src(%dma_wait3A_194 : memref<64x128xf32, #tpu.memory_space<vmem>>) dst(%dma_wait3A_200 : memref<10240x128xf32, #tpu.memory_space<vmem_shared>>)
            tpu.yield
          }) : () -> ()
          %add3A_97 = arith.constant 0 : i32
          %add3A_98 = arith.addi %mul3A_82, %add3A_97 : i32
          %add3A_99 = arith.constant 4 : i32
          %add3A_100 = arith.addi %add3A_98, %add3A_99 : i32
          %lt3A = arith.constant 16 : i32
          %lt3A_101 = arith.cmpi slt, %add3A_100, %lt3A : i32
          %convert_element_type3A_102 = arith.extui %lt3A_101 : i1 to i32
          %cond3A_103 = arith.constant 0 : i32
          %cond3A_104 = arith.cmpi ne, %convert_element_type3A_102, %cond3A_103 : i32
          scf.if %cond3A_104 {
            %add3A_180 = arith.constant 0 : i32
            %add3A_181 = arith.addi %mul3A_82, %add3A_180 : i32
            %add3A_182 = arith.constant 4 : i32
            %add3A_183 = arith.addi %add3A_181, %add3A_182 : i32
            %dma_start3A_184 = arith.constant 0 : i32
            %dma_start3A_185 = arith.constant 0 : i32
            %dma_start3A_186 = arith.constant 0 : i32
            %dma_start3A_187 = tpu.memref_slice %arg10[%dma_start3A_184, %dma_start3A_185, %dma_start3A_186] : memref<4x64x128xf32, #tpu.memory_space<vmem>> -> memref<1x64x128xf32, #tpu.memory_space<vmem>>
            %dma_start3A_188 = tpu.memref_squeeze %dma_start3A_187 : memref<1x64x128xf32, #tpu.memory_space<vmem>> -> memref<64x128xf32, #tpu.memory_space<vmem>>
            %dma_start3A_189 = arith.constant 0 : i32
            %dma_start3A_190 = tpu.memref_slice %arg8[%add3A_183, %dma_start3A_189] : memref<16x64xi32, #tpu.memory_space<vmem>> -> memref<1x64xi32, #tpu.memory_space<vmem>>
            %dma_start3A_191 = tpu.memref_squeeze %dma_start3A_190 : memref<1x64xi32, #tpu.memory_space<vmem>> -> memref<64xi32, #tpu.memory_space<vmem>>
            %dma_start3A_192 = arith.constant 0 : i32
            %dma_start3A_193 = arith.constant 0 : i32
            %dma_start3A_194 = tpu.memref_slice %arg2[%dma_start3A_192, %dma_start3A_193] : memref<10240x128xf32, #tpu.memory_space<hbm>> -> memref<10240x128xf32, #tpu.memory_space<hbm>>
            tpu.enqueue_indirect_dma source(%dma_start3A_194 : memref<10240x128xf32, #tpu.memory_space<hbm>>) target(%dma_start3A_188 : memref<64x128xf32, #tpu.memory_space<vmem>>) offsets(%dma_start3A_191 : memref<64xi32, #tpu.memory_space<vmem>>) semaphore(%arg12 : memref<!tpu.dma_semaphore, #tpu.memory_space<semaphore_mem>>)
          } else {
          }
          %add3A_105 = arith.constant 1 : i32
          %add3A_106 = arith.addi %mul3A_82, %add3A_105 : i32
          %dma_wait3A_107 = arith.constant 1 : i32
          %dma_wait3A_108 = arith.constant 0 : i32
          %dma_wait3A_109 = arith.constant 0 : i32
          %dma_wait3A_110 = tpu.memref_slice %arg10[%dma_wait3A_107, %dma_wait3A_108, %dma_wait3A_109] : memref<4x64x128xf32, #tpu.memory_space<vmem>> -> memref<1x64x128xf32, #tpu.memory_space<vmem>>
          %dma_wait3A_111 = tpu.memref_squeeze %dma_wait3A_110 : memref<1x64x128xf32, #tpu.memory_space<vmem>> -> memref<64x128xf32, #tpu.memory_space<vmem>>
          %dma_wait3A_112 = arith.constant 0 : i32
          %dma_wait3A_113 = tpu.memref_slice %arg8[%add3A_106, %dma_wait3A_112] : memref<16x64xi32, #tpu.memory_space<vmem>> -> memref<1x64xi32, #tpu.memory_space<vmem>>
          %dma_wait3A_114 = tpu.memref_squeeze %dma_wait3A_113 : memref<1x64xi32, #tpu.memory_space<vmem>> -> memref<64xi32, #tpu.memory_space<vmem>>
          %dma_wait3A_115 = arith.constant 0 : i32
          %dma_wait3A_116 = arith.constant 0 : i32
          %dma_wait3A_117 = tpu.memref_slice %arg2[%dma_wait3A_115, %dma_wait3A_116] : memref<10240x128xf32, #tpu.memory_space<hbm>> -> memref<10240x128xf32, #tpu.memory_space<hbm>>
          tpu.wait_indirect_dma semaphore(%arg13 : memref<!tpu.dma_semaphore, #tpu.memory_space<semaphore_mem>>) src(%dma_wait3A_117 : memref<10240x128xf32, #tpu.memory_space<hbm>>) dst(%dma_wait3A_111 : memref<64x128xf32, #tpu.memory_space<vmem>>)
          %add3A_118 = arith.constant 1 : i32
          %add3A_119 = arith.addi %mul3A_82, %add3A_118 : i32
          %run_scoped3A_120 = arith.constant 1 : i32
          "tpu.region"() ({
            %run_scoped3A_180 = tpu.sem_alloc : memref<!tpu.dma_semaphore, #tpu.memory_space<semaphore_mem>>
            %dma_start3A_181 = arith.constant 0 : i32
            %dma_start3A_182 = arith.constant 0 : i32
            %dma_start3A_183 = tpu.memref_slice %arg10[%run_scoped3A_120, %dma_start3A_181, %dma_start3A_182] : memref<4x64x128xf32, #tpu.memory_space<vmem>> -> memref<1x64x128xf32, #tpu.memory_space<vmem>>
            %dma_start3A_184 = tpu.memref_squeeze %dma_start3A_183 : memref<1x64x128xf32, #tpu.memory_space<vmem>> -> memref<64x128xf32, #tpu.memory_space<vmem>>
            %dma_start3A_185 = arith.constant 0 : i32
            %dma_start3A_186 = tpu.memref_slice %arg9[%add3A_119, %dma_start3A_185] : memref<16x64xi32, #tpu.memory_space<vmem>> -> memref<1x64xi32, #tpu.memory_space<vmem>>
            %dma_start3A_187 = tpu.memref_squeeze %dma_start3A_186 : memref<1x64xi32, #tpu.memory_space<vmem>> -> memref<64xi32, #tpu.memory_space<vmem>>
            %dma_start3A_188 = arith.constant 0 : i32
            %dma_start3A_189 = arith.constant 0 : i32
            %dma_start3A_190 = tpu.memref_slice %arg11[%dma_start3A_188, %dma_start3A_189] : memref<10240x128xf32, #tpu.memory_space<vmem_shared>> -> memref<10240x128xf32, #tpu.memory_space<vmem_shared>>
            tpu.enqueue_indirect_dma source(%dma_start3A_184 : memref<64x128xf32, #tpu.memory_space<vmem>>) target(%dma_start3A_190 : memref<10240x128xf32, #tpu.memory_space<vmem_shared>>) offsets(%dma_start3A_187 : memref<64xi32, #tpu.memory_space<vmem>>) semaphore(%run_scoped3A_180 : memref<!tpu.dma_semaphore, #tpu.memory_space<semaphore_mem>>) {add = true}
            %dma_wait3A_191 = arith.constant 0 : i32
            %dma_wait3A_192 = arith.constant 0 : i32
            %dma_wait3A_193 = tpu.memref_slice %arg10[%run_scoped3A_120, %dma_wait3A_191, %dma_wait3A_192] : memref<4x64x128xf32, #tpu.memory_space<vmem>> -> memref<1x64x128xf32, #tpu.memory_space<vmem>>
            %dma_wait3A_194 = tpu.memref_squeeze %dma_wait3A_193 : memref<1x64x128xf32, #tpu.memory_space<vmem>> -> memref<64x128xf32, #tpu.memory_space<vmem>>
            %dma_wait3A_195 = arith.constant 0 : i32
            %dma_wait3A_196 = tpu.memref_slice %arg9[%add3A_119, %dma_wait3A_195] : memref<16x64xi32, #tpu.memory_space<vmem>> -> memref<1x64xi32, #tpu.memory_space<vmem>>
            %dma_wait3A_197 = tpu.memref_squeeze %dma_wait3A_196 : memref<1x64xi32, #tpu.memory_space<vmem>> -> memref<64xi32, #tpu.memory_space<vmem>>
            %dma_wait3A_198 = arith.constant 0 : i32
            %dma_wait3A_199 = arith.constant 0 : i32
            %dma_wait3A_200 = tpu.memref_slice %arg11[%dma_wait3A_198, %dma_wait3A_199] : memref<10240x128xf32, #tpu.memory_space<vmem_shared>> -> memref<10240x128xf32, #tpu.memory_space<vmem_shared>>
            tpu.wait_indirect_dma semaphore(%run_scoped3A_180 : memref<!tpu.dma_semaphore, #tpu.memory_space<semaphore_mem>>) src(%dma_wait3A_194 : memref<64x128xf32, #tpu.memory_space<vmem>>) dst(%dma_wait3A_200 : memref<10240x128xf32, #tpu.memory_space<vmem_shared>>)
            tpu.yield
          }) : () -> ()
          %add3A_121 = arith.constant 1 : i32
          %add3A_122 = arith.addi %mul3A_82, %add3A_121 : i32
          %add3A_123 = arith.constant 4 : i32
          %add3A_124 = arith.addi %add3A_122, %add3A_123 : i32
          %lt3A_125 = arith.constant 16 : i32
          %lt3A_126 = arith.cmpi slt, %add3A_124, %lt3A_125 : i32
          %convert_element_type3A_127 = arith.extui %lt3A_126 : i1 to i32
          %cond3A_128 = arith.constant 0 : i32
          %cond3A_129 = arith.cmpi ne, %convert_element_type3A_127, %cond3A_128 : i32
          scf.if %cond3A_129 {
            %add3A_180 = arith.constant 1 : i32
            %add3A_181 = arith.addi %mul3A_82, %add3A_180 : i32
            %add3A_182 = arith.constant 4 : i32
            %add3A_183 = arith.addi %add3A_181, %add3A_182 : i32
            %dma_start3A_184 = arith.constant 1 : i32
            %dma_start3A_185 = arith.constant 0 : i32
            %dma_start3A_186 = arith.constant 0 : i32
            %dma_start3A_187 = tpu.memref_slice %arg10[%dma_start3A_184, %dma_start3A_185, %dma_start3A_186] : memref<4x64x128xf32, #tpu.memory_space<vmem>> -> memref<1x64x128xf32, #tpu.memory_space<vmem>>
            %dma_start3A_188 = tpu.memref_squeeze %dma_start3A_187 : memref<1x64x128xf32, #tpu.memory_space<vmem>> -> memref<64x128xf32, #tpu.memory_space<vmem>>
            %dma_start3A_189 = arith.constant 0 : i32
            %dma_start3A_190 = tpu.memref_slice %arg8[%add3A_183, %dma_start3A_189] : memref<16x64xi32, #tpu.memory_space<vmem>> -> memref<1x64xi32, #tpu.memory_space<vmem>>
            %dma_start3A_191 = tpu.memref_squeeze %dma_start3A_190 : memref<1x64xi32, #tpu.memory_space<vmem>> -> memref<64xi32, #tpu.memory_space<vmem>>
            %dma_start3A_192 = arith.constant 0 : i32
            %dma_start3A_193 = arith.constant 0 : i32
            %dma_start3A_194 = tpu.memref_slice %arg2[%dma_start3A_192, %dma_start3A_193] : memref<10240x128xf32, #tpu.memory_space<hbm>> -> memref<10240x128xf32, #tpu.memory_space<hbm>>
            tpu.enqueue_indirect_dma source(%dma_start3A_194 : memref<10240x128xf32, #tpu.memory_space<hbm>>) target(%dma_start3A_188 : memref<64x128xf32, #tpu.memory_space<vmem>>) offsets(%dma_start3A_191 : memref<64xi32, #tpu.memory_space<vmem>>) semaphore(%arg13 : memref<!tpu.dma_semaphore, #tpu.memory_space<semaphore_mem>>)
          } else {
          }
          %add3A_130 = arith.constant 2 : i32
          %add3A_131 = arith.addi %mul3A_82, %add3A_130 : i32
          %dma_wait3A_132 = arith.constant 2 : i32
          %dma_wait3A_133 = arith.constant 0 : i32
          %dma_wait3A_134 = arith.constant 0 : i32
          %dma_wait3A_135 = tpu.memref_slice %arg10[%dma_wait3A_132, %dma_wait3A_133, %dma_wait3A_134] : memref<4x64x128xf32, #tpu.memory_space<vmem>> -> memref<1x64x128xf32, #tpu.memory_space<vmem>>
          %dma_wait3A_136 = tpu.memref_squeeze %dma_wait3A_135 : memref<1x64x128xf32, #tpu.memory_space<vmem>> -> memref<64x128xf32, #tpu.memory_space<vmem>>
          %dma_wait3A_137 = arith.constant 0 : i32
          %dma_wait3A_138 = tpu.memref_slice %arg8[%add3A_131, %dma_wait3A_137] : memref<16x64xi32, #tpu.memory_space<vmem>> -> memref<1x64xi32, #tpu.memory_space<vmem>>
          %dma_wait3A_139 = tpu.memref_squeeze %dma_wait3A_138 : memref<1x64xi32, #tpu.memory_space<vmem>> -> memref<64xi32, #tpu.memory_space<vmem>>
          %dma_wait3A_140 = arith.constant 0 : i32
          %dma_wait3A_141 = arith.constant 0 : i32
          %dma_wait3A_142 = tpu.memref_slice %arg2[%dma_wait3A_140, %dma_wait3A_141] : memref<10240x128xf32, #tpu.memory_space<hbm>> -> memref<10240x128xf32, #tpu.memory_space<hbm>>
          tpu.wait_indirect_dma semaphore(%arg14 : memref<!tpu.dma_semaphore, #tpu.memory_space<semaphore_mem>>) src(%dma_wait3A_142 : memref<10240x128xf32, #tpu.memory_space<hbm>>) dst(%dma_wait3A_136 : memref<64x128xf32, #tpu.memory_space<vmem>>)
          %add3A_143 = arith.constant 2 : i32
          %add3A_144 = arith.addi %mul3A_82, %add3A_143 : i32
          %run_scoped3A_145 = arith.constant 2 : i32
          "tpu.region"() ({
            %run_scoped3A_180 = tpu.sem_alloc : memref<!tpu.dma_semaphore, #tpu.memory_space<semaphore_mem>>
            %dma_start3A_181 = arith.constant 0 : i32
            %dma_start3A_182 = arith.constant 0 : i32
            %dma_start3A_183 = tpu.memref_slice %arg10[%run_scoped3A_145, %dma_start3A_181, %dma_start3A_182] : memref<4x64x128xf32, #tpu.memory_space<vmem>> -> memref<1x64x128xf32, #tpu.memory_space<vmem>>
            %dma_start3A_184 = tpu.memref_squeeze %dma_start3A_183 : memref<1x64x128xf32, #tpu.memory_space<vmem>> -> memref<64x128xf32, #tpu.memory_space<vmem>>
            %dma_start3A_185 = arith.constant 0 : i32
            %dma_start3A_186 = tpu.memref_slice %arg9[%add3A_144, %dma_start3A_185] : memref<16x64xi32, #tpu.memory_space<vmem>> -> memref<1x64xi32, #tpu.memory_space<vmem>>
            %dma_start3A_187 = tpu.memref_squeeze %dma_start3A_186 : memref<1x64xi32, #tpu.memory_space<vmem>> -> memref<64xi32, #tpu.memory_space<vmem>>
            %dma_start3A_188 = arith.constant 0 : i32
            %dma_start3A_189 = arith.constant 0 : i32
            %dma_start3A_190 = tpu.memref_slice %arg11[%dma_start3A_188, %dma_start3A_189] : memref<10240x128xf32, #tpu.memory_space<vmem_shared>> -> memref<10240x128xf32, #tpu.memory_space<vmem_shared>>
            tpu.enqueue_indirect_dma source(%dma_start3A_184 : memref<64x128xf32, #tpu.memory_space<vmem>>) target(%dma_start3A_190 : memref<10240x128xf32, #tpu.memory_space<vmem_shared>>) offsets(%dma_start3A_187 : memref<64xi32, #tpu.memory_space<vmem>>) semaphore(%run_scoped3A_180 : memref<!tpu.dma_semaphore, #tpu.memory_space<semaphore_mem>>) {add = true}
            %dma_wait3A_191 = arith.constant 0 : i32
            %dma_wait3A_192 = arith.constant 0 : i32
            %dma_wait3A_193 = tpu.memref_slice %arg10[%run_scoped3A_145, %dma_wait3A_191, %dma_wait3A_192] : memref<4x64x128xf32, #tpu.memory_space<vmem>> -> memref<1x64x128xf32, #tpu.memory_space<vmem>>
            %dma_wait3A_194 = tpu.memref_squeeze %dma_wait3A_193 : memref<1x64x128xf32, #tpu.memory_space<vmem>> -> memref<64x128xf32, #tpu.memory_space<vmem>>
            %dma_wait3A_195 = arith.constant 0 : i32
            %dma_wait3A_196 = tpu.memref_slice %arg9[%add3A_144, %dma_wait3A_195] : memref<16x64xi32, #tpu.memory_space<vmem>> -> memref<1x64xi32, #tpu.memory_space<vmem>>
            %dma_wait3A_197 = tpu.memref_squeeze %dma_wait3A_196 : memref<1x64xi32, #tpu.memory_space<vmem>> -> memref<64xi32, #tpu.memory_space<vmem>>
            %dma_wait3A_198 = arith.constant 0 : i32
            %dma_wait3A_199 = arith.constant 0 : i32
            %dma_wait3A_200 = tpu.memref_slice %arg11[%dma_wait3A_198, %dma_wait3A_199] : memref<10240x128xf32, #tpu.memory_space<vmem_shared>> -> memref<10240x128xf32, #tpu.memory_space<vmem_shared>>
            tpu.wait_indirect_dma semaphore(%run_scoped3A_180 : memref<!tpu.dma_semaphore, #tpu.memory_space<semaphore_mem>>) src(%dma_wait3A_194 : memref<64x128xf32, #tpu.memory_space<vmem>>) dst(%dma_wait3A_200 : memref<10240x128xf32, #tpu.memory_space<vmem_shared>>)
            tpu.yield
          }) : () -> ()
          %add3A_146 = arith.constant 2 : i32
          %add3A_147 = arith.addi %mul3A_82, %add3A_146 : i32
          %add3A_148 = arith.constant 4 : i32
          %add3A_149 = arith.addi %add3A_147, %add3A_148 : i32
          %lt3A_150 = arith.constant 16 : i32
          %lt3A_151 = arith.cmpi slt, %add3A_149, %lt3A_150 : i32
          %convert_element_type3A_152 = arith.extui %lt3A_151 : i1 to i32
          %cond3A_153 = arith.constant 0 : i32
          %cond3A_154 = arith.cmpi ne, %convert_element_type3A_152, %cond3A_153 : i32
          scf.if %cond3A_154 {
            %add3A_180 = arith.constant 2 : i32
            %add3A_181 = arith.addi %mul3A_82, %add3A_180 : i32
            %add3A_182 = arith.constant 4 : i32
            %add3A_183 = arith.addi %add3A_181, %add3A_182 : i32
            %dma_start3A_184 = arith.constant 2 : i32
            %dma_start3A_185 = arith.constant 0 : i32
            %dma_start3A_186 = arith.constant 0 : i32
            %dma_start3A_187 = tpu.memref_slice %arg10[%dma_start3A_184, %dma_start3A_185, %dma_start3A_186] : memref<4x64x128xf32, #tpu.memory_space<vmem>> -> memref<1x64x128xf32, #tpu.memory_space<vmem>>
            %dma_start3A_188 = tpu.memref_squeeze %dma_start3A_187 : memref<1x64x128xf32, #tpu.memory_space<vmem>> -> memref<64x128xf32, #tpu.memory_space<vmem>>
            %dma_start3A_189 = arith.constant 0 : i32
            %dma_start3A_190 = tpu.memref_slice %arg8[%add3A_183, %dma_start3A_189] : memref<16x64xi32, #tpu.memory_space<vmem>> -> memref<1x64xi32, #tpu.memory_space<vmem>>
            %dma_start3A_191 = tpu.memref_squeeze %dma_start3A_190 : memref<1x64xi32, #tpu.memory_space<vmem>> -> memref<64xi32, #tpu.memory_space<vmem>>
            %dma_start3A_192 = arith.constant 0 : i32
            %dma_start3A_193 = arith.constant 0 : i32
            %dma_start3A_194 = tpu.memref_slice %arg2[%dma_start3A_192, %dma_start3A_193] : memref<10240x128xf32, #tpu.memory_space<hbm>> -> memref<10240x128xf32, #tpu.memory_space<hbm>>
            tpu.enqueue_indirect_dma source(%dma_start3A_194 : memref<10240x128xf32, #tpu.memory_space<hbm>>) target(%dma_start3A_188 : memref<64x128xf32, #tpu.memory_space<vmem>>) offsets(%dma_start3A_191 : memref<64xi32, #tpu.memory_space<vmem>>) semaphore(%arg14 : memref<!tpu.dma_semaphore, #tpu.memory_space<semaphore_mem>>)
          } else {
          }
          %add3A_155 = arith.constant 3 : i32
          %add3A_156 = arith.addi %mul3A_82, %add3A_155 : i32
          %dma_wait3A_157 = arith.constant 3 : i32
          %dma_wait3A_158 = arith.constant 0 : i32
          %dma_wait3A_159 = arith.constant 0 : i32
          %dma_wait3A_160 = tpu.memref_slice %arg10[%dma_wait3A_157, %dma_wait3A_158, %dma_wait3A_159] : memref<4x64x128xf32, #tpu.memory_space<vmem>> -> memref<1x64x128xf32, #tpu.memory_space<vmem>>
          %dma_wait3A_161 = tpu.memref_squeeze %dma_wait3A_160 : memref<1x64x128xf32, #tpu.memory_space<vmem>> -> memref<64x128xf32, #tpu.memory_space<vmem>>
          %dma_wait3A_162 = arith.constant 0 : i32
          %dma_wait3A_163 = tpu.memref_slice %arg8[%add3A_156, %dma_wait3A_162] : memref<16x64xi32, #tpu.memory_space<vmem>> -> memref<1x64xi32, #tpu.memory_space<vmem>>
          %dma_wait3A_164 = tpu.memref_squeeze %dma_wait3A_163 : memref<1x64xi32, #tpu.memory_space<vmem>> -> memref<64xi32, #tpu.memory_space<vmem>>
          %dma_wait3A_165 = arith.constant 0 : i32
          %dma_wait3A_166 = arith.constant 0 : i32
          %dma_wait3A_167 = tpu.memref_slice %arg2[%dma_wait3A_165, %dma_wait3A_166] : memref<10240x128xf32, #tpu.memory_space<hbm>> -> memref<10240x128xf32, #tpu.memory_space<hbm>>
          tpu.wait_indirect_dma semaphore(%arg15 : memref<!tpu.dma_semaphore, #tpu.memory_space<semaphore_mem>>) src(%dma_wait3A_167 : memref<10240x128xf32, #tpu.memory_space<hbm>>) dst(%dma_wait3A_161 : memref<64x128xf32, #tpu.memory_space<vmem>>)
          %add3A_168 = arith.constant 3 : i32
          %add3A_169 = arith.addi %mul3A_82, %add3A_168 : i32
          %run_scoped3A_170 = arith.constant 3 : i32
          "tpu.region"() ({
            %run_scoped3A_180 = tpu.sem_alloc : memref<!tpu.dma_semaphore, #tpu.memory_space<semaphore_mem>>
            %dma_start3A_181 = arith.constant 0 : i32
            %dma_start3A_182 = arith.constant 0 : i32
            %dma_start3A_183 = tpu.memref_slice %arg10[%run_scoped3A_170, %dma_start3A_181, %dma_start3A_182] : memref<4x64x128xf32, #tpu.memory_space<vmem>> -> memref<1x64x128xf32, #tpu.memory_space<vmem>>
            %dma_start3A_184 = tpu.memref_squeeze %dma_start3A_183 : memref<1x64x128xf32, #tpu.memory_space<vmem>> -> memref<64x128xf32, #tpu.memory_space<vmem>>
            %dma_start3A_185 = arith.constant 0 : i32
            %dma_start3A_186 = tpu.memref_slice %arg9[%add3A_169, %dma_start3A_185] : memref<16x64xi32, #tpu.memory_space<vmem>> -> memref<1x64xi32, #tpu.memory_space<vmem>>
            %dma_start3A_187 = tpu.memref_squeeze %dma_start3A_186 : memref<1x64xi32, #tpu.memory_space<vmem>> -> memref<64xi32, #tpu.memory_space<vmem>>
            %dma_start3A_188 = arith.constant 0 : i32
            %dma_start3A_189 = arith.constant 0 : i32
            %dma_start3A_190 = tpu.memref_slice %arg11[%dma_start3A_188, %dma_start3A_189] : memref<10240x128xf32, #tpu.memory_space<vmem_shared>> -> memref<10240x128xf32, #tpu.memory_space<vmem_shared>>
            tpu.enqueue_indirect_dma source(%dma_start3A_184 : memref<64x128xf32, #tpu.memory_space<vmem>>) target(%dma_start3A_190 : memref<10240x128xf32, #tpu.memory_space<vmem_shared>>) offsets(%dma_start3A_187 : memref<64xi32, #tpu.memory_space<vmem>>) semaphore(%run_scoped3A_180 : memref<!tpu.dma_semaphore, #tpu.memory_space<semaphore_mem>>) {add = true}
            %dma_wait3A_191 = arith.constant 0 : i32
            %dma_wait3A_192 = arith.constant 0 : i32
            %dma_wait3A_193 = tpu.memref_slice %arg10[%run_scoped3A_170, %dma_wait3A_191, %dma_wait3A_192] : memref<4x64x128xf32, #tpu.memory_space<vmem>> -> memref<1x64x128xf32, #tpu.memory_space<vmem>>
            %dma_wait3A_194 = tpu.memref_squeeze %dma_wait3A_193 : memref<1x64x128xf32, #tpu.memory_space<vmem>> -> memref<64x128xf32, #tpu.memory_space<vmem>>
            %dma_wait3A_195 = arith.constant 0 : i32
            %dma_wait3A_196 = tpu.memref_slice %arg9[%add3A_169, %dma_wait3A_195] : memref<16x64xi32, #tpu.memory_space<vmem>> -> memref<1x64xi32, #tpu.memory_space<vmem>>
            %dma_wait3A_197 = tpu.memref_squeeze %dma_wait3A_196 : memref<1x64xi32, #tpu.memory_space<vmem>> -> memref<64xi32, #tpu.memory_space<vmem>>
            %dma_wait3A_198 = arith.constant 0 : i32
            %dma_wait3A_199 = arith.constant 0 : i32
            %dma_wait3A_200 = tpu.memref_slice %arg11[%dma_wait3A_198, %dma_wait3A_199] : memref<10240x128xf32, #tpu.memory_space<vmem_shared>> -> memref<10240x128xf32, #tpu.memory_space<vmem_shared>>
            tpu.wait_indirect_dma semaphore(%run_scoped3A_180 : memref<!tpu.dma_semaphore, #tpu.memory_space<semaphore_mem>>) src(%dma_wait3A_194 : memref<64x128xf32, #tpu.memory_space<vmem>>) dst(%dma_wait3A_200 : memref<10240x128xf32, #tpu.memory_space<vmem_shared>>)
            tpu.yield
          }) : () -> ()
          %add3A_171 = arith.constant 3 : i32
          %add3A_172 = arith.addi %mul3A_82, %add3A_171 : i32
          %add3A_173 = arith.constant 4 : i32
          %add3A_174 = arith.addi %add3A_172, %add3A_173 : i32
          %lt3A_175 = arith.constant 16 : i32
          %lt3A_176 = arith.cmpi slt, %add3A_174, %lt3A_175 : i32
          %convert_element_type3A_177 = arith.extui %lt3A_176 : i1 to i32
          %cond3A_178 = arith.constant 0 : i32
          %cond3A_179 = arith.cmpi ne, %convert_element_type3A_177, %cond3A_178 : i32
          scf.if %cond3A_179 {
            %add3A_180 = arith.constant 3 : i32
            %add3A_181 = arith.addi %mul3A_82, %add3A_180 : i32
            %add3A_182 = arith.constant 4 : i32
            %add3A_183 = arith.addi %add3A_181, %add3A_182 : i32
            %dma_start3A_184 = arith.constant 3 : i32
            %dma_start3A_185 = arith.constant 0 : i32
            %dma_start3A_186 = arith.constant 0 : i32
            %dma_start3A_187 = tpu.memref_slice %arg10[%dma_start3A_184, %dma_start3A_185, %dma_start3A_186] : memref<4x64x128xf32, #tpu.memory_space<vmem>> -> memref<1x64x128xf32, #tpu.memory_space<vmem>>
            %dma_start3A_188 = tpu.memref_squeeze %dma_start3A_187 : memref<1x64x128xf32, #tpu.memory_space<vmem>> -> memref<64x128xf32, #tpu.memory_space<vmem>>
            %dma_start3A_189 = arith.constant 0 : i32
            %dma_start3A_190 = tpu.memref_slice %arg8[%add3A_183, %dma_start3A_189] : memref<16x64xi32, #tpu.memory_space<vmem>> -> memref<1x64xi32, #tpu.memory_space<vmem>>
            %dma_start3A_191 = tpu.memref_squeeze %dma_start3A_190 : memref<1x64xi32, #tpu.memory_space<vmem>> -> memref<64xi32, #tpu.memory_space<vmem>>
            %dma_start3A_192 = arith.constant 0 : i32
            %dma_start3A_193 = arith.constant 0 : i32
            %dma_start3A_194 = tpu.memref_slice %arg2[%dma_start3A_192, %dma_start3A_193] : memref<10240x128xf32, #tpu.memory_space<hbm>> -> memref<10240x128xf32, #tpu.memory_space<hbm>>
            tpu.enqueue_indirect_dma source(%dma_start3A_194 : memref<10240x128xf32, #tpu.memory_space<hbm>>) target(%dma_start3A_188 : memref<64x128xf32, #tpu.memory_space<vmem>>) offsets(%dma_start3A_191 : memref<64xi32, #tpu.memory_space<vmem>>) semaphore(%arg15 : memref<!tpu.dma_semaphore, #tpu.memory_space<semaphore_mem>>)
          } else {
          }
        }
        %scan3A_79 = arith.constant 4 : i32
      }
      %scan3A_16 = arith.constant 10 : i32
      %barrier3A_17 = arith.constant 0 : index
      tpu.barrier barrier_id(%barrier3A_17)
      %mul3A_18 = arith.constant 640 : i32
      %mul3A_19 = arith.muli %arg1, %mul3A_18 : i32
      %mul3A_20 = arith.constant 640 : i32
      %mul3A_21 = arith.muli %arg1, %mul3A_20 : i32
      "tpu.region"() ({
        %run_scoped3A = tpu.sem_alloc : memref<!tpu.dma_semaphore, #tpu.memory_space<semaphore_mem>>
        %dma_start3A = arith.constant 0 : i32
        %dma_start3A_22 = tpu.memref_slice %arg6[%mul3A_21, %dma_start3A] : memref<10240x128xf32, #tpu.memory_space<hbm>> -> memref<640x128xf32, #tpu.memory_space<hbm>>
        %dma_start3A_23 = arith.constant 0 : i32
        %dma_start3A_24 = tpu.memref_slice %arg11[%mul3A_19, %dma_start3A_23] : memref<10240x128xf32, #tpu.memory_space<vmem_shared>> -> memref<640x128xf32, #tpu.memory_space<vmem_shared>>
        tpu.enqueue_dma source(%dma_start3A_24 : memref<640x128xf32, #tpu.memory_space<vmem_shared>>) target(%dma_start3A_22 : memref<640x128xf32, #tpu.memory_space<hbm>>) target_semaphore(%run_scoped3A : memref<!tpu.dma_semaphore, #tpu.memory_space<semaphore_mem>>)
        %dma_wait3A = arith.constant 0 : i32
        %dma_wait3A_25 = tpu.memref_slice %arg6[%mul3A_21, %dma_wait3A] : memref<10240x128xf32, #tpu.memory_space<hbm>> -> memref<640x128xf32, #tpu.memory_space<hbm>>
        %dma_wait3A_26 = arith.constant 0 : i32
        %dma_wait3A_27 = tpu.memref_slice %arg11[%mul3A_19, %dma_wait3A_26] : memref<10240x128xf32, #tpu.memory_space<vmem_shared>> -> memref<640x128xf32, #tpu.memory_space<vmem_shared>>
        tpu.wait_dma2 semaphore(%run_scoped3A : memref<!tpu.dma_semaphore, #tpu.memory_space<semaphore_mem>>) src(%dma_wait3A_27 : memref<640x128xf32, #tpu.memory_space<vmem_shared>>) dst(%dma_wait3A_25 : memref<640x128xf32, #tpu.memory_space<hbm>>)
        tpu.yield
      }) : () -> ()
    } else {
    }
    %eq3A_2 = arith.constant 1 : i32
    %eq3A_3 = arith.cmpi eq, %arg0, %eq3A_2 : i32
    %convert_element_type3A_4 = arith.extui %eq3A_3 : i1 to i32
    %cond3A_5 = arith.constant 0 : i32
    %cond3A_6 = arith.cmpi ne, %convert_element_type3A_4, %cond3A_5 : i32
    scf.if %cond3A_6 {
      %mul3A = arith.constant 640 : i32
      %mul3A_7 = arith.muli %arg1, %mul3A : i32
      %mul3A_8 = arith.constant 640 : i32
      %mul3A_9 = arith.muli %arg1, %mul3A_8 : i32
      "tpu.region"() ({
        %run_scoped3A = tpu.sem_alloc : memref<!tpu.dma_semaphore, #tpu.memory_space<semaphore_mem>>
        %dma_start3A = arith.constant 0 : i32
        %dma_start3A_22 = tpu.memref_slice %arg11[%mul3A_9, %dma_start3A] : memref<10240x128xf32, #tpu.memory_space<vmem_shared>> -> memref<640x128xf32, #tpu.memory_space<vmem_shared>>
        %dma_start3A_23 = arith.constant 0 : i32
        %dma_start3A_24 = tpu.memref_slice %arg3[%mul3A_7, %dma_start3A_23] : memref<10240x128xf32, #tpu.memory_space<hbm>> -> memref<640x128xf32, #tpu.memory_space<hbm>>
        tpu.enqueue_dma source(%dma_start3A_24 : memref<640x128xf32, #tpu.memory_space<hbm>>) target(%dma_start3A_22 : memref<640x128xf32, #tpu.memory_space<vmem_shared>>) target_semaphore(%run_scoped3A : memref<!tpu.dma_semaphore, #tpu.memory_space<semaphore_mem>>)
        %dma_wait3A = arith.constant 0 : i32
        %dma_wait3A_25 = tpu.memref_slice %arg11[%mul3A_9, %dma_wait3A] : memref<10240x128xf32, #tpu.memory_space<vmem_shared>> -> memref<640x128xf32, #tpu.memory_space<vmem_shared>>
        %dma_wait3A_26 = arith.constant 0 : i32
        %dma_wait3A_27 = tpu.memref_slice %arg3[%mul3A_7, %dma_wait3A_26] : memref<10240x128xf32, #tpu.memory_space<hbm>> -> memref<640x128xf32, #tpu.memory_space<hbm>>
        tpu.wait_dma2 semaphore(%run_scoped3A : memref<!tpu.dma_semaphore, #tpu.memory_space<semaphore_mem>>) src(%dma_wait3A_27 : memref<640x128xf32, #tpu.memory_space<hbm>>) dst(%dma_wait3A_25 : memref<640x128xf32, #tpu.memory_space<vmem_shared>>)
        tpu.yield
      }) : () -> ()
      %barrier3A = arith.constant 0 : index
      tpu.barrier barrier_id(%barrier3A)
      %mul3A_10 = arith.constant 80 : i32
      %mul3A_11 = arith.muli %arg1, %mul3A_10 : i32
      %scan3A = arith.constant 0 : i32
      %scan3A_12 = arith.constant 0 : i32
      %scan3A_13 = arith.constant 10 : i32
      %scan3A_14 = arith.addi %scan3A_12, %scan3A_13 : i32
      %scan3A_15 = arith.constant 1 : i32
      scf.for %scan3A_22 = %scan3A_12 to %scan3A_14 step %scan3A_15  : i32 {
        %mul3A_23 = arith.constant 8 : i32
        %mul3A_24 = arith.muli %scan3A_22, %mul3A_23 : i32
        %add3A = arith.addi %mul3A_11, %mul3A_24 : i32
        %mul3A_25 = arith.constant 2 : i32
        %mul3A_26 = arith.muli %mul3A_25, %add3A : i32
        "tpu.region"() ({
          %run_scoped3A = tpu.sem_alloc : memref<!tpu.dma_semaphore, #tpu.memory_space<semaphore_mem>>
          %dma_start3A_80 = arith.constant 0 : i32
          %dma_start3A_81 = tpu.memref_slice %arg4[%mul3A_26, %dma_start3A_80] : memref<2560x64xi32, #tpu.memory_space<hbm>> -> memref<16x64xi32, #tpu.memory_space<hbm>>
          %dma_start3A_82 = arith.constant 0 : i32
          %dma_start3A_83 = tpu.memref_slice %arg4[%mul3A_26, %dma_start3A_82] : memref<2560x64xi32, #tpu.memory_space<hbm>> -> memref<16x64xi32, #tpu.memory_space<hbm>>
          tpu.enqueue_dma source(%dma_start3A_83 : memref<16x64xi32, #tpu.memory_space<hbm>>) target(%arg8 : memref<16x64xi32, #tpu.memory_space<vmem>>) target_semaphore(%run_scoped3A : memref<!tpu.dma_semaphore, #tpu.memory_space<semaphore_mem>>)
          %dma_wait3A = arith.constant 0 : i32
          %dma_wait3A_84 = tpu.memref_slice %arg4[%mul3A_26, %dma_wait3A] : memref<2560x64xi32, #tpu.memory_space<hbm>> -> memref<16x64xi32, #tpu.memory_space<hbm>>
          %dma_wait3A_85 = arith.constant 0 : i32
          %dma_wait3A_86 = tpu.memref_slice %arg4[%mul3A_26, %dma_wait3A_85] : memref<2560x64xi32, #tpu.memory_space<hbm>> -> memref<16x64xi32, #tpu.memory_space<hbm>>
          tpu.wait_dma2 semaphore(%run_scoped3A : memref<!tpu.dma_semaphore, #tpu.memory_space<semaphore_mem>>) src(%dma_wait3A_86 : memref<16x64xi32, #tpu.memory_space<hbm>>) dst(%arg8 : memref<16x64xi32, #tpu.memory_space<vmem>>)
          tpu.yield
        }) : () -> ()
        "tpu.region"() ({
          %run_scoped3A = tpu.sem_alloc : memref<!tpu.dma_semaphore, #tpu.memory_space<semaphore_mem>>
          %dma_start3A_80 = arith.constant 0 : i32
          %dma_start3A_81 = tpu.memref_slice %arg5[%mul3A_26, %dma_start3A_80] : memref<2560x64xi32, #tpu.memory_space<hbm>> -> memref<16x64xi32, #tpu.memory_space<hbm>>
          %dma_start3A_82 = arith.constant 0 : i32
          %dma_start3A_83 = tpu.memref_slice %arg5[%mul3A_26, %dma_start3A_82] : memref<2560x64xi32, #tpu.memory_space<hbm>> -> memref<16x64xi32, #tpu.memory_space<hbm>>
          tpu.enqueue_dma source(%dma_start3A_83 : memref<16x64xi32, #tpu.memory_space<hbm>>) target(%arg9 : memref<16x64xi32, #tpu.memory_space<vmem>>) target_semaphore(%run_scoped3A : memref<!tpu.dma_semaphore, #tpu.memory_space<semaphore_mem>>)
          %dma_wait3A = arith.constant 0 : i32
          %dma_wait3A_84 = tpu.memref_slice %arg5[%mul3A_26, %dma_wait3A] : memref<2560x64xi32, #tpu.memory_space<hbm>> -> memref<16x64xi32, #tpu.memory_space<hbm>>
          %dma_wait3A_85 = arith.constant 0 : i32
          %dma_wait3A_86 = tpu.memref_slice %arg5[%mul3A_26, %dma_wait3A_85] : memref<2560x64xi32, #tpu.memory_space<hbm>> -> memref<16x64xi32, #tpu.memory_space<hbm>>
          tpu.wait_dma2 semaphore(%run_scoped3A : memref<!tpu.dma_semaphore, #tpu.memory_space<semaphore_mem>>) src(%dma_wait3A_86 : memref<16x64xi32, #tpu.memory_space<hbm>>) dst(%arg9 : memref<16x64xi32, #tpu.memory_space<vmem>>)
          tpu.yield
        }) : () -> ()
        %dma_start3A = arith.constant 0 : i32
        %dma_start3A_27 = arith.constant 0 : i32
        %dma_start3A_28 = arith.constant 0 : i32
        %dma_start3A_29 = arith.constant 0 : i32
        %dma_start3A_30 = tpu.memref_slice %arg10[%dma_start3A_27, %dma_start3A_28, %dma_start3A_29] : memref<4x64x128xf32, #tpu.memory_space<vmem>> -> memref<1x64x128xf32, #tpu.memory_space<vmem>>
        %dma_start3A_31 = tpu.memref_squeeze %dma_start3A_30 : memref<1x64x128xf32, #tpu.memory_space<vmem>> -> memref<64x128xf32, #tpu.memory_space<vmem>>
        %dma_start3A_32 = arith.constant 0 : i32
        %dma_start3A_33 = tpu.memref_slice %arg8[%dma_start3A, %dma_start3A_32] : memref<16x64xi32, #tpu.memory_space<vmem>> -> memref<1x64xi32, #tpu.memory_space<vmem>>
        %dma_start3A_34 = tpu.memref_squeeze %dma_start3A_33 : memref<1x64xi32, #tpu.memory_space<vmem>> -> memref<64xi32, #tpu.memory_space<vmem>>
        %dma_start3A_35 = arith.constant 0 : i32
        %dma_start3A_36 = arith.constant 0 : i32
        %dma_start3A_37 = tpu.memref_slice %arg3[%dma_start3A_35, %dma_start3A_36] : memref<10240x128xf32, #tpu.memory_space<hbm>> -> memref<10240x128xf32, #tpu.memory_space<hbm>>
        tpu.enqueue_indirect_dma source(%dma_start3A_37 : memref<10240x128xf32, #tpu.memory_space<hbm>>) target(%dma_start3A_31 : memref<64x128xf32, #tpu.memory_space<vmem>>) offsets(%dma_start3A_34 : memref<64xi32, #tpu.memory_space<vmem>>) semaphore(%arg12 : memref<!tpu.dma_semaphore, #tpu.memory_space<semaphore_mem>>)
        %dma_start3A_38 = arith.constant 1 : i32
        %dma_start3A_39 = arith.constant 1 : i32
        %dma_start3A_40 = arith.constant 0 : i32
        %dma_start3A_41 = arith.constant 0 : i32
        %dma_start3A_42 = tpu.memref_slice %arg10[%dma_start3A_39, %dma_start3A_40, %dma_start3A_41] : memref<4x64x128xf32, #tpu.memory_space<vmem>> -> memref<1x64x128xf32, #tpu.memory_space<vmem>>
        %dma_start3A_43 = tpu.memref_squeeze %dma_start3A_42 : memref<1x64x128xf32, #tpu.memory_space<vmem>> -> memref<64x128xf32, #tpu.memory_space<vmem>>
        %dma_start3A_44 = arith.constant 0 : i32
        %dma_start3A_45 = tpu.memref_slice %arg8[%dma_start3A_38, %dma_start3A_44] : memref<16x64xi32, #tpu.memory_space<vmem>> -> memref<1x64xi32, #tpu.memory_space<vmem>>
        %dma_start3A_46 = tpu.memref_squeeze %dma_start3A_45 : memref<1x64xi32, #tpu.memory_space<vmem>> -> memref<64xi32, #tpu.memory_space<vmem>>
        %dma_start3A_47 = arith.constant 0 : i32
        %dma_start3A_48 = arith.constant 0 : i32
        %dma_start3A_49 = tpu.memref_slice %arg3[%dma_start3A_47, %dma_start3A_48] : memref<10240x128xf32, #tpu.memory_space<hbm>> -> memref<10240x128xf32, #tpu.memory_space<hbm>>
        tpu.enqueue_indirect_dma source(%dma_start3A_49 : memref<10240x128xf32, #tpu.memory_space<hbm>>) target(%dma_start3A_43 : memref<64x128xf32, #tpu.memory_space<vmem>>) offsets(%dma_start3A_46 : memref<64xi32, #tpu.memory_space<vmem>>) semaphore(%arg13 : memref<!tpu.dma_semaphore, #tpu.memory_space<semaphore_mem>>)
        %dma_start3A_50 = arith.constant 2 : i32
        %dma_start3A_51 = arith.constant 2 : i32
        %dma_start3A_52 = arith.constant 0 : i32
        %dma_start3A_53 = arith.constant 0 : i32
        %dma_start3A_54 = tpu.memref_slice %arg10[%dma_start3A_51, %dma_start3A_52, %dma_start3A_53] : memref<4x64x128xf32, #tpu.memory_space<vmem>> -> memref<1x64x128xf32, #tpu.memory_space<vmem>>
        %dma_start3A_55 = tpu.memref_squeeze %dma_start3A_54 : memref<1x64x128xf32, #tpu.memory_space<vmem>> -> memref<64x128xf32, #tpu.memory_space<vmem>>
        %dma_start3A_56 = arith.constant 0 : i32
        %dma_start3A_57 = tpu.memref_slice %arg8[%dma_start3A_50, %dma_start3A_56] : memref<16x64xi32, #tpu.memory_space<vmem>> -> memref<1x64xi32, #tpu.memory_space<vmem>>
        %dma_start3A_58 = tpu.memref_squeeze %dma_start3A_57 : memref<1x64xi32, #tpu.memory_space<vmem>> -> memref<64xi32, #tpu.memory_space<vmem>>
        %dma_start3A_59 = arith.constant 0 : i32
        %dma_start3A_60 = arith.constant 0 : i32
        %dma_start3A_61 = tpu.memref_slice %arg3[%dma_start3A_59, %dma_start3A_60] : memref<10240x128xf32, #tpu.memory_space<hbm>> -> memref<10240x128xf32, #tpu.memory_space<hbm>>
        tpu.enqueue_indirect_dma source(%dma_start3A_61 : memref<10240x128xf32, #tpu.memory_space<hbm>>) target(%dma_start3A_55 : memref<64x128xf32, #tpu.memory_space<vmem>>) offsets(%dma_start3A_58 : memref<64xi32, #tpu.memory_space<vmem>>) semaphore(%arg14 : memref<!tpu.dma_semaphore, #tpu.memory_space<semaphore_mem>>)
        %dma_start3A_62 = arith.constant 3 : i32
        %dma_start3A_63 = arith.constant 3 : i32
        %dma_start3A_64 = arith.constant 0 : i32
        %dma_start3A_65 = arith.constant 0 : i32
        %dma_start3A_66 = tpu.memref_slice %arg10[%dma_start3A_63, %dma_start3A_64, %dma_start3A_65] : memref<4x64x128xf32, #tpu.memory_space<vmem>> -> memref<1x64x128xf32, #tpu.memory_space<vmem>>
        %dma_start3A_67 = tpu.memref_squeeze %dma_start3A_66 : memref<1x64x128xf32, #tpu.memory_space<vmem>> -> memref<64x128xf32, #tpu.memory_space<vmem>>
        %dma_start3A_68 = arith.constant 0 : i32
        %dma_start3A_69 = tpu.memref_slice %arg8[%dma_start3A_62, %dma_start3A_68] : memref<16x64xi32, #tpu.memory_space<vmem>> -> memref<1x64xi32, #tpu.memory_space<vmem>>
        %dma_start3A_70 = tpu.memref_squeeze %dma_start3A_69 : memref<1x64xi32, #tpu.memory_space<vmem>> -> memref<64xi32, #tpu.memory_space<vmem>>
        %dma_start3A_71 = arith.constant 0 : i32
        %dma_start3A_72 = arith.constant 0 : i32
        %dma_start3A_73 = tpu.memref_slice %arg3[%dma_start3A_71, %dma_start3A_72] : memref<10240x128xf32, #tpu.memory_space<hbm>> -> memref<10240x128xf32, #tpu.memory_space<hbm>>
        tpu.enqueue_indirect_dma source(%dma_start3A_73 : memref<10240x128xf32, #tpu.memory_space<hbm>>) target(%dma_start3A_67 : memref<64x128xf32, #tpu.memory_space<vmem>>) offsets(%dma_start3A_70 : memref<64xi32, #tpu.memory_space<vmem>>) semaphore(%arg15 : memref<!tpu.dma_semaphore, #tpu.memory_space<semaphore_mem>>)
        %scan3A_74 = arith.constant 0 : i32
        %scan3A_75 = arith.constant 0 : i32
        %scan3A_76 = arith.constant 4 : i32
        %scan3A_77 = arith.addi %scan3A_75, %scan3A_76 : i32
        %scan3A_78 = arith.constant 1 : i32
        scf.for %scan3A_80 = %scan3A_75 to %scan3A_77 step %scan3A_78  : i32 {
          %mul3A_81 = arith.constant 4 : i32
          %mul3A_82 = arith.muli %scan3A_80, %mul3A_81 : i32
          %add3A_83 = arith.constant 0 : i32
          %add3A_84 = arith.addi %mul3A_82, %add3A_83 : i32
          %dma_wait3A = arith.constant 0 : i32
          %dma_wait3A_85 = arith.constant 0 : i32
          %dma_wait3A_86 = arith.constant 0 : i32
          %dma_wait3A_87 = tpu.memref_slice %arg10[%dma_wait3A, %dma_wait3A_85, %dma_wait3A_86] : memref<4x64x128xf32, #tpu.memory_space<vmem>> -> memref<1x64x128xf32, #tpu.memory_space<vmem>>
          %dma_wait3A_88 = tpu.memref_squeeze %dma_wait3A_87 : memref<1x64x128xf32, #tpu.memory_space<vmem>> -> memref<64x128xf32, #tpu.memory_space<vmem>>
          %dma_wait3A_89 = arith.constant 0 : i32
          %dma_wait3A_90 = tpu.memref_slice %arg8[%add3A_84, %dma_wait3A_89] : memref<16x64xi32, #tpu.memory_space<vmem>> -> memref<1x64xi32, #tpu.memory_space<vmem>>
          %dma_wait3A_91 = tpu.memref_squeeze %dma_wait3A_90 : memref<1x64xi32, #tpu.memory_space<vmem>> -> memref<64xi32, #tpu.memory_space<vmem>>
          %dma_wait3A_92 = arith.constant 0 : i32
          %dma_wait3A_93 = arith.constant 0 : i32
          %dma_wait3A_94 = tpu.memref_slice %arg3[%dma_wait3A_92, %dma_wait3A_93] : memref<10240x128xf32, #tpu.memory_space<hbm>> -> memref<10240x128xf32, #tpu.memory_space<hbm>>
          tpu.wait_indirect_dma semaphore(%arg12 : memref<!tpu.dma_semaphore, #tpu.memory_space<semaphore_mem>>) src(%dma_wait3A_94 : memref<10240x128xf32, #tpu.memory_space<hbm>>) dst(%dma_wait3A_88 : memref<64x128xf32, #tpu.memory_space<vmem>>)
          %add3A_95 = arith.constant 0 : i32
          %add3A_96 = arith.addi %mul3A_82, %add3A_95 : i32
          %run_scoped3A = arith.constant 0 : i32
          "tpu.region"() ({
            %run_scoped3A_180 = tpu.sem_alloc : memref<!tpu.dma_semaphore, #tpu.memory_space<semaphore_mem>>
            %dma_start3A_181 = arith.constant 0 : i32
            %dma_start3A_182 = arith.constant 0 : i32
            %dma_start3A_183 = tpu.memref_slice %arg10[%run_scoped3A, %dma_start3A_181, %dma_start3A_182] : memref<4x64x128xf32, #tpu.memory_space<vmem>> -> memref<1x64x128xf32, #tpu.memory_space<vmem>>
            %dma_start3A_184 = tpu.memref_squeeze %dma_start3A_183 : memref<1x64x128xf32, #tpu.memory_space<vmem>> -> memref<64x128xf32, #tpu.memory_space<vmem>>
            %dma_start3A_185 = arith.constant 0 : i32
            %dma_start3A_186 = tpu.memref_slice %arg9[%add3A_96, %dma_start3A_185] : memref<16x64xi32, #tpu.memory_space<vmem>> -> memref<1x64xi32, #tpu.memory_space<vmem>>
            %dma_start3A_187 = tpu.memref_squeeze %dma_start3A_186 : memref<1x64xi32, #tpu.memory_space<vmem>> -> memref<64xi32, #tpu.memory_space<vmem>>
            %dma_start3A_188 = arith.constant 0 : i32
            %dma_start3A_189 = arith.constant 0 : i32
            %dma_start3A_190 = tpu.memref_slice %arg11[%dma_start3A_188, %dma_start3A_189] : memref<10240x128xf32, #tpu.memory_space<vmem_shared>> -> memref<10240x128xf32, #tpu.memory_space<vmem_shared>>
            tpu.enqueue_indirect_dma source(%dma_start3A_184 : memref<64x128xf32, #tpu.memory_space<vmem>>) target(%dma_start3A_190 : memref<10240x128xf32, #tpu.memory_space<vmem_shared>>) offsets(%dma_start3A_187 : memref<64xi32, #tpu.memory_space<vmem>>) semaphore(%run_scoped3A_180 : memref<!tpu.dma_semaphore, #tpu.memory_space<semaphore_mem>>) {add = true}
            %dma_wait3A_191 = arith.constant 0 : i32
            %dma_wait3A_192 = arith.constant 0 : i32
            %dma_wait3A_193 = tpu.memref_slice %arg10[%run_scoped3A, %dma_wait3A_191, %dma_wait3A_192] : memref<4x64x128xf32, #tpu.memory_space<vmem>> -> memref<1x64x128xf32, #tpu.memory_space<vmem>>
            %dma_wait3A_194 = tpu.memref_squeeze %dma_wait3A_193 : memref<1x64x128xf32, #tpu.memory_space<vmem>> -> memref<64x128xf32, #tpu.memory_space<vmem>>
            %dma_wait3A_195 = arith.constant 0 : i32
            %dma_wait3A_196 = tpu.memref_slice %arg9[%add3A_96, %dma_wait3A_195] : memref<16x64xi32, #tpu.memory_space<vmem>> -> memref<1x64xi32, #tpu.memory_space<vmem>>
            %dma_wait3A_197 = tpu.memref_squeeze %dma_wait3A_196 : memref<1x64xi32, #tpu.memory_space<vmem>> -> memref<64xi32, #tpu.memory_space<vmem>>
            %dma_wait3A_198 = arith.constant 0 : i32
            %dma_wait3A_199 = arith.constant 0 : i32
            %dma_wait3A_200 = tpu.memref_slice %arg11[%dma_wait3A_198, %dma_wait3A_199] : memref<10240x128xf32, #tpu.memory_space<vmem_shared>> -> memref<10240x128xf32, #tpu.memory_space<vmem_shared>>
            tpu.wait_indirect_dma semaphore(%run_scoped3A_180 : memref<!tpu.dma_semaphore, #tpu.memory_space<semaphore_mem>>) src(%dma_wait3A_194 : memref<64x128xf32, #tpu.memory_space<vmem>>) dst(%dma_wait3A_200 : memref<10240x128xf32, #tpu.memory_space<vmem_shared>>)
            tpu.yield
          }) : () -> ()
          %add3A_97 = arith.constant 0 : i32
          %add3A_98 = arith.addi %mul3A_82, %add3A_97 : i32
          %add3A_99 = arith.constant 4 : i32
          %add3A_100 = arith.addi %add3A_98, %add3A_99 : i32
          %lt3A = arith.constant 16 : i32
          %lt3A_101 = arith.cmpi slt, %add3A_100, %lt3A : i32
          %convert_element_type3A_102 = arith.extui %lt3A_101 : i1 to i32
          %cond3A_103 = arith.constant 0 : i32
          %cond3A_104 = arith.cmpi ne, %convert_element_type3A_102, %cond3A_103 : i32
          scf.if %cond3A_104 {
            %add3A_180 = arith.constant 0 : i32
            %add3A_181 = arith.addi %mul3A_82, %add3A_180 : i32
            %add3A_182 = arith.constant 4 : i32
            %add3A_183 = arith.addi %add3A_181, %add3A_182 : i32
            %dma_start3A_184 = arith.constant 0 : i32
            %dma_start3A_185 = arith.constant 0 : i32
            %dma_start3A_186 = arith.constant 0 : i32
            %dma_start3A_187 = tpu.memref_slice %arg10[%dma_start3A_184, %dma_start3A_185, %dma_start3A_186] : memref<4x64x128xf32, #tpu.memory_space<vmem>> -> memref<1x64x128xf32, #tpu.memory_space<vmem>>
            %dma_start3A_188 = tpu.memref_squeeze %dma_start3A_187 : memref<1x64x128xf32, #tpu.memory_space<vmem>> -> memref<64x128xf32, #tpu.memory_space<vmem>>
            %dma_start3A_189 = arith.constant 0 : i32
            %dma_start3A_190 = tpu.memref_slice %arg8[%add3A_183, %dma_start3A_189] : memref<16x64xi32, #tpu.memory_space<vmem>> -> memref<1x64xi32, #tpu.memory_space<vmem>>
            %dma_start3A_191 = tpu.memref_squeeze %dma_start3A_190 : memref<1x64xi32, #tpu.memory_space<vmem>> -> memref<64xi32, #tpu.memory_space<vmem>>
            %dma_start3A_192 = arith.constant 0 : i32
            %dma_start3A_193 = arith.constant 0 : i32
            %dma_start3A_194 = tpu.memref_slice %arg3[%dma_start3A_192, %dma_start3A_193] : memref<10240x128xf32, #tpu.memory_space<hbm>> -> memref<10240x128xf32, #tpu.memory_space<hbm>>
            tpu.enqueue_indirect_dma source(%dma_start3A_194 : memref<10240x128xf32, #tpu.memory_space<hbm>>) target(%dma_start3A_188 : memref<64x128xf32, #tpu.memory_space<vmem>>) offsets(%dma_start3A_191 : memref<64xi32, #tpu.memory_space<vmem>>) semaphore(%arg12 : memref<!tpu.dma_semaphore, #tpu.memory_space<semaphore_mem>>)
          } else {
          }
          %add3A_105 = arith.constant 1 : i32
          %add3A_106 = arith.addi %mul3A_82, %add3A_105 : i32
          %dma_wait3A_107 = arith.constant 1 : i32
          %dma_wait3A_108 = arith.constant 0 : i32
          %dma_wait3A_109 = arith.constant 0 : i32
          %dma_wait3A_110 = tpu.memref_slice %arg10[%dma_wait3A_107, %dma_wait3A_108, %dma_wait3A_109] : memref<4x64x128xf32, #tpu.memory_space<vmem>> -> memref<1x64x128xf32, #tpu.memory_space<vmem>>
          %dma_wait3A_111 = tpu.memref_squeeze %dma_wait3A_110 : memref<1x64x128xf32, #tpu.memory_space<vmem>> -> memref<64x128xf32, #tpu.memory_space<vmem>>
          %dma_wait3A_112 = arith.constant 0 : i32
          %dma_wait3A_113 = tpu.memref_slice %arg8[%add3A_106, %dma_wait3A_112] : memref<16x64xi32, #tpu.memory_space<vmem>> -> memref<1x64xi32, #tpu.memory_space<vmem>>
          %dma_wait3A_114 = tpu.memref_squeeze %dma_wait3A_113 : memref<1x64xi32, #tpu.memory_space<vmem>> -> memref<64xi32, #tpu.memory_space<vmem>>
          %dma_wait3A_115 = arith.constant 0 : i32
          %dma_wait3A_116 = arith.constant 0 : i32
          %dma_wait3A_117 = tpu.memref_slice %arg3[%dma_wait3A_115, %dma_wait3A_116] : memref<10240x128xf32, #tpu.memory_space<hbm>> -> memref<10240x128xf32, #tpu.memory_space<hbm>>
          tpu.wait_indirect_dma semaphore(%arg13 : memref<!tpu.dma_semaphore, #tpu.memory_space<semaphore_mem>>) src(%dma_wait3A_117 : memref<10240x128xf32, #tpu.memory_space<hbm>>) dst(%dma_wait3A_111 : memref<64x128xf32, #tpu.memory_space<vmem>>)
          %add3A_118 = arith.constant 1 : i32
          %add3A_119 = arith.addi %mul3A_82, %add3A_118 : i32
          %run_scoped3A_120 = arith.constant 1 : i32
          "tpu.region"() ({
            %run_scoped3A_180 = tpu.sem_alloc : memref<!tpu.dma_semaphore, #tpu.memory_space<semaphore_mem>>
            %dma_start3A_181 = arith.constant 0 : i32
            %dma_start3A_182 = arith.constant 0 : i32
            %dma_start3A_183 = tpu.memref_slice %arg10[%run_scoped3A_120, %dma_start3A_181, %dma_start3A_182] : memref<4x64x128xf32, #tpu.memory_space<vmem>> -> memref<1x64x128xf32, #tpu.memory_space<vmem>>
            %dma_start3A_184 = tpu.memref_squeeze %dma_start3A_183 : memref<1x64x128xf32, #tpu.memory_space<vmem>> -> memref<64x128xf32, #tpu.memory_space<vmem>>
            %dma_start3A_185 = arith.constant 0 : i32
            %dma_start3A_186 = tpu.memref_slice %arg9[%add3A_119, %dma_start3A_185] : memref<16x64xi32, #tpu.memory_space<vmem>> -> memref<1x64xi32, #tpu.memory_space<vmem>>
            %dma_start3A_187 = tpu.memref_squeeze %dma_start3A_186 : memref<1x64xi32, #tpu.memory_space<vmem>> -> memref<64xi32, #tpu.memory_space<vmem>>
            %dma_start3A_188 = arith.constant 0 : i32
            %dma_start3A_189 = arith.constant 0 : i32
            %dma_start3A_190 = tpu.memref_slice %arg11[%dma_start3A_188, %dma_start3A_189] : memref<10240x128xf32, #tpu.memory_space<vmem_shared>> -> memref<10240x128xf32, #tpu.memory_space<vmem_shared>>
            tpu.enqueue_indirect_dma source(%dma_start3A_184 : memref<64x128xf32, #tpu.memory_space<vmem>>) target(%dma_start3A_190 : memref<10240x128xf32, #tpu.memory_space<vmem_shared>>) offsets(%dma_start3A_187 : memref<64xi32, #tpu.memory_space<vmem>>) semaphore(%run_scoped3A_180 : memref<!tpu.dma_semaphore, #tpu.memory_space<semaphore_mem>>) {add = true}
            %dma_wait3A_191 = arith.constant 0 : i32
            %dma_wait3A_192 = arith.constant 0 : i32
            %dma_wait3A_193 = tpu.memref_slice %arg10[%run_scoped3A_120, %dma_wait3A_191, %dma_wait3A_192] : memref<4x64x128xf32, #tpu.memory_space<vmem>> -> memref<1x64x128xf32, #tpu.memory_space<vmem>>
            %dma_wait3A_194 = tpu.memref_squeeze %dma_wait3A_193 : memref<1x64x128xf32, #tpu.memory_space<vmem>> -> memref<64x128xf32, #tpu.memory_space<vmem>>
            %dma_wait3A_195 = arith.constant 0 : i32
            %dma_wait3A_196 = tpu.memref_slice %arg9[%add3A_119, %dma_wait3A_195] : memref<16x64xi32, #tpu.memory_space<vmem>> -> memref<1x64xi32, #tpu.memory_space<vmem>>
            %dma_wait3A_197 = tpu.memref_squeeze %dma_wait3A_196 : memref<1x64xi32, #tpu.memory_space<vmem>> -> memref<64xi32, #tpu.memory_space<vmem>>
            %dma_wait3A_198 = arith.constant 0 : i32
            %dma_wait3A_199 = arith.constant 0 : i32
            %dma_wait3A_200 = tpu.memref_slice %arg11[%dma_wait3A_198, %dma_wait3A_199] : memref<10240x128xf32, #tpu.memory_space<vmem_shared>> -> memref<10240x128xf32, #tpu.memory_space<vmem_shared>>
            tpu.wait_indirect_dma semaphore(%run_scoped3A_180 : memref<!tpu.dma_semaphore, #tpu.memory_space<semaphore_mem>>) src(%dma_wait3A_194 : memref<64x128xf32, #tpu.memory_space<vmem>>) dst(%dma_wait3A_200 : memref<10240x128xf32, #tpu.memory_space<vmem_shared>>)
            tpu.yield
          }) : () -> ()
          %add3A_121 = arith.constant 1 : i32
          %add3A_122 = arith.addi %mul3A_82, %add3A_121 : i32
          %add3A_123 = arith.constant 4 : i32
          %add3A_124 = arith.addi %add3A_122, %add3A_123 : i32
          %lt3A_125 = arith.constant 16 : i32
          %lt3A_126 = arith.cmpi slt, %add3A_124, %lt3A_125 : i32
          %convert_element_type3A_127 = arith.extui %lt3A_126 : i1 to i32
          %cond3A_128 = arith.constant 0 : i32
          %cond3A_129 = arith.cmpi ne, %convert_element_type3A_127, %cond3A_128 : i32
          scf.if %cond3A_129 {
            %add3A_180 = arith.constant 1 : i32
            %add3A_181 = arith.addi %mul3A_82, %add3A_180 : i32
            %add3A_182 = arith.constant 4 : i32
            %add3A_183 = arith.addi %add3A_181, %add3A_182 : i32
            %dma_start3A_184 = arith.constant 1 : i32
            %dma_start3A_185 = arith.constant 0 : i32
            %dma_start3A_186 = arith.constant 0 : i32
            %dma_start3A_187 = tpu.memref_slice %arg10[%dma_start3A_184, %dma_start3A_185, %dma_start3A_186] : memref<4x64x128xf32, #tpu.memory_space<vmem>> -> memref<1x64x128xf32, #tpu.memory_space<vmem>>
            %dma_start3A_188 = tpu.memref_squeeze %dma_start3A_187 : memref<1x64x128xf32, #tpu.memory_space<vmem>> -> memref<64x128xf32, #tpu.memory_space<vmem>>
            %dma_start3A_189 = arith.constant 0 : i32
            %dma_start3A_190 = tpu.memref_slice %arg8[%add3A_183, %dma_start3A_189] : memref<16x64xi32, #tpu.memory_space<vmem>> -> memref<1x64xi32, #tpu.memory_space<vmem>>
            %dma_start3A_191 = tpu.memref_squeeze %dma_start3A_190 : memref<1x64xi32, #tpu.memory_space<vmem>> -> memref<64xi32, #tpu.memory_space<vmem>>
            %dma_start3A_192 = arith.constant 0 : i32
            %dma_start3A_193 = arith.constant 0 : i32
            %dma_start3A_194 = tpu.memref_slice %arg3[%dma_start3A_192, %dma_start3A_193] : memref<10240x128xf32, #tpu.memory_space<hbm>> -> memref<10240x128xf32, #tpu.memory_space<hbm>>
            tpu.enqueue_indirect_dma source(%dma_start3A_194 : memref<10240x128xf32, #tpu.memory_space<hbm>>) target(%dma_start3A_188 : memref<64x128xf32, #tpu.memory_space<vmem>>) offsets(%dma_start3A_191 : memref<64xi32, #tpu.memory_space<vmem>>) semaphore(%arg13 : memref<!tpu.dma_semaphore, #tpu.memory_space<semaphore_mem>>)
          } else {
          }
          %add3A_130 = arith.constant 2 : i32
          %add3A_131 = arith.addi %mul3A_82, %add3A_130 : i32
          %dma_wait3A_132 = arith.constant 2 : i32
          %dma_wait3A_133 = arith.constant 0 : i32
          %dma_wait3A_134 = arith.constant 0 : i32
          %dma_wait3A_135 = tpu.memref_slice %arg10[%dma_wait3A_132, %dma_wait3A_133, %dma_wait3A_134] : memref<4x64x128xf32, #tpu.memory_space<vmem>> -> memref<1x64x128xf32, #tpu.memory_space<vmem>>
          %dma_wait3A_136 = tpu.memref_squeeze %dma_wait3A_135 : memref<1x64x128xf32, #tpu.memory_space<vmem>> -> memref<64x128xf32, #tpu.memory_space<vmem>>
          %dma_wait3A_137 = arith.constant 0 : i32
          %dma_wait3A_138 = tpu.memref_slice %arg8[%add3A_131, %dma_wait3A_137] : memref<16x64xi32, #tpu.memory_space<vmem>> -> memref<1x64xi32, #tpu.memory_space<vmem>>
          %dma_wait3A_139 = tpu.memref_squeeze %dma_wait3A_138 : memref<1x64xi32, #tpu.memory_space<vmem>> -> memref<64xi32, #tpu.memory_space<vmem>>
          %dma_wait3A_140 = arith.constant 0 : i32
          %dma_wait3A_141 = arith.constant 0 : i32
          %dma_wait3A_142 = tpu.memref_slice %arg3[%dma_wait3A_140, %dma_wait3A_141] : memref<10240x128xf32, #tpu.memory_space<hbm>> -> memref<10240x128xf32, #tpu.memory_space<hbm>>
          tpu.wait_indirect_dma semaphore(%arg14 : memref<!tpu.dma_semaphore, #tpu.memory_space<semaphore_mem>>) src(%dma_wait3A_142 : memref<10240x128xf32, #tpu.memory_space<hbm>>) dst(%dma_wait3A_136 : memref<64x128xf32, #tpu.memory_space<vmem>>)
          %add3A_143 = arith.constant 2 : i32
          %add3A_144 = arith.addi %mul3A_82, %add3A_143 : i32
          %run_scoped3A_145 = arith.constant 2 : i32
          "tpu.region"() ({
            %run_scoped3A_180 = tpu.sem_alloc : memref<!tpu.dma_semaphore, #tpu.memory_space<semaphore_mem>>
            %dma_start3A_181 = arith.constant 0 : i32
            %dma_start3A_182 = arith.constant 0 : i32
            %dma_start3A_183 = tpu.memref_slice %arg10[%run_scoped3A_145, %dma_start3A_181, %dma_start3A_182] : memref<4x64x128xf32, #tpu.memory_space<vmem>> -> memref<1x64x128xf32, #tpu.memory_space<vmem>>
            %dma_start3A_184 = tpu.memref_squeeze %dma_start3A_183 : memref<1x64x128xf32, #tpu.memory_space<vmem>> -> memref<64x128xf32, #tpu.memory_space<vmem>>
            %dma_start3A_185 = arith.constant 0 : i32
            %dma_start3A_186 = tpu.memref_slice %arg9[%add3A_144, %dma_start3A_185] : memref<16x64xi32, #tpu.memory_space<vmem>> -> memref<1x64xi32, #tpu.memory_space<vmem>>
            %dma_start3A_187 = tpu.memref_squeeze %dma_start3A_186 : memref<1x64xi32, #tpu.memory_space<vmem>> -> memref<64xi32, #tpu.memory_space<vmem>>
            %dma_start3A_188 = arith.constant 0 : i32
            %dma_start3A_189 = arith.constant 0 : i32
            %dma_start3A_190 = tpu.memref_slice %arg11[%dma_start3A_188, %dma_start3A_189] : memref<10240x128xf32, #tpu.memory_space<vmem_shared>> -> memref<10240x128xf32, #tpu.memory_space<vmem_shared>>
            tpu.enqueue_indirect_dma source(%dma_start3A_184 : memref<64x128xf32, #tpu.memory_space<vmem>>) target(%dma_start3A_190 : memref<10240x128xf32, #tpu.memory_space<vmem_shared>>) offsets(%dma_start3A_187 : memref<64xi32, #tpu.memory_space<vmem>>) semaphore(%run_scoped3A_180 : memref<!tpu.dma_semaphore, #tpu.memory_space<semaphore_mem>>) {add = true}
            %dma_wait3A_191 = arith.constant 0 : i32
            %dma_wait3A_192 = arith.constant 0 : i32
            %dma_wait3A_193 = tpu.memref_slice %arg10[%run_scoped3A_145, %dma_wait3A_191, %dma_wait3A_192] : memref<4x64x128xf32, #tpu.memory_space<vmem>> -> memref<1x64x128xf32, #tpu.memory_space<vmem>>
            %dma_wait3A_194 = tpu.memref_squeeze %dma_wait3A_193 : memref<1x64x128xf32, #tpu.memory_space<vmem>> -> memref<64x128xf32, #tpu.memory_space<vmem>>
            %dma_wait3A_195 = arith.constant 0 : i32
            %dma_wait3A_196 = tpu.memref_slice %arg9[%add3A_144, %dma_wait3A_195] : memref<16x64xi32, #tpu.memory_space<vmem>> -> memref<1x64xi32, #tpu.memory_space<vmem>>
            %dma_wait3A_197 = tpu.memref_squeeze %dma_wait3A_196 : memref<1x64xi32, #tpu.memory_space<vmem>> -> memref<64xi32, #tpu.memory_space<vmem>>
            %dma_wait3A_198 = arith.constant 0 : i32
            %dma_wait3A_199 = arith.constant 0 : i32
            %dma_wait3A_200 = tpu.memref_slice %arg11[%dma_wait3A_198, %dma_wait3A_199] : memref<10240x128xf32, #tpu.memory_space<vmem_shared>> -> memref<10240x128xf32, #tpu.memory_space<vmem_shared>>
            tpu.wait_indirect_dma semaphore(%run_scoped3A_180 : memref<!tpu.dma_semaphore, #tpu.memory_space<semaphore_mem>>) src(%dma_wait3A_194 : memref<64x128xf32, #tpu.memory_space<vmem>>) dst(%dma_wait3A_200 : memref<10240x128xf32, #tpu.memory_space<vmem_shared>>)
            tpu.yield
          }) : () -> ()
          %add3A_146 = arith.constant 2 : i32
          %add3A_147 = arith.addi %mul3A_82, %add3A_146 : i32
          %add3A_148 = arith.constant 4 : i32
          %add3A_149 = arith.addi %add3A_147, %add3A_148 : i32
          %lt3A_150 = arith.constant 16 : i32
          %lt3A_151 = arith.cmpi slt, %add3A_149, %lt3A_150 : i32
          %convert_element_type3A_152 = arith.extui %lt3A_151 : i1 to i32
          %cond3A_153 = arith.constant 0 : i32
          %cond3A_154 = arith.cmpi ne, %convert_element_type3A_152, %cond3A_153 : i32
          scf.if %cond3A_154 {
            %add3A_180 = arith.constant 2 : i32
            %add3A_181 = arith.addi %mul3A_82, %add3A_180 : i32
            %add3A_182 = arith.constant 4 : i32
            %add3A_183 = arith.addi %add3A_181, %add3A_182 : i32
            %dma_start3A_184 = arith.constant 2 : i32
            %dma_start3A_185 = arith.constant 0 : i32
            %dma_start3A_186 = arith.constant 0 : i32
            %dma_start3A_187 = tpu.memref_slice %arg10[%dma_start3A_184, %dma_start3A_185, %dma_start3A_186] : memref<4x64x128xf32, #tpu.memory_space<vmem>> -> memref<1x64x128xf32, #tpu.memory_space<vmem>>
            %dma_start3A_188 = tpu.memref_squeeze %dma_start3A_187 : memref<1x64x128xf32, #tpu.memory_space<vmem>> -> memref<64x128xf32, #tpu.memory_space<vmem>>
            %dma_start3A_189 = arith.constant 0 : i32
            %dma_start3A_190 = tpu.memref_slice %arg8[%add3A_183, %dma_start3A_189] : memref<16x64xi32, #tpu.memory_space<vmem>> -> memref<1x64xi32, #tpu.memory_space<vmem>>
            %dma_start3A_191 = tpu.memref_squeeze %dma_start3A_190 : memref<1x64xi32, #tpu.memory_space<vmem>> -> memref<64xi32, #tpu.memory_space<vmem>>
            %dma_start3A_192 = arith.constant 0 : i32
            %dma_start3A_193 = arith.constant 0 : i32
            %dma_start3A_194 = tpu.memref_slice %arg3[%dma_start3A_192, %dma_start3A_193] : memref<10240x128xf32, #tpu.memory_space<hbm>> -> memref<10240x128xf32, #tpu.memory_space<hbm>>
            tpu.enqueue_indirect_dma source(%dma_start3A_194 : memref<10240x128xf32, #tpu.memory_space<hbm>>) target(%dma_start3A_188 : memref<64x128xf32, #tpu.memory_space<vmem>>) offsets(%dma_start3A_191 : memref<64xi32, #tpu.memory_space<vmem>>) semaphore(%arg14 : memref<!tpu.dma_semaphore, #tpu.memory_space<semaphore_mem>>)
          } else {
          }
          %add3A_155 = arith.constant 3 : i32
          %add3A_156 = arith.addi %mul3A_82, %add3A_155 : i32
          %dma_wait3A_157 = arith.constant 3 : i32
          %dma_wait3A_158 = arith.constant 0 : i32
          %dma_wait3A_159 = arith.constant 0 : i32
          %dma_wait3A_160 = tpu.memref_slice %arg10[%dma_wait3A_157, %dma_wait3A_158, %dma_wait3A_159] : memref<4x64x128xf32, #tpu.memory_space<vmem>> -> memref<1x64x128xf32, #tpu.memory_space<vmem>>
          %dma_wait3A_161 = tpu.memref_squeeze %dma_wait3A_160 : memref<1x64x128xf32, #tpu.memory_space<vmem>> -> memref<64x128xf32, #tpu.memory_space<vmem>>
          %dma_wait3A_162 = arith.constant 0 : i32
          %dma_wait3A_163 = tpu.memref_slice %arg8[%add3A_156, %dma_wait3A_162] : memref<16x64xi32, #tpu.memory_space<vmem>> -> memref<1x64xi32, #tpu.memory_space<vmem>>
          %dma_wait3A_164 = tpu.memref_squeeze %dma_wait3A_163 : memref<1x64xi32, #tpu.memory_space<vmem>> -> memref<64xi32, #tpu.memory_space<vmem>>
          %dma_wait3A_165 = arith.constant 0 : i32
          %dma_wait3A_166 = arith.constant 0 : i32
          %dma_wait3A_167 = tpu.memref_slice %arg3[%dma_wait3A_165, %dma_wait3A_166] : memref<10240x128xf32, #tpu.memory_space<hbm>> -> memref<10240x128xf32, #tpu.memory_space<hbm>>
          tpu.wait_indirect_dma semaphore(%arg15 : memref<!tpu.dma_semaphore, #tpu.memory_space<semaphore_mem>>) src(%dma_wait3A_167 : memref<10240x128xf32, #tpu.memory_space<hbm>>) dst(%dma_wait3A_161 : memref<64x128xf32, #tpu.memory_space<vmem>>)
          %add3A_168 = arith.constant 3 : i32
          %add3A_169 = arith.addi %mul3A_82, %add3A_168 : i32
          %run_scoped3A_170 = arith.constant 3 : i32
          "tpu.region"() ({
            %run_scoped3A_180 = tpu.sem_alloc : memref<!tpu.dma_semaphore, #tpu.memory_space<semaphore_mem>>
            %dma_start3A_181 = arith.constant 0 : i32
            %dma_start3A_182 = arith.constant 0 : i32
            %dma_start3A_183 = tpu.memref_slice %arg10[%run_scoped3A_170, %dma_start3A_181, %dma_start3A_182] : memref<4x64x128xf32, #tpu.memory_space<vmem>> -> memref<1x64x128xf32, #tpu.memory_space<vmem>>
            %dma_start3A_184 = tpu.memref_squeeze %dma_start3A_183 : memref<1x64x128xf32, #tpu.memory_space<vmem>> -> memref<64x128xf32, #tpu.memory_space<vmem>>
            %dma_start3A_185 = arith.constant 0 : i32
            %dma_start3A_186 = tpu.memref_slice %arg9[%add3A_169, %dma_start3A_185] : memref<16x64xi32, #tpu.memory_space<vmem>> -> memref<1x64xi32, #tpu.memory_space<vmem>>
            %dma_start3A_187 = tpu.memref_squeeze %dma_start3A_186 : memref<1x64xi32, #tpu.memory_space<vmem>> -> memref<64xi32, #tpu.memory_space<vmem>>
            %dma_start3A_188 = arith.constant 0 : i32
            %dma_start3A_189 = arith.constant 0 : i32
            %dma_start3A_190 = tpu.memref_slice %arg11[%dma_start3A_188, %dma_start3A_189] : memref<10240x128xf32, #tpu.memory_space<vmem_shared>> -> memref<10240x128xf32, #tpu.memory_space<vmem_shared>>
            tpu.enqueue_indirect_dma source(%dma_start3A_184 : memref<64x128xf32, #tpu.memory_space<vmem>>) target(%dma_start3A_190 : memref<10240x128xf32, #tpu.memory_space<vmem_shared>>) offsets(%dma_start3A_187 : memref<64xi32, #tpu.memory_space<vmem>>) semaphore(%run_scoped3A_180 : memref<!tpu.dma_semaphore, #tpu.memory_space<semaphore_mem>>) {add = true}
            %dma_wait3A_191 = arith.constant 0 : i32
            %dma_wait3A_192 = arith.constant 0 : i32
            %dma_wait3A_193 = tpu.memref_slice %arg10[%run_scoped3A_170, %dma_wait3A_191, %dma_wait3A_192] : memref<4x64x128xf32, #tpu.memory_space<vmem>> -> memref<1x64x128xf32, #tpu.memory_space<vmem>>
            %dma_wait3A_194 = tpu.memref_squeeze %dma_wait3A_193 : memref<1x64x128xf32, #tpu.memory_space<vmem>> -> memref<64x128xf32, #tpu.memory_space<vmem>>
            %dma_wait3A_195 = arith.constant 0 : i32
            %dma_wait3A_196 = tpu.memref_slice %arg9[%add3A_169, %dma_wait3A_195] : memref<16x64xi32, #tpu.memory_space<vmem>> -> memref<1x64xi32, #tpu.memory_space<vmem>>
            %dma_wait3A_197 = tpu.memref_squeeze %dma_wait3A_196 : memref<1x64xi32, #tpu.memory_space<vmem>> -> memref<64xi32, #tpu.memory_space<vmem>>
            %dma_wait3A_198 = arith.constant 0 : i32
            %dma_wait3A_199 = arith.constant 0 : i32
            %dma_wait3A_200 = tpu.memref_slice %arg11[%dma_wait3A_198, %dma_wait3A_199] : memref<10240x128xf32, #tpu.memory_space<vmem_shared>> -> memref<10240x128xf32, #tpu.memory_space<vmem_shared>>
            tpu.wait_indirect_dma semaphore(%run_scoped3A_180 : memref<!tpu.dma_semaphore, #tpu.memory_space<semaphore_mem>>) src(%dma_wait3A_194 : memref<64x128xf32, #tpu.memory_space<vmem>>) dst(%dma_wait3A_200 : memref<10240x128xf32, #tpu.memory_space<vmem_shared>>)
            tpu.yield
          }) : () -> ()
          %add3A_171 = arith.constant 3 : i32
          %add3A_172 = arith.addi %mul3A_82, %add3A_171 : i32
          %add3A_173 = arith.constant 4 : i32
          %add3A_174 = arith.addi %add3A_172, %add3A_173 : i32
          %lt3A_175 = arith.constant 16 : i32
          %lt3A_176 = arith.cmpi slt, %add3A_174, %lt3A_175 : i32
          %convert_element_type3A_177 = arith.extui %lt3A_176 : i1 to i32
          %cond3A_178 = arith.constant 0 : i32
          %cond3A_179 = arith.cmpi ne, %convert_element_type3A_177, %cond3A_178 : i32
          scf.if %cond3A_179 {
            %add3A_180 = arith.constant 3 : i32
            %add3A_181 = arith.addi %mul3A_82, %add3A_180 : i32
            %add3A_182 = arith.constant 4 : i32
            %add3A_183 = arith.addi %add3A_181, %add3A_182 : i32
            %dma_start3A_184 = arith.constant 3 : i32
            %dma_start3A_185 = arith.constant 0 : i32
            %dma_start3A_186 = arith.constant 0 : i32
            %dma_start3A_187 = tpu.memref_slice %arg10[%dma_start3A_184, %dma_start3A_185, %dma_start3A_186] : memref<4x64x128xf32, #tpu.memory_space<vmem>> -> memref<1x64x128xf32, #tpu.memory_space<vmem>>
            %dma_start3A_188 = tpu.memref_squeeze %dma_start3A_187 : memref<1x64x128xf32, #tpu.memory_space<vmem>> -> memref<64x128xf32, #tpu.memory_space<vmem>>
            %dma_start3A_189 = arith.constant 0 : i32
            %dma_start3A_190 = tpu.memref_slice %arg8[%add3A_183, %dma_start3A_189] : memref<16x64xi32, #tpu.memory_space<vmem>> -> memref<1x64xi32, #tpu.memory_space<vmem>>
            %dma_start3A_191 = tpu.memref_squeeze %dma_start3A_190 : memref<1x64xi32, #tpu.memory_space<vmem>> -> memref<64xi32, #tpu.memory_space<vmem>>
            %dma_start3A_192 = arith.constant 0 : i32
            %dma_start3A_193 = arith.constant 0 : i32
            %dma_start3A_194 = tpu.memref_slice %arg3[%dma_start3A_192, %dma_start3A_193] : memref<10240x128xf32, #tpu.memory_space<hbm>> -> memref<10240x128xf32, #tpu.memory_space<hbm>>
            tpu.enqueue_indirect_dma source(%dma_start3A_194 : memref<10240x128xf32, #tpu.memory_space<hbm>>) target(%dma_start3A_188 : memref<64x128xf32, #tpu.memory_space<vmem>>) offsets(%dma_start3A_191 : memref<64xi32, #tpu.memory_space<vmem>>) semaphore(%arg15 : memref<!tpu.dma_semaphore, #tpu.memory_space<semaphore_mem>>)
          } else {
          }
        }
        %scan3A_79 = arith.constant 4 : i32
      }
      %scan3A_16 = arith.constant 10 : i32
      %barrier3A_17 = arith.constant 0 : index
      tpu.barrier barrier_id(%barrier3A_17)
      %mul3A_18 = arith.constant 640 : i32
      %mul3A_19 = arith.muli %arg1, %mul3A_18 : i32
      %mul3A_20 = arith.constant 640 : i32
      %mul3A_21 = arith.muli %arg1, %mul3A_20 : i32
      "tpu.region"() ({
        %run_scoped3A = tpu.sem_alloc : memref<!tpu.dma_semaphore, #tpu.memory_space<semaphore_mem>>
        %dma_start3A = arith.constant 0 : i32
        %dma_start3A_22 = tpu.memref_slice %arg7[%mul3A_21, %dma_start3A] : memref<10240x128xf32, #tpu.memory_space<hbm>> -> memref<640x128xf32, #tpu.memory_space<hbm>>
        %dma_start3A_23 = arith.constant 0 : i32
        %dma_start3A_24 = tpu.memref_slice %arg11[%mul3A_19, %dma_start3A_23] : memref<10240x128xf32, #tpu.memory_space<vmem_shared>> -> memref<640x128xf32, #tpu.memory_space<vmem_shared>>
        tpu.enqueue_dma source(%dma_start3A_24 : memref<640x128xf32, #tpu.memory_space<vmem_shared>>) target(%dma_start3A_22 : memref<640x128xf32, #tpu.memory_space<hbm>>) target_semaphore(%run_scoped3A : memref<!tpu.dma_semaphore, #tpu.memory_space<semaphore_mem>>)
        %dma_wait3A = arith.constant 0 : i32
        %dma_wait3A_25 = tpu.memref_slice %arg7[%mul3A_21, %dma_wait3A] : memref<10240x128xf32, #tpu.memory_space<hbm>> -> memref<640x128xf32, #tpu.memory_space<hbm>>
        %dma_wait3A_26 = arith.constant 0 : i32
        %dma_wait3A_27 = tpu.memref_slice %arg11[%mul3A_19, %dma_wait3A_26] : memref<10240x128xf32, #tpu.memory_space<vmem_shared>> -> memref<640x128xf32, #tpu.memory_space<vmem_shared>>
        tpu.wait_dma2 semaphore(%run_scoped3A : memref<!tpu.dma_semaphore, #tpu.memory_space<semaphore_mem>>) src(%dma_wait3A_27 : memref<640x128xf32, #tpu.memory_space<vmem_shared>>) dst(%dma_wait3A_25 : memref<640x128xf32, #tpu.memory_space<hbm>>)
        tpu.yield
      }) : () -> ()
    } else {
    }
    return
  }
}

module attributes {stable_mosaic.version = 14 : i64} {
  func.func @mm1_body(%arg0: i32, %arg1: memref<2048x256xf32, #tpu.memory_space<vmem>>, %arg2: memref<256x256xf32, #tpu.memory_space<vmem>>, %arg3: memref<2048x256xf32, #tpu.memory_space<vmem>>) attributes {dimension_semantics = [#tpu.dimension_semantics<arbitrary>], iteration_bounds = array<i64: 5>, scalar_prefetch = 0 : i64, scratch_operands = 0 : i64, tpu.core_type = #tpu.core_type<tc>, window_params = [{transform_indices = @transform_0, window_bounds = array<i64: 2048, 256>}, {pipeline_mode = #tpu.pipeline_mode<synchronous>, transform_indices = @transform_1, window_bounds = array<i64: 256, 256>}, {transform_indices = @transform_2, window_bounds = array<i64: 2048, 256>}]} {
    %get3A = arith.constant 0 : index
    %get3A_0 = arith.constant 0 : index
    %get3A_1 = vector.load %arg1[%get3A, %get3A_0] : memref<2048x256xf32, #tpu.memory_space<vmem>>, vector<2048x256xf32>
    %get3A_2 = arith.constant 0 : index
    %get3A_3 = arith.constant 0 : index
    %get3A_4 = vector.load %arg2[%get3A_2, %get3A_3] : memref<256x256xf32, #tpu.memory_space<vmem>>, vector<256x256xf32>
    %dot_general3A = arith.constant dense<0.000000e+00> : vector<2048x256xf32>
    %dot_general3A_5 = tpu.matmul %get3A_1, %get3A_4, %dot_general3A {dimension_numbers = #tpu.dot_dimension_numbers<[1], [0], [0], [1], [0, 0, 1, 1], [], []>, transpose_lhs_hint = false} : vector<2048x256xf32>, vector<256x256xf32>, vector<2048x256xf32> -> vector<2048x256xf32>
    %swap3A = arith.constant 0 : index
    %swap3A_6 = arith.constant 0 : index
    %swap3A_7 = vector.load %arg3[%swap3A, %swap3A_6] : memref<2048x256xf32, #tpu.memory_space<vmem>>, vector<2048x256xf32>
    tpu.vector_store %arg3[%swap3A, %swap3A_6], %dot_general3A_5 {strides = array<i32>} : memref<2048x256xf32, #tpu.memory_space<vmem>>, vector<2048x256xf32>,
    return
  }
  func.func @transform_0(%arg0: i32) -> (i32, i32) {
    %c0_i32 = arith.constant 0 : i32
    %c0_i32_0 = arith.constant 0 : i32
    return %arg0, %c0_i32 : i32, i32
  }
  func.func @transform_1(%arg0: i32) -> (i32, i32) {
    %c0_i32 = arith.constant 0 : i32
    %c0_i32_0 = arith.constant 0 : i32
    %c0_i32_1 = arith.constant 0 : i32
    return %c0_i32, %c0_i32_0 : i32, i32
  }
  func.func @transform_2(%arg0: i32) -> (i32, i32) {
    %c0_i32 = arith.constant 0 : i32
    %c0_i32_0 = arith.constant 0 : i32
    return %arg0, %c0_i32 : i32, i32
  }
}

module attributes {stable_mosaic.version = 14 : i64} {
  func.func @pre_body(%arg0: i32, %arg1: memref<2048xf32, #tpu.memory_space<vmem>>, %arg2: memref<2048xf32, #tpu.memory_space<vmem>>, %arg3: memref<2048x256xf32, #tpu.memory_space<vmem>>, %arg4: memref<2048xf32, #tpu.memory_space<vmem>>, %arg5: memref<2048x128xf32, #tpu.memory_space<vmem>>, %arg6: memref<2048x128xf32, #tpu.memory_space<vmem>>) attributes {dimension_semantics = [#tpu.dimension_semantics<arbitrary>], iteration_bounds = array<i64: 5>, scalar_prefetch = 0 : i64, scratch_operands = 0 : i64, tpu.core_type = #tpu.core_type<tc>, window_params = [{transform_indices = @transform_0, window_bounds = array<i64: 2048>}, {transform_indices = @transform_1, window_bounds = array<i64: 2048>}, {transform_indices = @transform_2, window_bounds = array<i64: 2048, 256>}, {transform_indices = @transform_3, window_bounds = array<i64: 2048>}, {transform_indices = @transform_4, window_bounds = array<i64: 2048, 128>}, {transform_indices = @transform_5, window_bounds = array<i64: 2048, 128>}]} {
    %mul3A = arith.constant 2048 : i32
    %mul3A_0 = arith.muli %arg0, %mul3A : i32
    %iota3A = tpu.iota {dimensions = array<i32: 1>} : vector<1x2048xi32>
    %iota3A_1 = vector.shape_cast %iota3A : vector<1x2048xi32> to vector<2048xi32>
    %add3A = vector.broadcast %mul3A_0 : i32 to vector<2048xi32>
    %add3A_2 = arith.addi %add3A, %iota3A_1 : vector<2048xi32>
    %get3A = arith.constant 0 : index
    %get3A_3 = vector.load %arg1[%get3A] : memref<2048xf32, #tpu.memory_space<vmem>>, vector<2048xf32>
    %get3A_4 = arith.constant 0 : index
    %get3A_5 = vector.load %arg2[%get3A_4] : memref<2048xf32, #tpu.memory_space<vmem>>, vector<2048xf32>
    %add3A_6 = arith.addf %get3A_3, %get3A_5 : vector<2048xf32>
    %add3A_7 = arith.constant 1.000000e+00 : f32
    %add3A_8 = vector.broadcast %add3A_7 : f32 to vector<2048xf32>
    %add3A_9 = arith.addf %add3A_6, %add3A_8 : vector<2048xf32>
    %lt3A = arith.constant 10000 : i32
    %lt3A_10 = vector.broadcast %lt3A : i32 to vector<2048xi32>
    %lt3A_11 = arith.cmpi slt, %add3A_2, %lt3A_10 : vector<2048xi32>
    %rsqrt3A = math.rsqrt %add3A_9 : vector<2048xf32>
    %jit3A = arith.constant 0.000000e+00 : f32
    %broadcast_in_dim3A = vector.broadcast %jit3A : f32 to vector<2048xf32>
    %select_n3A = arith.select %lt3A_11, %rsqrt3A, %broadcast_in_dim3A : vector<2048xi1>, vector<2048xf32>
    %swap3A = arith.constant 0 : index
    %swap3A_12 = vector.load %arg4[%swap3A] : memref<2048xf32, #tpu.memory_space<vmem>>, vector<2048xf32>
    tpu.vector_store %arg4[%swap3A], %select_n3A {strides = array<i32>} : memref<2048xf32, #tpu.memory_space<vmem>>, vector<2048xf32>,
    %mul3A_13 = arith.constant 2048 : i32
    %mul3A_14 = arith.muli %arg0, %mul3A_13 : i32
    %iota3A_15 = tpu.iota {dimensions = array<i32: 0>} : vector<2048x1xi32>
    %add3A_16 = vector.broadcast %mul3A_14 : i32 to vector<2048x1xi32>
    %add3A_17 = arith.addi %add3A_16, %iota3A_15 : vector<2048x1xi32>
    %lt3A_18 = arith.constant 10000 : i32
    %lt3A_19 = vector.broadcast %lt3A_18 : i32 to vector<2048x1xi32>
    %lt3A_20 = arith.cmpi slt, %add3A_17, %lt3A_19 : vector<2048x1xi32>
    %get3A_21 = arith.constant 0 : index
    %get3A_22 = arith.constant 0 : index
    %get3A_23 = vector.load %arg3[%get3A_21, %get3A_22] : memref<2048x256xf32, #tpu.memory_space<vmem>>, vector<2048x256xf32>
    %slice3A = vector.extract_strided_slice %get3A_23 {offsets = [0, 0], sizes = [2048, 128], strides = [1, 1]} : vector<2048x256xf32> to vector<2048x128xf32>
    %broadcast_in_dim3A_24 = vector.shape_cast %select_n3A : vector<2048xf32> to vector<2048x1xf32>
    %mul3A_25 = vector.broadcast %broadcast_in_dim3A_24 : vector<2048x1xf32> to vector<2048x128xf32>
    %mul3A_26 = arith.mulf %slice3A, %mul3A_25 : vector<2048x128xf32>
    %jit3A_27 = arith.constant 0.000000e+00 : f32
    %broadcast_in_dim3A_28 = vector.shape_cast %lt3A_20 : vector<2048x1xi1> to vector<2048x1xi1>
    %broadcast_in_dim3A_29 = vector.broadcast %broadcast_in_dim3A_28 : vector<2048x1xi1> to vector<2048x128xi1>
    %broadcast_in_dim3A_30 = vector.broadcast %jit3A_27 : f32 to vector<2048x128xf32>
    %select_n3A_31 = arith.select %broadcast_in_dim3A_29, %mul3A_26, %broadcast_in_dim3A_30 : vector<2048x128xi1>, vector<2048x128xf32>
    %swap3A_32 = arith.constant 0 : index
    %swap3A_33 = arith.constant 0 : index
    %swap3A_34 = vector.load %arg5[%swap3A_32, %swap3A_33] : memref<2048x128xf32, #tpu.memory_space<vmem>>, vector<2048x128xf32>
    tpu.vector_store %arg5[%swap3A_32, %swap3A_33], %select_n3A_31 {strides = array<i32>} : memref<2048x128xf32, #tpu.memory_space<vmem>>, vector<2048x128xf32>,
    %slice3A_35 = vector.extract_strided_slice %get3A_23 {offsets = [0, 128], sizes = [2048, 128], strides = [1, 1]} : vector<2048x256xf32> to vector<2048x128xf32>
    %broadcast_in_dim3A_36 = vector.shape_cast %select_n3A : vector<2048xf32> to vector<2048x1xf32>
    %mul3A_37 = vector.broadcast %broadcast_in_dim3A_36 : vector<2048x1xf32> to vector<2048x128xf32>
    %mul3A_38 = arith.mulf %slice3A_35, %mul3A_37 : vector<2048x128xf32>
    %jit3A_39 = arith.constant 0.000000e+00 : f32
    %broadcast_in_dim3A_40 = vector.shape_cast %lt3A_20 : vector<2048x1xi1> to vector<2048x1xi1>
    %broadcast_in_dim3A_41 = vector.broadcast %broadcast_in_dim3A_40 : vector<2048x1xi1> to vector<2048x128xi1>
    %broadcast_in_dim3A_42 = vector.broadcast %jit3A_39 : f32 to vector<2048x128xf32>
    %select_n3A_43 = arith.select %broadcast_in_dim3A_41, %mul3A_38, %broadcast_in_dim3A_42 : vector<2048x128xi1>, vector<2048x128xf32>
    %swap3A_44 = arith.constant 0 : index
    %swap3A_45 = arith.constant 0 : index
    %swap3A_46 = vector.load %arg6[%swap3A_44, %swap3A_45] : memref<2048x128xf32, #tpu.memory_space<vmem>>, vector<2048x128xf32>
    tpu.vector_store %arg6[%swap3A_44, %swap3A_45], %select_n3A_43 {strides = array<i32>} : memref<2048x128xf32, #tpu.memory_space<vmem>>, vector<2048x128xf32>,
    return
  }
  func.func @transform_0(%arg0: i32) -> i32 {
    %c0_i32 = arith.constant 0 : i32
    return %arg0 : i32
  }
  func.func @transform_1(%arg0: i32) -> i32 {
    %c0_i32 = arith.constant 0 : i32
    return %arg0 : i32
  }
  func.func @transform_2(%arg0: i32) -> (i32, i32) {
    %c0_i32 = arith.constant 0 : i32
    %c0_i32_0 = arith.constant 0 : i32
    return %arg0, %c0_i32 : i32, i32
  }
  func.func @transform_3(%arg0: i32) -> i32 {
    %c0_i32 = arith.constant 0 : i32
    return %arg0 : i32
  }
  func.func @transform_4(%arg0: i32) -> (i32, i32) {
    %c0_i32 = arith.constant 0 : i32
    %c0_i32_0 = arith.constant 0 : i32
    return %arg0, %c0_i32 : i32, i32
  }
  func.func @transform_5(%arg0: i32) -> (i32, i32) {
    %c0_i32 = arith.constant 0 : i32
    %c0_i32_0 = arith.constant 0 : i32
    return %arg0, %c0_i32 : i32, i32
  }
}

module attributes {stable_mosaic.version = 14 : i64} {
  func.func @mid_body(%arg0: i32, %arg1: memref<2048x128xf32, #tpu.memory_space<vmem>>, %arg2: memref<2048x128xf32, #tpu.memory_space<vmem>>, %arg3: memref<2048xf32, #tpu.memory_space<vmem>>, %arg4: memref<1x256xf32, #tpu.memory_space<vmem>>, %arg5: memref<256x128xf32, #tpu.memory_space<vmem>>, %arg6: memref<2048x128xf32, #tpu.memory_space<vmem>>) attributes {dimension_semantics = [#tpu.dimension_semantics<arbitrary>], iteration_bounds = array<i64: 5>, scalar_prefetch = 0 : i64, scratch_operands = 0 : i64, tpu.core_type = #tpu.core_type<tc>, window_params = [{transform_indices = @transform_0, window_bounds = array<i64: 2048, 128>}, {transform_indices = @transform_1, window_bounds = array<i64: 2048, 128>}, {transform_indices = @transform_2, window_bounds = array<i64: 2048>}, {pipeline_mode = #tpu.pipeline_mode<synchronous>, transform_indices = @transform_3, window_bounds = array<i64: 1, 256>}, {pipeline_mode = #tpu.pipeline_mode<synchronous>, transform_indices = @transform_4, window_bounds = array<i64: 256, 128>}, {transform_indices = @transform_5, window_bounds = array<i64: 2048, 128>}]} {
    %get3A = arith.constant 0 : index
    %get3A_0 = vector.load %arg3[%get3A] : memref<2048xf32, #tpu.memory_space<vmem>>, vector<2048xf32>
    %get3A_1 = arith.constant 0 : index
    %get3A_2 = arith.constant 0 : index
    %get3A_3 = vector.load %arg1[%get3A_1, %get3A_2] : memref<2048x128xf32, #tpu.memory_space<vmem>>, vector<2048x128xf32>
    %broadcast_in_dim3A = vector.shape_cast %get3A_0 : vector<2048xf32> to vector<2048x1xf32>
    %mul3A = vector.broadcast %broadcast_in_dim3A : vector<2048x1xf32> to vector<2048x128xf32>
    %mul3A_4 = arith.mulf %get3A_3, %mul3A : vector<2048x128xf32>
    %get3A_5 = arith.constant 0 : index
    %get3A_6 = arith.constant 0 : index
    %get3A_7 = vector.load %arg4[%get3A_5, %get3A_6] : memref<1x256xf32, #tpu.memory_space<vmem>>, vector<1x128xf32>
    %get3A_8 = vector.shape_cast %get3A_7 : vector<1x128xf32> to vector<128xf32>
    %broadcast_in_dim3A_9 = vector.shape_cast %get3A_8 : vector<128xf32> to vector<1x128xf32>
    %add3A = vector.broadcast %broadcast_in_dim3A_9 : vector<1x128xf32> to vector<2048x128xf32>
    %add3A_10 = arith.addf %mul3A_4, %add3A : vector<2048x128xf32>
    %max3A = arith.constant 0.000000e+00 : f32
    %max3A_11 = vector.broadcast %max3A : f32 to vector<2048x128xf32>
    %max3A_12 = arith.maximumf %add3A_10, %max3A_11 : vector<2048x128xf32>
    %get3A_13 = arith.constant 0 : index
    %get3A_14 = arith.constant 0 : index
    %get3A_15 = vector.load %arg2[%get3A_13, %get3A_14] : memref<2048x128xf32, #tpu.memory_space<vmem>>, vector<2048x128xf32>
    %broadcast_in_dim3A_16 = vector.shape_cast %get3A_0 : vector<2048xf32> to vector<2048x1xf32>
    %mul3A_17 = vector.broadcast %broadcast_in_dim3A_16 : vector<2048x1xf32> to vector<2048x128xf32>
    %mul3A_18 = arith.mulf %get3A_15, %mul3A_17 : vector<2048x128xf32>
    %get3A_19 = arith.constant 0 : index
    %get3A_20 = arith.constant 128 : index
    %get3A_21 = vector.load %arg4[%get3A_19, %get3A_20] : memref<1x256xf32, #tpu.memory_space<vmem>>, vector<1x128xf32>
    %get3A_22 = vector.shape_cast %get3A_21 : vector<1x128xf32> to vector<128xf32>
    %broadcast_in_dim3A_23 = vector.shape_cast %get3A_22 : vector<128xf32> to vector<1x128xf32>
    %add3A_24 = vector.broadcast %broadcast_in_dim3A_23 : vector<1x128xf32> to vector<2048x128xf32>
    %add3A_25 = arith.addf %mul3A_18, %add3A_24 : vector<2048x128xf32>
    %max3A_26 = arith.constant 0.000000e+00 : f32
    %max3A_27 = vector.broadcast %max3A_26 : f32 to vector<2048x128xf32>
    %max3A_28 = arith.maximumf %add3A_25, %max3A_27 : vector<2048x128xf32>
    %get3A_29 = arith.constant 0 : index
    %get3A_30 = arith.constant 0 : index
    %get3A_31 = vector.load %arg5[%get3A_29, %get3A_30] : memref<256x128xf32, #tpu.memory_space<vmem>>, vector<128x128xf32>
    %dot_general3A = arith.constant dense<0.000000e+00> : vector<2048x128xf32>
    %dot_general3A_32 = tpu.matmul %max3A_12, %get3A_31, %dot_general3A {dimension_numbers = #tpu.dot_dimension_numbers<[1], [0], [0], [1], [0, 0, 1, 1], [], []>, transpose_lhs_hint = false} : vector<2048x128xf32>, vector<128x128xf32>, vector<2048x128xf32> -> vector<2048x128xf32>
    %get3A_33 = arith.constant 128 : index
    %get3A_34 = arith.constant 0 : index
    %get3A_35 = vector.load %arg5[%get3A_33, %get3A_34] : memref<256x128xf32, #tpu.memory_space<vmem>>, vector<128x128xf32>
    %dot_general3A_36 = arith.constant dense<0.000000e+00> : vector<2048x128xf32>
    %dot_general3A_37 = tpu.matmul %max3A_28, %get3A_35, %dot_general3A_36 {dimension_numbers = #tpu.dot_dimension_numbers<[1], [0], [0], [1], [0, 0, 1, 1], [], []>, transpose_lhs_hint = false} : vector<2048x128xf32>, vector<128x128xf32>, vector<2048x128xf32> -> vector<2048x128xf32>
    %add3A_38 = arith.addf %dot_general3A_32, %dot_general3A_37 : vector<2048x128xf32>
    %broadcast_in_dim3A_39 = vector.shape_cast %get3A_0 : vector<2048xf32> to vector<2048x1xf32>
    %mul3A_40 = vector.broadcast %broadcast_in_dim3A_39 : vector<2048x1xf32> to vector<2048x128xf32>
    %mul3A_41 = arith.mulf %add3A_38, %mul3A_40 : vector<2048x128xf32>
    %swap3A = arith.constant 0 : index
    %swap3A_42 = arith.constant 0 : index
    %swap3A_43 = vector.load %arg6[%swap3A, %swap3A_42] : memref<2048x128xf32, #tpu.memory_space<vmem>>, vector<2048x128xf32>
    tpu.vector_store %arg6[%swap3A, %swap3A_42], %mul3A_41 {strides = array<i32>} : memref<2048x128xf32, #tpu.memory_space<vmem>>, vector<2048x128xf32>,
    return
  }
  func.func @transform_0(%arg0: i32) -> (i32, i32) {
    %c0_i32 = arith.constant 0 : i32
    %c0_i32_0 = arith.constant 0 : i32
    return %arg0, %c0_i32 : i32, i32
  }
  func.func @transform_1(%arg0: i32) -> (i32, i32) {
    %c0_i32 = arith.constant 0 : i32
    %c0_i32_0 = arith.constant 0 : i32
    return %arg0, %c0_i32 : i32, i32
  }
  func.func @transform_2(%arg0: i32) -> i32 {
    %c0_i32 = arith.constant 0 : i32
    return %arg0 : i32
  }
  func.func @transform_3(%arg0: i32) -> (i32, i32) {
    %c0_i32 = arith.constant 0 : i32
    %c0_i32_0 = arith.constant 0 : i32
    %c0_i32_1 = arith.constant 0 : i32
    return %c0_i32, %c0_i32_0 : i32, i32
  }
  func.func @transform_4(%arg0: i32) -> (i32, i32) {
    %c0_i32 = arith.constant 0 : i32
    %c0_i32_0 = arith.constant 0 : i32
    %c0_i32_1 = arith.constant 0 : i32
    return %c0_i32, %c0_i32_0 : i32, i32
  }
  func.func @transform_5(%arg0: i32) -> (i32, i32) {
    %c0_i32 = arith.constant 0 : i32
    %c0_i32_0 = arith.constant 0 : i32
    return %arg0, %c0_i32 : i32, i32
  }
}

module attributes {stable_mosaic.version = 14 : i64} {
  func.func @post_body(%arg0: i32, %arg1: memref<1x2048x128xf32, #tpu.memory_space<vmem>>, %arg2: memref<1x2048x128xf32, #tpu.memory_space<vmem>>, %arg3: memref<2048x128xf32, #tpu.memory_space<vmem>>, %arg4: memref<2048xf32, #tpu.memory_space<vmem>>, %arg5: memref<1x128xf32, #tpu.memory_space<vmem>>, %arg6: memref<2048x128xf32, #tpu.memory_space<vmem>>) attributes {dimension_semantics = [#tpu.dimension_semantics<arbitrary>], iteration_bounds = array<i64: 5>, scalar_prefetch = 0 : i64, scratch_operands = 0 : i64, tpu.core_type = #tpu.core_type<tc>, window_params = [{transform_indices = @transform_0, window_bounds = array<i64: 1, 2048, 128>}, {transform_indices = @transform_1, window_bounds = array<i64: 1, 2048, 128>}, {transform_indices = @transform_2, window_bounds = array<i64: 2048, 128>}, {transform_indices = @transform_3, window_bounds = array<i64: 2048>}, {pipeline_mode = #tpu.pipeline_mode<synchronous>, transform_indices = @transform_4, window_bounds = array<i64: 1, 128>}, {transform_indices = @transform_5, window_bounds = array<i64: 2048, 128>}]} {
    %get3A = arith.constant 0 : index
    %get3A_0 = vector.load %arg4[%get3A] : memref<2048xf32, #tpu.memory_space<vmem>>, vector<2048xf32>
    %get3A_1 = arith.constant 0 : index
    %get3A_2 = arith.constant 0 : index
    %get3A_3 = arith.constant 0 : index
    %get3A_4 = vector.load %arg1[%get3A_1, %get3A_2, %get3A_3] : memref<1x2048x128xf32, #tpu.memory_space<vmem>>, vector<1x2048x128xf32>
    %get3A_5 = vector.shape_cast %get3A_4 : vector<1x2048x128xf32> to vector<2048x128xf32>
    %get3A_6 = arith.constant 0 : index
    %get3A_7 = arith.constant 0 : index
    %get3A_8 = arith.constant 0 : index
    %get3A_9 = vector.load %arg2[%get3A_6, %get3A_7, %get3A_8] : memref<1x2048x128xf32, #tpu.memory_space<vmem>>, vector<1x2048x128xf32>
    %get3A_10 = vector.shape_cast %get3A_9 : vector<1x2048x128xf32> to vector<2048x128xf32>
    %add3A = arith.addf %get3A_5, %get3A_10 : vector<2048x128xf32>
    %get3A_11 = arith.constant 0 : index
    %get3A_12 = arith.constant 0 : index
    %get3A_13 = vector.load %arg3[%get3A_11, %get3A_12] : memref<2048x128xf32, #tpu.memory_space<vmem>>, vector<2048x128xf32>
    %add3A_14 = arith.addf %add3A, %get3A_13 : vector<2048x128xf32>
    %broadcast_in_dim3A = vector.shape_cast %get3A_0 : vector<2048xf32> to vector<2048x1xf32>
    %mul3A = vector.broadcast %broadcast_in_dim3A : vector<2048x1xf32> to vector<2048x128xf32>
    %mul3A_15 = arith.mulf %add3A_14, %mul3A : vector<2048x128xf32>
    %get3A_16 = arith.constant 0 : index
    %get3A_17 = arith.constant 0 : index
    %get3A_18 = vector.load %arg5[%get3A_16, %get3A_17] : memref<1x128xf32, #tpu.memory_space<vmem>>, vector<1x128xf32>
    %get3A_19 = vector.shape_cast %get3A_18 : vector<1x128xf32> to vector<128xf32>
    %broadcast_in_dim3A_20 = vector.shape_cast %get3A_19 : vector<128xf32> to vector<1x128xf32>
    %add3A_21 = vector.broadcast %broadcast_in_dim3A_20 : vector<1x128xf32> to vector<2048x128xf32>
    %add3A_22 = arith.addf %mul3A_15, %add3A_21 : vector<2048x128xf32>
    %swap3A = arith.constant 0 : index
    %swap3A_23 = arith.constant 0 : index
    %swap3A_24 = vector.load %arg6[%swap3A, %swap3A_23] : memref<2048x128xf32, #tpu.memory_space<vmem>>, vector<2048x128xf32>
    tpu.vector_store %arg6[%swap3A, %swap3A_23], %add3A_22 {strides = array<i32>} : memref<2048x128xf32, #tpu.memory_space<vmem>>, vector<2048x128xf32>,
    return
  }
  func.func @transform_0(%arg0: i32) -> (i32, i32, i32) {
    %c0_i32 = arith.constant 0 : i32
    %c0_i32_0 = arith.constant 0 : i32
    %c0_i32_1 = arith.constant 0 : i32
    return %c0_i32, %arg0, %c0_i32_0 : i32, i32, i32
  }
  func.func @transform_1(%arg0: i32) -> (i32, i32, i32) {
    %c1_i32 = arith.constant 1 : i32
    %c0_i32 = arith.constant 0 : i32
    %c0_i32_0 = arith.constant 0 : i32
    return %c1_i32, %arg0, %c0_i32 : i32, i32, i32
  }
  func.func @transform_2(%arg0: i32) -> (i32, i32) {
    %c0_i32 = arith.constant 0 : i32
    %c0_i32_0 = arith.constant 0 : i32
    return %arg0, %c0_i32 : i32, i32
  }
  func.func @transform_3(%arg0: i32) -> i32 {
    %c0_i32 = arith.constant 0 : i32
    return %arg0 : i32
  }
  func.func @transform_4(%arg0: i32) -> (i32, i32) {
    %c0_i32 = arith.constant 0 : i32
    %c0_i32_0 = arith.constant 0 : i32
    %c0_i32_1 = arith.constant 0 : i32
    return %c0_i32, %c0_i32_0 : i32, i32
  }
  func.func @transform_5(%arg0: i32) -> (i32, i32) {
    %c0_i32 = arith.constant 0 : i32
    %c0_i32_0 = arith.constant 0 : i32
    return %arg0, %c0_i32 : i32, i32
  }
}

</mosaic_0001>

<sc_bundles>
// kernel: kernel.12.cloned.1.call-start
scs
__scs_entry_jumppad:
0x0: {  	(pc) =	sbr.rel $0x88, $3  }
0x1: {  	(tag) =	ssettag $0x0;
	lr =	simm.s32 $0x1  }
0x2: {  	[smem:$0x3F9B] =	sst lr;
	_ =	strace $0xD0000000  }
0x3: {  	_ = 	snop  }
0x4: {  	_ = 	snop  }
0x5: {  	_ = 	snop  }
0x6: {  	_ = 	snop  }
0x7: {  	_ = 	snop  }
__scs_overlays_trampoline_lowered:
0x8: {  	[smem:$0x3FAA] =	sst s0  }
0x9: {  	[smem:$0x3FAB] =	sst s1  }
0xa: {  	[smem:$0x3FAC] =	sst s2  }
0xb: {  	[smem:$0x3FAD] =	sst s3  }
0xc: {  	[smem:$0x3FAE] =	sst s4  }
0xd: {  	[smem:$0x3FAF] =	sst s5  }
0xe: {  	[smem:$0x3FB0] =	sst s6  }
0xf: {  	[smem:$0x3FB1] =	sst s7  }
0x10: {  	[smem:$0x3FB2] =	sst s8  }
0x11: {  	[smem:$0x3FB3] =	sst s9;
	s0 =	simm.s32 @!p0 $0x0  }
0x12: {  	s1 =	sld [smem:$0x3F99];
	s0 =	simm.s32 @p0 $0x1  }
0x13: {  	[smem:$0x3FB4] =	sst s0;
	s0 =	simm.s32 @!p1 $0x0  }
0x14: {  	s2 =	sld [smem:$0x3F98];
	s0 =	simm.s32 @p1 $0x1  }
0x15: {  	[smem:$0x3FB5] =	sst s0;
	s0 =	simm.s32 @!p2 $0x0  }
0x16: {  	s3 =	sld [smem:$0x3FDB];
	s0 =	simm.s32 @p2 $0x1  }
0x17: {  	s4 =	simm.s32 $0x1BF5;
	[smem:$0x3FB7] =	sst s0  }
0x18: {  	s0 =	sld [smem:$0x3F9A];
	_ =	swait.ge [sflag:s4], $0x0  }
0x19: {  	s7 =	sld [smem:$0x3F9B]  }
0x1a: {  	s8 =	sadd.s32 $0xFFFFE003, lr  }
0x1b: {  	s9 =	sadd.s32 $0xFFFFFEF7, lr;
	s5 =	simm.s32 $0xFFFFFFFF;
	p2 =	slt.u32 s8, $0xFFFFF086  }
0x1c: {  	p1 =	slt.u32 s9, $0xF7A;
	s5 =	simm.s32 @!p2 $0x0  }
0x1d: {  	s5 =	simm.s32 @p1 $0x1;
	p0 =	seq.s32 s7, s2  }
0x1e: {  	s7 =	smul.u32 @!p0 $0xF7A, s2;
	p2 =	seq.s32 @!p0 s5, $0x0  }
0x1f: {  	s9 =	smul.u32 $0xF7A, s1;
	s8 =	simm.s32 @!p0 $0x1BF5;
	p2 =	por !p2, p0  }
0x20: {  	[sflag:s8] =	ssyncset.s32 @!p0 $0xFFFFF086;
	s6 =	sadd.s32 @!p0 s3, s7;
	s7 =	simm.s32 @!p0 $0x108  }
0x21: {  	s3 =	sadd.s32 s3, s9;
	s6 =	sadd.s32 @!p0 $0x88, s6;
	s7 =	simm.s32 @p2 $0x1082  }
0x22: {  	[simem:s7], [sflag:s8] =	dma.local @!p0 [hbm:s6], $0xF7A  }
0x23: {  	s9 =	sor.u32 $0xD0000000, s2;
	s6 =	simm.s32 $0x108;
	_ =	swait.ge @!p0 [sflag:s8], $0x0  }
0x24: {  	s3 =	sadd.s32 $0x88, s3;
	s6 =	simm.s32 @!p1 $0x1082;
	[sflag:s4] =	ssyncset.s32 $0xFFFFF086  }
0x25: {  	[simem:s6], [sflag:s4] =	dma.local [hbm:s3], $0xF7A  }
0x26: {  	[smem:$0x3F9B] =	sst s1;
	(tag) =	ssettag s2;
	_ =	strace s9  }
0x27: {  	s1 =	sld [smem:$0x3FAB]  }
0x28: {  	s2 =	sld [smem:$0x3FAC]  }
0x29: {  	s4 =	sld [smem:$0x3FAE]  }
0x2a: {  	p0 =	seq.s32 s5, $0x0;
	s5 =	sld [smem:$0x3FAF]  }
0x2b: {  	s6 =	sld [smem:$0x3FB0]  }
0x2c: {  	s7 =	sld [smem:$0x3FB1]  }
0x2d: {  	s3 =	simm.s32 $0x108;
	s8 =	sld [smem:$0x3FB2]  }
0x2e: {  	s3 =	simm.s32 @!p0 $0x1082;
	s9 =	sld [smem:$0x3FB3]  }
0x2f: {  	lr =	sadd.s32 s0, s3;
	s0 =	sld [smem:$0x3FAA]  }
0x30: {  	s3 =	sld [smem:$0x3FAD]  }
0x31: {  	[smem:$0x3FB6] =	sst s10  }
0x32: {  	s10 =	sld [smem:$0x3FB4];
	_ =	sdelay $0x3  }
0x33: {  	p0 =	seq.s32 s10, $0x1;
	s10 =	sld [smem:$0x3FB6];
	_ =	sdelay $0x3  }
0x34: {  	[smem:$0x3FB6] =	sst s10  }
0x35: {  	s10 =	sld [smem:$0x3FB5];
	_ =	sdelay $0x3  }
0x36: {  	p1 =	seq.s32 s10, $0x1;
	s10 =	sld [smem:$0x3FB6];
	_ =	sdelay $0x3  }
0x37: {  	[smem:$0x3FB6] =	sst s10  }
0x38: {  	s10 =	sld [smem:$0x3FB7]  }
0x39: {  	_ = 	snop;
	(pc) =	sbr.ind lr, $3  }
0x3a: {  	_ = 	snop  }
0x3b: {  	_ = 	snop  }
0x3c: {  	p2 =	seq.s32 s10, $0x1;
	s10 =	sld [smem:$0x3FB6]  }
0x3d: {  	_ =	shalt  }
0x3e: {  	_ =	shalt  }
0x3f: {  	_ =	shalt  }
0x40: {  	_ =	shalt  }
0x41: {  	_ =	shalt  }
0x42: {  	_ =	shalt  }
0x43: {  	_ =	shalt  }
0x44: {  	_ =	shalt  }
0x45: {  	_ =	shalt  }
0x46: {  	_ =	shalt  }
0x47: {  	_ =	shalt  }
0x48: {  	_ =	shalt  }
0x49: {  	_ =	shalt  }
0x4a: {  	_ =	shalt  }
0x4b: {  	_ =	shalt  }
0x4c: {  	_ =	shalt  }
0x4d: {  	_ =	shalt  }
0x4e: {  	_ =	shalt  }
0x4f: {  	_ =	shalt  }
0x50: {  	_ =	shalt  }
0x51: {  	_ =	shalt  }
0x52: {  	_ =	shalt  }
0x53: {  	_ =	shalt  }
0x54: {  	_ =	shalt  }
0x55: {  	_ =	shalt  }
0x56: {  	_ =	shalt  }
0x57: {  	_ =	shalt  }
0x58: {  	_ =	shalt  }
0x59: {  	_ =	shalt  }
0x5a: {  	_ =	shalt  }
0x5b: {  	_ =	shalt  }
0x5c: {  	_ =	shalt  }
0x5d: {  	_ =	shalt  }
0x5e: {  	_ =	shalt  }
0x5f: {  	_ =	shalt  }
0x60: {  	_ =	shalt  }
0x61: {  	_ =	shalt  }
0x62: {  	_ =	shalt  }
0x63: {  	_ =	shalt  }
0x64: {  	_ =	shalt  }
0x65: {  	_ =	shalt  }
0x66: {  	_ =	shalt  }
0x67: {  	_ =	shalt  }
0x68: {  	_ =	shalt  }
0x69: {  	_ =	shalt  }
0x6a: {  	_ =	shalt  }
0x6b: {  	_ =	shalt  }
0x6c: {  	_ =	shalt  }
0x6d: {  	_ =	shalt  }
0x6e: {  	_ =	shalt  }
0x6f: {  	_ =	shalt  }
0x70: {  	_ =	shalt  }
0x71: {  	_ =	shalt  }
0x72: {  	_ =	shalt  }
0x73: {  	_ =	shalt  }
0x74: {  	_ =	shalt  }
0x75: {  	_ =	shalt  }
0x76: {  	_ =	shalt  }
0x77: {  	_ =	shalt  }
0x78: {  	_ =	shalt  }
0x79: {  	_ =	shalt  }
0x7a: {  	_ =	shalt  }
0x7b: {  	_ =	shalt  }
0x7c: {  	_ =	shalt  }
0x7d: {  	_ =	shalt  }
0x7e: {  	_ =	shalt  }
0x7f: {  	_ =	shalt  }
0x80: {  	_ =	shalt  }
0x81: {  	_ =	shalt  }
0x82: {  	_ =	shalt  }
0x83: {  	_ =	shalt  }
0x84: {  	_ =	shalt  }
0x85: {  	_ =	shalt  }
0x86: {  	_ =	shalt  }
0x87: {  	_ =	shalt  }
.Lfunc_end0:
.L_simem_size_0:
called_computation.1_lowered:
.L_overlay_start_0:
0x88: {  	s2 =	sld [smem:$0x3FD9]  }
0x89: {  	s3 =	sld [smem:$0x3FFE];
	_ =	sdelay $0x1  }
0x8a: {  	s1 =	srdreg.scid  }
0x8b: {  	s0 =	sand.u32 $0x1, s1  }
0x8c: {  	s17 =	sshll.u32 s0, $0xA;
	s2 =	sadd.s32 s3, s2  }
0x8d: {  	s2 =	sadd.s32 s2, s17  }
0x8e: {  	[smem:$0x3FC2] =	sst s2  }
0x8f: {  	_ = 	snop  }
0x90: {  	s2 =	sld [smem:$0x3FD0];
	(tm) =	ssettm $0x1  }
0x91: {  	s18 =	sld [smem:$0x3FFB];
	_ =	sdelay $0x3  }
0x92: {  	_ =	strace s18  }
0x93: {  	s3 =	sld [smem:$0x3FFC];
	_ =	sdelay $0x3  }
0x94: {  	_ =	strace s3  }
0x95: {  	s3 =	sld [smem:$0x3FFD];
	_ =	sdelay $0x3  }
0x96: {  	_ =	strace s3  }
0x97: {  	_ =	strace $0x8FFFFFFF  }
0x98: {  	s19 =	sld [smem:$0x3FDB];
	_ =	sdelay $0x1  }
0x99: {  	s4 =	simm.s32 $_scs_section_size  }
0x9a: {  	s5 =	simm.s32 $_size__tile_overlayer_lowered;
	s6 =	simm.s32 $_tile_overlayer_lowered  }
0x9b: {  	s22 =	simm.s32 $0x1BFF;
	s21 =	sshll.u32 s6, $0x1;
	s3 =	sadd.s32 s4, s19  }
0x9c: {  	s7 =	simm.s32 $0x0;
	s20 =	sshll.u32 s5, $0x1;
	s5 =	sadd.s32 s21, s3  }
0x9d: {  	[timem:s7], [sflag:s22] =	dma.local [hbm:s5], s20  }
0x9e: {  	_ =	swait.ge [sflag:s22], s20  }
0x9f: {  	s4 =	ssub.s32 $0x0, s20;
	[sflag:s22] =	ssyncset.done $0x0  }
0xa0: {  	[sflag:s22] =	ssyncadd.s32 s4;
	_ =	sdelay $0x1  }
0xa1: {  	s23 =	simm.s32 $0x1B8B  }
0xa2: {  	_ =	swait.ge [sflag:s23], $0x1  }
0xa3: {  	[sflag:s23] =	ssyncset.done $0x0  }
0xa4: {  	s25 =	simm.s32 $0x1B8E;
	s24 =	sld [smem:$0x3FFE];
	[sflag:s23] =	ssyncadd.s32 $0xFFFFFFFF  }
0xa5: {  	s26 =	simm.s32 $execute0_lowered;
	[smem:$0x3FD2] =	sst s25  }
0xa6: {  	s5 =	sshll.u32 s26, $0x1;
	_ =	strace $0x80000049;
	[dreg:$0x1] =	wrdreg $0xFFFFFFFF  }
0xa7: {  	s28 =	simm.s32 $_size_execute0_lowered;
	s3 =	sadd.s32 s3, s5;
	[dreg:$0x0] =	wrdreg $0x0  }
0xa8: {  	s5 =	sshll.u32 s28, $0x1;
	[dreg:$0x2] =	wrdreg s3  }
0xa9: {  	[dreg:$0x3] =	wrdreg s5  }
0xaa: {  	[dreg:$0x4] =	wrdreg $0xC0  }
0xab: {  	_ =	task [dreg:s7], $0x5FFFF  }
0xac: {  	[dreg:$0x1] =	wrdreg $0xFFFFFFFF  }
0xad: {  	[dreg:$0x0] =	wrdreg $0x60  }
0xae: {  	[dreg:$0x2] =	wrdreg s24  }
0xaf: {  	[dreg:$0x3] =	wrdreg s2  }
0xb0: {  	[dreg:$0x4] =	wrdreg $0x90000  }
0xb1: {  	[dreg:$0x5] =	wrdreg $0x9  }
0xb2: {  	_ =	task.clear_ibuf [dreg:s7], $0x6FFFF;
	_ =	strace $0x90000049  }
0xb3: {  	s29 =	simm.s32 $0x9;
	_ =	strace $0x8000004B  }
0xb4: {  	_ =	swait.ge [sflag:s29], $0x1  }
0xb5: {  	[sflag:s29] =	ssyncadd.s32 $0xFFFFFFFF  }
0xb6: {  	_ =	strace $0x9000004B  }
0xb7: {  	_ =	sfence  }
0xb8: {  	s30 =	sld [smem:$0x0];
	_ =	sdelay $0x2  }
0xb9: {  	s31 =	sshll.u32 s1, $0xD;
	s1 =	sshrl.u32 s1, $0x2  }
0xba: {  	s3 =	sand.u32 $0x4000, s31;
	s1 =	sadd.s32 s1, s30  }
0xbb: {  	s0 =	sor.u32 s3, s0;
	s1 =	sshll.u32 s1, $0x11  }
0xbc: {  	s0 =	sor.u32 s1, s0  }
0xbd: {  	s0 =	sadd.s32 $0x8F2B, s0  }
0xbe: {  	[sflag:s0] =	ssyncadd.remote.s32 $0x1  }
0xbf: {  	_ =	sfence.sel $0xFFFF  }
0xc0: {  	[dreg:$0x0] =	wrdreg $0xFFFFFFFF;
	(pc) =	sbr.abs _section_cstart, $3  }
0xc1: {  	[dreg:$0x1] =	wrdreg $0xFFFFFFFF  }
0xc2: {  	_ =	task.clear_ibuf [dreg:s7], $0x2FFFF;
	_ =	strace $0x9FFFFFFF  }
0xc3: {  	(tm) =	ssettm $0x7FFFFFFF  }
tec
execute0_lowered:
.L_overlay_start_1:
0x0: {  	(tag) =	ssettag $0x1  }
0x1: {  	s0 =	rddreg [dreg:$0x0]  }
0x2: {  	s1 =	rddreg [dreg:$0x1]  }
0x3: {  	s2 =	rddreg [dreg:$0x2]  }
0x4: {  	s3 =	simm.s32 $0x0;
	s11 =	stileid.u32;
	s7 =	srdreg.scid  }
0x5: {  	s17 =	simm.s32 $0x5;
	s18 =	simm.s32 $0x800;
	s19 =	simm.s32 $0x40  }
0x6: {  	s20 =	simm.s32 $0x1000;
	s28 =	simm.s32 $0x1;
	s13 =	simm.s32 $0x200  }
0x7: {  	s30 =	simm.s32 $0x2;
	s15 =	simm.s32 $0x280;
	s16 =	simm.s32 $0x300  }
0x8: {  	s21 =	simm.s32 $0x980;
	s31 =	simm.s32 $0x0;
	[smem:$0x7FF] =	sst s3  }
0x9: {  	s6 =	smul.u32 $0xA00, s11;
	s4 =	sadd.s32 $0xD000, s0;
	s5 =	sadd.s32 $0x35000, s0  }
0xa: {  	s7 =	sand.u32 $0x1, s7;
	s9 =	sadd.s32 $0x5D000, s0;
	s10 =	smul.u32 $0x50000, s11  }
0xb: {  	s12 =	smul.u32 $0x2800, s11;
	s29 =	sshll.u32 s11, $0x6;
	s11 =	simm.s32 $0x880  }
0xc: {  	_ =	strace $0x8000004A;
	[dreg:$0x4] =	wrdreg s9;
	s22 =	ssub.s32 $0x2, s7  }
0xd: {  	p0 =	seq.s32 s7, $0x1;
	[dreg:$0xa] =	wrdreg s29;
	s9 =	simm.s32 $0x80  }
0xe: {  	s8 =	sadd.s32 s6, s0;
	s0 =	sadd.s32 $0x85000, s0;
	s23 =	sshrl.u32 s22, $0x1  }
0xf: {  	s24 =	sshrl.u32 s10, $0x2;
	s25 =	sadd.s32 s4, s12;
	[dreg:$0x6] =	wrdreg s12  }
0x10: {  	s26 =	sadd.s32 s5, s12;
	s12 =	sadd.s32 s6, s1;
	s10 =	simm.s32 $0x100  }
0x11: {  	s1 =	simm.s32 $0x3;
	s6 =	simm.s32 $0x4;
	[dreg:$0x5] =	wrdreg s0  }
0x12: {  	s0 =	ssub.s32 s22, s23;
	s7 =	sadd.s32 s24, s2;
	[dreg:$0x7] =	wrdreg s25  }
.Ltmp0:
0x13: {  	[dreg:$0x8] =	wrdreg s26;
	s14 =	sadd.s32 $0x3000, s8;
	(pc) =	sbr.rel .LBB2_1-.Ltmp0, $4  }
0x14: {  	s22 =	simm.s32 $0x3000;
	s24 =	simm.s32 $0x5000;
	s0 =	smax.u32 s0, $0x1  }
0x15: {  	s26 =	simm.s32 $0x7000;
	s25 =	sshrl.u32 s7, $0x3;
	[dreg:$0x9] =	wrdreg s0  }
0x16: {  	s8 =	simm.s32 $0x900;
	s0 =	sor.u32 $0x1C05, s29;
	[dreg:$0xc] =	wrdreg s25  }
0x17: {  	s23 =	simm.s32 $0x380;
	s7 =	simm.s32 $0x180;
	[dreg:$0xb] =	wrdreg s0  }
.LBB2_7:
0x18: {  	s0 =	sadd.s32 s25, s14;
	[sflag:s17] =	ssyncadd.s32 $0xFFFFE000  }
0x19: {  	[tilespmem:s3], [sflag:$0x5] =	stream.linear.gather [hbm4b:s0+s3], $0x800, $0x38;
	[tilespmem:$0x1D000] =	vst v63  }
0x1a: {  	_ =	swait.ge [sflag:s17], $0x800  }
0x1b: {  	[sflag:s17] =	ssyncset.done $0x0  }
0x1c: {  	s25 =	sadd.s32 s25, s12;
	[sflag:s17] =	ssyncadd.s32 $0xFFFFF800  }
0x1d: {  	[tilespmem:s18], [sflag:$0x5] =	stream.linear.gather [hbm4b:s25+s3], $0x800, $0x38;
	[tilespmem:$0x1D000] =	vst v63  }
0x1e: {  	_ =	swait.ge [sflag:s17], $0x800  }
0x1f: {  	[sflag:s17] =	ssyncset.done $0x0  }
0x20: {  	[sflag:s17] =	ssyncadd.s32 $0xFFFFF800  }
0x21: {  	[tilespmem:s20], [sflag:$0x1] =	stream.indirect.gather [hbm4b:s5+s19], $0x80, s3, s19, $0xb8;
	[tilespmem:$0x1D000] =	vst v63  }
0x22: {  	_ = 	snop  }
0x23: {  	[tilespmem:s22], [sflag:$0x2] =	stream.indirect.gather [hbm4b:s5+s19], $0x80, s9, s19, $0xb8;
	[tilespmem:$0x1D000] =	vst v63  }
0x24: {  	_ = 	snop  }
0x25: {  	[tilespmem:s24], [sflag:$0x3] =	stream.indirect.gather [hbm4b:s5+s19], $0x80, s10, s19, $0xb8;
	[tilespmem:$0x1D000] =	vst v63  }
0x26: {  	_ = 	snop  }
0x27: {  	[tilespmem:s26], [sflag:$0x4] =	stream.indirect.gather [hbm4b:s5+s19], $0x80, s7, s19, $0xb8;
	[tilespmem:$0x1D000] =	vst v63  }
0x28: {  	_ =	swait.ge [sflag:s28], $0x2000  }
0x29: {  	[sflag:s28] =	ssyncset.done $0x0  }
0x2a: {  	[sflag:s28] =	ssyncadd.s32 $0xFFFFE000  }
0x2b: {  	[spmem:s2] =	stream.indirect.scatter.add.f32 [tilespmem:s20], [sflag:$0x5], $0x80, s18, s19, $0xb8;
	[tilespmem:$0x1D000] =	vst v63  }
0x2c: {  	_ =	swait.ge [sflag:s17], $0x2000  }
0x2d: {  	[sflag:s17] =	ssyncset.done $0x0  }
0x2e: {  	[sflag:s17] =	ssyncadd.s32 $0xFFFFE000  }
0x2f: {  	[tilespmem:s20], [sflag:$0x1] =	stream.indirect.gather [hbm4b:s5+s19], $0x80, s13, s19, $0xb8;
	[tilespmem:$0x1D000] =	vst v63  }
0x30: {  	_ =	swait.ge [sflag:s30], $0x2000  }
0x31: {  	[sflag:s30] =	ssyncset.done $0x0  }
0x32: {  	[sflag:s30] =	ssyncadd.s32 $0xFFFFE000  }
0x33: {  	[spmem:s2] =	stream.indirect.scatter.add.f32 [tilespmem:s22], [sflag:$0x5], $0x80, s11, s19, $0xb8;
	[tilespmem:$0x1D000] =	vst v63  }
0x34: {  	_ =	swait.ge [sflag:s17], $0x2000  }
0x35: {  	[sflag:s17] =	ssyncset.done $0x0  }
0x36: {  	[sflag:s17] =	ssyncadd.s32 $0xFFFFE000  }
0x37: {  	[tilespmem:s22], [sflag:$0x2] =	stream.indirect.gather [hbm4b:s5+s19], $0x80, s15, s19, $0xb8;
	[tilespmem:$0x1D000] =	vst v63  }
0x38: {  	_ =	swait.ge [sflag:s1], $0x2000  }
0x39: {  	[sflag:s1] =	ssyncset.done $0x0  }
0x3a: {  	[sflag:s1] =	ssyncadd.s32 $0xFFFFE000  }
0x3b: {  	[spmem:s2] =	stream.indirect.scatter.add.f32 [tilespmem:s24], [sflag:$0x5], $0x80, s8, s19, $0xb8;
	[tilespmem:$0x1D000] =	vst v63  }
0x3c: {  	_ =	swait.ge [sflag:s17], $0x2000  }
0x3d: {  	[sflag:s17] =	ssyncset.done $0x0  }
0x3e: {  	[sflag:s17] =	ssyncadd.s32 $0xFFFFE000  }
0x3f: {  	[tilespmem:s24], [sflag:$0x3] =	stream.indirect.gather [hbm4b:s5+s19], $0x80, s16, s19, $0xb8;
	[tilespmem:$0x1D000] =	vst v63  }
0x40: {  	_ =	swait.ge [sflag:s6], $0x2000  }
0x41: {  	[sflag:s6] =	ssyncset.done $0x0  }
0x42: {  	[sflag:s6] =	ssyncadd.s32 $0xFFFFE000  }
0x43: {  	[spmem:s2] =	stream.indirect.scatter.add.f32 [tilespmem:s26], [sflag:$0x5], $0x80, s21, s19, $0xb8;
	[tilespmem:$0x1D000] =	vst v63  }
0x44: {  	_ =	swait.ge [sflag:s17], $0x2000  }
0x45: {  	[sflag:s17] =	ssyncset.done $0x0  }
0x46: {  	[sflag:s17] =	ssyncadd.s32 $0xFFFFE000  }
0x47: {  	[tilespmem:s26], [sflag:$0x4] =	stream.indirect.gather [hbm4b:s5+s19], $0x80, s23, s19, $0xb8;
	[tilespmem:$0x1D000] =	vst v63  }
0x48: {  	_ =	swait.ge [sflag:s28], $0x2000  }
0x49: {  	[sflag:s28] =	ssyncset.done $0x0  }
0x4a: {  	s7 =	simm.s32 $0xA00;
	[sflag:s28] =	ssyncadd.s32 $0xFFFFE000  }
0x4b: {  	[spmem:s2] =	stream.indirect.scatter.add.f32 [tilespmem:s20], [sflag:$0x5], $0x80, s7, s19, $0xb8;
	[tilespmem:$0x1D000] =	vst v63  }
0x4c: {  	_ =	swait.ge [sflag:s17], $0x2000  }
0x4d: {  	[sflag:s17] =	ssyncset.done $0x0  }
0x4e: {  	s8 =	simm.s32 $0x400;
	[sflag:s17] =	ssyncadd.s32 $0xFFFFE000  }
0x4f: {  	[tilespmem:s20], [sflag:$0x1] =	stream.indirect.gather [hbm4b:s5+s19], $0x80, s8, s19, $0xb8;
	[tilespmem:$0x1D000] =	vst v63  }
0x50: {  	_ =	swait.ge [sflag:s30], $0x2000  }
0x51: {  	[sflag:s30] =	ssyncset.done $0x0  }
0x52: {  	s10 =	simm.s32 $0xA80;
	[sflag:s30] =	ssyncadd.s32 $0xFFFFE000  }
0x53: {  	[spmem:s2] =	stream.indirect.scatter.add.f32 [tilespmem:s22], [sflag:$0x5], $0x80, s10, s19, $0xb8;
	[tilespmem:$0x1D000] =	vst v63  }
0x54: {  	_ =	swait.ge [sflag:s17], $0x2000  }
0x55: {  	[sflag:s17] =	ssyncset.done $0x0  }
0x56: {  	s11 =	simm.s32 $0x480;
	[sflag:s17] =	ssyncadd.s32 $0xFFFFE000  }
0x57: {  	[tilespmem:s22], [sflag:$0x2] =	stream.indirect.gather [hbm4b:s5+s19], $0x80, s11, s19, $0xb8;
	[tilespmem:$0x1D000] =	vst v63  }
0x58: {  	_ =	swait.ge [sflag:s1], $0x2000  }
0x59: {  	[sflag:s1] =	ssyncset.done $0x0  }
0x5a: {  	s13 =	simm.s32 $0xB00;
	[sflag:s1] =	ssyncadd.s32 $0xFFFFE000  }
0x5b: {  	[spmem:s2] =	stream.indirect.scatter.add.f32 [tilespmem:s24], [sflag:$0x5], $0x80, s13, s19, $0xb8;
	[tilespmem:$0x1D000] =	vst v63  }
0x5c: {  	_ =	swait.ge [sflag:s17], $0x2000  }
0x5d: {  	[sflag:s17] =	ssyncset.done $0x0  }
0x5e: {  	s15 =	simm.s32 $0x500;
	[sflag:s17] =	ssyncadd.s32 $0xFFFFE000  }
0x5f: {  	[tilespmem:s24], [sflag:$0x3] =	stream.indirect.gather [hbm4b:s5+s19], $0x80, s15, s19, $0xb8;
	[tilespmem:$0x1D000] =	vst v63  }
0x60: {  	_ =	swait.ge [sflag:s6], $0x2000  }
0x61: {  	[sflag:s6] =	ssyncset.done $0x0  }
0x62: {  	s16 =	simm.s32 $0xB80;
	[sflag:s6] =	ssyncadd.s32 $0xFFFFE000  }
0x63: {  	[spmem:s2] =	stream.indirect.scatter.add.f32 [tilespmem:s26], [sflag:$0x5], $0x80, s16, s19, $0xb8;
	[tilespmem:$0x1D000] =	vst v63  }
0x64: {  	_ =	swait.ge [sflag:s17], $0x2000  }
0x65: {  	[sflag:s17] =	ssyncset.done $0x0  }
0x66: {  	s21 =	simm.s32 $0x580;
	[sflag:s17] =	ssyncadd.s32 $0xFFFFE000  }
0x67: {  	[tilespmem:s26], [sflag:$0x4] =	stream.indirect.gather [hbm4b:s5+s19], $0x80, s21, s19, $0xb8;
	[tilespmem:$0x1D000] =	vst v63  }
0x68: {  	_ =	swait.ge [sflag:s28], $0x2000  }
0x69: {  	[sflag:s28] =	ssyncset.done $0x0  }
0x6a: {  	s23 =	simm.s32 $0xC00;
	[sflag:s28] =	ssyncadd.s32 $0xFFFFE000  }
0x6b: {  	[spmem:s2] =	stream.indirect.scatter.add.f32 [tilespmem:s20], [sflag:$0x5], $0x80, s23, s19, $0xb8;
	[tilespmem:$0x1D000] =	vst v63  }
0x6c: {  	_ =	swait.ge [sflag:s17], $0x2000  }
0x6d: {  	[sflag:s17] =	ssyncset.done $0x0  }
0x6e: {  	s25 =	simm.s32 $0x600;
	[sflag:s17] =	ssyncadd.s32 $0xFFFFE000  }
0x6f: {  	[tilespmem:s20], [sflag:$0x1] =	stream.indirect.gather [hbm4b:s5+s19], $0x80, s25, s19, $0xb8;
	[tilespmem:$0x1D000] =	vst v63  }
0x70: {  	_ =	swait.ge [sflag:s30], $0x2000  }
0x71: {  	[sflag:s30] =	ssyncset.done $0x0  }
0x72: {  	s7 =	simm.s32 $0xC80;
	[sflag:s30] =	ssyncadd.s32 $0xFFFFE000  }
0x73: {  	[spmem:s2] =	stream.indirect.scatter.add.f32 [tilespmem:s22], [sflag:$0x5], $0x80, s7, s19, $0xb8;
	[tilespmem:$0x1D000] =	vst v63  }
0x74: {  	_ =	swait.ge [sflag:s17], $0x2000  }
0x75: {  	[sflag:s17] =	ssyncset.done $0x0  }
0x76: {  	s8 =	simm.s32 $0x680;
	[sflag:s17] =	ssyncadd.s32 $0xFFFFE000  }
0x77: {  	[tilespmem:s22], [sflag:$0x2] =	stream.indirect.gather [hbm4b:s5+s19], $0x80, s8, s19, $0xb8;
	[tilespmem:$0x1D000] =	vst v63  }
0x78: {  	_ =	swait.ge [sflag:s1], $0x2000  }
0x79: {  	[sflag:s1] =	ssyncset.done $0x0  }
0x7a: {  	s10 =	simm.s32 $0xD00;
	[sflag:s1] =	ssyncadd.s32 $0xFFFFE000  }
0x7b: {  	[spmem:s2] =	stream.indirect.scatter.add.f32 [tilespmem:s24], [sflag:$0x5], $0x80, s10, s19, $0xb8;
	[tilespmem:$0x1D000] =	vst v63  }
0x7c: {  	_ =	swait.ge [sflag:s17], $0x2000  }
0x7d: {  	[sflag:s17] =	ssyncset.done $0x0  }
0x7e: {  	s11 =	simm.s32 $0x700;
	[sflag:s17] =	ssyncadd.s32 $0xFFFFE000  }
0x7f: {  	[tilespmem:s24], [sflag:$0x3] =	stream.indirect.gather [hbm4b:s5+s19], $0x80, s11, s19, $0xb8;
	[tilespmem:$0x1D000] =	vst v63  }
0x80: {  	_ =	swait.ge [sflag:s6], $0x2000  }
0x81: {  	[sflag:s6] =	ssyncset.done $0x0  }
0x82: {  	s13 =	simm.s32 $0xD80;
	[sflag:s6] =	ssyncadd.s32 $0xFFFFE000  }
0x83: {  	[spmem:s2] =	stream.indirect.scatter.add.f32 [tilespmem:s26], [sflag:$0x5], $0x80, s13, s19, $0xb8;
	[tilespmem:$0x1D000] =	vst v63  }
0x84: {  	_ =	swait.ge [sflag:s17], $0x2000  }
0x85: {  	[sflag:s17] =	ssyncset.done $0x0  }
0x86: {  	s15 =	simm.s32 $0x780;
	[sflag:s17] =	ssyncadd.s32 $0xFFFFE000  }
0x87: {  	[tilespmem:s26], [sflag:$0x4] =	stream.indirect.gather [hbm4b:s5+s19], $0x80, s15, s19, $0xb8;
	[tilespmem:$0x1D000] =	vst v63  }
0x88: {  	_ =	swait.ge [sflag:s28], $0x2000  }
0x89: {  	[sflag:s28] =	ssyncset.done $0x0  }
0x8a: {  	s16 =	simm.s32 $0xE00;
	[sflag:s28] =	ssyncadd.s32 $0xFFFFE000  }
0x8b: {  	[spmem:s2] =	stream.indirect.scatter.add.f32 [tilespmem:s20], [sflag:$0x5], $0x80, s16, s19, $0xb8;
	[tilespmem:$0x1D000] =	vst v63  }
0x8c: {  	_ =	swait.ge [sflag:s17], $0x2000  }
0x8d: {  	[sflag:s17] =	ssyncset.done $0x0  }
0x8e: {  	[sflag:s17] =	ssyncadd.s32 $0xFFFFE000  }
0x8f: {  	_ =	swait.ge [sflag:s30], $0x2000  }
0x90: {  	[sflag:s30] =	ssyncset.done $0x0  }
0x91: {  	s21 =	simm.s32 $0xE80;
	[sflag:s30] =	ssyncadd.s32 $0xFFFFE000  }
0x92: {  	[spmem:s2] =	stream.indirect.scatter.add.f32 [tilespmem:s22], [sflag:$0x5], $0x80, s21, s19, $0xb8;
	[tilespmem:$0x1D000] =	vst v63  }
0x93: {  	_ =	swait.ge [sflag:s17], $0x2000  }
0x94: {  	[sflag:s17] =	ssyncset.done $0x0  }
0x95: {  	[sflag:s17] =	ssyncadd.s32 $0xFFFFE000  }
0x96: {  	_ =	swait.ge [sflag:s1], $0x2000  }
0x97: {  	[sflag:s1] =	ssyncset.done $0x0  }
0x98: {  	s23 =	simm.s32 $0xF00;
	[sflag:s1] =	ssyncadd.s32 $0xFFFFE000  }
0x99: {  	[spmem:s2] =	stream.indirect.scatter.add.f32 [tilespmem:s24], [sflag:$0x5], $0x80, s23, s19, $0xb8;
	[tilespmem:$0x1D000] =	vst v63  }
0x9a: {  	_ =	swait.ge [sflag:s17], $0x2000  }
0x9b: {  	[sflag:s17] =	ssyncset.done $0x0  }
0x9c: {  	[sflag:s17] =	ssyncadd.s32 $0xFFFFE000  }
0x9d: {  	_ =	swait.ge [sflag:s6], $0x2000  }
0x9e: {  	s25 =	simm.s32 $0xF80;
	s7 =	simm.s32 $0x180;
	[sflag:s6] =	ssyncset.done $0x0  }
0x9f: {  	s8 =	simm.s32 $0x900;
	s10 =	simm.s32 $0x100;
	[sflag:s6] =	ssyncadd.s32 $0xFFFFE000  }
0xa0: {  	[spmem:s2] =	stream.indirect.scatter.add.f32 [tilespmem:s26], [sflag:$0x5], $0x80, s25, s19, $0xb8;
	[tilespmem:$0x1D000] =	vst v63  }
0xa1: {  	s11 =	simm.s32 $0x880;
	s13 =	simm.s32 $0x200;
	_ =	swait.ge [sflag:s17], $0x2000  }
0xa2: {  	s15 =	simm.s32 $0x280;
	s16 =	simm.s32 $0x300;
	s25 =	rddreg [dreg:$0x5]  }
0xa3: {  	s21 =	simm.s32 $0x980;
	[sflag:s17] =	ssyncset.done $0x0;
	s29 =	rddreg [dreg:$0xb]  }
0xa4: {  	s23 =	simm.s32 $0x380;
	s31 =	rddreg [dreg:$0xd];
	[sflag:s17] =	ssyncadd.s32 $0xFFFFE000  }
.LBB2_8:
0xa5: {  	s0 =	rddreg [dreg:$0x6];
	[bflag:$0x0] =	sbarrier.arrive $0xFFFF  }
0xa6: {  	s0 =	sadd.s32 s25, s0;
	s25 =	rddreg [dreg:$0xc]  }
0xa7: {  	[hbm:s0], [sflag:s29] =	dma.local [spmem:s25], $0x2800  }
0xa8: {  	_ =	swait.ge [sflag:s17], $0x2800  }
0xa9: {  	s31 =	sadd.s32 $0x1, s31;
	s29 =	rddreg [dreg:$0x9]  }
0xaa: {  	p1 =	sne.s32 s31, s29  }
.Ltmp1:
0xab: {  	_ = 	snop;
	(pc) =	sbr.rel @!p1 .LBB2_9-.Ltmp1, $3  }
0xac: {  	_ =	sdelay $0x1  }
0xad: {  	[sflag:s17] =	ssyncset.done $0x0  }
0xae: {  	[sflag:s17] =	ssyncadd.s32 $0xFFFFD800  }
.LBB2_1:
.Ltmp2:
0xaf: {  	(pc) =	sbr.rel @!p0 .LBB2_2-.Ltmp2, $2  }
0xb0: {  	_ =	sdelay $0x2  }
0xb1: {  	[dreg:$0xd] =	wrdreg s31  }
0xb2: {  	s0 =	rddreg [dreg:$0x8]  }
0xb3: {  	s9 =	rddreg [dreg:$0xb]  }
0xb4: {  	[spmem:s25], [sflag:s9] =	dma.local [hbm:s0], $0x2800  }
0xb5: {  	_ =	swait.ge [sflag:s17], $0x2800  }
0xb6: {  	[sflag:s17] =	ssyncset.done $0x0  }
0xb7: {  	[sflag:s17] =	ssyncadd.s32 $0xFFFFD800  }
0xb8: {  	s25 =	sadd.s32 $0x0, s14;
	[bflag:$0x0] =	sbarrier.arrive $0xFFFF  }
0xb9: {  	[tilespmem:s3], [sflag:$0x5] =	stream.linear.gather [hbm4b:s25+s3], $0x800, $0x38;
	[tilespmem:$0x1D000] =	vst v63  }
0xba: {  	_ =	swait.ge [sflag:s17], $0x800  }
0xbb: {  	[sflag:s17] =	ssyncset.done $0x0  }
0xbc: {  	s29 =	sadd.s32 $0x0, s12;
	[sflag:s17] =	ssyncadd.s32 $0xFFFFF800  }
0xbd: {  	[tilespmem:s18], [sflag:$0x5] =	stream.linear.gather [hbm4b:s29+s3], $0x800, $0x38;
	[tilespmem:$0x1D000] =	vst v63  }
0xbe: {  	_ =	swait.ge [sflag:s17], $0x800  }
0xbf: {  	[sflag:s17] =	ssyncset.done $0x0  }
0xc0: {  	[sflag:s17] =	ssyncadd.s32 $0xFFFFF800  }
0xc1: {  	[tilespmem:s20], [sflag:$0x1] =	stream.indirect.gather [hbm4b:s5+s19], $0x80, s3, s19, $0xb8;
	[tilespmem:$0x1D000] =	vst v63  }
0xc2: {  	s9 =	simm.s32 $0x80  }
0xc3: {  	[tilespmem:s22], [sflag:$0x2] =	stream.indirect.gather [hbm4b:s5+s19], $0x80, s9, s19, $0xb8;
	[tilespmem:$0x1D000] =	vst v63  }
0xc4: {  	_ = 	snop  }
0xc5: {  	[tilespmem:s24], [sflag:$0x3] =	stream.indirect.gather [hbm4b:s5+s19], $0x80, s10, s19, $0xb8;
	[tilespmem:$0x1D000] =	vst v63  }
0xc6: {  	_ = 	snop  }
0xc7: {  	[tilespmem:s26], [sflag:$0x4] =	stream.indirect.gather [hbm4b:s5+s19], $0x80, s7, s19, $0xb8;
	[tilespmem:$0x1D000] =	vst v63  }
0xc8: {  	_ =	swait.ge [sflag:s28], $0x2000  }
0xc9: {  	[sflag:s28] =	ssyncset.done $0x0  }
0xca: {  	[sflag:s28] =	ssyncadd.s32 $0xFFFFE000  }
0xcb: {  	[spmem:s2] =	stream.indirect.scatter.add.f32 [tilespmem:s20], [sflag:$0x5], $0x80, s18, s19, $0xb8;
	[tilespmem:$0x1D000] =	vst v63  }
0xcc: {  	_ =	swait.ge [sflag:s17], $0x2000  }
0xcd: {  	[sflag:s17] =	ssyncset.done $0x0  }
0xce: {  	[sflag:s17] =	ssyncadd.s32 $0xFFFFE000  }
0xcf: {  	[tilespmem:s20], [sflag:$0x1] =	stream.indirect.gather [hbm4b:s5+s19], $0x80, s13, s19, $0xb8;
	[tilespmem:$0x1D000] =	vst v63  }
0xd0: {  	_ =	swait.ge [sflag:s30], $0x2000  }
0xd1: {  	[sflag:s30] =	ssyncset.done $0x0  }
0xd2: {  	[sflag:s30] =	ssyncadd.s32 $0xFFFFE000  }
0xd3: {  	[spmem:s2] =	stream.indirect.scatter.add.f32 [tilespmem:s22], [sflag:$0x5], $0x80, s11, s19, $0xb8;
	[tilespmem:$0x1D000] =	vst v63  }
0xd4: {  	_ =	swait.ge [sflag:s17], $0x2000  }
0xd5: {  	[sflag:s17] =	ssyncset.done $0x0  }
0xd6: {  	[sflag:s17] =	ssyncadd.s32 $0xFFFFE000  }
0xd7: {  	[tilespmem:s22], [sflag:$0x2] =	stream.indirect.gather [hbm4b:s5+s19], $0x80, s15, s19, $0xb8;
	[tilespmem:$0x1D000] =	vst v63  }
0xd8: {  	_ =	swait.ge [sflag:s1], $0x2000  }
0xd9: {  	[sflag:s1] =	ssyncset.done $0x0  }
0xda: {  	[sflag:s1] =	ssyncadd.s32 $0xFFFFE000  }
0xdb: {  	[spmem:s2] =	stream.indirect.scatter.add.f32 [tilespmem:s24], [sflag:$0x5], $0x80, s8, s19, $0xb8;
	[tilespmem:$0x1D000] =	vst v63  }
0xdc: {  	_ =	swait.ge [sflag:s17], $0x2000  }
0xdd: {  	[sflag:s17] =	ssyncset.done $0x0  }
0xde: {  	[sflag:s17] =	ssyncadd.s32 $0xFFFFE000  }
0xdf: {  	[tilespmem:s24], [sflag:$0x3] =	stream.indirect.gather [hbm4b:s5+s19], $0x80, s16, s19, $0xb8;
	[tilespmem:$0x1D000] =	vst v63  }
0xe0: {  	_ =	swait.ge [sflag:s6], $0x2000  }
0xe1: {  	[sflag:s6] =	ssyncset.done $0x0  }
0xe2: {  	[sflag:s6] =	ssyncadd.s32 $0xFFFFE000  }
0xe3: {  	[spmem:s2] =	stream.indirect.scatter.add.f32 [tilespmem:s26], [sflag:$0x5], $0x80, s21, s19, $0xb8;
	[tilespmem:$0x1D000] =	vst v63  }
0xe4: {  	_ =	swait.ge [sflag:s17], $0x2000  }
0xe5: {  	[sflag:s17] =	ssyncset.done $0x0  }
0xe6: {  	[sflag:s17] =	ssyncadd.s32 $0xFFFFE000  }
0xe7: {  	[tilespmem:s26], [sflag:$0x4] =	stream.indirect.gather [hbm4b:s5+s19], $0x80, s23, s19, $0xb8;
	[tilespmem:$0x1D000] =	vst v63  }
0xe8: {  	_ =	swait.ge [sflag:s28], $0x2000  }
0xe9: {  	[sflag:s28] =	ssyncset.done $0x0  }
0xea: {  	s11 =	simm.s32 $0xA00;
	[sflag:s28] =	ssyncadd.s32 $0xFFFFE000  }
0xeb: {  	[spmem:s2] =	stream.indirect.scatter.add.f32 [tilespmem:s20], [sflag:$0x5], $0x80, s11, s19, $0xb8;
	[tilespmem:$0x1D000] =	vst v63  }
0xec: {  	_ =	swait.ge [sflag:s17], $0x2000  }
0xed: {  	[sflag:s17] =	ssyncset.done $0x0  }
0xee: {  	s13 =	simm.s32 $0x400;
	[sflag:s17] =	ssyncadd.s32 $0xFFFFE000  }
0xef: {  	[tilespmem:s20], [sflag:$0x1] =	stream.indirect.gather [hbm4b:s5+s19], $0x80, s13, s19, $0xb8;
	[tilespmem:$0x1D000] =	vst v63  }
0xf0: {  	_ =	swait.ge [sflag:s30], $0x2000  }
0xf1: {  	[sflag:s30] =	ssyncset.done $0x0  }
0xf2: {  	s15 =	simm.s32 $0xA80;
	[sflag:s30] =	ssyncadd.s32 $0xFFFFE000  }
0xf3: {  	[spmem:s2] =	stream.indirect.scatter.add.f32 [tilespmem:s22], [sflag:$0x5], $0x80, s15, s19, $0xb8;
	[tilespmem:$0x1D000] =	vst v63  }
0xf4: {  	_ =	swait.ge [sflag:s17], $0x2000  }
0xf5: {  	[sflag:s17] =	ssyncset.done $0x0  }
0xf6: {  	s16 =	simm.s32 $0x480;
	[sflag:s17] =	ssyncadd.s32 $0xFFFFE000  }
0xf7: {  	[tilespmem:s22], [sflag:$0x2] =	stream.indirect.gather [hbm4b:s5+s19], $0x80, s16, s19, $0xb8;
	[tilespmem:$0x1D000] =	vst v63  }
0xf8: {  	_ =	swait.ge [sflag:s1], $0x2000  }
0xf9: {  	[sflag:s1] =	ssyncset.done $0x0  }
0xfa: {  	s21 =	simm.s32 $0xB00;
	[sflag:s1] =	ssyncadd.s32 $0xFFFFE000  }
0xfb: {  	[spmem:s2] =	stream.indirect.scatter.add.f32 [tilespmem:s24], [sflag:$0x5], $0x80, s21, s19, $0xb8;
	[tilespmem:$0x1D000] =	vst v63  }
0xfc: {  	_ =	swait.ge [sflag:s17], $0x2000  }
0xfd: {  	[sflag:s17] =	ssyncset.done $0x0  }
0xfe: {  	s23 =	simm.s32 $0x500;
	[sflag:s17] =	ssyncadd.s32 $0xFFFFE000  }
0xff: {  	[tilespmem:s24], [sflag:$0x3] =	stream.indirect.gather [hbm4b:s5+s19], $0x80, s23, s19, $0xb8;
	[tilespmem:$0x1D000] =	vst v63  }
0x100: {  	_ =	swait.ge [sflag:s6], $0x2000  }
0x101: {  	[sflag:s6] =	ssyncset.done $0x0  }
0x102: {  	s25 =	simm.s32 $0xB80;
	[sflag:s6] =	ssyncadd.s32 $0xFFFFE000  }
0x103: {  	[spmem:s2] =	stream.indirect.scatter.add.f32 [tilespmem:s26], [sflag:$0x5], $0x80, s25, s19, $0xb8;
	[tilespmem:$0x1D000] =	vst v63  }
0x104: {  	_ =	swait.ge [sflag:s17], $0x2000  }
0x105: {  	[sflag:s17] =	ssyncset.done $0x0  }
0x106: {  	s29 =	simm.s32 $0x580;
	[sflag:s17] =	ssyncadd.s32 $0xFFFFE000  }
0x107: {  	[tilespmem:s26], [sflag:$0x4] =	stream.indirect.gather [hbm4b:s5+s19], $0x80, s29, s19, $0xb8;
	[tilespmem:$0x1D000] =	vst v63  }
0x108: {  	_ =	swait.ge [sflag:s28], $0x2000  }
0x109: {  	[sflag:s28] =	ssyncset.done $0x0  }
0x10a: {  	s7 =	simm.s32 $0xC00;
	[sflag:s28] =	ssyncadd.s32 $0xFFFFE000  }
0x10b: {  	[spmem:s2] =	stream.indirect.scatter.add.f32 [tilespmem:s20], [sflag:$0x5], $0x80, s7, s19, $0xb8;
	[tilespmem:$0x1D000] =	vst v63  }
0x10c: {  	_ =	swait.ge [sflag:s17], $0x2000  }
0x10d: {  	[sflag:s17] =	ssyncset.done $0x0  }
0x10e: {  	s8 =	simm.s32 $0x600;
	[sflag:s17] =	ssyncadd.s32 $0xFFFFE000  }
0x10f: {  	[tilespmem:s20], [sflag:$0x1] =	stream.indirect.gather [hbm4b:s5+s19], $0x80, s8, s19, $0xb8;
	[tilespmem:$0x1D000] =	vst v63  }
0x110: {  	_ =	swait.ge [sflag:s30], $0x2000  }
0x111: {  	[sflag:s30] =	ssyncset.done $0x0  }
0x112: {  	s9 =	simm.s32 $0xC80;
	[sflag:s30] =	ssyncadd.s32 $0xFFFFE000  }
0x113: {  	[spmem:s2] =	stream.indirect.scatter.add.f32 [tilespmem:s22], [sflag:$0x5], $0x80, s9, s19, $0xb8;
	[tilespmem:$0x1D000] =	vst v63  }
0x114: {  	_ =	swait.ge [sflag:s17], $0x2000  }
0x115: {  	[sflag:s17] =	ssyncset.done $0x0  }
0x116: {  	s10 =	simm.s32 $0x680;
	[sflag:s17] =	ssyncadd.s32 $0xFFFFE000  }
0x117: {  	[tilespmem:s22], [sflag:$0x2] =	stream.indirect.gather [hbm4b:s5+s19], $0x80, s10, s19, $0xb8;
	[tilespmem:$0x1D000] =	vst v63  }
0x118: {  	_ =	swait.ge [sflag:s1], $0x2000  }
0x119: {  	[sflag:s1] =	ssyncset.done $0x0  }
0x11a: {  	s11 =	simm.s32 $0xD00;
	[sflag:s1] =	ssyncadd.s32 $0xFFFFE000  }
0x11b: {  	[spmem:s2] =	stream.indirect.scatter.add.f32 [tilespmem:s24], [sflag:$0x5], $0x80, s11, s19, $0xb8;
	[tilespmem:$0x1D000] =	vst v63  }
0x11c: {  	_ =	swait.ge [sflag:s17], $0x2000  }
0x11d: {  	[sflag:s17] =	ssyncset.done $0x0  }
0x11e: {  	s13 =	simm.s32 $0x700;
	[sflag:s17] =	ssyncadd.s32 $0xFFFFE000  }
0x11f: {  	[tilespmem:s24], [sflag:$0x3] =	stream.indirect.gather [hbm4b:s5+s19], $0x80, s13, s19, $0xb8;
	[tilespmem:$0x1D000] =	vst v63  }
0x120: {  	_ =	swait.ge [sflag:s6], $0x2000  }
0x121: {  	[sflag:s6] =	ssyncset.done $0x0  }
0x122: {  	s15 =	simm.s32 $0xD80;
	[sflag:s6] =	ssyncadd.s32 $0xFFFFE000  }
0x123: {  	[spmem:s2] =	stream.indirect.scatter.add.f32 [tilespmem:s26], [sflag:$0x5], $0x80, s15, s19, $0xb8;
	[tilespmem:$0x1D000] =	vst v63  }
0x124: {  	_ =	swait.ge [sflag:s17], $0x2000  }
0x125: {  	[sflag:s17] =	ssyncset.done $0x0  }
0x126: {  	s16 =	simm.s32 $0x780;
	[sflag:s17] =	ssyncadd.s32 $0xFFFFE000  }
0x127: {  	[tilespmem:s26], [sflag:$0x4] =	stream.indirect.gather [hbm4b:s5+s19], $0x80, s16, s19, $0xb8;
	[tilespmem:$0x1D000] =	vst v63  }
0x128: {  	_ =	swait.ge [sflag:s28], $0x2000  }
0x129: {  	[sflag:s28] =	ssyncset.done $0x0  }
0x12a: {  	s21 =	simm.s32 $0xE00;
	[sflag:s28] =	ssyncadd.s32 $0xFFFFE000  }
0x12b: {  	[spmem:s2] =	stream.indirect.scatter.add.f32 [tilespmem:s20], [sflag:$0x5], $0x80, s21, s19, $0xb8;
	[tilespmem:$0x1D000] =	vst v63  }
0x12c: {  	_ =	swait.ge [sflag:s17], $0x2000  }
0x12d: {  	[sflag:s17] =	ssyncset.done $0x0  }
0x12e: {  	[sflag:s17] =	ssyncadd.s32 $0xFFFFE000  }
0x12f: {  	_ =	swait.ge [sflag:s30], $0x2000  }
0x130: {  	[sflag:s30] =	ssyncset.done $0x0  }
0x131: {  	s23 =	simm.s32 $0xE80;
	[sflag:s30] =	ssyncadd.s32 $0xFFFFE000  }
0x132: {  	[spmem:s2] =	stream.indirect.scatter.add.f32 [tilespmem:s22], [sflag:$0x5], $0x80, s23, s19, $0xb8;
	[tilespmem:$0x1D000] =	vst v63  }
0x133: {  	_ =	swait.ge [sflag:s17], $0x2000  }
0x134: {  	[sflag:s17] =	ssyncset.done $0x0  }
0x135: {  	[sflag:s17] =	ssyncadd.s32 $0xFFFFE000  }
0x136: {  	_ =	swait.ge [sflag:s1], $0x2000  }
0x137: {  	[sflag:s1] =	ssyncset.done $0x0  }
0x138: {  	s25 =	simm.s32 $0xF00;
	[sflag:s1] =	ssyncadd.s32 $0xFFFFE000  }
0x139: {  	[spmem:s2] =	stream.indirect.scatter.add.f32 [tilespmem:s24], [sflag:$0x5], $0x80, s25, s19, $0xb8;
	[tilespmem:$0x1D000] =	vst v63  }
0x13a: {  	_ =	swait.ge [sflag:s17], $0x2000  }
0x13b: {  	[sflag:s17] =	ssyncset.done $0x0  }
0x13c: {  	s31 =	simm.s32 $0x200;
	s29 =	simm.s32 $0xF80;
	[sflag:s17] =	ssyncadd.s32 $0xFFFFE000  }
0x13d: {  	s7 =	simm.s32 $0x180;
	s8 =	simm.s32 $0x900;
	_ =	swait.ge [sflag:s6], $0x2000  }
0x13e: {  	s10 =	simm.s32 $0x100;
	s11 =	simm.s32 $0x880;
	[sflag:s6] =	ssyncset.done $0x0  }
0x13f: {  	s13 =	simm.s32 $0x200;
	s15 =	simm.s32 $0x280;
	[sflag:s6] =	ssyncadd.s32 $0xFFFFE000  }
0x140: {  	[spmem:s2] =	stream.indirect.scatter.add.f32 [tilespmem:s26], [sflag:$0x5], $0x80, s29, s19, $0xb8;
	[tilespmem:$0x1D000] =	vst v63  }
0x141: {  	s16 =	simm.s32 $0x300;
	s21 =	simm.s32 $0x980;
	_ =	swait.ge [sflag:s17], $0x2000  }
0x142: {  	s23 =	simm.s32 $0x380;
	s25 =	simm.s32 $0x100;
	[sflag:s17] =	ssyncset.done $0x0  }
.LBB2_6:
0x143: {  	s0 =	sadd.s32 s25, s14  }
0x144: {  	[sflag:s17] =	ssyncadd.s32 $0xFFFFE000;
	s9 =	smov.u32 s31;
	s29 =	sadd.s32 $0x100, s31  }
0x145: {  	[tilespmem:s3], [sflag:$0x5] =	stream.linear.gather [hbm4b:s0+s3], $0x800, $0x38;
	[tilespmem:$0x1D000] =	vst v63  }
0x146: {  	p1 =	sne.s32 s31, $0x900;
	_ =	swait.ge [sflag:s17], $0x800  }
0x147: {  	s0 =	sadd.s32 s25, s12;
	[sflag:s17] =	ssyncset.done $0x0  }
0x148: {  	s25 =	smov.u32 s9;
	s9 =	simm.s32 $0x80;
	[sflag:s17] =	ssyncadd.s32 $0xFFFFF800  }
0x149: {  	[tilespmem:s18], [sflag:$0x5] =	stream.linear.gather [hbm4b:s0+s3], $0x800, $0x38;
	[tilespmem:$0x1D000] =	vst v63  }
0x14a: {  	_ =	swait.ge [sflag:s17], $0x800  }
0x14b: {  	[sflag:s17] =	ssyncset.done $0x0  }
0x14c: {  	[sflag:s17] =	ssyncadd.s32 $0xFFFFF800  }
0x14d: {  	[tilespmem:s20], [sflag:$0x1] =	stream.indirect.gather [hbm4b:s5+s19], $0x80, s3, s19, $0xb8;
	[tilespmem:$0x1D000] =	vst v63  }
0x14e: {  	_ = 	snop  }
0x14f: {  	[tilespmem:s22], [sflag:$0x2] =	stream.indirect.gather [hbm4b:s5+s19], $0x80, s9, s19, $0xb8;
	[tilespmem:$0x1D000] =	vst v63  }
0x150: {  	_ = 	snop  }
0x151: {  	[tilespmem:s24], [sflag:$0x3] =	stream.indirect.gather [hbm4b:s5+s19], $0x80, s10, s19, $0xb8;
	[tilespmem:$0x1D000] =	vst v63  }
0x152: {  	_ = 	snop  }
0x153: {  	[tilespmem:s26], [sflag:$0x4] =	stream.indirect.gather [hbm4b:s5+s19], $0x80, s7, s19, $0xb8;
	[tilespmem:$0x1D000] =	vst v63  }
0x154: {  	_ =	swait.ge [sflag:s28], $0x2000  }
0x155: {  	[sflag:s28] =	ssyncset.done $0x0  }
0x156: {  	[sflag:s28] =	ssyncadd.s32 $0xFFFFE000  }
0x157: {  	[spmem:s2] =	stream.indirect.scatter.add.f32 [tilespmem:s20], [sflag:$0x5], $0x80, s18, s19, $0xb8;
	[tilespmem:$0x1D000] =	vst v63  }
0x158: {  	_ =	swait.ge [sflag:s17], $0x2000  }
0x159: {  	[sflag:s17] =	ssyncset.done $0x0  }
0x15a: {  	[sflag:s17] =	ssyncadd.s32 $0xFFFFE000  }
0x15b: {  	[tilespmem:s20], [sflag:$0x1] =	stream.indirect.gather [hbm4b:s5+s19], $0x80, s13, s19, $0xb8;
	[tilespmem:$0x1D000] =	vst v63  }
0x15c: {  	_ =	swait.ge [sflag:s30], $0x2000  }
0x15d: {  	[sflag:s30] =	ssyncset.done $0x0  }
0x15e: {  	[sflag:s30] =	ssyncadd.s32 $0xFFFFE000  }
0x15f: {  	[spmem:s2] =	stream.indirect.scatter.add.f32 [tilespmem:s22], [sflag:$0x5], $0x80, s11, s19, $0xb8;
	[tilespmem:$0x1D000] =	vst v63  }
0x160: {  	_ =	swait.ge [sflag:s17], $0x2000  }
0x161: {  	[sflag:s17] =	ssyncset.done $0x0  }
0x162: {  	[sflag:s17] =	ssyncadd.s32 $0xFFFFE000  }
0x163: {  	[tilespmem:s22], [sflag:$0x2] =	stream.indirect.gather [hbm4b:s5+s19], $0x80, s15, s19, $0xb8;
	[tilespmem:$0x1D000] =	vst v63  }
0x164: {  	_ =	swait.ge [sflag:s1], $0x2000  }
0x165: {  	[sflag:s1] =	ssyncset.done $0x0  }
0x166: {  	[sflag:s1] =	ssyncadd.s32 $0xFFFFE000  }
0x167: {  	[spmem:s2] =	stream.indirect.scatter.add.f32 [tilespmem:s24], [sflag:$0x5], $0x80, s8, s19, $0xb8;
	[tilespmem:$0x1D000] =	vst v63  }
0x168: {  	_ =	swait.ge [sflag:s17], $0x2000  }
0x169: {  	[sflag:s17] =	ssyncset.done $0x0  }
0x16a: {  	[sflag:s17] =	ssyncadd.s32 $0xFFFFE000  }
0x16b: {  	[tilespmem:s24], [sflag:$0x3] =	stream.indirect.gather [hbm4b:s5+s19], $0x80, s16, s19, $0xb8;
	[tilespmem:$0x1D000] =	vst v63  }
0x16c: {  	_ =	swait.ge [sflag:s6], $0x2000  }
0x16d: {  	[sflag:s6] =	ssyncset.done $0x0  }
0x16e: {  	[sflag:s6] =	ssyncadd.s32 $0xFFFFE000  }
0x16f: {  	[spmem:s2] =	stream.indirect.scatter.add.f32 [tilespmem:s26], [sflag:$0x5], $0x80, s21, s19, $0xb8;
	[tilespmem:$0x1D000] =	vst v63  }
0x170: {  	_ =	swait.ge [sflag:s17], $0x2000  }
0x171: {  	[sflag:s17] =	ssyncset.done $0x0  }
0x172: {  	[sflag:s17] =	ssyncadd.s32 $0xFFFFE000  }
0x173: {  	[tilespmem:s26], [sflag:$0x4] =	stream.indirect.gather [hbm4b:s5+s19], $0x80, s23, s19, $0xb8;
	[tilespmem:$0x1D000] =	vst v63  }
0x174: {  	_ =	swait.ge [sflag:s28], $0x2000  }
0x175: {  	[sflag:s28] =	ssyncset.done $0x0  }
0x176: {  	s0 =	simm.s32 $0xA00;
	[sflag:s28] =	ssyncadd.s32 $0xFFFFE000  }
0x177: {  	[spmem:s2] =	stream.indirect.scatter.add.f32 [tilespmem:s20], [sflag:$0x5], $0x80, s0, s19, $0xb8;
	[tilespmem:$0x1D000] =	vst v63  }
0x178: {  	_ =	swait.ge [sflag:s17], $0x2000  }
0x179: {  	[sflag:s17] =	ssyncset.done $0x0  }
0x17a: {  	s0 =	simm.s32 $0x400;
	[sflag:s17] =	ssyncadd.s32 $0xFFFFE000  }
0x17b: {  	[tilespmem:s20], [sflag:$0x1] =	stream.indirect.gather [hbm4b:s5+s19], $0x80, s0, s19, $0xb8;
	[tilespmem:$0x1D000] =	vst v63  }
0x17c: {  	_ =	swait.ge [sflag:s30], $0x2000  }
0x17d: {  	[sflag:s30] =	ssyncset.done $0x0  }
0x17e: {  	s0 =	simm.s32 $0xA80;
	[sflag:s30] =	ssyncadd.s32 $0xFFFFE000  }
0x17f: {  	[spmem:s2] =	stream.indirect.scatter.add.f32 [tilespmem:s22], [sflag:$0x5], $0x80, s0, s19, $0xb8;
	[tilespmem:$0x1D000] =	vst v63  }
0x180: {  	_ =	swait.ge [sflag:s17], $0x2000  }
0x181: {  	[sflag:s17] =	ssyncset.done $0x0  }
0x182: {  	s0 =	simm.s32 $0x480;
	[sflag:s17] =	ssyncadd.s32 $0xFFFFE000  }
0x183: {  	[tilespmem:s22], [sflag:$0x2] =	stream.indirect.gather [hbm4b:s5+s19], $0x80, s0, s19, $0xb8;
	[tilespmem:$0x1D000] =	vst v63  }
0x184: {  	_ =	swait.ge [sflag:s1], $0x2000  }
0x185: {  	[sflag:s1] =	ssyncset.done $0x0  }
0x186: {  	s0 =	simm.s32 $0xB00;
	[sflag:s1] =	ssyncadd.s32 $0xFFFFE000  }
0x187: {  	[spmem:s2] =	stream.indirect.scatter.add.f32 [tilespmem:s24], [sflag:$0x5], $0x80, s0, s19, $0xb8;
	[tilespmem:$0x1D000] =	vst v63  }
0x188: {  	_ =	swait.ge [sflag:s17], $0x2000  }
0x189: {  	[sflag:s17] =	ssyncset.done $0x0  }
0x18a: {  	s0 =	simm.s32 $0x500;
	[sflag:s17] =	ssyncadd.s32 $0xFFFFE000  }
0x18b: {  	[tilespmem:s24], [sflag:$0x3] =	stream.indirect.gather [hbm4b:s5+s19], $0x80, s0, s19, $0xb8;
	[tilespmem:$0x1D000] =	vst v63  }
0x18c: {  	_ =	swait.ge [sflag:s6], $0x2000  }
0x18d: {  	[sflag:s6] =	ssyncset.done $0x0  }
0x18e: {  	s0 =	simm.s32 $0xB80;
	[sflag:s6] =	ssyncadd.s32 $0xFFFFE000  }
0x18f: {  	[spmem:s2] =	stream.indirect.scatter.add.f32 [tilespmem:s26], [sflag:$0x5], $0x80, s0, s19, $0xb8;
	[tilespmem:$0x1D000] =	vst v63  }
0x190: {  	_ =	swait.ge [sflag:s17], $0x2000  }
0x191: {  	[sflag:s17] =	ssyncset.done $0x0  }
0x192: {  	s0 =	simm.s32 $0x580;
	[sflag:s17] =	ssyncadd.s32 $0xFFFFE000  }
0x193: {  	[tilespmem:s26], [sflag:$0x4] =	stream.indirect.gather [hbm4b:s5+s19], $0x80, s0, s19, $0xb8;
	[tilespmem:$0x1D000] =	vst v63  }
0x194: {  	_ =	swait.ge [sflag:s28], $0x2000  }
0x195: {  	[sflag:s28] =	ssyncset.done $0x0  }
0x196: {  	s0 =	simm.s32 $0xC00;
	[sflag:s28] =	ssyncadd.s32 $0xFFFFE000  }
0x197: {  	[spmem:s2] =	stream.indirect.scatter.add.f32 [tilespmem:s20], [sflag:$0x5], $0x80, s0, s19, $0xb8;
	[tilespmem:$0x1D000] =	vst v63  }
0x198: {  	_ =	swait.ge [sflag:s17], $0x2000  }
0x199: {  	[sflag:s17] =	ssyncset.done $0x0  }
0x19a: {  	s0 =	simm.s32 $0x600;
	[sflag:s17] =	ssyncadd.s32 $0xFFFFE000  }
0x19b: {  	[tilespmem:s20], [sflag:$0x1] =	stream.indirect.gather [hbm4b:s5+s19], $0x80, s0, s19, $0xb8;
	[tilespmem:$0x1D000] =	vst v63  }
0x19c: {  	_ =	swait.ge [sflag:s30], $0x2000  }
0x19d: {  	[sflag:s30] =	ssyncset.done $0x0  }
0x19e: {  	s0 =	simm.s32 $0xC80;
	[sflag:s30] =	ssyncadd.s32 $0xFFFFE000  }
0x19f: {  	[spmem:s2] =	stream.indirect.scatter.add.f32 [tilespmem:s22], [sflag:$0x5], $0x80, s0, s19, $0xb8;
	[tilespmem:$0x1D000] =	vst v63  }
0x1a0: {  	_ =	swait.ge [sflag:s17], $0x2000  }
0x1a1: {  	[sflag:s17] =	ssyncset.done $0x0  }
0x1a2: {  	s0 =	simm.s32 $0x680;
	[sflag:s17] =	ssyncadd.s32 $0xFFFFE000  }
0x1a3: {  	[tilespmem:s22], [sflag:$0x2] =	stream.indirect.gather [hbm4b:s5+s19], $0x80, s0, s19, $0xb8;
	[tilespmem:$0x1D000] =	vst v63  }
0x1a4: {  	_ =	swait.ge [sflag:s1], $0x2000  }
0x1a5: {  	[sflag:s1] =	ssyncset.done $0x0  }
0x1a6: {  	s0 =	simm.s32 $0xD00;
	[sflag:s1] =	ssyncadd.s32 $0xFFFFE000  }
0x1a7: {  	[spmem:s2] =	stream.indirect.scatter.add.f32 [tilespmem:s24], [sflag:$0x5], $0x80, s0, s19, $0xb8;
	[tilespmem:$0x1D000] =	vst v63  }
0x1a8: {  	_ =	swait.ge [sflag:s17], $0x2000  }
0x1a9: {  	[sflag:s17] =	ssyncset.done $0x0  }
0x1aa: {  	s0 =	simm.s32 $0x700;
	[sflag:s17] =	ssyncadd.s32 $0xFFFFE000  }
0x1ab: {  	[tilespmem:s24], [sflag:$0x3] =	stream.indirect.gather [hbm4b:s5+s19], $0x80, s0, s19, $0xb8;
	[tilespmem:$0x1D000] =	vst v63  }
0x1ac: {  	_ =	swait.ge [sflag:s6], $0x2000  }
0x1ad: {  	[sflag:s6] =	ssyncset.done $0x0  }
0x1ae: {  	s0 =	simm.s32 $0xD80;
	[sflag:s6] =	ssyncadd.s32 $0xFFFFE000  }
0x1af: {  	[spmem:s2] =	stream.indirect.scatter.add.f32 [tilespmem:s26], [sflag:$0x5], $0x80, s0, s19, $0xb8;
	[tilespmem:$0x1D000] =	vst v63  }
0x1b0: {  	_ =	swait.ge [sflag:s17], $0x2000  }
0x1b1: {  	[sflag:s17] =	ssyncset.done $0x0  }
0x1b2: {  	s0 =	simm.s32 $0x780;
	[sflag:s17] =	ssyncadd.s32 $0xFFFFE000  }
0x1b3: {  	[tilespmem:s26], [sflag:$0x4] =	stream.indirect.gather [hbm4b:s5+s19], $0x80, s0, s19, $0xb8;
	[tilespmem:$0x1D000] =	vst v63  }
0x1b4: {  	_ =	swait.ge [sflag:s28], $0x2000  }
0x1b5: {  	[sflag:s28] =	ssyncset.done $0x0  }
0x1b6: {  	s0 =	simm.s32 $0xE00;
	[sflag:s28] =	ssyncadd.s32 $0xFFFFE000  }
0x1b7: {  	[spmem:s2] =	stream.indirect.scatter.add.f32 [tilespmem:s20], [sflag:$0x5], $0x80, s0, s19, $0xb8;
	[tilespmem:$0x1D000] =	vst v63  }
0x1b8: {  	_ =	swait.ge [sflag:s17], $0x2000  }
0x1b9: {  	[sflag:s17] =	ssyncset.done $0x0  }
0x1ba: {  	[sflag:s17] =	ssyncadd.s32 $0xFFFFE000  }
0x1bb: {  	_ =	swait.ge [sflag:s30], $0x2000  }
0x1bc: {  	[sflag:s30] =	ssyncset.done $0x0  }
0x1bd: {  	s0 =	simm.s32 $0xE80;
	[sflag:s30] =	ssyncadd.s32 $0xFFFFE000  }
0x1be: {  	[spmem:s2] =	stream.indirect.scatter.add.f32 [tilespmem:s22], [sflag:$0x5], $0x80, s0, s19, $0xb8;
	[tilespmem:$0x1D000] =	vst v63  }
0x1bf: {  	_ =	swait.ge [sflag:s17], $0x2000  }
0x1c0: {  	[sflag:s17] =	ssyncset.done $0x0  }
0x1c1: {  	[sflag:s17] =	ssyncadd.s32 $0xFFFFE000  }
0x1c2: {  	_ =	swait.ge [sflag:s1], $0x2000  }
0x1c3: {  	[sflag:s1] =	ssyncset.done $0x0  }
0x1c4: {  	s0 =	simm.s32 $0xF00;
	[sflag:s1] =	ssyncadd.s32 $0xFFFFE000  }
0x1c5: {  	[spmem:s2] =	stream.indirect.scatter.add.f32 [tilespmem:s24], [sflag:$0x5], $0x80, s0, s19, $0xb8;
	[tilespmem:$0x1D000] =	vst v63  }
0x1c6: {  	_ =	swait.ge [sflag:s17], $0x2000  }
0x1c7: {  	[sflag:s17] =	ssyncset.done $0x0  }
0x1c8: {  	[sflag:s17] =	ssyncadd.s32 $0xFFFFE000  }
0x1c9: {  	_ =	swait.ge [sflag:s6], $0x2000  }
.Ltmp3:
0x1ca: {  	[sflag:s6] =	ssyncset.done $0x0;
	(pc) =	sbr.rel @p1 .LBB2_6-.Ltmp3, $4  }
0x1cb: {  	s0 =	simm.s32 $0xF80;
	[sflag:s6] =	ssyncadd.s32 $0xFFFFE000  }
0x1cc: {  	[spmem:s2] =	stream.indirect.scatter.add.f32 [tilespmem:s26], [sflag:$0x5], $0x80, s0, s19, $0xb8;
	[tilespmem:$0x1D000] =	vst v63  }
0x1cd: {  	_ =	swait.ge [sflag:s17], $0x2000  }
0x1ce: {  	s31 =	smov.u32 s29;
	[sflag:s17] =	ssyncset.done $0x0  }
.Ltmp4:
0x1cf: {  	_ = 	snop;
	(pc) =	sbr.rel .LBB2_7-.Ltmp4, $1  }
0x1d0: {  	_ =	sdelay $0x3  }
.LBB2_2:
0x1d1: {  	s0 =	rddreg [dreg:$0xa]  }
0x1d2: {  	s31 =	rddreg [dreg:$0x7];
	s29 =	sor.u32 $0x1C05, s0  }
0x1d3: {  	[dreg:$0xe] =	wrdreg s29  }
0x1d4: {  	[spmem:s25], [sflag:s29] =	dma.local [hbm:s31], $0x2800  }
0x1d5: {  	_ =	swait.ge [sflag:s17], $0x2800  }
0x1d6: {  	[sflag:s17] =	ssyncset.done $0x0  }
0x1d7: {  	[sflag:s17] =	ssyncadd.s32 $0xFFFFD800  }
0x1d8: {  	s31 =	sadd.s32 $0x0, s14;
	[bflag:$0x0] =	sbarrier.arrive $0xFFFF  }
0x1d9: {  	[tilespmem:s3], [sflag:$0x5] =	stream.linear.gather [hbm4b:s31+s3], $0x800, $0x38;
	[tilespmem:$0x1D000] =	vst v63  }
0x1da: {  	_ =	swait.ge [sflag:s17], $0x800  }
0x1db: {  	[sflag:s17] =	ssyncset.done $0x0  }
0x1dc: {  	s0 =	sadd.s32 $0x0, s12;
	[sflag:s17] =	ssyncadd.s32 $0xFFFFF800  }
0x1dd: {  	[tilespmem:s18], [sflag:$0x5] =	stream.linear.gather [hbm4b:s0+s3], $0x800, $0x38;
	[tilespmem:$0x1D000] =	vst v63  }
0x1de: {  	_ =	swait.ge [sflag:s17], $0x800  }
0x1df: {  	[sflag:s17] =	ssyncset.done $0x0  }
0x1e0: {  	[sflag:s17] =	ssyncadd.s32 $0xFFFFF800  }
0x1e1: {  	[tilespmem:s20], [sflag:$0x1] =	stream.indirect.gather [hbm4b:s4+s19], $0x80, s3, s19, $0xb8;
	[tilespmem:$0x1D000] =	vst v63  }
0x1e2: {  	_ = 	snop  }
0x1e3: {  	[tilespmem:s22], [sflag:$0x2] =	stream.indirect.gather [hbm4b:s4+s19], $0x80, s9, s19, $0xb8;
	[tilespmem:$0x1D000] =	vst v63  }
0x1e4: {  	_ = 	snop  }
0x1e5: {  	[tilespmem:s24], [sflag:$0x3] =	stream.indirect.gather [hbm4b:s4+s19], $0x80, s10, s19, $0xb8;
	[tilespmem:$0x1D000] =	vst v63  }
0x1e6: {  	_ = 	snop  }
0x1e7: {  	[tilespmem:s26], [sflag:$0x4] =	stream.indirect.gather [hbm4b:s4+s19], $0x80, s7, s19, $0xb8;
	[tilespmem:$0x1D000] =	vst v63  }
0x1e8: {  	_ =	swait.ge [sflag:s28], $0x2000  }
0x1e9: {  	[sflag:s28] =	ssyncset.done $0x0  }
0x1ea: {  	[sflag:s28] =	ssyncadd.s32 $0xFFFFE000  }
0x1eb: {  	[spmem:s2] =	stream.indirect.scatter.add.f32 [tilespmem:s20], [sflag:$0x5], $0x80, s18, s19, $0xb8;
	[tilespmem:$0x1D000] =	vst v63  }
0x1ec: {  	_ =	swait.ge [sflag:s17], $0x2000  }
0x1ed: {  	[sflag:s17] =	ssyncset.done $0x0  }
0x1ee: {  	[sflag:s17] =	ssyncadd.s32 $0xFFFFE000  }
0x1ef: {  	[tilespmem:s20], [sflag:$0x1] =	stream.indirect.gather [hbm4b:s4+s19], $0x80, s13, s19, $0xb8;
	[tilespmem:$0x1D000] =	vst v63  }
0x1f0: {  	_ =	swait.ge [sflag:s30], $0x2000  }
0x1f1: {  	[sflag:s30] =	ssyncset.done $0x0  }
0x1f2: {  	[sflag:s30] =	ssyncadd.s32 $0xFFFFE000  }
0x1f3: {  	[spmem:s2] =	stream.indirect.scatter.add.f32 [tilespmem:s22], [sflag:$0x5], $0x80, s11, s19, $0xb8;
	[tilespmem:$0x1D000] =	vst v63  }
0x1f4: {  	_ =	swait.ge [sflag:s17], $0x2000  }
0x1f5: {  	[sflag:s17] =	ssyncset.done $0x0  }
0x1f6: {  	[sflag:s17] =	ssyncadd.s32 $0xFFFFE000  }
0x1f7: {  	[tilespmem:s22], [sflag:$0x2] =	stream.indirect.gather [hbm4b:s4+s19], $0x80, s15, s19, $0xb8;
	[tilespmem:$0x1D000] =	vst v63  }
0x1f8: {  	_ =	swait.ge [sflag:s1], $0x2000  }
0x1f9: {  	[sflag:s1] =	ssyncset.done $0x0  }
0x1fa: {  	[sflag:s1] =	ssyncadd.s32 $0xFFFFE000  }
0x1fb: {  	[spmem:s2] =	stream.indirect.scatter.add.f32 [tilespmem:s24], [sflag:$0x5], $0x80, s8, s19, $0xb8;
	[tilespmem:$0x1D000] =	vst v63  }
0x1fc: {  	_ =	swait.ge [sflag:s17], $0x2000  }
0x1fd: {  	[sflag:s17] =	ssyncset.done $0x0  }
0x1fe: {  	[sflag:s17] =	ssyncadd.s32 $0xFFFFE000  }
0x1ff: {  	[tilespmem:s24], [sflag:$0x3] =	stream.indirect.gather [hbm4b:s4+s19], $0x80, s16, s19, $0xb8;
	[tilespmem:$0x1D000] =	vst v63  }
0x200: {  	_ =	swait.ge [sflag:s6], $0x2000  }
0x201: {  	[sflag:s6] =	ssyncset.done $0x0  }
0x202: {  	[sflag:s6] =	ssyncadd.s32 $0xFFFFE000  }
0x203: {  	[spmem:s2] =	stream.indirect.scatter.add.f32 [tilespmem:s26], [sflag:$0x5], $0x80, s21, s19, $0xb8;
	[tilespmem:$0x1D000] =	vst v63  }
0x204: {  	_ =	swait.ge [sflag:s17], $0x2000  }
0x205: {  	[sflag:s17] =	ssyncset.done $0x0  }
0x206: {  	[sflag:s17] =	ssyncadd.s32 $0xFFFFE000  }
0x207: {  	[tilespmem:s26], [sflag:$0x4] =	stream.indirect.gather [hbm4b:s4+s19], $0x80, s23, s19, $0xb8;
	[tilespmem:$0x1D000] =	vst v63  }
0x208: {  	_ =	swait.ge [sflag:s28], $0x2000  }
0x209: {  	[sflag:s28] =	ssyncset.done $0x0  }
0x20a: {  	s11 =	simm.s32 $0xA00;
	[sflag:s28] =	ssyncadd.s32 $0xFFFFE000  }
0x20b: {  	[spmem:s2] =	stream.indirect.scatter.add.f32 [tilespmem:s20], [sflag:$0x5], $0x80, s11, s19, $0xb8;
	[tilespmem:$0x1D000] =	vst v63  }
0x20c: {  	_ =	swait.ge [sflag:s17], $0x2000  }
0x20d: {  	[sflag:s17] =	ssyncset.done $0x0  }
0x20e: {  	s13 =	simm.s32 $0x400;
	[sflag:s17] =	ssyncadd.s32 $0xFFFFE000  }
0x20f: {  	[tilespmem:s20], [sflag:$0x1] =	stream.indirect.gather [hbm4b:s4+s19], $0x80, s13, s19, $0xb8;
	[tilespmem:$0x1D000] =	vst v63  }
0x210: {  	_ =	swait.ge [sflag:s30], $0x2000  }
0x211: {  	[sflag:s30] =	ssyncset.done $0x0  }
0x212: {  	s15 =	simm.s32 $0xA80;
	[sflag:s30] =	ssyncadd.s32 $0xFFFFE000  }
0x213: {  	[spmem:s2] =	stream.indirect.scatter.add.f32 [tilespmem:s22], [sflag:$0x5], $0x80, s15, s19, $0xb8;
	[tilespmem:$0x1D000] =	vst v63  }
0x214: {  	_ =	swait.ge [sflag:s17], $0x2000  }
0x215: {  	[sflag:s17] =	ssyncset.done $0x0  }
0x216: {  	s16 =	simm.s32 $0x480;
	[sflag:s17] =	ssyncadd.s32 $0xFFFFE000  }
0x217: {  	[tilespmem:s22], [sflag:$0x2] =	stream.indirect.gather [hbm4b:s4+s19], $0x80, s16, s19, $0xb8;
	[tilespmem:$0x1D000] =	vst v63  }
0x218: {  	_ =	swait.ge [sflag:s1], $0x2000  }
0x219: {  	[sflag:s1] =	ssyncset.done $0x0  }
0x21a: {  	s21 =	simm.s32 $0xB00;
	[sflag:s1] =	ssyncadd.s32 $0xFFFFE000  }
0x21b: {  	[spmem:s2] =	stream.indirect.scatter.add.f32 [tilespmem:s24], [sflag:$0x5], $0x80, s21, s19, $0xb8;
	[tilespmem:$0x1D000] =	vst v63  }
0x21c: {  	_ =	swait.ge [sflag:s17], $0x2000  }
0x21d: {  	[sflag:s17] =	ssyncset.done $0x0  }
0x21e: {  	s23 =	simm.s32 $0x500;
	[sflag:s17] =	ssyncadd.s32 $0xFFFFE000  }
0x21f: {  	[tilespmem:s24], [sflag:$0x3] =	stream.indirect.gather [hbm4b:s4+s19], $0x80, s23, s19, $0xb8;
	[tilespmem:$0x1D000] =	vst v63  }
0x220: {  	_ =	swait.ge [sflag:s6], $0x2000  }
0x221: {  	[sflag:s6] =	ssyncset.done $0x0  }
0x222: {  	s25 =	simm.s32 $0xB80;
	[sflag:s6] =	ssyncadd.s32 $0xFFFFE000  }
0x223: {  	[spmem:s2] =	stream.indirect.scatter.add.f32 [tilespmem:s26], [sflag:$0x5], $0x80, s25, s19, $0xb8;
	[tilespmem:$0x1D000] =	vst v63  }
0x224: {  	_ =	swait.ge [sflag:s17], $0x2000  }
0x225: {  	[sflag:s17] =	ssyncset.done $0x0  }
0x226: {  	s31 =	simm.s32 $0x580;
	[sflag:s17] =	ssyncadd.s32 $0xFFFFE000  }
0x227: {  	[tilespmem:s26], [sflag:$0x4] =	stream.indirect.gather [hbm4b:s4+s19], $0x80, s31, s19, $0xb8;
	[tilespmem:$0x1D000] =	vst v63  }
0x228: {  	_ =	swait.ge [sflag:s28], $0x2000  }
0x229: {  	[sflag:s28] =	ssyncset.done $0x0  }
0x22a: {  	s7 =	simm.s32 $0xC00;
	[sflag:s28] =	ssyncadd.s32 $0xFFFFE000  }
0x22b: {  	[spmem:s2] =	stream.indirect.scatter.add.f32 [tilespmem:s20], [sflag:$0x5], $0x80, s7, s19, $0xb8;
	[tilespmem:$0x1D000] =	vst v63  }
0x22c: {  	_ =	swait.ge [sflag:s17], $0x2000  }
0x22d: {  	[sflag:s17] =	ssyncset.done $0x0  }
0x22e: {  	s8 =	simm.s32 $0x600;
	[sflag:s17] =	ssyncadd.s32 $0xFFFFE000  }
0x22f: {  	[tilespmem:s20], [sflag:$0x1] =	stream.indirect.gather [hbm4b:s4+s19], $0x80, s8, s19, $0xb8;
	[tilespmem:$0x1D000] =	vst v63  }
0x230: {  	_ =	swait.ge [sflag:s30], $0x2000  }
0x231: {  	[sflag:s30] =	ssyncset.done $0x0  }
0x232: {  	s9 =	simm.s32 $0xC80;
	[sflag:s30] =	ssyncadd.s32 $0xFFFFE000  }
0x233: {  	[spmem:s2] =	stream.indirect.scatter.add.f32 [tilespmem:s22], [sflag:$0x5], $0x80, s9, s19, $0xb8;
	[tilespmem:$0x1D000] =	vst v63  }
0x234: {  	_ =	swait.ge [sflag:s17], $0x2000  }
0x235: {  	[sflag:s17] =	ssyncset.done $0x0  }
0x236: {  	s10 =	simm.s32 $0x680;
	[sflag:s17] =	ssyncadd.s32 $0xFFFFE000  }
0x237: {  	[tilespmem:s22], [sflag:$0x2] =	stream.indirect.gather [hbm4b:s4+s19], $0x80, s10, s19, $0xb8;
	[tilespmem:$0x1D000] =	vst v63  }
0x238: {  	_ =	swait.ge [sflag:s1], $0x2000  }
0x239: {  	[sflag:s1] =	ssyncset.done $0x0  }
0x23a: {  	s11 =	simm.s32 $0xD00;
	[sflag:s1] =	ssyncadd.s32 $0xFFFFE000  }
0x23b: {  	[spmem:s2] =	stream.indirect.scatter.add.f32 [tilespmem:s24], [sflag:$0x5], $0x80, s11, s19, $0xb8;
	[tilespmem:$0x1D000] =	vst v63  }
0x23c: {  	_ =	swait.ge [sflag:s17], $0x2000  }
0x23d: {  	[sflag:s17] =	ssyncset.done $0x0  }
0x23e: {  	s13 =	simm.s32 $0x700;
	[sflag:s17] =	ssyncadd.s32 $0xFFFFE000  }
0x23f: {  	[tilespmem:s24], [sflag:$0x3] =	stream.indirect.gather [hbm4b:s4+s19], $0x80, s13, s19, $0xb8;
	[tilespmem:$0x1D000] =	vst v63  }
0x240: {  	_ =	swait.ge [sflag:s6], $0x2000  }
0x241: {  	[sflag:s6] =	ssyncset.done $0x0  }
0x242: {  	s15 =	simm.s32 $0xD80;
	[sflag:s6] =	ssyncadd.s32 $0xFFFFE000  }
0x243: {  	[spmem:s2] =	stream.indirect.scatter.add.f32 [tilespmem:s26], [sflag:$0x5], $0x80, s15, s19, $0xb8;
	[tilespmem:$0x1D000] =	vst v63  }
0x244: {  	_ =	swait.ge [sflag:s17], $0x2000  }
0x245: {  	[sflag:s17] =	ssyncset.done $0x0  }
0x246: {  	s16 =	simm.s32 $0x780;
	[sflag:s17] =	ssyncadd.s32 $0xFFFFE000  }
0x247: {  	[tilespmem:s26], [sflag:$0x4] =	stream.indirect.gather [hbm4b:s4+s19], $0x80, s16, s19, $0xb8;
	[tilespmem:$0x1D000] =	vst v63  }
0x248: {  	_ =	swait.ge [sflag:s28], $0x2000  }
0x249: {  	[sflag:s28] =	ssyncset.done $0x0  }
0x24a: {  	s21 =	simm.s32 $0xE00;
	[sflag:s28] =	ssyncadd.s32 $0xFFFFE000  }
0x24b: {  	[spmem:s2] =	stream.indirect.scatter.add.f32 [tilespmem:s20], [sflag:$0x5], $0x80, s21, s19, $0xb8;
	[tilespmem:$0x1D000] =	vst v63  }
0x24c: {  	_ =	swait.ge [sflag:s17], $0x2000  }
0x24d: {  	[sflag:s17] =	ssyncset.done $0x0  }
0x24e: {  	[sflag:s17] =	ssyncadd.s32 $0xFFFFE000  }
0x24f: {  	_ =	swait.ge [sflag:s30], $0x2000  }
0x250: {  	[sflag:s30] =	ssyncset.done $0x0  }
0x251: {  	s23 =	simm.s32 $0xE80;
	[sflag:s30] =	ssyncadd.s32 $0xFFFFE000  }
0x252: {  	[spmem:s2] =	stream.indirect.scatter.add.f32 [tilespmem:s22], [sflag:$0x5], $0x80, s23, s19, $0xb8;
	[tilespmem:$0x1D000] =	vst v63  }
0x253: {  	_ =	swait.ge [sflag:s17], $0x2000  }
0x254: {  	[sflag:s17] =	ssyncset.done $0x0  }
0x255: {  	[sflag:s17] =	ssyncadd.s32 $0xFFFFE000  }
0x256: {  	_ =	swait.ge [sflag:s1], $0x2000  }
0x257: {  	[sflag:s1] =	ssyncset.done $0x0  }
0x258: {  	s25 =	simm.s32 $0xF00;
	[sflag:s1] =	ssyncadd.s32 $0xFFFFE000  }
0x259: {  	[spmem:s2] =	stream.indirect.scatter.add.f32 [tilespmem:s24], [sflag:$0x5], $0x80, s25, s19, $0xb8;
	[tilespmem:$0x1D000] =	vst v63  }
0x25a: {  	_ =	swait.ge [sflag:s17], $0x2000  }
0x25b: {  	[sflag:s17] =	ssyncset.done $0x0  }
0x25c: {  	s29 =	simm.s32 $0x200;
	s31 =	simm.s32 $0xF80;
	[sflag:s17] =	ssyncadd.s32 $0xFFFFE000  }
0x25d: {  	s7 =	simm.s32 $0x180;
	s8 =	simm.s32 $0x900;
	_ =	swait.ge [sflag:s6], $0x2000  }
0x25e: {  	s10 =	simm.s32 $0x100;
	s11 =	simm.s32 $0x880;
	[sflag:s6] =	ssyncset.done $0x0  }
0x25f: {  	s13 =	simm.s32 $0x200;
	s15 =	simm.s32 $0x280;
	[sflag:s6] =	ssyncadd.s32 $0xFFFFE000  }
0x260: {  	[spmem:s2] =	stream.indirect.scatter.add.f32 [tilespmem:s26], [sflag:$0x5], $0x80, s31, s19, $0xb8;
	[tilespmem:$0x1D000] =	vst v63  }
0x261: {  	s16 =	simm.s32 $0x300;
	s21 =	simm.s32 $0x980;
	_ =	swait.ge [sflag:s17], $0x2000  }
0x262: {  	s23 =	simm.s32 $0x380;
	s25 =	simm.s32 $0x100;
	[sflag:s17] =	ssyncset.done $0x0  }
.LBB2_3:
0x263: {  	s0 =	sadd.s32 s25, s14  }
0x264: {  	[sflag:s17] =	ssyncadd.s32 $0xFFFFE000;
	s9 =	smov.u32 s29;
	s31 =	sadd.s32 $0x100, s29  }
0x265: {  	[tilespmem:s3], [sflag:$0x5] =	stream.linear.gather [hbm4b:s0+s3], $0x800, $0x38;
	[tilespmem:$0x1D000] =	vst v63  }
0x266: {  	p1 =	seq.s32 s29, $0x900;
	_ =	swait.ge [sflag:s17], $0x800  }
0x267: {  	s0 =	sadd.s32 s25, s12;
	[sflag:s17] =	ssyncset.done $0x0  }
0x268: {  	s25 =	smov.u32 s9;
	s9 =	simm.s32 $0x80;
	[sflag:s17] =	ssyncadd.s32 $0xFFFFF800  }
0x269: {  	[tilespmem:s18], [sflag:$0x5] =	stream.linear.gather [hbm4b:s0+s3], $0x800, $0x38;
	[tilespmem:$0x1D000] =	vst v63  }
0x26a: {  	_ =	swait.ge [sflag:s17], $0x800  }
0x26b: {  	[sflag:s17] =	ssyncset.done $0x0  }
0x26c: {  	[sflag:s17] =	ssyncadd.s32 $0xFFFFF800  }
0x26d: {  	[tilespmem:s20], [sflag:$0x1] =	stream.indirect.gather [hbm4b:s4+s19], $0x80, s3, s19, $0xb8;
	[tilespmem:$0x1D000] =	vst v63  }
0x26e: {  	_ = 	snop  }
0x26f: {  	[tilespmem:s22], [sflag:$0x2] =	stream.indirect.gather [hbm4b:s4+s19], $0x80, s9, s19, $0xb8;
	[tilespmem:$0x1D000] =	vst v63  }
0x270: {  	_ = 	snop  }
0x271: {  	[tilespmem:s24], [sflag:$0x3] =	stream.indirect.gather [hbm4b:s4+s19], $0x80, s10, s19, $0xb8;
	[tilespmem:$0x1D000] =	vst v63  }
0x272: {  	_ = 	snop  }
0x273: {  	[tilespmem:s26], [sflag:$0x4] =	stream.indirect.gather [hbm4b:s4+s19], $0x80, s7, s19, $0xb8;
	[tilespmem:$0x1D000] =	vst v63  }
0x274: {  	_ =	swait.ge [sflag:s28], $0x2000  }
0x275: {  	[sflag:s28] =	ssyncset.done $0x0  }
0x276: {  	[sflag:s28] =	ssyncadd.s32 $0xFFFFE000  }
0x277: {  	[spmem:s2] =	stream.indirect.scatter.add.f32 [tilespmem:s20], [sflag:$0x5], $0x80, s18, s19, $0xb8;
	[tilespmem:$0x1D000] =	vst v63  }
0x278: {  	_ =	swait.ge [sflag:s17], $0x2000  }
0x279: {  	[sflag:s17] =	ssyncset.done $0x0  }
0x27a: {  	[sflag:s17] =	ssyncadd.s32 $0xFFFFE000  }
0x27b: {  	[tilespmem:s20], [sflag:$0x1] =	stream.indirect.gather [hbm4b:s4+s19], $0x80, s13, s19, $0xb8;
	[tilespmem:$0x1D000] =	vst v63  }
0x27c: {  	_ =	swait.ge [sflag:s30], $0x2000  }
0x27d: {  	[sflag:s30] =	ssyncset.done $0x0  }
0x27e: {  	[sflag:s30] =	ssyncadd.s32 $0xFFFFE000  }
0x27f: {  	[spmem:s2] =	stream.indirect.scatter.add.f32 [tilespmem:s22], [sflag:$0x5], $0x80, s11, s19, $0xb8;
	[tilespmem:$0x1D000] =	vst v63  }
0x280: {  	_ =	swait.ge [sflag:s17], $0x2000  }
0x281: {  	[sflag:s17] =	ssyncset.done $0x0  }
0x282: {  	[sflag:s17] =	ssyncadd.s32 $0xFFFFE000  }
0x283: {  	[tilespmem:s22], [sflag:$0x2] =	stream.indirect.gather [hbm4b:s4+s19], $0x80, s15, s19, $0xb8;
	[tilespmem:$0x1D000] =	vst v63  }
0x284: {  	_ =	swait.ge [sflag:s1], $0x2000  }
0x285: {  	[sflag:s1] =	ssyncset.done $0x0  }
0x286: {  	[sflag:s1] =	ssyncadd.s32 $0xFFFFE000  }
0x287: {  	[spmem:s2] =	stream.indirect.scatter.add.f32 [tilespmem:s24], [sflag:$0x5], $0x80, s8, s19, $0xb8;
	[tilespmem:$0x1D000] =	vst v63  }
0x288: {  	_ =	swait.ge [sflag:s17], $0x2000  }
0x289: {  	[sflag:s17] =	ssyncset.done $0x0  }
0x28a: {  	[sflag:s17] =	ssyncadd.s32 $0xFFFFE000  }
0x28b: {  	[tilespmem:s24], [sflag:$0x3] =	stream.indirect.gather [hbm4b:s4+s19], $0x80, s16, s19, $0xb8;
	[tilespmem:$0x1D000] =	vst v63  }
0x28c: {  	_ =	swait.ge [sflag:s6], $0x2000  }
0x28d: {  	[sflag:s6] =	ssyncset.done $0x0  }
0x28e: {  	[sflag:s6] =	ssyncadd.s32 $0xFFFFE000  }
0x28f: {  	[spmem:s2] =	stream.indirect.scatter.add.f32 [tilespmem:s26], [sflag:$0x5], $0x80, s21, s19, $0xb8;
	[tilespmem:$0x1D000] =	vst v63  }
0x290: {  	_ =	swait.ge [sflag:s17], $0x2000  }
0x291: {  	[sflag:s17] =	ssyncset.done $0x0  }
0x292: {  	[sflag:s17] =	ssyncadd.s32 $0xFFFFE000  }
0x293: {  	[tilespmem:s26], [sflag:$0x4] =	stream.indirect.gather [hbm4b:s4+s19], $0x80, s23, s19, $0xb8;
	[tilespmem:$0x1D000] =	vst v63  }
0x294: {  	_ =	swait.ge [sflag:s28], $0x2000  }
0x295: {  	[sflag:s28] =	ssyncset.done $0x0  }
0x296: {  	s0 =	simm.s32 $0xA00;
	[sflag:s28] =	ssyncadd.s32 $0xFFFFE000  }
0x297: {  	[spmem:s2] =	stream.indirect.scatter.add.f32 [tilespmem:s20], [sflag:$0x5], $0x80, s0, s19, $0xb8;
	[tilespmem:$0x1D000] =	vst v63  }
0x298: {  	_ =	swait.ge [sflag:s17], $0x2000  }
0x299: {  	[sflag:s17] =	ssyncset.done $0x0  }
0x29a: {  	s0 =	simm.s32 $0x400;
	[sflag:s17] =	ssyncadd.s32 $0xFFFFE000  }
0x29b: {  	[tilespmem:s20], [sflag:$0x1] =	stream.indirect.gather [hbm4b:s4+s19], $0x80, s0, s19, $0xb8;
	[tilespmem:$0x1D000] =	vst v63  }
0x29c: {  	_ =	swait.ge [sflag:s30], $0x2000  }
0x29d: {  	[sflag:s30] =	ssyncset.done $0x0  }
0x29e: {  	s0 =	simm.s32 $0xA80;
	[sflag:s30] =	ssyncadd.s32 $0xFFFFE000  }
0x29f: {  	[spmem:s2] =	stream.indirect.scatter.add.f32 [tilespmem:s22], [sflag:$0x5], $0x80, s0, s19, $0xb8;
	[tilespmem:$0x1D000] =	vst v63  }
0x2a0: {  	_ =	swait.ge [sflag:s17], $0x2000  }
0x2a1: {  	[sflag:s17] =	ssyncset.done $0x0  }
0x2a2: {  	s0 =	simm.s32 $0x480;
	[sflag:s17] =	ssyncadd.s32 $0xFFFFE000  }
0x2a3: {  	[tilespmem:s22], [sflag:$0x2] =	stream.indirect.gather [hbm4b:s4+s19], $0x80, s0, s19, $0xb8;
	[tilespmem:$0x1D000] =	vst v63  }
0x2a4: {  	_ =	swait.ge [sflag:s1], $0x2000  }
0x2a5: {  	[sflag:s1] =	ssyncset.done $0x0  }
0x2a6: {  	s0 =	simm.s32 $0xB00;
	[sflag:s1] =	ssyncadd.s32 $0xFFFFE000  }
0x2a7: {  	[spmem:s2] =	stream.indirect.scatter.add.f32 [tilespmem:s24], [sflag:$0x5], $0x80, s0, s19, $0xb8;
	[tilespmem:$0x1D000] =	vst v63  }
0x2a8: {  	_ =	swait.ge [sflag:s17], $0x2000  }
0x2a9: {  	[sflag:s17] =	ssyncset.done $0x0  }
0x2aa: {  	s0 =	simm.s32 $0x500;
	[sflag:s17] =	ssyncadd.s32 $0xFFFFE000  }
0x2ab: {  	[tilespmem:s24], [sflag:$0x3] =	stream.indirect.gather [hbm4b:s4+s19], $0x80, s0, s19, $0xb8;
	[tilespmem:$0x1D000] =	vst v63  }
0x2ac: {  	_ =	swait.ge [sflag:s6], $0x2000  }
0x2ad: {  	[sflag:s6] =	ssyncset.done $0x0  }
0x2ae: {  	s0 =	simm.s32 $0xB80;
	[sflag:s6] =	ssyncadd.s32 $0xFFFFE000  }
0x2af: {  	[spmem:s2] =	stream.indirect.scatter.add.f32 [tilespmem:s26], [sflag:$0x5], $0x80, s0, s19, $0xb8;
	[tilespmem:$0x1D000] =	vst v63  }
0x2b0: {  	_ =	swait.ge [sflag:s17], $0x2000  }
0x2b1: {  	[sflag:s17] =	ssyncset.done $0x0  }
0x2b2: {  	s0 =	simm.s32 $0x580;
	[sflag:s17] =	ssyncadd.s32 $0xFFFFE000  }
0x2b3: {  	[tilespmem:s26], [sflag:$0x4] =	stream.indirect.gather [hbm4b:s4+s19], $0x80, s0, s19, $0xb8;
	[tilespmem:$0x1D000] =	vst v63  }
0x2b4: {  	_ =	swait.ge [sflag:s28], $0x2000  }
0x2b5: {  	[sflag:s28] =	ssyncset.done $0x0  }
0x2b6: {  	s0 =	simm.s32 $0xC00;
	[sflag:s28] =	ssyncadd.s32 $0xFFFFE000  }
0x2b7: {  	[spmem:s2] =	stream.indirect.scatter.add.f32 [tilespmem:s20], [sflag:$0x5], $0x80, s0, s19, $0xb8;
	[tilespmem:$0x1D000] =	vst v63  }
0x2b8: {  	_ =	swait.ge [sflag:s17], $0x2000  }
0x2b9: {  	[sflag:s17] =	ssyncset.done $0x0  }
0x2ba: {  	s0 =	simm.s32 $0x600;
	[sflag:s17] =	ssyncadd.s32 $0xFFFFE000  }
0x2bb: {  	[tilespmem:s20], [sflag:$0x1] =	stream.indirect.gather [hbm4b:s4+s19], $0x80, s0, s19, $0xb8;
	[tilespmem:$0x1D000] =	vst v63  }
0x2bc: {  	_ =	swait.ge [sflag:s30], $0x2000  }
0x2bd: {  	[sflag:s30] =	ssyncset.done $0x0  }
0x2be: {  	s0 =	simm.s32 $0xC80;
	[sflag:s30] =	ssyncadd.s32 $0xFFFFE000  }
0x2bf: {  	[spmem:s2] =	stream.indirect.scatter.add.f32 [tilespmem:s22], [sflag:$0x5], $0x80, s0, s19, $0xb8;
	[tilespmem:$0x1D000] =	vst v63  }
0x2c0: {  	_ =	swait.ge [sflag:s17], $0x2000  }
0x2c1: {  	[sflag:s17] =	ssyncset.done $0x0  }
0x2c2: {  	s0 =	simm.s32 $0x680;
	[sflag:s17] =	ssyncadd.s32 $0xFFFFE000  }
0x2c3: {  	[tilespmem:s22], [sflag:$0x2] =	stream.indirect.gather [hbm4b:s4+s19], $0x80, s0, s19, $0xb8;
	[tilespmem:$0x1D000] =	vst v63  }
0x2c4: {  	_ =	swait.ge [sflag:s1], $0x2000  }
0x2c5: {  	[sflag:s1] =	ssyncset.done $0x0  }
0x2c6: {  	s0 =	simm.s32 $0xD00;
	[sflag:s1] =	ssyncadd.s32 $0xFFFFE000  }
0x2c7: {  	[spmem:s2] =	stream.indirect.scatter.add.f32 [tilespmem:s24], [sflag:$0x5], $0x80, s0, s19, $0xb8;
	[tilespmem:$0x1D000] =	vst v63  }
0x2c8: {  	_ =	swait.ge [sflag:s17], $0x2000  }
0x2c9: {  	[sflag:s17] =	ssyncset.done $0x0  }
0x2ca: {  	s0 =	simm.s32 $0x700;
	[sflag:s17] =	ssyncadd.s32 $0xFFFFE000  }
0x2cb: {  	[tilespmem:s24], [sflag:$0x3] =	stream.indirect.gather [hbm4b:s4+s19], $0x80, s0, s19, $0xb8;
	[tilespmem:$0x1D000] =	vst v63  }
0x2cc: {  	_ =	swait.ge [sflag:s6], $0x2000  }
0x2cd: {  	[sflag:s6] =	ssyncset.done $0x0  }
0x2ce: {  	s0 =	simm.s32 $0xD80;
	[sflag:s6] =	ssyncadd.s32 $0xFFFFE000  }
0x2cf: {  	[spmem:s2] =	stream.indirect.scatter.add.f32 [tilespmem:s26], [sflag:$0x5], $0x80, s0, s19, $0xb8;
	[tilespmem:$0x1D000] =	vst v63  }
0x2d0: {  	_ =	swait.ge [sflag:s17], $0x2000  }
0x2d1: {  	[sflag:s17] =	ssyncset.done $0x0  }
0x2d2: {  	s0 =	simm.s32 $0x780;
	[sflag:s17] =	ssyncadd.s32 $0xFFFFE000  }
0x2d3: {  	[tilespmem:s26], [sflag:$0x4] =	stream.indirect.gather [hbm4b:s4+s19], $0x80, s0, s19, $0xb8;
	[tilespmem:$0x1D000] =	vst v63  }
0x2d4: {  	_ =	swait.ge [sflag:s28], $0x2000  }
0x2d5: {  	[sflag:s28] =	ssyncset.done $0x0  }
0x2d6: {  	s0 =	simm.s32 $0xE00;
	[sflag:s28] =	ssyncadd.s32 $0xFFFFE000  }
0x2d7: {  	[spmem:s2] =	stream.indirect.scatter.add.f32 [tilespmem:s20], [sflag:$0x5], $0x80, s0, s19, $0xb8;
	[tilespmem:$0x1D000] =	vst v63  }
0x2d8: {  	_ =	swait.ge [sflag:s17], $0x2000  }
0x2d9: {  	[sflag:s17] =	ssyncset.done $0x0  }
0x2da: {  	[sflag:s17] =	ssyncadd.s32 $0xFFFFE000  }
0x2db: {  	_ =	swait.ge [sflag:s30], $0x2000  }
0x2dc: {  	[sflag:s30] =	ssyncset.done $0x0  }
0x2dd: {  	s0 =	simm.s32 $0xE80;
	[sflag:s30] =	ssyncadd.s32 $0xFFFFE000  }
0x2de: {  	[spmem:s2] =	stream.indirect.scatter.add.f32 [tilespmem:s22], [sflag:$0x5], $0x80, s0, s19, $0xb8;
	[tilespmem:$0x1D000] =	vst v63  }
0x2df: {  	_ =	swait.ge [sflag:s17], $0x2000  }
0x2e0: {  	[sflag:s17] =	ssyncset.done $0x0  }
0x2e1: {  	[sflag:s17] =	ssyncadd.s32 $0xFFFFE000  }
0x2e2: {  	_ =	swait.ge [sflag:s1], $0x2000  }
0x2e3: {  	[sflag:s1] =	ssyncset.done $0x0  }
0x2e4: {  	s0 =	simm.s32 $0xF00;
	[sflag:s1] =	ssyncadd.s32 $0xFFFFE000  }
0x2e5: {  	[spmem:s2] =	stream.indirect.scatter.add.f32 [tilespmem:s24], [sflag:$0x5], $0x80, s0, s19, $0xb8;
	[tilespmem:$0x1D000] =	vst v63  }
0x2e6: {  	_ =	swait.ge [sflag:s17], $0x2000  }
0x2e7: {  	[sflag:s17] =	ssyncset.done $0x0  }
0x2e8: {  	[sflag:s17] =	ssyncadd.s32 $0xFFFFE000  }
0x2e9: {  	_ =	swait.ge [sflag:s6], $0x2000  }
.Ltmp5:
0x2ea: {  	[sflag:s6] =	ssyncset.done $0x0;
	(pc) =	sbr.rel @!p1 .LBB2_3-.Ltmp5, $4  }
0x2eb: {  	s0 =	simm.s32 $0xF80;
	[sflag:s6] =	ssyncadd.s32 $0xFFFFE000  }
0x2ec: {  	[spmem:s2] =	stream.indirect.scatter.add.f32 [tilespmem:s26], [sflag:$0x5], $0x80, s0, s19, $0xb8;
	[tilespmem:$0x1D000] =	vst v63  }
0x2ed: {  	_ =	swait.ge [sflag:s17], $0x2000  }
0x2ee: {  	s29 =	smov.u32 s31;
	[sflag:s17] =	ssyncset.done $0x0  }
0x2ef: {  	s0 =	sadd.s32 s25, s14;
	[sflag:s17] =	ssyncadd.s32 $0xFFFFE000  }
0x2f0: {  	[tilespmem:s3], [sflag:$0x5] =	stream.linear.gather [hbm4b:s0+s3], $0x800, $0x38;
	[tilespmem:$0x1D000] =	vst v63  }
0x2f1: {  	_ =	swait.ge [sflag:s17], $0x800  }
0x2f2: {  	[sflag:s17] =	ssyncset.done $0x0  }
0x2f3: {  	s25 =	sadd.s32 s25, s12;
	[sflag:s17] =	ssyncadd.s32 $0xFFFFF800  }
0x2f4: {  	[tilespmem:s18], [sflag:$0x5] =	stream.linear.gather [hbm4b:s25+s3], $0x800, $0x38;
	[tilespmem:$0x1D000] =	vst v63  }
0x2f5: {  	_ =	swait.ge [sflag:s17], $0x800  }
0x2f6: {  	[sflag:s17] =	ssyncset.done $0x0  }
0x2f7: {  	[sflag:s17] =	ssyncadd.s32 $0xFFFFF800  }
0x2f8: {  	[tilespmem:s20], [sflag:$0x1] =	stream.indirect.gather [hbm4b:s4+s19], $0x80, s3, s19, $0xb8;
	[tilespmem:$0x1D000] =	vst v63  }
0x2f9: {  	_ = 	snop  }
0x2fa: {  	[tilespmem:s22], [sflag:$0x2] =	stream.indirect.gather [hbm4b:s4+s19], $0x80, s9, s19, $0xb8;
	[tilespmem:$0x1D000] =	vst v63  }
0x2fb: {  	_ = 	snop  }
0x2fc: {  	[tilespmem:s24], [sflag:$0x3] =	stream.indirect.gather [hbm4b:s4+s19], $0x80, s10, s19, $0xb8;
	[tilespmem:$0x1D000] =	vst v63  }
0x2fd: {  	_ = 	snop  }
0x2fe: {  	[tilespmem:s26], [sflag:$0x4] =	stream.indirect.gather [hbm4b:s4+s19], $0x80, s7, s19, $0xb8;
	[tilespmem:$0x1D000] =	vst v63  }
0x2ff: {  	_ =	swait.ge [sflag:s28], $0x2000  }
0x300: {  	[sflag:s28] =	ssyncset.done $0x0  }
0x301: {  	[sflag:s28] =	ssyncadd.s32 $0xFFFFE000  }
0x302: {  	[spmem:s2] =	stream.indirect.scatter.add.f32 [tilespmem:s20], [sflag:$0x5], $0x80, s18, s19, $0xb8;
	[tilespmem:$0x1D000] =	vst v63  }
0x303: {  	_ =	swait.ge [sflag:s17], $0x2000  }
0x304: {  	[sflag:s17] =	ssyncset.done $0x0  }
0x305: {  	[sflag:s17] =	ssyncadd.s32 $0xFFFFE000  }
0x306: {  	[tilespmem:s20], [sflag:$0x1] =	stream.indirect.gather [hbm4b:s4+s19], $0x80, s13, s19, $0xb8;
	[tilespmem:$0x1D000] =	vst v63  }
0x307: {  	_ =	swait.ge [sflag:s30], $0x2000  }
0x308: {  	[sflag:s30] =	ssyncset.done $0x0  }
0x309: {  	[sflag:s30] =	ssyncadd.s32 $0xFFFFE000  }
0x30a: {  	[spmem:s2] =	stream.indirect.scatter.add.f32 [tilespmem:s22], [sflag:$0x5], $0x80, s11, s19, $0xb8;
	[tilespmem:$0x1D000] =	vst v63  }
0x30b: {  	_ =	swait.ge [sflag:s17], $0x2000  }
0x30c: {  	[sflag:s17] =	ssyncset.done $0x0  }
0x30d: {  	[sflag:s17] =	ssyncadd.s32 $0xFFFFE000  }
0x30e: {  	[tilespmem:s22], [sflag:$0x2] =	stream.indirect.gather [hbm4b:s4+s19], $0x80, s15, s19, $0xb8;
	[tilespmem:$0x1D000] =	vst v63  }
0x30f: {  	_ =	swait.ge [sflag:s1], $0x2000  }
0x310: {  	[sflag:s1] =	ssyncset.done $0x0  }
0x311: {  	[sflag:s1] =	ssyncadd.s32 $0xFFFFE000  }
0x312: {  	[spmem:s2] =	stream.indirect.scatter.add.f32 [tilespmem:s24], [sflag:$0x5], $0x80, s8, s19, $0xb8;
	[tilespmem:$0x1D000] =	vst v63  }
0x313: {  	_ =	swait.ge [sflag:s17], $0x2000  }
0x314: {  	[sflag:s17] =	ssyncset.done $0x0  }
0x315: {  	[sflag:s17] =	ssyncadd.s32 $0xFFFFE000  }
0x316: {  	[tilespmem:s24], [sflag:$0x3] =	stream.indirect.gather [hbm4b:s4+s19], $0x80, s16, s19, $0xb8;
	[tilespmem:$0x1D000] =	vst v63  }
0x317: {  	_ =	swait.ge [sflag:s6], $0x2000  }
0x318: {  	[sflag:s6] =	ssyncset.done $0x0  }
0x319: {  	[sflag:s6] =	ssyncadd.s32 $0xFFFFE000  }
0x31a: {  	[spmem:s2] =	stream.indirect.scatter.add.f32 [tilespmem:s26], [sflag:$0x5], $0x80, s21, s19, $0xb8;
	[tilespmem:$0x1D000] =	vst v63  }
0x31b: {  	_ =	swait.ge [sflag:s17], $0x2000  }
0x31c: {  	[sflag:s17] =	ssyncset.done $0x0  }
0x31d: {  	[sflag:s17] =	ssyncadd.s32 $0xFFFFE000  }
0x31e: {  	[tilespmem:s26], [sflag:$0x4] =	stream.indirect.gather [hbm4b:s4+s19], $0x80, s23, s19, $0xb8;
	[tilespmem:$0x1D000] =	vst v63  }
0x31f: {  	_ =	swait.ge [sflag:s28], $0x2000  }
0x320: {  	[sflag:s28] =	ssyncset.done $0x0  }
0x321: {  	s7 =	simm.s32 $0xA00;
	[sflag:s28] =	ssyncadd.s32 $0xFFFFE000  }
0x322: {  	[spmem:s2] =	stream.indirect.scatter.add.f32 [tilespmem:s20], [sflag:$0x5], $0x80, s7, s19, $0xb8;
	[tilespmem:$0x1D000] =	vst v63  }
0x323: {  	_ =	swait.ge [sflag:s17], $0x2000  }
0x324: {  	[sflag:s17] =	ssyncset.done $0x0  }
0x325: {  	s8 =	simm.s32 $0x400;
	[sflag:s17] =	ssyncadd.s32 $0xFFFFE000  }
0x326: {  	[tilespmem:s20], [sflag:$0x1] =	stream.indirect.gather [hbm4b:s4+s19], $0x80, s8, s19, $0xb8;
	[tilespmem:$0x1D000] =	vst v63  }
0x327: {  	_ =	swait.ge [sflag:s30], $0x2000  }
0x328: {  	[sflag:s30] =	ssyncset.done $0x0  }
0x329: {  	s10 =	simm.s32 $0xA80;
	[sflag:s30] =	ssyncadd.s32 $0xFFFFE000  }
0x32a: {  	[spmem:s2] =	stream.indirect.scatter.add.f32 [tilespmem:s22], [sflag:$0x5], $0x80, s10, s19, $0xb8;
	[tilespmem:$0x1D000] =	vst v63  }
0x32b: {  	_ =	swait.ge [sflag:s17], $0x2000  }
0x32c: {  	[sflag:s17] =	ssyncset.done $0x0  }
0x32d: {  	s11 =	simm.s32 $0x480;
	[sflag:s17] =	ssyncadd.s32 $0xFFFFE000  }
0x32e: {  	[tilespmem:s22], [sflag:$0x2] =	stream.indirect.gather [hbm4b:s4+s19], $0x80, s11, s19, $0xb8;
	[tilespmem:$0x1D000] =	vst v63  }
0x32f: {  	_ =	swait.ge [sflag:s1], $0x2000  }
0x330: {  	[sflag:s1] =	ssyncset.done $0x0  }
0x331: {  	s13 =	simm.s32 $0xB00;
	[sflag:s1] =	ssyncadd.s32 $0xFFFFE000  }
0x332: {  	[spmem:s2] =	stream.indirect.scatter.add.f32 [tilespmem:s24], [sflag:$0x5], $0x80, s13, s19, $0xb8;
	[tilespmem:$0x1D000] =	vst v63  }
0x333: {  	_ =	swait.ge [sflag:s17], $0x2000  }
0x334: {  	[sflag:s17] =	ssyncset.done $0x0  }
0x335: {  	s15 =	simm.s32 $0x500;
	[sflag:s17] =	ssyncadd.s32 $0xFFFFE000  }
0x336: {  	[tilespmem:s24], [sflag:$0x3] =	stream.indirect.gather [hbm4b:s4+s19], $0x80, s15, s19, $0xb8;
	[tilespmem:$0x1D000] =	vst v63  }
0x337: {  	_ =	swait.ge [sflag:s6], $0x2000  }
0x338: {  	[sflag:s6] =	ssyncset.done $0x0  }
0x339: {  	s16 =	simm.s32 $0xB80;
	[sflag:s6] =	ssyncadd.s32 $0xFFFFE000  }
0x33a: {  	[spmem:s2] =	stream.indirect.scatter.add.f32 [tilespmem:s26], [sflag:$0x5], $0x80, s16, s19, $0xb8;
	[tilespmem:$0x1D000] =	vst v63  }
0x33b: {  	_ =	swait.ge [sflag:s17], $0x2000  }
0x33c: {  	[sflag:s17] =	ssyncset.done $0x0  }
0x33d: {  	s21 =	simm.s32 $0x580;
	[sflag:s17] =	ssyncadd.s32 $0xFFFFE000  }
0x33e: {  	[tilespmem:s26], [sflag:$0x4] =	stream.indirect.gather [hbm4b:s4+s19], $0x80, s21, s19, $0xb8;
	[tilespmem:$0x1D000] =	vst v63  }
0x33f: {  	_ =	swait.ge [sflag:s28], $0x2000  }
0x340: {  	[sflag:s28] =	ssyncset.done $0x0  }
0x341: {  	s23 =	simm.s32 $0xC00;
	[sflag:s28] =	ssyncadd.s32 $0xFFFFE000  }
0x342: {  	[spmem:s2] =	stream.indirect.scatter.add.f32 [tilespmem:s20], [sflag:$0x5], $0x80, s23, s19, $0xb8;
	[tilespmem:$0x1D000] =	vst v63  }
0x343: {  	_ =	swait.ge [sflag:s17], $0x2000  }
0x344: {  	[sflag:s17] =	ssyncset.done $0x0  }
0x345: {  	s25 =	simm.s32 $0x600;
	[sflag:s17] =	ssyncadd.s32 $0xFFFFE000  }
0x346: {  	[tilespmem:s20], [sflag:$0x1] =	stream.indirect.gather [hbm4b:s4+s19], $0x80, s25, s19, $0xb8;
	[tilespmem:$0x1D000] =	vst v63  }
0x347: {  	_ =	swait.ge [sflag:s30], $0x2000  }
0x348: {  	[sflag:s30] =	ssyncset.done $0x0  }
0x349: {  	s7 =	simm.s32 $0xC80;
	[sflag:s30] =	ssyncadd.s32 $0xFFFFE000  }
0x34a: {  	[spmem:s2] =	stream.indirect.scatter.add.f32 [tilespmem:s22], [sflag:$0x5], $0x80, s7, s19, $0xb8;
	[tilespmem:$0x1D000] =	vst v63  }
0x34b: {  	_ =	swait.ge [sflag:s17], $0x2000  }
0x34c: {  	[sflag:s17] =	ssyncset.done $0x0  }
0x34d: {  	s8 =	simm.s32 $0x680;
	[sflag:s17] =	ssyncadd.s32 $0xFFFFE000  }
0x34e: {  	[tilespmem:s22], [sflag:$0x2] =	stream.indirect.gather [hbm4b:s4+s19], $0x80, s8, s19, $0xb8;
	[tilespmem:$0x1D000] =	vst v63  }
0x34f: {  	_ =	swait.ge [sflag:s1], $0x2000  }
0x350: {  	[sflag:s1] =	ssyncset.done $0x0  }
0x351: {  	s10 =	simm.s32 $0xD00;
	[sflag:s1] =	ssyncadd.s32 $0xFFFFE000  }
0x352: {  	[spmem:s2] =	stream.indirect.scatter.add.f32 [tilespmem:s24], [sflag:$0x5], $0x80, s10, s19, $0xb8;
	[tilespmem:$0x1D000] =	vst v63  }
0x353: {  	_ =	swait.ge [sflag:s17], $0x2000  }
0x354: {  	[sflag:s17] =	ssyncset.done $0x0  }
0x355: {  	s11 =	simm.s32 $0x700;
	[sflag:s17] =	ssyncadd.s32 $0xFFFFE000  }
0x356: {  	[tilespmem:s24], [sflag:$0x3] =	stream.indirect.gather [hbm4b:s4+s19], $0x80, s11, s19, $0xb8;
	[tilespmem:$0x1D000] =	vst v63  }
0x357: {  	_ =	swait.ge [sflag:s6], $0x2000  }
0x358: {  	[sflag:s6] =	ssyncset.done $0x0  }
0x359: {  	s13 =	simm.s32 $0xD80;
	[sflag:s6] =	ssyncadd.s32 $0xFFFFE000  }
0x35a: {  	[spmem:s2] =	stream.indirect.scatter.add.f32 [tilespmem:s26], [sflag:$0x5], $0x80, s13, s19, $0xb8;
	[tilespmem:$0x1D000] =	vst v63  }
0x35b: {  	_ =	swait.ge [sflag:s17], $0x2000  }
0x35c: {  	[sflag:s17] =	ssyncset.done $0x0  }
0x35d: {  	s15 =	simm.s32 $0x780;
	[sflag:s17] =	ssyncadd.s32 $0xFFFFE000  }
0x35e: {  	[tilespmem:s26], [sflag:$0x4] =	stream.indirect.gather [hbm4b:s4+s19], $0x80, s15, s19, $0xb8;
	[tilespmem:$0x1D000] =	vst v63  }
0x35f: {  	_ =	swait.ge [sflag:s28], $0x2000  }
0x360: {  	[sflag:s28] =	ssyncset.done $0x0  }
0x361: {  	s16 =	simm.s32 $0xE00;
	[sflag:s28] =	ssyncadd.s32 $0xFFFFE000  }
0x362: {  	[spmem:s2] =	stream.indirect.scatter.add.f32 [tilespmem:s20], [sflag:$0x5], $0x80, s16, s19, $0xb8;
	[tilespmem:$0x1D000] =	vst v63  }
0x363: {  	_ =	swait.ge [sflag:s17], $0x2000  }
0x364: {  	[sflag:s17] =	ssyncset.done $0x0  }
0x365: {  	[sflag:s17] =	ssyncadd.s32 $0xFFFFE000  }
0x366: {  	_ =	swait.ge [sflag:s30], $0x2000  }
0x367: {  	[sflag:s30] =	ssyncset.done $0x0  }
0x368: {  	s21 =	simm.s32 $0xE80;
	[sflag:s30] =	ssyncadd.s32 $0xFFFFE000  }
0x369: {  	[spmem:s2] =	stream.indirect.scatter.add.f32 [tilespmem:s22], [sflag:$0x5], $0x80, s21, s19, $0xb8;
	[tilespmem:$0x1D000] =	vst v63  }
0x36a: {  	_ =	swait.ge [sflag:s17], $0x2000  }
0x36b: {  	[sflag:s17] =	ssyncset.done $0x0  }
0x36c: {  	[sflag:s17] =	ssyncadd.s32 $0xFFFFE000  }
0x36d: {  	_ =	swait.ge [sflag:s1], $0x2000  }
0x36e: {  	[sflag:s1] =	ssyncset.done $0x0  }
0x36f: {  	s23 =	simm.s32 $0xF00;
	[sflag:s1] =	ssyncadd.s32 $0xFFFFE000  }
0x370: {  	[spmem:s2] =	stream.indirect.scatter.add.f32 [tilespmem:s24], [sflag:$0x5], $0x80, s23, s19, $0xb8;
	[tilespmem:$0x1D000] =	vst v63  }
0x371: {  	_ =	swait.ge [sflag:s17], $0x2000  }
0x372: {  	[sflag:s17] =	ssyncset.done $0x0  }
0x373: {  	[sflag:s17] =	ssyncadd.s32 $0xFFFFE000  }
0x374: {  	_ =	swait.ge [sflag:s6], $0x2000  }
0x375: {  	[sflag:s6] =	ssyncset.done $0x0  }
0x376: {  	s25 =	simm.s32 $0xF80;
	s7 =	simm.s32 $0x180;
	[sflag:s6] =	ssyncadd.s32 $0xFFFFE000  }
0x377: {  	[spmem:s2] =	stream.indirect.scatter.add.f32 [tilespmem:s26], [sflag:$0x5], $0x80, s25, s19, $0xb8;
	[tilespmem:$0x1D000] =	vst v63  }
.Ltmp6:
0x378: {  	s8 =	simm.s32 $0x900;
	s10 =	simm.s32 $0x100;
	(pc) =	sbr.rel .LBB2_8-.Ltmp6, $4  }
0x379: {  	s11 =	simm.s32 $0x880;
	s13 =	simm.s32 $0x200;
	_ =	swait.ge [sflag:s17], $0x2000  }
0x37a: {  	s15 =	simm.s32 $0x280;
	s16 =	simm.s32 $0x300;
	s25 =	rddreg [dreg:$0x4]  }
0x37b: {  	s21 =	simm.s32 $0x980;
	[sflag:s17] =	ssyncset.done $0x0;
	s31 =	rddreg [dreg:$0xd]  }
0x37c: {  	s23 =	simm.s32 $0x380;
	s29 =	rddreg [dreg:$0xe];
	[sflag:s17] =	ssyncadd.s32 $0xFFFFE000  }
.LBB2_9:
0x37d: {  	_ =	sfence.sel $0x180000  }
0x37e: {  	[bflag:$0x0] =	sbarrier.arrive $0xFFFF  }
0x37f: {  	_ =	strace $0x9000004A  }
0x380: {  	s0 =	stileid.u32;
	[bflag:$0x2] =	sbarrier.arrive $0xFFFF  }
0x381: {  	p0 =	sne.s32 s0, $0x0;
	s0 =	rddreg [dreg:$0x3]  }
0x382: {  	s0 =	sadd.s32 @!p0 $0x100000, s0  }
0x383: {  	[sflag:s0] =	ssyncadd.tile.s32 @!p0 $0x1;
	_ =	shalt  }
.Lfunc_end2:
_tile_overlayer_lowered:
.L_overlay_start_2:
0x384: {  	(tag) =	ssettag $0x2  }
0x385: {  	s0 =	rddreg [dreg:$0x0];
	s2 =	stileid.u32  }
0x386: {  	s1 =	rddreg [dreg:$0x1];
	p0 =	sne.s32 s2, $0x0  }
0x387: {  	s3 =	rddreg [dreg:$0x2];
	[bflag:$0x3] =	sbarrier.arrive $0xFFFF;
	s2 =	simm.s32 @!p0 $0x1C05  }
0x388: {  	[timem:s3], [sflag:s2] =	dma.local @!p0 [hbm:s0], s1  }
0x389: {  	s0 =	simm.s32 @!p0 $0x5  }
0x38a: {  	_ =	swait.ge @!p0 [sflag:s0], s1  }
0x38b: {  	s1 =	ssub.s32 @!p0 $0x0, s1;
	[sflag:s0] =	ssyncset.done @!p0 $0x0  }
0x38c: {  	[sflag:s0] =	ssyncadd.s32 @!p0 s1  }
0x38d: {  	[bflag:$0x3] =	sbarrier.arrive $0xFFFF  }
0x38e: {  	_ =	shalt  }

// kernel: kernel.15.cloned.1.call-start
scs
__scs_entry_jumppad:
0x0: {  	(pc) =	sbr.rel $0x88, $3  }
0x1: {  	(tag) =	ssettag $0x0;
	lr =	simm.s32 $0x1  }
0x2: {  	[smem:$0x3F9B] =	sst lr;
	_ =	strace $0xD0000000  }
0x3: {  	_ = 	snop  }
0x4: {  	_ = 	snop  }
0x5: {  	_ = 	snop  }
0x6: {  	_ = 	snop  }
0x7: {  	_ = 	snop  }
__scs_overlays_trampoline_lowered:
0x8: {  	[smem:$0x3FAA] =	sst s0  }
0x9: {  	[smem:$0x3FAB] =	sst s1  }
0xa: {  	[smem:$0x3FAC] =	sst s2  }
0xb: {  	[smem:$0x3FAD] =	sst s3  }
0xc: {  	[smem:$0x3FAE] =	sst s4  }
0xd: {  	[smem:$0x3FAF] =	sst s5  }
0xe: {  	[smem:$0x3FB0] =	sst s6  }
0xf: {  	[smem:$0x3FB1] =	sst s7  }
0x10: {  	[smem:$0x3FB2] =	sst s8  }
0x11: {  	[smem:$0x3FB3] =	sst s9;
	s0 =	simm.s32 @!p0 $0x0  }
0x12: {  	s1 =	sld [smem:$0x3F99];
	s0 =	simm.s32 @p0 $0x1  }
0x13: {  	[smem:$0x3FB4] =	sst s0;
	s0 =	simm.s32 @!p1 $0x0  }
0x14: {  	s2 =	sld [smem:$0x3F98];
	s0 =	simm.s32 @p1 $0x1  }
0x15: {  	[smem:$0x3FB5] =	sst s0;
	s0 =	simm.s32 @!p2 $0x0  }
0x16: {  	s3 =	sld [smem:$0x3FDB];
	s0 =	simm.s32 @p2 $0x1  }
0x17: {  	s4 =	simm.s32 $0x1BF5;
	[smem:$0x3FB7] =	sst s0  }
0x18: {  	s0 =	sld [smem:$0x3F9A];
	_ =	swait.ge [sflag:s4], $0x0  }
0x19: {  	s7 =	sld [smem:$0x3F9B]  }
0x1a: {  	s8 =	sadd.s32 $0xFFFFE003, lr  }
0x1b: {  	s9 =	sadd.s32 $0xFFFFFEF7, lr;
	s5 =	simm.s32 $0xFFFFFFFF;
	p2 =	slt.u32 s8, $0xFFFFF086  }
0x1c: {  	p1 =	slt.u32 s9, $0xF7A;
	s5 =	simm.s32 @!p2 $0x0  }
0x1d: {  	s5 =	simm.s32 @p1 $0x1;
	p0 =	seq.s32 s7, s2  }
0x1e: {  	s7 =	smul.u32 @!p0 $0xF7A, s2;
	p2 =	seq.s32 @!p0 s5, $0x0  }
0x1f: {  	s9 =	smul.u32 $0xF7A, s1;
	s8 =	simm.s32 @!p0 $0x1BF5;
	p2 =	por !p2, p0  }
0x20: {  	[sflag:s8] =	ssyncset.s32 @!p0 $0xFFFFF086;
	s6 =	sadd.s32 @!p0 s3, s7;
	s7 =	simm.s32 @!p0 $0x108  }
0x21: {  	s3 =	sadd.s32 s3, s9;
	s6 =	sadd.s32 @!p0 $0x88, s6;
	s7 =	simm.s32 @p2 $0x1082  }
0x22: {  	[simem:s7], [sflag:s8] =	dma.local @!p0 [hbm:s6], $0xF7A  }
0x23: {  	s9 =	sor.u32 $0xD0000000, s2;
	s6 =	simm.s32 $0x108;
	_ =	swait.ge @!p0 [sflag:s8], $0x0  }
0x24: {  	s3 =	sadd.s32 $0x88, s3;
	s6 =	simm.s32 @!p1 $0x1082;
	[sflag:s4] =	ssyncset.s32 $0xFFFFF086  }
0x25: {  	[simem:s6], [sflag:s4] =	dma.local [hbm:s3], $0xF7A  }
0x26: {  	[smem:$0x3F9B] =	sst s1;
	(tag) =	ssettag s2;
	_ =	strace s9  }
0x27: {  	s1 =	sld [smem:$0x3FAB]  }
0x28: {  	s2 =	sld [smem:$0x3FAC]  }
0x29: {  	s4 =	sld [smem:$0x3FAE]  }
0x2a: {  	p0 =	seq.s32 s5, $0x0;
	s5 =	sld [smem:$0x3FAF]  }
0x2b: {  	s6 =	sld [smem:$0x3FB0]  }
0x2c: {  	s7 =	sld [smem:$0x3FB1]  }
0x2d: {  	s3 =	simm.s32 $0x108;
	s8 =	sld [smem:$0x3FB2]  }
0x2e: {  	s3 =	simm.s32 @!p0 $0x1082;
	s9 =	sld [smem:$0x3FB3]  }
0x2f: {  	lr =	sadd.s32 s0, s3;
	s0 =	sld [smem:$0x3FAA]  }
0x30: {  	s3 =	sld [smem:$0x3FAD]  }
0x31: {  	[smem:$0x3FB6] =	sst s10  }
0x32: {  	s10 =	sld [smem:$0x3FB4];
	_ =	sdelay $0x3  }
0x33: {  	p0 =	seq.s32 s10, $0x1;
	s10 =	sld [smem:$0x3FB6];
	_ =	sdelay $0x3  }
0x34: {  	[smem:$0x3FB6] =	sst s10  }
0x35: {  	s10 =	sld [smem:$0x3FB5];
	_ =	sdelay $0x3  }
0x36: {  	p1 =	seq.s32 s10, $0x1;
	s10 =	sld [smem:$0x3FB6];
	_ =	sdelay $0x3  }
0x37: {  	[smem:$0x3FB6] =	sst s10  }
0x38: {  	s10 =	sld [smem:$0x3FB7]  }
0x39: {  	_ = 	snop;
	(pc) =	sbr.ind lr, $3  }
0x3a: {  	_ = 	snop  }
0x3b: {  	_ = 	snop  }
0x3c: {  	p2 =	seq.s32 s10, $0x1;
	s10 =	sld [smem:$0x3FB6]  }
0x3d: {  	_ =	shalt  }
0x3e: {  	_ =	shalt  }
0x3f: {  	_ =	shalt  }
0x40: {  	_ =	shalt  }
0x41: {  	_ =	shalt  }
0x42: {  	_ =	shalt  }
0x43: {  	_ =	shalt  }
0x44: {  	_ =	shalt  }
0x45: {  	_ =	shalt  }
0x46: {  	_ =	shalt  }
0x47: {  	_ =	shalt  }
0x48: {  	_ =	shalt  }
0x49: {  	_ =	shalt  }
0x4a: {  	_ =	shalt  }
0x4b: {  	_ =	shalt  }
0x4c: {  	_ =	shalt  }
0x4d: {  	_ =	shalt  }
0x4e: {  	_ =	shalt  }
0x4f: {  	_ =	shalt  }
0x50: {  	_ =	shalt  }
0x51: {  	_ =	shalt  }
0x52: {  	_ =	shalt  }
0x53: {  	_ =	shalt  }
0x54: {  	_ =	shalt  }
0x55: {  	_ =	shalt  }
0x56: {  	_ =	shalt  }
0x57: {  	_ =	shalt  }
0x58: {  	_ =	shalt  }
0x59: {  	_ =	shalt  }
0x5a: {  	_ =	shalt  }
0x5b: {  	_ =	shalt  }
0x5c: {  	_ =	shalt  }
0x5d: {  	_ =	shalt  }
0x5e: {  	_ =	shalt  }
0x5f: {  	_ =	shalt  }
0x60: {  	_ =	shalt  }
0x61: {  	_ =	shalt  }
0x62: {  	_ =	shalt  }
0x63: {  	_ =	shalt  }
0x64: {  	_ =	shalt  }
0x65: {  	_ =	shalt  }
0x66: {  	_ =	shalt  }
0x67: {  	_ =	shalt  }
0x68: {  	_ =	shalt  }
0x69: {  	_ =	shalt  }
0x6a: {  	_ =	shalt  }
0x6b: {  	_ =	shalt  }
0x6c: {  	_ =	shalt  }
0x6d: {  	_ =	shalt  }
0x6e: {  	_ =	shalt  }
0x6f: {  	_ =	shalt  }
0x70: {  	_ =	shalt  }
0x71: {  	_ =	shalt  }
0x72: {  	_ =	shalt  }
0x73: {  	_ =	shalt  }
0x74: {  	_ =	shalt  }
0x75: {  	_ =	shalt  }
0x76: {  	_ =	shalt  }
0x77: {  	_ =	shalt  }
0x78: {  	_ =	shalt  }
0x79: {  	_ =	shalt  }
0x7a: {  	_ =	shalt  }
0x7b: {  	_ =	shalt  }
0x7c: {  	_ =	shalt  }
0x7d: {  	_ =	shalt  }
0x7e: {  	_ =	shalt  }
0x7f: {  	_ =	shalt  }
0x80: {  	_ =	shalt  }
0x81: {  	_ =	shalt  }
0x82: {  	_ =	shalt  }
0x83: {  	_ =	shalt  }
0x84: {  	_ =	shalt  }
0x85: {  	_ =	shalt  }
0x86: {  	_ =	shalt  }
0x87: {  	_ =	shalt  }
.Lfunc_end0:
.L_simem_size_0:
called_computation.2_lowered:
.L_overlay_start_0:
0x88: {  	s2 =	sld [smem:$0x3FD9]  }
0x89: {  	s3 =	sld [smem:$0x3FFE];
	_ =	sdelay $0x1  }
0x8a: {  	s1 =	srdreg.scid  }
0x8b: {  	s0 =	sand.u32 $0x1, s1  }
0x8c: {  	s17 =	sshll.u32 s0, $0xA;
	s2 =	sadd.s32 s3, s2  }
0x8d: {  	s2 =	sadd.s32 s2, s17  }
0x8e: {  	[smem:$0x3FC2] =	sst s2  }
0x8f: {  	_ = 	snop  }
0x90: {  	s2 =	sld [smem:$0x3FD0];
	(tm) =	ssettm $0x1  }
0x91: {  	s18 =	sld [smem:$0x3FFB];
	_ =	sdelay $0x3  }
0x92: {  	_ =	strace s18  }
0x93: {  	s3 =	sld [smem:$0x3FFC];
	_ =	sdelay $0x3  }
0x94: {  	_ =	strace s3  }
0x95: {  	s3 =	sld [smem:$0x3FFD];
	_ =	sdelay $0x3  }
0x96: {  	_ =	strace s3  }
0x97: {  	_ =	strace $0x8FFFFFFF  }
0x98: {  	s19 =	sld [smem:$0x3FDB];
	_ =	sdelay $0x1  }
0x99: {  	s4 =	simm.s32 $_scs_section_size  }
0x9a: {  	s5 =	simm.s32 $_size__tile_overlayer_lowered;
	s6 =	simm.s32 $_tile_overlayer_lowered  }
0x9b: {  	s22 =	simm.s32 $0x1BFF;
	s21 =	sshll.u32 s6, $0x1;
	s3 =	sadd.s32 s4, s19  }
0x9c: {  	s7 =	simm.s32 $0x0;
	s20 =	sshll.u32 s5, $0x1;
	s5 =	sadd.s32 s21, s3  }
0x9d: {  	[timem:s7], [sflag:s22] =	dma.local [hbm:s5], s20  }
0x9e: {  	_ =	swait.ge [sflag:s22], s20  }
0x9f: {  	s4 =	ssub.s32 $0x0, s20;
	[sflag:s22] =	ssyncset.done $0x0  }
0xa0: {  	[sflag:s22] =	ssyncadd.s32 s4;
	_ =	sdelay $0x1  }
0xa1: {  	s23 =	simm.s32 $0x1B8B  }
0xa2: {  	_ =	swait.ge [sflag:s23], $0x1  }
0xa3: {  	[sflag:s23] =	ssyncset.done $0x0  }
0xa4: {  	s25 =	simm.s32 $0x1B8E;
	s24 =	sld [smem:$0x3FFE];
	[sflag:s23] =	ssyncadd.s32 $0xFFFFFFFF  }
0xa5: {  	s26 =	simm.s32 $execute0_lowered;
	[smem:$0x3FD2] =	sst s25  }
0xa6: {  	s5 =	sshll.u32 s26, $0x1;
	_ =	strace $0x8000004C;
	[dreg:$0x1] =	wrdreg $0xFFFFFFFF  }
0xa7: {  	s28 =	simm.s32 $_size_execute0_lowered;
	s3 =	sadd.s32 s3, s5;
	[dreg:$0x0] =	wrdreg $0x0  }
0xa8: {  	s5 =	sshll.u32 s28, $0x1;
	[dreg:$0x2] =	wrdreg s3  }
0xa9: {  	[dreg:$0x3] =	wrdreg s5  }
0xaa: {  	[dreg:$0x4] =	wrdreg $0xC0  }
0xab: {  	_ =	task [dreg:s7], $0x5FFFF  }
0xac: {  	[dreg:$0x1] =	wrdreg $0xFFFFFFFF  }
0xad: {  	[dreg:$0x0] =	wrdreg $0x60  }
0xae: {  	[dreg:$0x2] =	wrdreg s24  }
0xaf: {  	[dreg:$0x3] =	wrdreg s2  }
0xb0: {  	[dreg:$0x4] =	wrdreg $0x90000  }
0xb1: {  	[dreg:$0x5] =	wrdreg $0x9  }
0xb2: {  	_ =	task.clear_ibuf [dreg:s7], $0x6FFFF;
	_ =	strace $0x9000004C  }
0xb3: {  	s29 =	simm.s32 $0x9;
	_ =	strace $0x8000004E  }
0xb4: {  	_ =	swait.ge [sflag:s29], $0x1  }
0xb5: {  	[sflag:s29] =	ssyncadd.s32 $0xFFFFFFFF  }
0xb6: {  	_ =	strace $0x9000004E  }
0xb7: {  	_ =	sfence  }
0xb8: {  	s30 =	sld [smem:$0x0];
	_ =	sdelay $0x2  }
0xb9: {  	s31 =	sshll.u32 s1, $0xD;
	s1 =	sshrl.u32 s1, $0x2  }
0xba: {  	s3 =	sand.u32 $0x4000, s31;
	s1 =	sadd.s32 s1, s30  }
0xbb: {  	s0 =	sor.u32 s3, s0;
	s1 =	sshll.u32 s1, $0x11  }
0xbc: {  	s0 =	sor.u32 s1, s0  }
0xbd: {  	s0 =	sadd.s32 $0x8F2B, s0  }
0xbe: {  	[sflag:s0] =	ssyncadd.remote.s32 $0x1  }
0xbf: {  	_ =	sfence.sel $0xFFFF  }
0xc0: {  	[dreg:$0x0] =	wrdreg $0xFFFFFFFF;
	(pc) =	sbr.abs _section_cstart, $3  }
0xc1: {  	[dreg:$0x1] =	wrdreg $0xFFFFFFFF  }
0xc2: {  	_ =	task.clear_ibuf [dreg:s7], $0x2FFFF;
	_ =	strace $0x9FFFFFFF  }
0xc3: {  	(tm) =	ssettm $0x7FFFFFFF  }
tec
execute0_lowered:
.L_overlay_start_1:
0x0: {  	(tag) =	ssettag $0x1  }
0x1: {  	s0 =	rddreg [dreg:$0x0];
	s1 =	srdreg.scid  }
0x2: {  	s5 =	rddreg [dreg:$0x1];
	s9 =	stileid.u32  }
0x3: {  	s2 =	rddreg [dreg:$0x2];
	s3 =	simm.s32 $0x0;
	s23 =	simm.s32 $0x80  }
0x4: {  	s25 =	simm.s32 $0x100;
	s12 =	simm.s32 $0x880;
	s14 =	simm.s32 $0x280  }
0x5: {  	s28 =	simm.s32 $0x4;
	s29 =	simm.s32 $0x580;
	s6 =	smul.u32 $0x2800, s9  }
0x6: {  	s1 =	sand.u32 $0x1, s1;
	[smem:$0x7FF] =	sst s3;
	s16 =	smul.u32 $0x14000, s9  }
0x7: {  	s9 =	smul.u32 $0x50000, s9;
	_ =	strace $0x8000004D;
	[dreg:$0x6] =	wrdreg s23  }
0x8: {  	s30 =	simm.s32 $0xC00;
	s4 =	smul.u32 $0x28000, s1;
	[dreg:$0x7] =	wrdreg s25  }
0x9: {  	s31 =	simm.s32 $0x600;
	s7 =	smul.u32 $0x140000, s1;
	[dreg:$0xa] =	wrdreg s12  }
0xa: {  	s1 =	ssub.s32 $0x2, s1;
	[dreg:$0xb] =	wrdreg s14;
	s23 =	simm.s32 $0x480  }
0xb: {  	s25 =	simm.s32 $0x500;
	s12 =	simm.s32 $0xF00;
	[dreg:$0x13] =	wrdreg s23  }
0xc: {  	s14 =	simm.s32 $0x0;
	s17 =	sshrl.u32 s9, $0x2;
	[dreg:$0x15] =	wrdreg s25  }
0xd: {  	s4 =	sadd.s32 s6, s4;
	s6 =	sadd.s32 s16, s7;
	s7 =	sadd.s32 s17, s2  }
0xe: {  	s18 =	sshrl.u32 s1, $0x1;
	s16 =	simm.s32 $0x900;
	[dreg:$0x17] =	wrdreg s7  }
0xf: {  	s23 =	simm.s32 $0x7000;
	s17 =	simm.s32 $0x300;
	[dreg:$0xc] =	wrdreg s16  }
0x10: {  	s1 =	ssub.s32 s1, s18;
	s18 =	simm.s32 $0x980;
	[dreg:$0xd] =	wrdreg s17  }
0x11: {  	s25 =	simm.s32 $0x2;
	s19 =	sadd.s32 $0x2000, s7;
	[dreg:$0xe] =	wrdreg s18  }
0x12: {  	s8 =	sshrl.u32 s4, $0x3;
	s20 =	sadd.s32 $0x4000, s7;
	[dreg:$0x18] =	wrdreg s19  }
0x13: {  	s4 =	sadd.s32 $0xD000, s0;
	s22 =	sadd.s32 $0x6000, s7;
	[dreg:$0x19] =	wrdreg s20  }
0x14: {  	s6 =	sshrl.u32 s6, $0x3;
	s24 =	sadd.s32 $0x8000, s7;
	[dreg:$0x1a] =	wrdreg s22  }
0x15: {  	s26 =	sadd.s32 $0xA000, s7;
	s9 =	sadd.s32 $0xC000, s7;
	[dreg:$0x1b] =	wrdreg s24  }
0x16: {  	s11 =	sadd.s32 $0xE000, s7;
	s13 =	sadd.s32 $0x10000, s7;
	[dreg:$0x1c] =	wrdreg s26  }
0x17: {  	s15 =	sadd.s32 $0x12000, s7;
	s1 =	smax.u32 s1, $0x1;
	[dreg:$0x1d] =	wrdreg s9  }
0x18: {  	s17 =	simm.s32 $0x1000;
	s18 =	simm.s32 $0x5;
	[dreg:$0x1e] =	wrdreg s11  }
0x19: {  	s7 =	simm.s32 $0x700;
	s10 =	sadd.s32 s8, s0;
	[dreg:$0x1f] =	wrdreg s13  }
0x1a: {  	s0 =	sadd.s32 s6, s0;
	s5 =	sadd.s32 s8, s5;
	[smem:$0x7FB] =	sst s15  }
0x1b: {  	s8 =	simm.s32 $0x180;
	[smem:$0x7FD] =	sst s1;
	s19 =	simm.s32 $0x380  }
0x1c: {  	s20 =	simm.s32 $0xA00;
	s22 =	simm.s32 $0xA80;
	[dreg:$0x4] =	wrdreg s5  }
0x1d: {  	s24 =	simm.s32 $0xB00;
	s26 =	simm.s32 $0xB80;
	[dreg:$0x8] =	wrdreg s8  }
0x1e: {  	s1 =	simm.s32 $0xC80;
	s6 =	simm.s32 $0xD00;
	[dreg:$0xf] =	wrdreg s19  }
0x1f: {  	s9 =	simm.s32 $0x780;
	s11 =	simm.s32 $0xE80;
	[dreg:$0x10] =	wrdreg s20  }
0x20: {  	s13 =	simm.s32 $0xF80;
	s21 =	sadd.s32 $0x3000, s10;
	[dreg:$0x12] =	wrdreg s22  }
0x21: {  	s10 =	simm.s32 $0x200;
	s0 =	sadd.s32 $0x35000, s0;
	[dreg:$0x14] =	wrdreg s24  }
0x22: {  	s19 =	simm.s32 $0x800;
	s20 =	simm.s32 $0x40;
	[dreg:$0x16] =	wrdreg s26  }
0x23: {  	s22 =	simm.s32 $0x5000;
	s24 =	simm.s32 $0x1;
	[dreg:$0x5] =	wrdreg s21  }
0x24: {  	s26 =	simm.s32 $0x3;
	s8 =	simm.s32 $0xD80;
	[dreg:$0x9] =	wrdreg s10  }
0x25: {  	[smem:$0x7FC] =	sst s0;
	s21 =	simm.s32 $0x400;
	s0 =	simm.s32 $0x680  }
0x26: {  	v0 =	vimm.f32 $0.0e+00;
	s10 =	simm.s32 $0xE00;
	[dreg:$0x11] =	wrdreg s21;
	s21 =	simm.s32 $0x3000  }
.LBB2_1:
0x27: {  	s15 =	simm.s32 $0x0;
	s16 =	simm.s32 $0x200  }
.LBB2_2:
0x28: {  	p0 =	sne.s32 s16, $0x7E00;
	[tilespmem:s15+$0x1070] =	vst v0  }
0x29: {  	[tilespmem:s15+$0x1000] =	vst v0  }
0x2a: {  	[tilespmem:s15+$0x1010] =	vst v0  }
.Ltmp0:
0x2b: {  	[tilespmem:s15+$0x1020] =	vst v0;
	(pc) =	sbr.rel @p0 .LBB2_2-.Ltmp0, $4  }
0x2c: {  	[tilespmem:s15+$0x1030] =	vst v0  }
0x2d: {  	[tilespmem:s15+$0x1040] =	vst v0  }
0x2e: {  	[tilespmem:s15+$0x1050] =	vst v0  }
0x2f: {  	[tilespmem:s15+$0x1060] =	vst v0;
	s15 =	sshra.s32 s16, $0x2;
	s16 =	sadd.s32 $0x200, s16  }
0x30: {  	[tilespmem:s15+$0x1070] =	vst v0  }
0x31: {  	[tilespmem:s15+$0x1000] =	vst v0  }
0x32: {  	[tilespmem:s15+$0x1010] =	vst v0  }
0x33: {  	[tilespmem:s15+$0x1020] =	vst v0  }
0x34: {  	[tilespmem:s15+$0x1030] =	vst v0  }
0x35: {  	[tilespmem:s15+$0x1040] =	vst v0  }
0x36: {  	[smem:$0x7FA] =	sst s14;
	[tilespmem:s15+$0x1050] =	vst v0  }
0x37: {  	[tilespmem:s15+$0x1060] =	vst v0;
	s5 =	rddreg [dreg:$0x17]  }
0x38: {  	[spmem:s5] =	stream.linear.scatter [tilespmem:s17], [sflag:$0x5], $0x2000, $0x38;
	[tilespmem:$0x1D000] =	vst v63  }
0x39: {  	_ =	swait.ge [sflag:s18], $0x2000  }
0x3a: {  	[sflag:s18] =	ssyncset.done $0x0  }
0x3b: {  	s16 =	rddreg [dreg:$0x18];
	[sflag:s18] =	ssyncadd.s32 $0xFFFFE000  }
0x3c: {  	[spmem:s16] =	stream.linear.scatter [tilespmem:s17], [sflag:$0x5], $0x2000, $0x38;
	[tilespmem:$0x1D000] =	vst v63  }
0x3d: {  	_ =	swait.ge [sflag:s18], $0x2000  }
0x3e: {  	[sflag:s18] =	ssyncset.done $0x0  }
0x3f: {  	s14 =	rddreg [dreg:$0x19];
	[sflag:s18] =	ssyncadd.s32 $0xFFFFE000  }
0x40: {  	[spmem:s14] =	stream.linear.scatter [tilespmem:s17], [sflag:$0x5], $0x2000, $0x38;
	[tilespmem:$0x1D000] =	vst v63  }
0x41: {  	_ =	swait.ge [sflag:s18], $0x2000  }
0x42: {  	[sflag:s18] =	ssyncset.done $0x0  }
0x43: {  	s15 =	rddreg [dreg:$0x1a];
	[sflag:s18] =	ssyncadd.s32 $0xFFFFE000  }
0x44: {  	[spmem:s15] =	stream.linear.scatter [tilespmem:s17], [sflag:$0x5], $0x2000, $0x38;
	[tilespmem:$0x1D000] =	vst v63  }
0x45: {  	_ =	swait.ge [sflag:s18], $0x2000  }
0x46: {  	[sflag:s18] =	ssyncset.done $0x0  }
0x47: {  	s16 =	rddreg [dreg:$0x1b];
	[sflag:s18] =	ssyncadd.s32 $0xFFFFE000  }
0x48: {  	[spmem:s16] =	stream.linear.scatter [tilespmem:s17], [sflag:$0x5], $0x2000, $0x38;
	[tilespmem:$0x1D000] =	vst v63  }
0x49: {  	_ =	swait.ge [sflag:s18], $0x2000  }
0x4a: {  	[sflag:s18] =	ssyncset.done $0x0  }
0x4b: {  	s14 =	rddreg [dreg:$0x1c];
	[sflag:s18] =	ssyncadd.s32 $0xFFFFE000  }
0x4c: {  	[spmem:s14] =	stream.linear.scatter [tilespmem:s17], [sflag:$0x5], $0x2000, $0x38;
	[tilespmem:$0x1D000] =	vst v63  }
0x4d: {  	_ =	swait.ge [sflag:s18], $0x2000  }
0x4e: {  	[sflag:s18] =	ssyncset.done $0x0  }
0x4f: {  	s15 =	rddreg [dreg:$0x1d];
	[sflag:s18] =	ssyncadd.s32 $0xFFFFE000  }
0x50: {  	[spmem:s15] =	stream.linear.scatter [tilespmem:s17], [sflag:$0x5], $0x2000, $0x38;
	[tilespmem:$0x1D000] =	vst v63  }
0x51: {  	_ =	swait.ge [sflag:s18], $0x2000  }
0x52: {  	[sflag:s18] =	ssyncset.done $0x0  }
0x53: {  	s16 =	rddreg [dreg:$0x1e];
	[sflag:s18] =	ssyncadd.s32 $0xFFFFE000  }
0x54: {  	[spmem:s16] =	stream.linear.scatter [tilespmem:s17], [sflag:$0x5], $0x2000, $0x38;
	[tilespmem:$0x1D000] =	vst v63  }
0x55: {  	_ =	swait.ge [sflag:s18], $0x2000  }
0x56: {  	[sflag:s18] =	ssyncset.done $0x0  }
0x57: {  	s14 =	rddreg [dreg:$0x1f];
	[sflag:s18] =	ssyncadd.s32 $0xFFFFE000  }
0x58: {  	[spmem:s14] =	stream.linear.scatter [tilespmem:s17], [sflag:$0x5], $0x2000, $0x38;
	[tilespmem:$0x1D000] =	vst v63  }
0x59: {  	_ =	swait.ge [sflag:s18], $0x2000  }
0x5a: {  	s15 =	sld [smem:$0x7FB]  }
0x5b: {  	[sflag:s18] =	ssyncset.done $0x0  }
0x5c: {  	[sflag:s18] =	ssyncadd.s32 $0xFFFFE000  }
0x5d: {  	[spmem:s15] =	stream.linear.scatter [tilespmem:s17], [sflag:$0x5], $0x2000, $0x38;
	[tilespmem:$0x1D000] =	vst v63  }
0x5e: {  	_ =	swait.ge [sflag:s18], $0x2000  }
0x5f: {  	[sflag:s18] =	ssyncset.done $0x0  }
0x60: {  	[sflag:s18] =	ssyncadd.s32 $0xFFFFE000  }
0x61: {  	[bflag:$0x0] =	sbarrier.arrive $0xFFFF  }
0x62: {  	s16 =	rddreg [dreg:$0x5]  }
0x63: {  	s5 =	sadd.s32 $0x0, s16  }
0x64: {  	[tilespmem:s3], [sflag:$0x5] =	stream.linear.gather [hbm4b:s5+s3], $0x800, $0x38;
	[tilespmem:$0x1D000] =	vst v63  }
0x65: {  	_ =	swait.ge [sflag:s18], $0x800  }
0x66: {  	s14 =	rddreg [dreg:$0x4];
	[sflag:s18] =	ssyncset.done $0x0  }
0x67: {  	[sflag:s18] =	ssyncadd.s32 $0xFFFFF800;
	s5 =	sadd.s32 $0x0, s14  }
0x68: {  	[tilespmem:s19], [sflag:$0x5] =	stream.linear.gather [hbm4b:s5+s3], $0x800, $0x38;
	[tilespmem:$0x1D000] =	vst v63  }
0x69: {  	_ =	swait.ge [sflag:s18], $0x800  }
0x6a: {  	[sflag:s18] =	ssyncset.done $0x0  }
0x6b: {  	[sflag:s18] =	ssyncadd.s32 $0xFFFFF800  }
0x6c: {  	[tilespmem:s17], [sflag:$0x1] =	stream.indirect.gather [hbm4b:s4+s20], $0x80, s3, s20, $0xb8;
	[tilespmem:$0x1D000] =	vst v63  }
0x6d: {  	s15 =	rddreg [dreg:$0x6]  }
0x6e: {  	[tilespmem:s21], [sflag:$0x2] =	stream.indirect.gather [hbm4b:s4+s20], $0x80, s15, s20, $0xb8;
	[tilespmem:$0x1D000] =	vst v63  }
0x6f: {  	s16 =	rddreg [dreg:$0x7]  }
0x70: {  	[tilespmem:s22], [sflag:$0x3] =	stream.indirect.gather [hbm4b:s4+s20], $0x80, s16, s20, $0xb8;
	[tilespmem:$0x1D000] =	vst v63  }
0x71: {  	s14 =	rddreg [dreg:$0x8]  }
0x72: {  	[tilespmem:s23], [sflag:$0x4] =	stream.indirect.gather [hbm4b:s4+s20], $0x80, s14, s20, $0xb8;
	[tilespmem:$0x1D000] =	vst v63  }
0x73: {  	_ =	swait.ge [sflag:s24], $0x2000  }
0x74: {  	[sflag:s24] =	ssyncset.done $0x0  }
0x75: {  	[sflag:s24] =	ssyncadd.s32 $0xFFFFE000  }
0x76: {  	[spmem:s2] =	stream.indirect.scatter.add.f32 [tilespmem:s17], [sflag:$0x5], $0x80, s19, s20, $0xb8;
	[tilespmem:$0x1D000] =	vst v63  }
0x77: {  	_ =	swait.ge [sflag:s18], $0x2000  }
0x78: {  	[sflag:s18] =	ssyncset.done $0x0  }
0x79: {  	s15 =	rddreg [dreg:$0x9];
	[sflag:s18] =	ssyncadd.s32 $0xFFFFE000  }
0x7a: {  	[tilespmem:s17], [sflag:$0x1] =	stream.indirect.gather [hbm4b:s4+s20], $0x80, s15, s20, $0xb8;
	[tilespmem:$0x1D000] =	vst v63  }
0x7b: {  	_ =	swait.ge [sflag:s25], $0x2000  }
0x7c: {  	[sflag:s25] =	ssyncset.done $0x0  }
0x7d: {  	s16 =	rddreg [dreg:$0xa];
	[sflag:s25] =	ssyncadd.s32 $0xFFFFE000  }
0x7e: {  	[spmem:s2] =	stream.indirect.scatter.add.f32 [tilespmem:s21], [sflag:$0x5], $0x80, s16, s20, $0xb8;
	[tilespmem:$0x1D000] =	vst v63  }
0x7f: {  	_ =	swait.ge [sflag:s18], $0x2000  }
0x80: {  	[sflag:s18] =	ssyncset.done $0x0  }
0x81: {  	s14 =	rddreg [dreg:$0xb];
	[sflag:s18] =	ssyncadd.s32 $0xFFFFE000  }
0x82: {  	[tilespmem:s21], [sflag:$0x2] =	stream.indirect.gather [hbm4b:s4+s20], $0x80, s14, s20, $0xb8;
	[tilespmem:$0x1D000] =	vst v63  }
0x83: {  	_ =	swait.ge [sflag:s26], $0x2000  }
0x84: {  	[sflag:s26] =	ssyncset.done $0x0  }
0x85: {  	s15 =	rddreg [dreg:$0xc];
	[sflag:s26] =	ssyncadd.s32 $0xFFFFE000  }
0x86: {  	[spmem:s2] =	stream.indirect.scatter.add.f32 [tilespmem:s22], [sflag:$0x5], $0x80, s15, s20, $0xb8;
	[tilespmem:$0x1D000] =	vst v63  }
0x87: {  	_ =	swait.ge [sflag:s18], $0x2000  }
0x88: {  	[sflag:s18] =	ssyncset.done $0x0  }
0x89: {  	s16 =	rddreg [dreg:$0xd];
	[sflag:s18] =	ssyncadd.s32 $0xFFFFE000  }
0x8a: {  	[tilespmem:s22], [sflag:$0x3] =	stream.indirect.gather [hbm4b:s4+s20], $0x80, s16, s20, $0xb8;
	[tilespmem:$0x1D000] =	vst v63  }
0x8b: {  	_ =	swait.ge [sflag:s28], $0x2000  }
0x8c: {  	[sflag:s28] =	ssyncset.done $0x0  }
0x8d: {  	s14 =	rddreg [dreg:$0xe];
	[sflag:s28] =	ssyncadd.s32 $0xFFFFE000  }
0x8e: {  	[spmem:s2] =	stream.indirect.scatter.add.f32 [tilespmem:s23], [sflag:$0x5], $0x80, s14, s20, $0xb8;
	[tilespmem:$0x1D000] =	vst v63  }
0x8f: {  	_ =	swait.ge [sflag:s18], $0x2000  }
0x90: {  	[sflag:s18] =	ssyncset.done $0x0  }
0x91: {  	s15 =	rddreg [dreg:$0xf];
	[sflag:s18] =	ssyncadd.s32 $0xFFFFE000  }
0x92: {  	[tilespmem:s23], [sflag:$0x4] =	stream.indirect.gather [hbm4b:s4+s20], $0x80, s15, s20, $0xb8;
	[tilespmem:$0x1D000] =	vst v63  }
0x93: {  	_ =	swait.ge [sflag:s24], $0x2000  }
0x94: {  	[sflag:s24] =	ssyncset.done $0x0  }
0x95: {  	s16 =	rddreg [dreg:$0x10];
	[sflag:s24] =	ssyncadd.s32 $0xFFFFE000  }
0x96: {  	[spmem:s2] =	stream.indirect.scatter.add.f32 [tilespmem:s17], [sflag:$0x5], $0x80, s16, s20, $0xb8;
	[tilespmem:$0x1D000] =	vst v63  }
0x97: {  	_ =	swait.ge [sflag:s18], $0x2000  }
0x98: {  	[sflag:s18] =	ssyncset.done $0x0  }
0x99: {  	s14 =	rddreg [dreg:$0x11];
	[sflag:s18] =	ssyncadd.s32 $0xFFFFE000  }
0x9a: {  	[tilespmem:s17], [sflag:$0x1] =	stream.indirect.gather [hbm4b:s4+s20], $0x80, s14, s20, $0xb8;
	[tilespmem:$0x1D000] =	vst v63  }
0x9b: {  	_ =	swait.ge [sflag:s25], $0x2000  }
0x9c: {  	[sflag:s25] =	ssyncset.done $0x0  }
0x9d: {  	s15 =	rddreg [dreg:$0x12];
	[sflag:s25] =	ssyncadd.s32 $0xFFFFE000  }
0x9e: {  	[spmem:s2] =	stream.indirect.scatter.add.f32 [tilespmem:s21], [sflag:$0x5], $0x80, s15, s20, $0xb8;
	[tilespmem:$0x1D000] =	vst v63  }
0x9f: {  	_ =	swait.ge [sflag:s18], $0x2000  }
0xa0: {  	[sflag:s18] =	ssyncset.done $0x0  }
0xa1: {  	s16 =	rddreg [dreg:$0x13];
	[sflag:s18] =	ssyncadd.s32 $0xFFFFE000  }
0xa2: {  	[tilespmem:s21], [sflag:$0x2] =	stream.indirect.gather [hbm4b:s4+s20], $0x80, s16, s20, $0xb8;
	[tilespmem:$0x1D000] =	vst v63  }
0xa3: {  	_ =	swait.ge [sflag:s26], $0x2000  }
0xa4: {  	[sflag:s26] =	ssyncset.done $0x0  }
0xa5: {  	s14 =	rddreg [dreg:$0x14];
	[sflag:s26] =	ssyncadd.s32 $0xFFFFE000  }
0xa6: {  	[spmem:s2] =	stream.indirect.scatter.add.f32 [tilespmem:s22], [sflag:$0x5], $0x80, s14, s20, $0xb8;
	[tilespmem:$0x1D000] =	vst v63  }
0xa7: {  	_ =	swait.ge [sflag:s18], $0x2000  }
0xa8: {  	[sflag:s18] =	ssyncset.done $0x0  }
0xa9: {  	s15 =	rddreg [dreg:$0x15];
	[sflag:s18] =	ssyncadd.s32 $0xFFFFE000  }
0xaa: {  	[tilespmem:s22], [sflag:$0x3] =	stream.indirect.gather [hbm4b:s4+s20], $0x80, s15, s20, $0xb8;
	[tilespmem:$0x1D000] =	vst v63  }
0xab: {  	_ =	swait.ge [sflag:s28], $0x2000  }
0xac: {  	[sflag:s28] =	ssyncset.done $0x0  }
0xad: {  	s16 =	rddreg [dreg:$0x16];
	[sflag:s28] =	ssyncadd.s32 $0xFFFFE000  }
0xae: {  	[spmem:s2] =	stream.indirect.scatter.add.f32 [tilespmem:s23], [sflag:$0x5], $0x80, s16, s20, $0xb8;
	[tilespmem:$0x1D000] =	vst v63  }
0xaf: {  	_ =	swait.ge [sflag:s18], $0x2000  }
0xb0: {  	[sflag:s18] =	ssyncset.done $0x0  }
0xb1: {  	[sflag:s18] =	ssyncadd.s32 $0xFFFFE000  }
0xb2: {  	[tilespmem:s23], [sflag:$0x4] =	stream.indirect.gather [hbm4b:s4+s20], $0x80, s29, s20, $0xb8;
	[tilespmem:$0x1D000] =	vst v63  }
0xb3: {  	_ =	swait.ge [sflag:s24], $0x2000  }
0xb4: {  	[sflag:s24] =	ssyncset.done $0x0  }
0xb5: {  	[sflag:s24] =	ssyncadd.s32 $0xFFFFE000  }
0xb6: {  	[spmem:s2] =	stream.indirect.scatter.add.f32 [tilespmem:s17], [sflag:$0x5], $0x80, s30, s20, $0xb8;
	[tilespmem:$0x1D000] =	vst v63  }
0xb7: {  	_ =	swait.ge [sflag:s18], $0x2000  }
0xb8: {  	[sflag:s18] =	ssyncset.done $0x0  }
0xb9: {  	[sflag:s18] =	ssyncadd.s32 $0xFFFFE000  }
0xba: {  	[tilespmem:s17], [sflag:$0x1] =	stream.indirect.gather [hbm4b:s4+s20], $0x80, s31, s20, $0xb8;
	[tilespmem:$0x1D000] =	vst v63  }
0xbb: {  	_ =	swait.ge [sflag:s25], $0x2000  }
0xbc: {  	[sflag:s25] =	ssyncset.done $0x0  }
0xbd: {  	[sflag:s25] =	ssyncadd.s32 $0xFFFFE000  }
0xbe: {  	[spmem:s2] =	stream.indirect.scatter.add.f32 [tilespmem:s21], [sflag:$0x5], $0x80, s1, s20, $0xb8;
	[tilespmem:$0x1D000] =	vst v63  }
0xbf: {  	_ =	swait.ge [sflag:s18], $0x2000  }
0xc0: {  	[sflag:s18] =	ssyncset.done $0x0  }
0xc1: {  	[sflag:s18] =	ssyncadd.s32 $0xFFFFE000  }
0xc2: {  	[tilespmem:s21], [sflag:$0x2] =	stream.indirect.gather [hbm4b:s4+s20], $0x80, s0, s20, $0xb8;
	[tilespmem:$0x1D000] =	vst v63  }
0xc3: {  	_ =	swait.ge [sflag:s26], $0x2000  }
0xc4: {  	[sflag:s26] =	ssyncset.done $0x0  }
0xc5: {  	[sflag:s26] =	ssyncadd.s32 $0xFFFFE000  }
0xc6: {  	[spmem:s2] =	stream.indirect.scatter.add.f32 [tilespmem:s22], [sflag:$0x5], $0x80, s6, s20, $0xb8;
	[tilespmem:$0x1D000] =	vst v63  }
0xc7: {  	_ =	swait.ge [sflag:s18], $0x2000  }
0xc8: {  	[sflag:s18] =	ssyncset.done $0x0  }
0xc9: {  	[sflag:s18] =	ssyncadd.s32 $0xFFFFE000  }
0xca: {  	[tilespmem:s22], [sflag:$0x3] =	stream.indirect.gather [hbm4b:s4+s20], $0x80, s7, s20, $0xb8;
	[tilespmem:$0x1D000] =	vst v63  }
0xcb: {  	_ =	swait.ge [sflag:s28], $0x2000  }
0xcc: {  	[sflag:s28] =	ssyncset.done $0x0  }
0xcd: {  	[sflag:s28] =	ssyncadd.s32 $0xFFFFE000  }
0xce: {  	[spmem:s2] =	stream.indirect.scatter.add.f32 [tilespmem:s23], [sflag:$0x5], $0x80, s8, s20, $0xb8;
	[tilespmem:$0x1D000] =	vst v63  }
0xcf: {  	_ =	swait.ge [sflag:s18], $0x2000  }
0xd0: {  	[sflag:s18] =	ssyncset.done $0x0  }
0xd1: {  	[sflag:s18] =	ssyncadd.s32 $0xFFFFE000  }
0xd2: {  	[tilespmem:s23], [sflag:$0x4] =	stream.indirect.gather [hbm4b:s4+s20], $0x80, s9, s20, $0xb8;
	[tilespmem:$0x1D000] =	vst v63  }
0xd3: {  	_ =	swait.ge [sflag:s24], $0x2000  }
0xd4: {  	[sflag:s24] =	ssyncset.done $0x0  }
0xd5: {  	[sflag:s24] =	ssyncadd.s32 $0xFFFFE000  }
0xd6: {  	[spmem:s2] =	stream.indirect.scatter.add.f32 [tilespmem:s17], [sflag:$0x5], $0x80, s10, s20, $0xb8;
	[tilespmem:$0x1D000] =	vst v63  }
0xd7: {  	_ =	swait.ge [sflag:s18], $0x2000  }
0xd8: {  	[sflag:s18] =	ssyncset.done $0x0  }
0xd9: {  	[sflag:s18] =	ssyncadd.s32 $0xFFFFE000  }
0xda: {  	_ =	swait.ge [sflag:s25], $0x2000  }
0xdb: {  	[sflag:s25] =	ssyncset.done $0x0  }
0xdc: {  	[sflag:s25] =	ssyncadd.s32 $0xFFFFE000  }
0xdd: {  	[spmem:s2] =	stream.indirect.scatter.add.f32 [tilespmem:s21], [sflag:$0x5], $0x80, s11, s20, $0xb8;
	[tilespmem:$0x1D000] =	vst v63  }
0xde: {  	_ =	swait.ge [sflag:s18], $0x2000  }
0xdf: {  	[sflag:s18] =	ssyncset.done $0x0  }
0xe0: {  	[sflag:s18] =	ssyncadd.s32 $0xFFFFE000  }
0xe1: {  	_ =	swait.ge [sflag:s26], $0x2000  }
0xe2: {  	[sflag:s26] =	ssyncset.done $0x0  }
0xe3: {  	[sflag:s26] =	ssyncadd.s32 $0xFFFFE000  }
0xe4: {  	[spmem:s2] =	stream.indirect.scatter.add.f32 [tilespmem:s22], [sflag:$0x5], $0x80, s12, s20, $0xb8;
	[tilespmem:$0x1D000] =	vst v63  }
0xe5: {  	_ =	swait.ge [sflag:s18], $0x2000  }
0xe6: {  	[sflag:s18] =	ssyncset.done $0x0  }
0xe7: {  	[sflag:s18] =	ssyncadd.s32 $0xFFFFE000  }
0xe8: {  	_ =	swait.ge [sflag:s28], $0x2000  }
0xe9: {  	[sflag:s28] =	ssyncset.done $0x0  }
0xea: {  	[sflag:s28] =	ssyncadd.s32 $0xFFFFE000  }
0xeb: {  	[spmem:s2] =	stream.indirect.scatter.add.f32 [tilespmem:s23], [sflag:$0x5], $0x80, s13, s20, $0xb8;
	[tilespmem:$0x1D000] =	vst v63  }
0xec: {  	s15 =	simm.s32 $0x100;
	_ =	swait.ge [sflag:s18], $0x2000  }
0xed: {  	s16 =	simm.s32 $0x200;
	s5 =	rddreg [dreg:$0x5];
	[sflag:s18] =	ssyncset.done $0x0  }
.LBB2_4:
0xee: {  	[sflag:s18] =	ssyncadd.s32 $0xFFFFE000;
	s5 =	sadd.s32 s15, s5  }
0xef: {  	[tilespmem:s3], [sflag:$0x5] =	stream.linear.gather [hbm4b:s5+s3], $0x800, $0x38;
	[tilespmem:$0x1D000] =	vst v63  }
0xf0: {  	_ =	swait.ge [sflag:s18], $0x800  }
0xf1: {  	s5 =	rddreg [dreg:$0x4];
	[sflag:s18] =	ssyncset.done $0x0  }
0xf2: {  	[sflag:s18] =	ssyncadd.s32 $0xFFFFF800;
	s5 =	sadd.s32 s15, s5  }
0xf3: {  	[tilespmem:s19], [sflag:$0x5] =	stream.linear.gather [hbm4b:s5+s3], $0x800, $0x38;
	[tilespmem:$0x1D000] =	vst v63  }
0xf4: {  	_ =	swait.ge [sflag:s18], $0x800  }
0xf5: {  	[sflag:s18] =	ssyncset.done $0x0  }
0xf6: {  	[sflag:s18] =	ssyncadd.s32 $0xFFFFF800  }
0xf7: {  	[tilespmem:s17], [sflag:$0x1] =	stream.indirect.gather [hbm4b:s4+s20], $0x80, s3, s20, $0xb8;
	[tilespmem:$0x1D000] =	vst v63  }
0xf8: {  	s14 =	smov.u32 s16;
	s5 =	rddreg [dreg:$0x6]  }
0xf9: {  	[tilespmem:s21], [sflag:$0x2] =	stream.indirect.gather [hbm4b:s4+s20], $0x80, s5, s20, $0xb8;
	[tilespmem:$0x1D000] =	vst v63  }
0xfa: {  	s15 =	smov.u32 s14;
	s14 =	rddreg [dreg:$0x7]  }
0xfb: {  	[tilespmem:s22], [sflag:$0x3] =	stream.indirect.gather [hbm4b:s4+s20], $0x80, s14, s20, $0xb8;
	[tilespmem:$0x1D000] =	vst v63  }
0xfc: {  	s5 =	rddreg [dreg:$0x8]  }
0xfd: {  	[tilespmem:s23], [sflag:$0x4] =	stream.indirect.gather [hbm4b:s4+s20], $0x80, s5, s20, $0xb8;
	[tilespmem:$0x1D000] =	vst v63  }
0xfe: {  	_ =	swait.ge [sflag:s24], $0x2000  }
0xff: {  	[sflag:s24] =	ssyncset.done $0x0  }
0x100: {  	[sflag:s24] =	ssyncadd.s32 $0xFFFFE000  }
0x101: {  	[spmem:s2] =	stream.indirect.scatter.add.f32 [tilespmem:s17], [sflag:$0x5], $0x80, s19, s20, $0xb8;
	[tilespmem:$0x1D000] =	vst v63  }
0x102: {  	_ =	swait.ge [sflag:s18], $0x2000  }
0x103: {  	[sflag:s18] =	ssyncset.done $0x0  }
0x104: {  	s14 =	rddreg [dreg:$0x9];
	[sflag:s18] =	ssyncadd.s32 $0xFFFFE000  }
0x105: {  	[tilespmem:s17], [sflag:$0x1] =	stream.indirect.gather [hbm4b:s4+s20], $0x80, s14, s20, $0xb8;
	[tilespmem:$0x1D000] =	vst v63  }
0x106: {  	_ =	swait.ge [sflag:s25], $0x2000  }
0x107: {  	[sflag:s25] =	ssyncset.done $0x0  }
0x108: {  	s14 =	rddreg [dreg:$0xa];
	[sflag:s25] =	ssyncadd.s32 $0xFFFFE000  }
0x109: {  	[spmem:s2] =	stream.indirect.scatter.add.f32 [tilespmem:s21], [sflag:$0x5], $0x80, s14, s20, $0xb8;
	[tilespmem:$0x1D000] =	vst v63  }
0x10a: {  	_ =	swait.ge [sflag:s18], $0x2000  }
0x10b: {  	[sflag:s18] =	ssyncset.done $0x0  }
0x10c: {  	s14 =	rddreg [dreg:$0xb];
	[sflag:s18] =	ssyncadd.s32 $0xFFFFE000  }
0x10d: {  	[tilespmem:s21], [sflag:$0x2] =	stream.indirect.gather [hbm4b:s4+s20], $0x80, s14, s20, $0xb8;
	[tilespmem:$0x1D000] =	vst v63  }
0x10e: {  	_ =	swait.ge [sflag:s26], $0x2000  }
0x10f: {  	[sflag:s26] =	ssyncset.done $0x0  }
0x110: {  	s14 =	rddreg [dreg:$0xc];
	[sflag:s26] =	ssyncadd.s32 $0xFFFFE000  }
0x111: {  	[spmem:s2] =	stream.indirect.scatter.add.f32 [tilespmem:s22], [sflag:$0x5], $0x80, s14, s20, $0xb8;
	[tilespmem:$0x1D000] =	vst v63  }
0x112: {  	_ =	swait.ge [sflag:s18], $0x2000  }
0x113: {  	[sflag:s18] =	ssyncset.done $0x0  }
0x114: {  	s14 =	rddreg [dreg:$0xd];
	[sflag:s18] =	ssyncadd.s32 $0xFFFFE000  }
0x115: {  	[tilespmem:s22], [sflag:$0x3] =	stream.indirect.gather [hbm4b:s4+s20], $0x80, s14, s20, $0xb8;
	[tilespmem:$0x1D000] =	vst v63  }
0x116: {  	_ =	swait.ge [sflag:s28], $0x2000  }
0x117: {  	[sflag:s28] =	ssyncset.done $0x0  }
0x118: {  	s14 =	rddreg [dreg:$0xe];
	[sflag:s28] =	ssyncadd.s32 $0xFFFFE000  }
0x119: {  	[spmem:s2] =	stream.indirect.scatter.add.f32 [tilespmem:s23], [sflag:$0x5], $0x80, s14, s20, $0xb8;
	[tilespmem:$0x1D000] =	vst v63  }
0x11a: {  	_ =	swait.ge [sflag:s18], $0x2000  }
0x11b: {  	[sflag:s18] =	ssyncset.done $0x0  }
0x11c: {  	s14 =	rddreg [dreg:$0xf];
	[sflag:s18] =	ssyncadd.s32 $0xFFFFE000  }
0x11d: {  	[tilespmem:s23], [sflag:$0x4] =	stream.indirect.gather [hbm4b:s4+s20], $0x80, s14, s20, $0xb8;
	[tilespmem:$0x1D000] =	vst v63  }
0x11e: {  	_ =	swait.ge [sflag:s24], $0x2000  }
0x11f: {  	[sflag:s24] =	ssyncset.done $0x0  }
0x120: {  	s14 =	rddreg [dreg:$0x10];
	[sflag:s24] =	ssyncadd.s32 $0xFFFFE000  }
0x121: {  	[spmem:s2] =	stream.indirect.scatter.add.f32 [tilespmem:s17], [sflag:$0x5], $0x80, s14, s20, $0xb8;
	[tilespmem:$0x1D000] =	vst v63  }
0x122: {  	_ =	swait.ge [sflag:s18], $0x2000  }
0x123: {  	[sflag:s18] =	ssyncset.done $0x0  }
0x124: {  	s14 =	rddreg [dreg:$0x11];
	[sflag:s18] =	ssyncadd.s32 $0xFFFFE000  }
0x125: {  	[tilespmem:s17], [sflag:$0x1] =	stream.indirect.gather [hbm4b:s4+s20], $0x80, s14, s20, $0xb8;
	[tilespmem:$0x1D000] =	vst v63  }
0x126: {  	_ =	swait.ge [sflag:s25], $0x2000  }
0x127: {  	[sflag:s25] =	ssyncset.done $0x0  }
0x128: {  	s14 =	rddreg [dreg:$0x12];
	[sflag:s25] =	ssyncadd.s32 $0xFFFFE000  }
0x129: {  	[spmem:s2] =	stream.indirect.scatter.add.f32 [tilespmem:s21], [sflag:$0x5], $0x80, s14, s20, $0xb8;
	[tilespmem:$0x1D000] =	vst v63  }
0x12a: {  	_ =	swait.ge [sflag:s18], $0x2000  }
0x12b: {  	[sflag:s18] =	ssyncset.done $0x0  }
0x12c: {  	s14 =	rddreg [dreg:$0x13];
	[sflag:s18] =	ssyncadd.s32 $0xFFFFE000  }
0x12d: {  	[tilespmem:s21], [sflag:$0x2] =	stream.indirect.gather [hbm4b:s4+s20], $0x80, s14, s20, $0xb8;
	[tilespmem:$0x1D000] =	vst v63  }
0x12e: {  	_ =	swait.ge [sflag:s26], $0x2000  }
0x12f: {  	[sflag:s26] =	ssyncset.done $0x0  }
0x130: {  	s14 =	rddreg [dreg:$0x14];
	[sflag:s26] =	ssyncadd.s32 $0xFFFFE000  }
0x131: {  	[spmem:s2] =	stream.indirect.scatter.add.f32 [tilespmem:s22], [sflag:$0x5], $0x80, s14, s20, $0xb8;
	[tilespmem:$0x1D000] =	vst v63  }
0x132: {  	_ =	swait.ge [sflag:s18], $0x2000  }
0x133: {  	[sflag:s18] =	ssyncset.done $0x0  }
0x134: {  	s14 =	rddreg [dreg:$0x15];
	[sflag:s18] =	ssyncadd.s32 $0xFFFFE000  }
0x135: {  	[tilespmem:s22], [sflag:$0x3] =	stream.indirect.gather [hbm4b:s4+s20], $0x80, s14, s20, $0xb8;
	[tilespmem:$0x1D000] =	vst v63  }
0x136: {  	_ =	swait.ge [sflag:s28], $0x2000  }
0x137: {  	[sflag:s28] =	ssyncset.done $0x0  }
0x138: {  	s14 =	rddreg [dreg:$0x16];
	[sflag:s28] =	ssyncadd.s32 $0xFFFFE000  }
0x139: {  	[spmem:s2] =	stream.indirect.scatter.add.f32 [tilespmem:s23], [sflag:$0x5], $0x80, s14, s20, $0xb8;
	[tilespmem:$0x1D000] =	vst v63  }
0x13a: {  	_ =	swait.ge [sflag:s18], $0x2000  }
0x13b: {  	[sflag:s18] =	ssyncset.done $0x0  }
0x13c: {  	[sflag:s18] =	ssyncadd.s32 $0xFFFFE000  }
0x13d: {  	[tilespmem:s23], [sflag:$0x4] =	stream.indirect.gather [hbm4b:s4+s20], $0x80, s29, s20, $0xb8;
	[tilespmem:$0x1D000] =	vst v63  }
0x13e: {  	_ =	swait.ge [sflag:s24], $0x2000  }
0x13f: {  	[sflag:s24] =	ssyncset.done $0x0  }
0x140: {  	[sflag:s24] =	ssyncadd.s32 $0xFFFFE000  }
0x141: {  	[spmem:s2] =	stream.indirect.scatter.add.f32 [tilespmem:s17], [sflag:$0x5], $0x80, s30, s20, $0xb8;
	[tilespmem:$0x1D000] =	vst v63  }
0x142: {  	_ =	swait.ge [sflag:s18], $0x2000  }
0x143: {  	[sflag:s18] =	ssyncset.done $0x0  }
0x144: {  	[sflag:s18] =	ssyncadd.s32 $0xFFFFE000  }
0x145: {  	[tilespmem:s17], [sflag:$0x1] =	stream.indirect.gather [hbm4b:s4+s20], $0x80, s31, s20, $0xb8;
	[tilespmem:$0x1D000] =	vst v63  }
0x146: {  	_ =	swait.ge [sflag:s25], $0x2000  }
0x147: {  	[sflag:s25] =	ssyncset.done $0x0  }
0x148: {  	[sflag:s25] =	ssyncadd.s32 $0xFFFFE000  }
0x149: {  	[spmem:s2] =	stream.indirect.scatter.add.f32 [tilespmem:s21], [sflag:$0x5], $0x80, s1, s20, $0xb8;
	[tilespmem:$0x1D000] =	vst v63  }
0x14a: {  	_ =	swait.ge [sflag:s18], $0x2000  }
0x14b: {  	[sflag:s18] =	ssyncset.done $0x0  }
0x14c: {  	[sflag:s18] =	ssyncadd.s32 $0xFFFFE000  }
0x14d: {  	[tilespmem:s21], [sflag:$0x2] =	stream.indirect.gather [hbm4b:s4+s20], $0x80, s0, s20, $0xb8;
	[tilespmem:$0x1D000] =	vst v63  }
0x14e: {  	_ =	swait.ge [sflag:s26], $0x2000  }
0x14f: {  	[sflag:s26] =	ssyncset.done $0x0  }
0x150: {  	[sflag:s26] =	ssyncadd.s32 $0xFFFFE000  }
0x151: {  	[spmem:s2] =	stream.indirect.scatter.add.f32 [tilespmem:s22], [sflag:$0x5], $0x80, s6, s20, $0xb8;
	[tilespmem:$0x1D000] =	vst v63  }
0x152: {  	_ =	swait.ge [sflag:s18], $0x2000  }
0x153: {  	[sflag:s18] =	ssyncset.done $0x0  }
0x154: {  	[sflag:s18] =	ssyncadd.s32 $0xFFFFE000  }
0x155: {  	[tilespmem:s22], [sflag:$0x3] =	stream.indirect.gather [hbm4b:s4+s20], $0x80, s7, s20, $0xb8;
	[tilespmem:$0x1D000] =	vst v63  }
0x156: {  	_ =	swait.ge [sflag:s28], $0x2000  }
0x157: {  	[sflag:s28] =	ssyncset.done $0x0  }
0x158: {  	[sflag:s28] =	ssyncadd.s32 $0xFFFFE000  }
0x159: {  	[spmem:s2] =	stream.indirect.scatter.add.f32 [tilespmem:s23], [sflag:$0x5], $0x80, s8, s20, $0xb8;
	[tilespmem:$0x1D000] =	vst v63  }
0x15a: {  	_ =	swait.ge [sflag:s18], $0x2000  }
0x15b: {  	[sflag:s18] =	ssyncset.done $0x0  }
0x15c: {  	[sflag:s18] =	ssyncadd.s32 $0xFFFFE000  }
0x15d: {  	[tilespmem:s23], [sflag:$0x4] =	stream.indirect.gather [hbm4b:s4+s20], $0x80, s9, s20, $0xb8;
	[tilespmem:$0x1D000] =	vst v63  }
0x15e: {  	_ =	swait.ge [sflag:s24], $0x2000  }
0x15f: {  	[sflag:s24] =	ssyncset.done $0x0  }
0x160: {  	[sflag:s24] =	ssyncadd.s32 $0xFFFFE000  }
0x161: {  	[spmem:s2] =	stream.indirect.scatter.add.f32 [tilespmem:s17], [sflag:$0x5], $0x80, s10, s20, $0xb8;
	[tilespmem:$0x1D000] =	vst v63  }
0x162: {  	_ =	swait.ge [sflag:s18], $0x2000  }
0x163: {  	[sflag:s18] =	ssyncset.done $0x0  }
0x164: {  	[sflag:s18] =	ssyncadd.s32 $0xFFFFE000  }
0x165: {  	_ =	swait.ge [sflag:s25], $0x2000  }
0x166: {  	[sflag:s25] =	ssyncset.done $0x0  }
0x167: {  	[sflag:s25] =	ssyncadd.s32 $0xFFFFE000  }
0x168: {  	[spmem:s2] =	stream.indirect.scatter.add.f32 [tilespmem:s21], [sflag:$0x5], $0x80, s11, s20, $0xb8;
	[tilespmem:$0x1D000] =	vst v63  }
0x169: {  	_ =	swait.ge [sflag:s18], $0x2000  }
0x16a: {  	[sflag:s18] =	ssyncset.done $0x0  }
0x16b: {  	[sflag:s18] =	ssyncadd.s32 $0xFFFFE000  }
0x16c: {  	_ =	swait.ge [sflag:s26], $0x2000  }
0x16d: {  	[sflag:s26] =	ssyncset.done $0x0  }
0x16e: {  	[sflag:s26] =	ssyncadd.s32 $0xFFFFE000  }
0x16f: {  	[spmem:s2] =	stream.indirect.scatter.add.f32 [tilespmem:s22], [sflag:$0x5], $0x80, s12, s20, $0xb8;
	[tilespmem:$0x1D000] =	vst v63  }
0x170: {  	_ =	swait.ge [sflag:s18], $0x2000  }
0x171: {  	[sflag:s18] =	ssyncset.done $0x0  }
0x172: {  	[sflag:s18] =	ssyncadd.s32 $0xFFFFE000  }
0x173: {  	p0 =	sne.s32 s16, $0x400;
	_ =	swait.ge [sflag:s28], $0x2000  }
.Ltmp1:
0x174: {  	[sflag:s28] =	ssyncset.done $0x0;
	(pc) =	sbr.rel @p0 .LBB2_4-.Ltmp1, $4  }
0x175: {  	[sflag:s28] =	ssyncadd.s32 $0xFFFFE000  }
0x176: {  	[spmem:s2] =	stream.indirect.scatter.add.f32 [tilespmem:s23], [sflag:$0x5], $0x80, s13, s20, $0xb8;
	[tilespmem:$0x1D000] =	vst v63  }
0x177: {  	_ =	swait.ge [sflag:s18], $0x2000  }
0x178: {  	s16 =	sadd.s32 $0x100, s16;
	s5 =	rddreg [dreg:$0x5];
	[sflag:s18] =	ssyncset.done $0x0  }
0x179: {  	[sflag:s18] =	ssyncadd.s32 $0xFFFFE000;
	s5 =	sadd.s32 s15, s5  }
0x17a: {  	[tilespmem:s3], [sflag:$0x5] =	stream.linear.gather [hbm4b:s5+s3], $0x800, $0x38;
	[tilespmem:$0x1D000] =	vst v63  }
0x17b: {  	_ =	swait.ge [sflag:s18], $0x800  }
0x17c: {  	s14 =	rddreg [dreg:$0x4];
	[sflag:s18] =	ssyncset.done $0x0  }
0x17d: {  	[sflag:s18] =	ssyncadd.s32 $0xFFFFF800;
	s5 =	sadd.s32 s15, s14  }
0x17e: {  	[tilespmem:s19], [sflag:$0x5] =	stream.linear.gather [hbm4b:s5+s3], $0x800, $0x38;
	[tilespmem:$0x1D000] =	vst v63  }
0x17f: {  	_ =	swait.ge [sflag:s18], $0x800  }
0x180: {  	[sflag:s18] =	ssyncset.done $0x0  }
0x181: {  	[sflag:s18] =	ssyncadd.s32 $0xFFFFF800  }
0x182: {  	[tilespmem:s17], [sflag:$0x1] =	stream.indirect.gather [hbm4b:s4+s20], $0x80, s3, s20, $0xb8;
	[tilespmem:$0x1D000] =	vst v63  }
0x183: {  	s15 =	rddreg [dreg:$0x6]  }
0x184: {  	[tilespmem:s21], [sflag:$0x2] =	stream.indirect.gather [hbm4b:s4+s20], $0x80, s15, s20, $0xb8;
	[tilespmem:$0x1D000] =	vst v63  }
0x185: {  	s14 =	rddreg [dreg:$0x7]  }
0x186: {  	[tilespmem:s22], [sflag:$0x3] =	stream.indirect.gather [hbm4b:s4+s20], $0x80, s14, s20, $0xb8;
	[tilespmem:$0x1D000] =	vst v63  }
0x187: {  	s16 =	rddreg [dreg:$0x8]  }
0x188: {  	[tilespmem:s23], [sflag:$0x4] =	stream.indirect.gather [hbm4b:s4+s20], $0x80, s16, s20, $0xb8;
	[tilespmem:$0x1D000] =	vst v63  }
0x189: {  	_ =	swait.ge [sflag:s24], $0x2000  }
0x18a: {  	[sflag:s24] =	ssyncset.done $0x0  }
0x18b: {  	[sflag:s24] =	ssyncadd.s32 $0xFFFFE000  }
0x18c: {  	[spmem:s2] =	stream.indirect.scatter.add.f32 [tilespmem:s17], [sflag:$0x5], $0x80, s19, s20, $0xb8;
	[tilespmem:$0x1D000] =	vst v63  }
0x18d: {  	_ =	swait.ge [sflag:s18], $0x2000  }
0x18e: {  	[sflag:s18] =	ssyncset.done $0x0  }
0x18f: {  	s15 =	rddreg [dreg:$0x9];
	[sflag:s18] =	ssyncadd.s32 $0xFFFFE000  }
0x190: {  	[tilespmem:s17], [sflag:$0x1] =	stream.indirect.gather [hbm4b:s4+s20], $0x80, s15, s20, $0xb8;
	[tilespmem:$0x1D000] =	vst v63  }
0x191: {  	_ =	swait.ge [sflag:s25], $0x2000  }
0x192: {  	[sflag:s25] =	ssyncset.done $0x0  }
0x193: {  	s16 =	rddreg [dreg:$0xa];
	[sflag:s25] =	ssyncadd.s32 $0xFFFFE000  }
0x194: {  	[spmem:s2] =	stream.indirect.scatter.add.f32 [tilespmem:s21], [sflag:$0x5], $0x80, s16, s20, $0xb8;
	[tilespmem:$0x1D000] =	vst v63  }
0x195: {  	_ =	swait.ge [sflag:s18], $0x2000  }
0x196: {  	[sflag:s18] =	ssyncset.done $0x0  }
0x197: {  	s14 =	rddreg [dreg:$0xb];
	[sflag:s18] =	ssyncadd.s32 $0xFFFFE000  }
0x198: {  	[tilespmem:s21], [sflag:$0x2] =	stream.indirect.gather [hbm4b:s4+s20], $0x80, s14, s20, $0xb8;
	[tilespmem:$0x1D000] =	vst v63  }
0x199: {  	_ =	swait.ge [sflag:s26], $0x2000  }
0x19a: {  	[sflag:s26] =	ssyncset.done $0x0  }
0x19b: {  	s15 =	rddreg [dreg:$0xc];
	[sflag:s26] =	ssyncadd.s32 $0xFFFFE000  }
0x19c: {  	[spmem:s2] =	stream.indirect.scatter.add.f32 [tilespmem:s22], [sflag:$0x5], $0x80, s15, s20, $0xb8;
	[tilespmem:$0x1D000] =	vst v63  }
0x19d: {  	_ =	swait.ge [sflag:s18], $0x2000  }
0x19e: {  	[sflag:s18] =	ssyncset.done $0x0  }
0x19f: {  	s16 =	rddreg [dreg:$0xd];
	[sflag:s18] =	ssyncadd.s32 $0xFFFFE000  }
0x1a0: {  	[tilespmem:s22], [sflag:$0x3] =	stream.indirect.gather [hbm4b:s4+s20], $0x80, s16, s20, $0xb8;
	[tilespmem:$0x1D000] =	vst v63  }
0x1a1: {  	_ =	swait.ge [sflag:s28], $0x2000  }
0x1a2: {  	[sflag:s28] =	ssyncset.done $0x0  }
0x1a3: {  	s14 =	rddreg [dreg:$0xe];
	[sflag:s28] =	ssyncadd.s32 $0xFFFFE000  }
0x1a4: {  	[spmem:s2] =	stream.indirect.scatter.add.f32 [tilespmem:s23], [sflag:$0x5], $0x80, s14, s20, $0xb8;
	[tilespmem:$0x1D000] =	vst v63  }
0x1a5: {  	_ =	swait.ge [sflag:s18], $0x2000  }
0x1a6: {  	[sflag:s18] =	ssyncset.done $0x0  }
0x1a7: {  	s15 =	rddreg [dreg:$0xf];
	[sflag:s18] =	ssyncadd.s32 $0xFFFFE000  }
0x1a8: {  	[tilespmem:s23], [sflag:$0x4] =	stream.indirect.gather [hbm4b:s4+s20], $0x80, s15, s20, $0xb8;
	[tilespmem:$0x1D000] =	vst v63  }
0x1a9: {  	_ =	swait.ge [sflag:s24], $0x2000  }
0x1aa: {  	[sflag:s24] =	ssyncset.done $0x0  }
0x1ab: {  	s16 =	rddreg [dreg:$0x10];
	[sflag:s24] =	ssyncadd.s32 $0xFFFFE000  }
0x1ac: {  	[spmem:s2] =	stream.indirect.scatter.add.f32 [tilespmem:s17], [sflag:$0x5], $0x80, s16, s20, $0xb8;
	[tilespmem:$0x1D000] =	vst v63  }
0x1ad: {  	_ =	swait.ge [sflag:s18], $0x2000  }
0x1ae: {  	[sflag:s18] =	ssyncset.done $0x0  }
0x1af: {  	s14 =	rddreg [dreg:$0x11];
	[sflag:s18] =	ssyncadd.s32 $0xFFFFE000  }
0x1b0: {  	[tilespmem:s17], [sflag:$0x1] =	stream.indirect.gather [hbm4b:s4+s20], $0x80, s14, s20, $0xb8;
	[tilespmem:$0x1D000] =	vst v63  }
0x1b1: {  	_ =	swait.ge [sflag:s25], $0x2000  }
0x1b2: {  	[sflag:s25] =	ssyncset.done $0x0  }
0x1b3: {  	s15 =	rddreg [dreg:$0x12];
	[sflag:s25] =	ssyncadd.s32 $0xFFFFE000  }
0x1b4: {  	[spmem:s2] =	stream.indirect.scatter.add.f32 [tilespmem:s21], [sflag:$0x5], $0x80, s15, s20, $0xb8;
	[tilespmem:$0x1D000] =	vst v63  }
0x1b5: {  	_ =	swait.ge [sflag:s18], $0x2000  }
0x1b6: {  	[sflag:s18] =	ssyncset.done $0x0  }
0x1b7: {  	s16 =	rddreg [dreg:$0x13];
	[sflag:s18] =	ssyncadd.s32 $0xFFFFE000  }
0x1b8: {  	[tilespmem:s21], [sflag:$0x2] =	stream.indirect.gather [hbm4b:s4+s20], $0x80, s16, s20, $0xb8;
	[tilespmem:$0x1D000] =	vst v63  }
0x1b9: {  	_ =	swait.ge [sflag:s26], $0x2000  }
0x1ba: {  	[sflag:s26] =	ssyncset.done $0x0  }
0x1bb: {  	s14 =	rddreg [dreg:$0x14];
	[sflag:s26] =	ssyncadd.s32 $0xFFFFE000  }
0x1bc: {  	[spmem:s2] =	stream.indirect.scatter.add.f32 [tilespmem:s22], [sflag:$0x5], $0x80, s14, s20, $0xb8;
	[tilespmem:$0x1D000] =	vst v63  }
0x1bd: {  	_ =	swait.ge [sflag:s18], $0x2000  }
0x1be: {  	[sflag:s18] =	ssyncset.done $0x0  }
0x1bf: {  	s15 =	rddreg [dreg:$0x15];
	[sflag:s18] =	ssyncadd.s32 $0xFFFFE000  }
0x1c0: {  	[tilespmem:s22], [sflag:$0x3] =	stream.indirect.gather [hbm4b:s4+s20], $0x80, s15, s20, $0xb8;
	[tilespmem:$0x1D000] =	vst v63  }
0x1c1: {  	_ =	swait.ge [sflag:s28], $0x2000  }
0x1c2: {  	[sflag:s28] =	ssyncset.done $0x0  }
0x1c3: {  	s16 =	rddreg [dreg:$0x16];
	[sflag:s28] =	ssyncadd.s32 $0xFFFFE000  }
0x1c4: {  	[spmem:s2] =	stream.indirect.scatter.add.f32 [tilespmem:s23], [sflag:$0x5], $0x80, s16, s20, $0xb8;
	[tilespmem:$0x1D000] =	vst v63  }
0x1c5: {  	_ =	swait.ge [sflag:s18], $0x2000  }
0x1c6: {  	[sflag:s18] =	ssyncset.done $0x0  }
0x1c7: {  	[sflag:s18] =	ssyncadd.s32 $0xFFFFE000  }
0x1c8: {  	[tilespmem:s23], [sflag:$0x4] =	stream.indirect.gather [hbm4b:s4+s20], $0x80, s29, s20, $0xb8;
	[tilespmem:$0x1D000] =	vst v63  }
0x1c9: {  	_ =	swait.ge [sflag:s24], $0x2000  }
0x1ca: {  	[sflag:s24] =	ssyncset.done $0x0  }
0x1cb: {  	[sflag:s24] =	ssyncadd.s32 $0xFFFFE000  }
0x1cc: {  	[spmem:s2] =	stream.indirect.scatter.add.f32 [tilespmem:s17], [sflag:$0x5], $0x80, s30, s20, $0xb8;
	[tilespmem:$0x1D000] =	vst v63  }
0x1cd: {  	_ =	swait.ge [sflag:s18], $0x2000  }
0x1ce: {  	[sflag:s18] =	ssyncset.done $0x0  }
0x1cf: {  	[sflag:s18] =	ssyncadd.s32 $0xFFFFE000  }
0x1d0: {  	[tilespmem:s17], [sflag:$0x1] =	stream.indirect.gather [hbm4b:s4+s20], $0x80, s31, s20, $0xb8;
	[tilespmem:$0x1D000] =	vst v63  }
0x1d1: {  	_ =	swait.ge [sflag:s25], $0x2000  }
0x1d2: {  	[sflag:s25] =	ssyncset.done $0x0  }
0x1d3: {  	[sflag:s25] =	ssyncadd.s32 $0xFFFFE000  }
0x1d4: {  	[spmem:s2] =	stream.indirect.scatter.add.f32 [tilespmem:s21], [sflag:$0x5], $0x80, s1, s20, $0xb8;
	[tilespmem:$0x1D000] =	vst v63  }
0x1d5: {  	_ =	swait.ge [sflag:s18], $0x2000  }
0x1d6: {  	[sflag:s18] =	ssyncset.done $0x0  }
0x1d7: {  	[sflag:s18] =	ssyncadd.s32 $0xFFFFE000  }
0x1d8: {  	[tilespmem:s21], [sflag:$0x2] =	stream.indirect.gather [hbm4b:s4+s20], $0x80, s0, s20, $0xb8;
	[tilespmem:$0x1D000] =	vst v63  }
0x1d9: {  	_ =	swait.ge [sflag:s26], $0x2000  }
0x1da: {  	[sflag:s26] =	ssyncset.done $0x0  }
0x1db: {  	[sflag:s26] =	ssyncadd.s32 $0xFFFFE000  }
0x1dc: {  	[spmem:s2] =	stream.indirect.scatter.add.f32 [tilespmem:s22], [sflag:$0x5], $0x80, s6, s20, $0xb8;
	[tilespmem:$0x1D000] =	vst v63  }
0x1dd: {  	_ =	swait.ge [sflag:s18], $0x2000  }
0x1de: {  	[sflag:s18] =	ssyncset.done $0x0  }
0x1df: {  	[sflag:s18] =	ssyncadd.s32 $0xFFFFE000  }
0x1e0: {  	[tilespmem:s22], [sflag:$0x3] =	stream.indirect.gather [hbm4b:s4+s20], $0x80, s7, s20, $0xb8;
	[tilespmem:$0x1D000] =	vst v63  }
0x1e1: {  	_ =	swait.ge [sflag:s28], $0x2000  }
0x1e2: {  	[sflag:s28] =	ssyncset.done $0x0  }
0x1e3: {  	[sflag:s28] =	ssyncadd.s32 $0xFFFFE000  }
0x1e4: {  	[spmem:s2] =	stream.indirect.scatter.add.f32 [tilespmem:s23], [sflag:$0x5], $0x80, s8, s20, $0xb8;
	[tilespmem:$0x1D000] =	vst v63  }
0x1e5: {  	_ =	swait.ge [sflag:s18], $0x2000  }
0x1e6: {  	[sflag:s18] =	ssyncset.done $0x0  }
0x1e7: {  	[sflag:s18] =	ssyncadd.s32 $0xFFFFE000  }
0x1e8: {  	[tilespmem:s23], [sflag:$0x4] =	stream.indirect.gather [hbm4b:s4+s20], $0x80, s9, s20, $0xb8;
	[tilespmem:$0x1D000] =	vst v63  }
0x1e9: {  	_ =	swait.ge [sflag:s24], $0x2000  }
0x1ea: {  	[sflag:s24] =	ssyncset.done $0x0  }
0x1eb: {  	[sflag:s24] =	ssyncadd.s32 $0xFFFFE000  }
0x1ec: {  	[spmem:s2] =	stream.indirect.scatter.add.f32 [tilespmem:s17], [sflag:$0x5], $0x80, s10, s20, $0xb8;
	[tilespmem:$0x1D000] =	vst v63  }
0x1ed: {  	_ =	swait.ge [sflag:s18], $0x2000  }
0x1ee: {  	[sflag:s18] =	ssyncset.done $0x0  }
0x1ef: {  	[sflag:s18] =	ssyncadd.s32 $0xFFFFE000  }
0x1f0: {  	_ =	swait.ge [sflag:s25], $0x2000  }
0x1f1: {  	[sflag:s25] =	ssyncset.done $0x0  }
0x1f2: {  	[sflag:s25] =	ssyncadd.s32 $0xFFFFE000  }
0x1f3: {  	[spmem:s2] =	stream.indirect.scatter.add.f32 [tilespmem:s21], [sflag:$0x5], $0x80, s11, s20, $0xb8;
	[tilespmem:$0x1D000] =	vst v63  }
0x1f4: {  	_ =	swait.ge [sflag:s18], $0x2000  }
0x1f5: {  	[sflag:s18] =	ssyncset.done $0x0  }
0x1f6: {  	[sflag:s18] =	ssyncadd.s32 $0xFFFFE000  }
0x1f7: {  	_ =	swait.ge [sflag:s26], $0x2000  }
0x1f8: {  	[sflag:s26] =	ssyncset.done $0x0  }
0x1f9: {  	[sflag:s26] =	ssyncadd.s32 $0xFFFFE000  }
0x1fa: {  	[spmem:s2] =	stream.indirect.scatter.add.f32 [tilespmem:s22], [sflag:$0x5], $0x80, s12, s20, $0xb8;
	[tilespmem:$0x1D000] =	vst v63  }
0x1fb: {  	_ =	swait.ge [sflag:s18], $0x2000  }
0x1fc: {  	[sflag:s18] =	ssyncset.done $0x0  }
0x1fd: {  	[sflag:s18] =	ssyncadd.s32 $0xFFFFE000  }
0x1fe: {  	_ =	swait.ge [sflag:s28], $0x2000  }
0x1ff: {  	[sflag:s28] =	ssyncset.done $0x0  }
0x200: {  	[sflag:s28] =	ssyncadd.s32 $0xFFFFE000  }
0x201: {  	[spmem:s2] =	stream.indirect.scatter.add.f32 [tilespmem:s23], [sflag:$0x5], $0x80, s13, s20, $0xb8;
	[tilespmem:$0x1D000] =	vst v63  }
0x202: {  	_ =	swait.ge [sflag:s18], $0x2000  }
0x203: {  	[sflag:s18] =	ssyncset.done $0x0  }
0x204: {  	[sflag:s18] =	ssyncadd.s32 $0xFFFFE000  }
0x205: {  	[bflag:$0x0] =	sbarrier.arrive $0xFFFF  }
0x206: {  	s14 =	stileid.u32;
	s16 =	sld [smem:$0x7FC]  }
0x207: {  	s5 =	sshll.u32 s14, $0x6;
	s15 =	rddreg [dreg:$0x17]  }
0x208: {  	s5 =	sor.u32 $0x1C05, s5;
	s14 =	sshrl.u32 s15, $0x3  }
0x209: {  	[hbm:s16], [sflag:s5] =	dma.local [spmem:s14], $0x2800  }
0x20a: {  	_ =	swait.ge [sflag:s18], $0x2800  }
0x20b: {  	s15 =	sld [smem:$0x7FA]  }
0x20c: {  	s16 =	sld [smem:$0x7FD];
	_ =	sdelay $0x1  }
0x20d: {  	s14 =	sadd.s32 $0x1, s15  }
0x20e: {  	p0 =	sne.s32 s14, s16  }
.Ltmp2:
0x20f: {  	_ = 	snop;
	(pc) =	sbr.rel @p0 .LBB2_1-.Ltmp2, $3  }
0x210: {  	_ =	sdelay $0x1  }
0x211: {  	[sflag:s18] =	ssyncset.done $0x0  }
0x212: {  	[sflag:s18] =	ssyncadd.s32 $0xFFFFD800  }
0x213: {  	_ =	sfence.sel $0x180000  }
0x214: {  	[bflag:$0x0] =	sbarrier.arrive $0xFFFF  }
0x215: {  	_ =	strace $0x9000004D  }
0x216: {  	s0 =	stileid.u32;
	[bflag:$0x2] =	sbarrier.arrive $0xFFFF  }
0x217: {  	p0 =	sne.s32 s0, $0x0;
	s0 =	rddreg [dreg:$0x3]  }
0x218: {  	s0 =	sadd.s32 @!p0 $0x100000, s0  }
0x219: {  	[sflag:s0] =	ssyncadd.tile.s32 @!p0 $0x1;
	_ =	shalt  }
.Lfunc_end2:
_tile_overlayer_lowered:
.L_overlay_start_2:
0x21a: {  	(tag) =	ssettag $0x2  }
0x21b: {  	s0 =	rddreg [dreg:$0x0];
	s2 =	stileid.u32  }
0x21c: {  	s1 =	rddreg [dreg:$0x1];
	p0 =	sne.s32 s2, $0x0  }
0x21d: {  	s3 =	rddreg [dreg:$0x2];
	[bflag:$0x3] =	sbarrier.arrive $0xFFFF;
	s2 =	simm.s32 @!p0 $0x1C05  }
0x21e: {  	[timem:s3], [sflag:s2] =	dma.local @!p0 [hbm:s0], s1  }
0x21f: {  	s0 =	simm.s32 @!p0 $0x5  }
0x220: {  	_ =	swait.ge @!p0 [sflag:s0], s1  }
0x221: {  	s1 =	ssub.s32 @!p0 $0x0, s1;
	[sflag:s0] =	ssyncset.done @!p0 $0x0  }
0x222: {  	[sflag:s0] =	ssyncadd.s32 @!p0 s1  }
0x223: {  	[bflag:$0x3] =	sbarrier.arrive $0xFFFF  }
0x224: {  	_ =	shalt  }

// kernel: kernel.9.cloned.1.call-start
scs
__scs_entry_jumppad:
0x0: {  	(pc) =	sbr.rel $0x88, $3  }
0x1: {  	(tag) =	ssettag $0x0;
	lr =	simm.s32 $0x1  }
0x2: {  	[smem:$0x3F9B] =	sst lr;
	_ =	strace $0xD0000000  }
0x3: {  	_ = 	snop  }
0x4: {  	_ = 	snop  }
0x5: {  	_ = 	snop  }
0x6: {  	_ = 	snop  }
0x7: {  	_ = 	snop  }
__scs_overlays_trampoline_lowered:
0x8: {  	[smem:$0x3FAA] =	sst s0  }
0x9: {  	[smem:$0x3FAB] =	sst s1  }
0xa: {  	[smem:$0x3FAC] =	sst s2  }
0xb: {  	[smem:$0x3FAD] =	sst s3  }
0xc: {  	[smem:$0x3FAE] =	sst s4  }
0xd: {  	[smem:$0x3FAF] =	sst s5  }
0xe: {  	[smem:$0x3FB0] =	sst s6  }
0xf: {  	[smem:$0x3FB1] =	sst s7  }
0x10: {  	[smem:$0x3FB2] =	sst s8  }
0x11: {  	[smem:$0x3FB3] =	sst s9;
	s0 =	simm.s32 @!p0 $0x0  }
0x12: {  	s1 =	sld [smem:$0x3F99];
	s0 =	simm.s32 @p0 $0x1  }
0x13: {  	[smem:$0x3FB4] =	sst s0;
	s0 =	simm.s32 @!p1 $0x0  }
0x14: {  	s2 =	sld [smem:$0x3F98];
	s0 =	simm.s32 @p1 $0x1  }
0x15: {  	[smem:$0x3FB5] =	sst s0;
	s0 =	simm.s32 @!p2 $0x0  }
0x16: {  	s3 =	sld [smem:$0x3FDB];
	s0 =	simm.s32 @p2 $0x1  }
0x17: {  	s4 =	simm.s32 $0x1BF5;
	[smem:$0x3FB7] =	sst s0  }
0x18: {  	s0 =	sld [smem:$0x3F9A];
	_ =	swait.ge [sflag:s4], $0x0  }
0x19: {  	s7 =	sld [smem:$0x3F9B]  }
0x1a: {  	s8 =	sadd.s32 $0xFFFFE003, lr  }
0x1b: {  	s9 =	sadd.s32 $0xFFFFFEF7, lr;
	s5 =	simm.s32 $0xFFFFFFFF;
	p2 =	slt.u32 s8, $0xFFFFF086  }
0x1c: {  	p1 =	slt.u32 s9, $0xF7A;
	s5 =	simm.s32 @!p2 $0x0  }
0x1d: {  	s5 =	simm.s32 @p1 $0x1;
	p0 =	seq.s32 s7, s2  }
0x1e: {  	s7 =	smul.u32 @!p0 $0xF7A, s2;
	p2 =	seq.s32 @!p0 s5, $0x0  }
0x1f: {  	s9 =	smul.u32 $0xF7A, s1;
	s8 =	simm.s32 @!p0 $0x1BF5;
	p2 =	por !p2, p0  }
0x20: {  	[sflag:s8] =	ssyncset.s32 @!p0 $0xFFFFF086;
	s6 =	sadd.s32 @!p0 s3, s7;
	s7 =	simm.s32 @!p0 $0x108  }
0x21: {  	s3 =	sadd.s32 s3, s9;
	s6 =	sadd.s32 @!p0 $0x88, s6;
	s7 =	simm.s32 @p2 $0x1082  }
0x22: {  	[simem:s7], [sflag:s8] =	dma.local @!p0 [hbm:s6], $0xF7A  }
0x23: {  	s9 =	sor.u32 $0xD0000000, s2;
	s6 =	simm.s32 $0x108;
	_ =	swait.ge @!p0 [sflag:s8], $0x0  }
0x24: {  	s3 =	sadd.s32 $0x88, s3;
	s6 =	simm.s32 @!p1 $0x1082;
	[sflag:s4] =	ssyncset.s32 $0xFFFFF086  }
0x25: {  	[simem:s6], [sflag:s4] =	dma.local [hbm:s3], $0xF7A  }
0x26: {  	[smem:$0x3F9B] =	sst s1;
	(tag) =	ssettag s2;
	_ =	strace s9  }
0x27: {  	s1 =	sld [smem:$0x3FAB]  }
0x28: {  	s2 =	sld [smem:$0x3FAC]  }
0x29: {  	s4 =	sld [smem:$0x3FAE]  }
0x2a: {  	p0 =	seq.s32 s5, $0x0;
	s5 =	sld [smem:$0x3FAF]  }
0x2b: {  	s6 =	sld [smem:$0x3FB0]  }
0x2c: {  	s7 =	sld [smem:$0x3FB1]  }
0x2d: {  	s3 =	simm.s32 $0x108;
	s8 =	sld [smem:$0x3FB2]  }
0x2e: {  	s3 =	simm.s32 @!p0 $0x1082;
	s9 =	sld [smem:$0x3FB3]  }
0x2f: {  	lr =	sadd.s32 s0, s3;
	s0 =	sld [smem:$0x3FAA]  }
0x30: {  	s3 =	sld [smem:$0x3FAD]  }
0x31: {  	[smem:$0x3FB6] =	sst s10  }
0x32: {  	s10 =	sld [smem:$0x3FB4];
	_ =	sdelay $0x3  }
0x33: {  	p0 =	seq.s32 s10, $0x1;
	s10 =	sld [smem:$0x3FB6];
	_ =	sdelay $0x3  }
0x34: {  	[smem:$0x3FB6] =	sst s10  }
0x35: {  	s10 =	sld [smem:$0x3FB5];
	_ =	sdelay $0x3  }
0x36: {  	p1 =	seq.s32 s10, $0x1;
	s10 =	sld [smem:$0x3FB6];
	_ =	sdelay $0x3  }
0x37: {  	[smem:$0x3FB6] =	sst s10  }
0x38: {  	s10 =	sld [smem:$0x3FB7]  }
0x39: {  	_ = 	snop;
	(pc) =	sbr.ind lr, $3  }
0x3a: {  	_ = 	snop  }
0x3b: {  	_ = 	snop  }
0x3c: {  	p2 =	seq.s32 s10, $0x1;
	s10 =	sld [smem:$0x3FB6]  }
0x3d: {  	_ =	shalt  }
0x3e: {  	_ =	shalt  }
0x3f: {  	_ =	shalt  }
0x40: {  	_ =	shalt  }
0x41: {  	_ =	shalt  }
0x42: {  	_ =	shalt  }
0x43: {  	_ =	shalt  }
0x44: {  	_ =	shalt  }
0x45: {  	_ =	shalt  }
0x46: {  	_ =	shalt  }
0x47: {  	_ =	shalt  }
0x48: {  	_ =	shalt  }
0x49: {  	_ =	shalt  }
0x4a: {  	_ =	shalt  }
0x4b: {  	_ =	shalt  }
0x4c: {  	_ =	shalt  }
0x4d: {  	_ =	shalt  }
0x4e: {  	_ =	shalt  }
0x4f: {  	_ =	shalt  }
0x50: {  	_ =	shalt  }
0x51: {  	_ =	shalt  }
0x52: {  	_ =	shalt  }
0x53: {  	_ =	shalt  }
0x54: {  	_ =	shalt  }
0x55: {  	_ =	shalt  }
0x56: {  	_ =	shalt  }
0x57: {  	_ =	shalt  }
0x58: {  	_ =	shalt  }
0x59: {  	_ =	shalt  }
0x5a: {  	_ =	shalt  }
0x5b: {  	_ =	shalt  }
0x5c: {  	_ =	shalt  }
0x5d: {  	_ =	shalt  }
0x5e: {  	_ =	shalt  }
0x5f: {  	_ =	shalt  }
0x60: {  	_ =	shalt  }
0x61: {  	_ =	shalt  }
0x62: {  	_ =	shalt  }
0x63: {  	_ =	shalt  }
0x64: {  	_ =	shalt  }
0x65: {  	_ =	shalt  }
0x66: {  	_ =	shalt  }
0x67: {  	_ =	shalt  }
0x68: {  	_ =	shalt  }
0x69: {  	_ =	shalt  }
0x6a: {  	_ =	shalt  }
0x6b: {  	_ =	shalt  }
0x6c: {  	_ =	shalt  }
0x6d: {  	_ =	shalt  }
0x6e: {  	_ =	shalt  }
0x6f: {  	_ =	shalt  }
0x70: {  	_ =	shalt  }
0x71: {  	_ =	shalt  }
0x72: {  	_ =	shalt  }
0x73: {  	_ =	shalt  }
0x74: {  	_ =	shalt  }
0x75: {  	_ =	shalt  }
0x76: {  	_ =	shalt  }
0x77: {  	_ =	shalt  }
0x78: {  	_ =	shalt  }
0x79: {  	_ =	shalt  }
0x7a: {  	_ =	shalt  }
0x7b: {  	_ =	shalt  }
0x7c: {  	_ =	shalt  }
0x7d: {  	_ =	shalt  }
0x7e: {  	_ =	shalt  }
0x7f: {  	_ =	shalt  }
0x80: {  	_ =	shalt  }
0x81: {  	_ =	shalt  }
0x82: {  	_ =	shalt  }
0x83: {  	_ =	shalt  }
0x84: {  	_ =	shalt  }
0x85: {  	_ =	shalt  }
0x86: {  	_ =	shalt  }
0x87: {  	_ =	shalt  }
.Lfunc_end0:
.L_simem_size_0:
called_computation_lowered:
.L_overlay_start_0:
0x88: {  	s2 =	sld [smem:$0x3FD9]  }
0x89: {  	s3 =	sld [smem:$0x3FFE];
	_ =	sdelay $0x1  }
0x8a: {  	s1 =	srdreg.scid  }
0x8b: {  	s0 =	sand.u32 $0x1, s1  }
0x8c: {  	s17 =	sshll.u32 s0, $0xA;
	s2 =	sadd.s32 s3, s2  }
0x8d: {  	s2 =	sadd.s32 s2, s17  }
0x8e: {  	[smem:$0x3FC2] =	sst s2  }
0x8f: {  	_ = 	snop  }
0x90: {  	s2 =	sld [smem:$0x3FD0];
	(tm) =	ssettm $0x1  }
0x91: {  	s18 =	sld [smem:$0x3FFB];
	_ =	sdelay $0x3  }
0x92: {  	_ =	strace s18  }
0x93: {  	s3 =	sld [smem:$0x3FFC];
	_ =	sdelay $0x3  }
0x94: {  	_ =	strace s3  }
0x95: {  	s3 =	sld [smem:$0x3FFD];
	_ =	sdelay $0x3  }
0x96: {  	_ =	strace s3  }
0x97: {  	_ =	strace $0x8FFFFFFF  }
0x98: {  	s19 =	sld [smem:$0x3FDB];
	_ =	sdelay $0x1  }
0x99: {  	s4 =	simm.s32 $_scs_section_size  }
0x9a: {  	s5 =	simm.s32 $_size__tile_overlayer_lowered;
	s6 =	simm.s32 $_tile_overlayer_lowered  }
0x9b: {  	s22 =	simm.s32 $0x1BFF;
	s21 =	sshll.u32 s6, $0x1;
	s3 =	sadd.s32 s4, s19  }
0x9c: {  	s7 =	simm.s32 $0x0;
	s20 =	sshll.u32 s5, $0x1;
	s5 =	sadd.s32 s21, s3  }
0x9d: {  	[timem:s7], [sflag:s22] =	dma.local [hbm:s5], s20  }
0x9e: {  	_ =	swait.ge [sflag:s22], s20  }
0x9f: {  	s4 =	ssub.s32 $0x0, s20;
	[sflag:s22] =	ssyncset.done $0x0  }
0xa0: {  	[sflag:s22] =	ssyncadd.s32 s4;
	_ =	sdelay $0x1  }
0xa1: {  	s23 =	simm.s32 $0x1B8B  }
0xa2: {  	_ =	swait.ge [sflag:s23], $0x1  }
0xa3: {  	[sflag:s23] =	ssyncset.done $0x0  }
0xa4: {  	s25 =	simm.s32 $0x1B8E;
	s24 =	sld [smem:$0x3FFE];
	[sflag:s23] =	ssyncadd.s32 $0xFFFFFFFF  }
0xa5: {  	s26 =	simm.s32 $execute0_lowered;
	[smem:$0x3FD2] =	sst s25  }
0xa6: {  	s5 =	sshll.u32 s26, $0x1;
	_ =	strace $0x80000046;
	[dreg:$0x1] =	wrdreg $0xFFFFFFFF  }
0xa7: {  	s28 =	simm.s32 $_size_execute0_lowered;
	s3 =	sadd.s32 s3, s5;
	[dreg:$0x0] =	wrdreg $0x0  }
0xa8: {  	s5 =	sshll.u32 s28, $0x1;
	[dreg:$0x2] =	wrdreg s3  }
0xa9: {  	[dreg:$0x3] =	wrdreg s5  }
0xaa: {  	[dreg:$0x4] =	wrdreg $0xC0  }
0xab: {  	_ =	task [dreg:s7], $0x5FFFF  }
0xac: {  	[dreg:$0x1] =	wrdreg $0xFFFFFFFF  }
0xad: {  	[dreg:$0x0] =	wrdreg $0x60  }
0xae: {  	[dreg:$0x2] =	wrdreg s2  }
0xaf: {  	[dreg:$0x3] =	wrdreg s24  }
0xb0: {  	[dreg:$0x4] =	wrdreg $0x2B000  }
0xb1: {  	[dreg:$0x5] =	wrdreg $0x9  }
0xb2: {  	_ =	task.clear_ibuf [dreg:s7], $0x6FFFF;
	_ =	strace $0x90000046  }
0xb3: {  	s29 =	simm.s32 $0x9;
	_ =	strace $0x80000048  }
0xb4: {  	_ =	swait.ge [sflag:s29], $0x1  }
0xb5: {  	[sflag:s29] =	ssyncadd.s32 $0xFFFFFFFF  }
0xb6: {  	_ =	strace $0x90000048  }
0xb7: {  	_ =	sfence  }
0xb8: {  	s30 =	sld [smem:$0x0];
	_ =	sdelay $0x2  }
0xb9: {  	s31 =	sshll.u32 s1, $0xD;
	s1 =	sshrl.u32 s1, $0x2  }
0xba: {  	s3 =	sand.u32 $0x4000, s31;
	s1 =	sadd.s32 s1, s30  }
0xbb: {  	s0 =	sor.u32 s3, s0;
	s1 =	sshll.u32 s1, $0x11  }
0xbc: {  	s0 =	sor.u32 s1, s0  }
0xbd: {  	s0 =	sadd.s32 $0x8F2B, s0  }
0xbe: {  	[sflag:s0] =	ssyncadd.remote.s32 $0x1  }
0xbf: {  	_ =	sfence.sel $0xFFFF  }
0xc0: {  	[dreg:$0x0] =	wrdreg $0xFFFFFFFF;
	(pc) =	sbr.abs _section_cstart, $3  }
0xc1: {  	[dreg:$0x1] =	wrdreg $0xFFFFFFFF  }
0xc2: {  	_ =	task.clear_ibuf [dreg:s7], $0x2FFFF;
	_ =	strace $0x9FFFFFFF  }
0xc3: {  	(tm) =	ssettm $0x7FFFFFFF  }
tec
execute0_lowered:
.L_overlay_start_1:
0x0: {  	(tag) =	ssettag $0x1  }
0x1: {  	s4 =	rddreg [dreg:$0x0]  }
0x2: {  	s5 =	rddreg [dreg:$0x1]  }
0x3: {  	s2 =	rddreg [dreg:$0x2]  }
0x4: {  	s0 =	rddreg [dreg:$0x3]  }
0x5: {  	s3 =	simm.s32 $0x0;
	s6 =	srdreg.scid;
	s1 =	stileid.u32  }
0x6: {  	s11 =	simm.s32 $0x2800;
	s14 =	simm.s32 $0x20;
	s15 =	simm.s32 $0x10  }
0x7: {  	s16 =	simm.s32 $0x0;
	[smem:$0x7FF] =	sst s3;
	s7 =	smul.u32 $0x500, s1  }
0x8: {  	s6 =	sand.u32 $0x1, s6;
	s30 =	smul.u32 $0xA00, s1;
	s12 =	sshll.u32 s1, $0x6  }
0x9: {  	_ =	strace $0x80000047;
	s8 =	sshll.u32 s6, $0x7;
	s9 =	sshll.u32 s6, $0x4  }
0xa: {  	s6 =	ssub.s32 $0x2, s6;
	s12 =	sor.u32 $0x1C01, s12;
	s7 =	sor.u32 s8, s7  }
0xb: {  	s29 =	sor.u32 s1, s9;
	s31 =	sshrl.u32 s6, $0x1;
	s9 =	sshrl.u32 s30, $0x2  }
0xc: {  	s7 =	sshrl.u32 s7, $0x3;
	s8 =	smul.u32 $0x500, s29;
	s10 =	ssub.s32 s6, s31  }
0xd: {  	s7 =	sadd.s32 s7, s5;
	s5 =	sadd.s32 s9, s2;
	s9 =	simm.s32 $0x2880  }
0xe: {  	s4 =	sadd.s32 s4, s8;
	s6 =	sadd.s32 $0x2600, s7;
	s7 =	smax.u32 s10, $0x1  }
0xf: {  	v0 =	vimm.f32 $1.000000000e+00;
	v1 =	vimm.f32 $0.0e+00;
	s8 =	simm.s32 $0x1;
	s10 =	simm.s32 $0x40;
	s13 =	sshrl.u32 s5, $0x3  }
.LBB2_1:
0x10: {  	[tilespmem:s3], [sflag:$0x1] =	stream.linear.gather [hbm4b:s4+s3], $0x2800, $0x38;
	[tilespmem:$0x2D80] =	vst v63  }
0x11: {  	_ =	swait.ge [sflag:s8], $0x2800  }
0x12: {  	[sflag:s8] =	ssyncset.done $0x0  }
0x13: {  	[sflag:s8] =	ssyncadd.s32 $0xFFFFD800  }
0x14: {  	[tilespmem:$0x2800] =	vst v0  }
0x15: {  	[tilespmem:$0x2810] =	vst v0  }
0x16: {  	[tilespmem:$0x2820] =	vst v0  }
0x17: {  	[tilespmem:$0x2830] =	vst v0  }
0x18: {  	[tilespmem:$0x2880] =	vst v1  }
0x19: {  	[tilespmem:$0x2890] =	vst v1  }
0x1a: {  	[tilespmem:$0x28A0] =	vst v1  }
0x1b: {  	[tilespmem:$0x28B0] =	vst v1  }
0x1c: {  	[tilespmem:$0x28C0] =	vst v1  }
0x1d: {  	[tilespmem:$0x28D0] =	vst v1  }
0x1e: {  	[tilespmem:$0x28E0] =	vst v1  }
0x1f: {  	[tilespmem:$0x28F0] =	vst v1  }
0x20: {  	[tilespmem:$0x2900] =	vst v1  }
0x21: {  	[tilespmem:$0x2910] =	vst v1  }
0x22: {  	[tilespmem:$0x2920] =	vst v1  }
0x23: {  	[tilespmem:$0x2930] =	vst v1  }
0x24: {  	[tilespmem:$0x2940] =	vst v1  }
0x25: {  	[tilespmem:$0x2950] =	vst v1  }
0x26: {  	[tilespmem:$0x2960] =	vst v1  }
0x27: {  	[tilespmem:$0x2970] =	vst v1  }
0x28: {  	[tilespmem:$0x2980] =	vst v1  }
0x29: {  	[tilespmem:$0x2990] =	vst v1  }
0x2a: {  	[tilespmem:$0x29A0] =	vst v1  }
0x2b: {  	[tilespmem:$0x29B0] =	vst v1  }
0x2c: {  	[tilespmem:$0x29C0] =	vst v1  }
0x2d: {  	[tilespmem:$0x29D0] =	vst v1  }
0x2e: {  	[tilespmem:$0x29E0] =	vst v1  }
0x2f: {  	[tilespmem:$0x29F0] =	vst v1  }
0x30: {  	[tilespmem:$0x2A00] =	vst v1  }
0x31: {  	[tilespmem:$0x2A10] =	vst v1  }
0x32: {  	[tilespmem:$0x2A20] =	vst v1  }
0x33: {  	[tilespmem:$0x2A30] =	vst v1  }
0x34: {  	[tilespmem:$0x2A40] =	vst v1  }
0x35: {  	[tilespmem:$0x2A50] =	vst v1  }
0x36: {  	[tilespmem:$0x2A60] =	vst v1  }
0x37: {  	[tilespmem:$0x2A70] =	vst v1  }
0x38: {  	[tilespmem:$0x2A80] =	vst v1  }
0x39: {  	[tilespmem:$0x2A90] =	vst v1  }
0x3a: {  	[tilespmem:$0x2AA0] =	vst v1  }
0x3b: {  	[tilespmem:$0x2AB0] =	vst v1  }
0x3c: {  	[tilespmem:$0x2AC0] =	vst v1  }
0x3d: {  	[tilespmem:$0x2AD0] =	vst v1  }
0x3e: {  	[tilespmem:$0x2AE0] =	vst v1  }
0x3f: {  	[tilespmem:$0x2AF0] =	vst v1  }
0x40: {  	[spmem:s5] =	stream.linear.scatter [tilespmem:s9], [sflag:$0x1], $0x280, $0x38;
	[tilespmem:$0x2D80] =	vst v63  }
0x41: {  	_ =	swait.ge [sflag:s8], $0x280  }
0x42: {  	[sflag:s8] =	ssyncset.done $0x0  }
0x43: {  	[sflag:s8] =	ssyncadd.s32 $0xFFFFFD80  }
0x44: {  	s17 =	simm.s32 $0x0;
	[bflag:$0x0] =	sbarrier.arrive $0xFFFF  }
0x45: {  	[spmem:s2] =	stream.indirect.scatter.add.f32 [tilespmem:s11], [sflag:$0x1], $0x1, s17, s10, $0xb8;
	[tilespmem:$0x2D80] =	vst v63  }
0x46: {  	_ =	swait.ge [sflag:s8], $0x40  }
0x47: {  	s17 =	simm.s32 $0x200;
	[sflag:s8] =	ssyncset.done $0x0  }
.LBB2_2:
0x48: {  	s18 =	sshra.s32 s17, $0x2;
	[sflag:s8] =	ssyncadd.s32 $0xFFFFFFC0;
	p0 =	sne.s32 s17, $0x9E00  }
0x49: {  	[spmem:s2] =	stream.indirect.scatter.add.f32 [tilespmem:s11], [sflag:$0x1], $0x1, s18, s10, $0xb8;
	[tilespmem:$0x2D80] =	vst v63  }
.Ltmp0:
0x4a: {  	_ = 	snop;
	(pc) =	sbr.rel @p0 .LBB2_2-.Ltmp0, $4  }
0x4b: {  	_ = 	snop  }
0x4c: {  	s17 =	sadd.s32 $0x200, s17  }
0x4d: {  	_ =	swait.ge [sflag:s8], $0x40  }
0x4e: {  	[sflag:s8] =	ssyncset.done $0x0  }
0x4f: {  	s16 =	sadd.s32 $0x1, s16  }
0x50: {  	[sflag:s8] =	ssyncadd.s32 $0xFFFFFFC0;
	p0 =	sne.s32 s16, s7  }
.Ltmp1:
0x51: {  	[bflag:$0x0] =	sbarrier.arrive $0xFFFF;
	(pc) =	sbr.rel @p0 .LBB2_1-.Ltmp1, $4  }
0x52: {  	[hbm:s6@s14], [sflag:s12] =	dma.strided [spmem:s13@s15], $0x50, s8, $0x10   }
0x53: {  	_ =	swait.ge [sflag:s8], $0x50  }
0x54: {  	[sflag:s8] =	ssyncset.done $0x0  }
0x55: {  	[sflag:s8] =	ssyncadd.s32 $0xFFFFFFB0  }
0x56: {  	_ =	sfence.sel $0x180000  }
0x57: {  	[bflag:$0x0] =	sbarrier.arrive $0xFFFF  }
0x58: {  	p0 =	sne.s32 s1, $0x0;
	_ =	strace $0x90000047  }
0x59: {  	s0 =	sadd.s32 @!p0 $0x100000, s0;
	[bflag:$0x2] =	sbarrier.arrive $0xFFFF  }
0x5a: {  	[sflag:s0] =	ssyncadd.tile.s32 @!p0 $0x1;
	_ =	shalt  }
.Lfunc_end2:
_tile_overlayer_lowered:
.L_overlay_start_2:
0x5b: {  	(tag) =	ssettag $0x2  }
0x5c: {  	s0 =	rddreg [dreg:$0x0];
	s2 =	stileid.u32  }
0x5d: {  	s1 =	rddreg [dreg:$0x1];
	p0 =	sne.s32 s2, $0x0  }
0x5e: {  	s3 =	rddreg [dreg:$0x2];
	[bflag:$0x3] =	sbarrier.arrive $0xFFFF;
	s2 =	simm.s32 @!p0 $0x1C01  }
0x5f: {  	[timem:s3], [sflag:s2] =	dma.local @!p0 [hbm:s0], s1  }
0x60: {  	s0 =	simm.s32 @!p0 $0x1  }
0x61: {  	_ =	swait.ge @!p0 [sflag:s0], s1  }
0x62: {  	s1 =	ssub.s32 @!p0 $0x0, s1;
	[sflag:s0] =	ssyncset.done @!p0 $0x0  }
0x63: {  	[sflag:s0] =	ssyncadd.s32 @!p0 s1  }
0x64: {  	[bflag:$0x3] =	sbarrier.arrive $0xFFFF  }
0x65: {  	_ =	shalt  }

</sc_bundles>
